<compile_context>
chip_gen: v7x
topology: tpu7x:2x2x1
jax: 0.10.2.dev20260603
libtpu: 0.0.44.dev20260713+nightly
codegen_flags: <defaults>
</compile_context>

<pallas_src>
import functools

import jax
import jax.numpy as jnp
from jax import lax
from jax.experimental import pallas as pl
from jax.experimental.pallas import tpu as pltpu
from jax.experimental.pallas import tpu_sc as plsc

NC = 2
NS = 16
NW = NC * NS
K = 128
NBUF = 2


def _row_map(i):
    return (i, jnp.int32(0))


def _zero_map(i):
    return (jnp.int32(0), jnp.int32(0))


def _zero_map1(i):
    return (jnp.int32(0),)


def _mesh():
    return plsc.VectorSubcoreMesh(core_axis_name="c", subcore_axis_name="s",
                                  num_cores=NC, num_subcores=NS)


def _fori(n, body):
    lax.fori_loop(jnp.int32(0), jnp.int32(n), body, jnp.int32(0))


def _make_degree_kernel(R, CH):
    @functools.partial(
        pl.kernel,
        out_type=(
            jax.ShapeDtypeStruct((NC, R), jnp.float32),
            jax.ShapeDtypeStruct((NC, R), jnp.float32),
        ),
        mesh=_mesh(),
        scratch_types=[
            pltpu.VMEM((CH, K), jnp.int32),
            pltpu.VMEM((CH, K), jnp.int32),
            pltpu.VMEM((K,), jnp.float32),
            pltpu.VMEM_SHARED((R,), jnp.float32),
            pltpu.VMEM_SHARED((R,), jnp.float32),
            pltpu.SemaphoreType.DMA,
            pltpu.SemaphoreType.DMA,
        ],
    )
    def deg_kernel(ni_hbm, ei_hbm, zvec_hbm, degv_out, dege_out,
                   nidx, eidx, ones_v, dv_acc, de_acc, sem_n, sem_e):
        c = lax.axis_index("c")
        s = lax.axis_index("s")
        wid = c * NS + s
        stripe = R // NS

        one = jnp.ones((16,), jnp.float32)

        def ones_body(i, _):
            ones_v[pl.ds(i * 16, 16)] = one
            return _

        _fori(K // 16, ones_body)
        pltpu.sync_copy(ni_hbm.at[pl.ds(wid * CH, CH)], nidx)
        pltpu.sync_copy(ei_hbm.at[pl.ds(wid * CH, CH)], eidx)
        pltpu.sync_copy(zvec_hbm, dv_acc.at[pl.ds(s * stripe, stripe)])
        pltpu.sync_copy(zvec_hbm, de_acc.at[pl.ds(s * stripe, stripe)])
        plsc.subcore_barrier()

        def fire(j, _):
            pltpu.async_copy(ones_v, dv_acc.at[nidx.at[j]], sem_n, add=True)
            pltpu.async_copy(ones_v, de_acc.at[eidx.at[j]], sem_e, add=True)
            return _

        _fori(CH, fire)

        def drain(j, _):
            pltpu.make_async_copy(ones_v, dv_acc.at[nidx.at[jnp.int32(0)]], sem_n).wait()
            pltpu.make_async_copy(ones_v, de_acc.at[eidx.at[jnp.int32(0)]], sem_e).wait()
            return _

        _fori(CH, drain)
        plsc.subcore_barrier()

        pltpu.sync_copy(dv_acc.at[pl.ds(s * stripe, stripe)],
                        degv_out.at[c, pl.ds(s * stripe, stripe)])
        pltpu.sync_copy(de_acc.at[pl.ds(s * stripe, stripe)],
                        dege_out.at[c, pl.ds(s * stripe, stripe)])

    return deg_kernel


def _make_row_pass_kernel(R, CH0, CH1, D, with_scalar):
    out_types = [jax.ShapeDtypeStruct((NC, R, D), jnp.float32)]
    scratch = [
        pltpu.VMEM((2, NBUF, K), jnp.int32),
        pltpu.VMEM((2, NBUF, K), jnp.int32),
        pltpu.VMEM((NBUF, K, D), jnp.float32),
        pltpu.VMEM_SHARED((R, D), jnp.float32),
        pltpu.SemaphoreType.DMA,
    ]
    scratch += [pltpu.SemaphoreType.DMA] * NBUF
    scratch += [pltpu.SemaphoreType.DMA] * NBUF
    if with_scalar:
        out_types.append(jax.ShapeDtypeStruct((NC, R), jnp.float32))
        scratch += [
            pltpu.VMEM((NBUF, K), jnp.float32),
            pltpu.VMEM_SHARED((R,), jnp.float32),
        ]
    G0 = CH0 // NBUF
    G1 = CH1 // NBUF
    assert G0 % 2 == 0 and G1 % 2 == 0

    def body(*refs):
        if with_scalar:
            (tab_hbm, stab_hbm, gi_hbm, si_hbm, zrows_hbm, zvec_hbm,
             rows_out, s_out, gidx, sidx, rowbuf, acc, isem,
             g0, g1, s0, s1, dvbuf, s_acc) = refs
        else:
            (tab_hbm, gi_hbm, si_hbm, zrows_hbm,
             rows_out, gidx, sidx, rowbuf, acc, isem,
             g0, g1, s0, s1) = refs
        gsem = [g0, g1]
        ssem = [s0, s1]
        c = lax.axis_index("c")
        s = lax.axis_index("s")
        stripe = R // NS
        i32 = jnp.int32
        groups_my = jnp.where(c == 0, i32(G0), i32(G1))
        off_rows = jnp.where(c == 0, s * CH0, i32(NS * CH0) + s * CH1)

        def fire_gathers(p):
            for b in range(NBUF):
                pltpu.async_copy(tab_hbm.at[gidx.at[p, i32(b)]],
                                 rowbuf.at[i32(b)], gsem[b])
                if with_scalar:
                    pltpu.async_copy(stab_hbm.at[gidx.at[p, i32(b)]],
                                     dvbuf.at[i32(b)], gsem[b])

        def wait_gather(b):
            pltpu.make_async_copy(tab_hbm.at[gidx.at[i32(0), i32(0)]],
                                  rowbuf.at[i32(b)], gsem[b]).wait()
            if with_scalar:
                pltpu.make_async_copy(stab_hbm.at[gidx.at[i32(0), i32(0)]],
                                      dvbuf.at[i32(b)], gsem[b]).wait()

        def fire_scatters(p, b):
            pltpu.async_copy(rowbuf.at[i32(b)], acc.at[sidx.at[p, i32(b)]],
                             ssem[b], add=True)
            if with_scalar:
                pltpu.async_copy(dvbuf.at[i32(b)],
                                 s_acc.at[sidx.at[p, i32(b)]],
                                 ssem[b], add=True)

        def wait_scatter(b):
            pltpu.make_async_copy(rowbuf.at[i32(b)],
                                  acc.at[sidx.at[i32(0), i32(0)]],
                                  ssem[b]).wait()
            if with_scalar:
                pltpu.make_async_copy(dvbuf.at[i32(b)],
                                      s_acc.at[sidx.at[i32(0), i32(0)]],
                                      ssem[b]).wait()

        def fire_idx_load(grp_idx, p):
            base = off_rows + grp_idx * NBUF
            pltpu.async_copy(gi_hbm.at[pl.ds(base, NBUF)], gidx.at[p], isem)
            pltpu.async_copy(si_hbm.at[pl.ds(base, NBUF)], sidx.at[p], isem)

        def wait_idx_load():
            pltpu.make_async_copy(gi_hbm.at[pl.ds(0, NBUF)],
                                  gidx.at[i32(0)], isem).wait()
            pltpu.make_async_copy(si_hbm.at[pl.ds(0, NBUF)],
                                  sidx.at[i32(0)], isem).wait()

        pltpu.sync_copy(gi_hbm.at[pl.ds(off_rows, NBUF)], gidx.at[i32(0)])
        pltpu.sync_copy(si_hbm.at[pl.ds(off_rows, NBUF)], sidx.at[i32(0)])
        pltpu.sync_copy(zrows_hbm, acc.at[pl.ds(s * stripe, stripe)])
        if with_scalar:
            pltpu.sync_copy(zvec_hbm, s_acc.at[pl.ds(s * stripe, stripe)])
        plsc.subcore_barrier()

        fire_idx_load(jnp.int32(1), i32(1))
        fire_gathers(i32(0))

        def grp(g, carry):
            p = lax.rem(g, jnp.int32(2))
            pn = lax.rem(g + 1, jnp.int32(2))
            for b in range(NBUF):
                wait_gather(b)
                fire_scatters(p, b)
            wait_idx_load()
            for b in range(NBUF):
                wait_scatter(b)
            fire_gathers(pn)
            gnext = jnp.minimum(g + 2, groups_my - 1)
            fire_idx_load(gnext, p)
            return carry

        lax.fori_loop(jnp.int32(0), groups_my - 1, grp, jnp.int32(0))

        pe = jnp.int32(1)
        for b in range(NBUF):
            wait_gather(b)
            fire_scatters(pe, b)
        wait_idx_load()
        for b in range(NBUF):
            wait_scatter(b)
        plsc.subcore_barrier()

        nblk = stripe // K
        for i in range(nblk):
            bb = i % NBUF
            if i >= NBUF:
                pltpu.make_async_copy(rowbuf.at[jnp.int32(bb)],
                                      rows_out.at[c, pl.ds(0, K)],
                                      ssem[bb]).wait()
            pltpu.sync_copy(acc.at[pl.ds(s * stripe + i * K, K)],
                            rowbuf.at[jnp.int32(bb)])
            pltpu.async_copy(rowbuf.at[jnp.int32(bb)],
                             rows_out.at[c, pl.ds(s * stripe + i * K, K)],
                             ssem[bb])
        for i in range(min(NBUF, nblk)):
            pltpu.make_async_copy(rowbuf.at[jnp.int32(i)],
                                  rows_out.at[c, pl.ds(0, K)],
                                  ssem[i]).wait()
        if with_scalar:
            pltpu.sync_copy(s_acc.at[pl.ds(s * stripe, stripe)],
                            s_out.at[c, pl.ds(s * stripe, stripe)])

    return pl.kernel(
        body,
        out_type=tuple(out_types) if with_scalar else out_types[0],
        mesh=_mesh(),
        scratch_types=scratch,
    )


def _x_matmul(xp, W):
    R = xp.shape[0]
    BLK = 512

    def body(x_r, W_r, out_r):
        out_r[...] = jnp.dot(x_r[...], W_r[...],
                             preferred_element_type=jnp.float32)

    return pl.pallas_call(
        body,
        grid=(R // BLK,),
        in_specs=[
            pl.BlockSpec((BLK, 128), _row_map),
            pl.BlockSpec((128, 128), _zero_map),
        ],
        out_specs=pl.BlockSpec((BLK, 128), _row_map),
        out_shape=jax.ShapeDtypeStruct((R, 128), jnp.float32),
    )(xp, W)


def _edge_scale(he0, he1, dvs0, dvs1, de0, de1, b):
    R = he0.shape[0]
    BLK = 512

    def body(he0_r, he1_r, dvs0_r, dvs1_r, de0_r, de1_r, b_r, out_r):
        dege = jnp.maximum(de0_r[...] + de1_r[...], 1.0)
        det = jnp.maximum((dvs0_r[...] + dvs1_r[...]) / dege, 1.0)
        heb = (he0_r[...] + he1_r[...]) * (1.0 / dege)[:, None] \
            + b_r[...][None, :]
        out_r[...] = heb * lax.rsqrt(det)[:, None]

    return pl.pallas_call(
        body,
        grid=(R // BLK,),
        in_specs=[
            pl.BlockSpec((BLK, 128), _row_map),
            pl.BlockSpec((BLK, 128), _row_map),
            pl.BlockSpec((BLK,), lambda i: (i,)),
            pl.BlockSpec((BLK,), lambda i: (i,)),
            pl.BlockSpec((BLK,), lambda i: (i,)),
            pl.BlockSpec((BLK,), lambda i: (i,)),
            pl.BlockSpec((128,), _zero_map1),
        ],
        out_specs=pl.BlockSpec((BLK, 128), _row_map),
        out_shape=jax.ShapeDtypeStruct((R, 128), jnp.float32),
    )(he0, he1, dvs0, dvs1, de0, de1, b)


def _readout(agg0, agg1, dvt, Wr, br):
    R = agg0.shape[0]
    BLK = 512

    def body(a0_r, a1_r, dv_r, wr_r, br_r, out_r):
        dv = jnp.maximum(dv_r[...], 1.0)
        h = jnp.maximum((a0_r[...] + a1_r[...]) * lax.rsqrt(dv)[:, None], 0.0)
        y = jnp.sum(h * wr_r[...], axis=-1) + br_r[0]
        out_r[...] = y

    return pl.pallas_call(
        body,
        grid=(R // BLK,),
        in_specs=[
            pl.BlockSpec((BLK, 128), _row_map),
            pl.BlockSpec((BLK, 128), _row_map),
            pl.BlockSpec((BLK,), lambda i: (i,)),
            pl.BlockSpec((1, 128), _zero_map),
            pl.BlockSpec((1,), _zero_map1, memory_space=pltpu.SMEM),
        ],
        out_specs=pl.BlockSpec((BLK,), lambda i: (i,)),
        out_shape=jax.ShapeDtypeStruct((R,), jnp.float32),
    )(agg0, agg1, dvt, Wr, br)


def kernel(x, hyperedge_index, W_conv, b_conv, W_read, b_read):
    N, D = x.shape
    NNZ = hyperedge_index.shape[1]
    out_dtype = jnp.result_type(x.dtype, W_conv.dtype, W_read.dtype)
    x = x.astype(jnp.float32)
    W_conv = W_conv.astype(jnp.float32)
    b_conv = b_conv.astype(jnp.float32)
    W_read = W_read.astype(jnp.float32)
    b_read = b_read.astype(jnp.float32)

    R = ((N + 1 + (NS * K) - 1) // (NS * K)) * (NS * K)
    CHP = -(-NNZ // (NS * K))
    CHP = ((CHP + 2 * NBUF - 1) // (2 * NBUF)) * (2 * NBUF)
    CH1 = max(8, int(round(CHP * 0.05 / 4)) * 4)
    CH0 = CHP - CH1
    CH = CHP // 2
    total = CHP * NS * K
    pad = total - NNZ
    trash = N

    ni = hyperedge_index[0].astype(jnp.int32)
    ei = hyperedge_index[1].astype(jnp.int32)
    zpad = jnp.zeros((pad,), jnp.int32)
    tpad = jnp.full((pad,), trash, jnp.int32)
    ni_g = jnp.concatenate([ni, zpad]).reshape(NW * CH, K)
    ni_s = jnp.concatenate([ni, tpad]).reshape(NW * CH, K)
    ei_g = jnp.concatenate([ei, zpad]).reshape(NW * CH, K)
    ei_s = jnp.concatenate([ei, tpad]).reshape(NW * CH, K)

    stripe = R // NS
    zrows = jnp.zeros((stripe, D), jnp.float32)
    zvec = jnp.zeros((stripe,), jnp.float32)
    xp = jnp.concatenate([x, jnp.zeros((R - N, D), jnp.float32)])

    xw = _x_matmul(xp, W_conv)

    deg = _make_degree_kernel(R, CH)
    degv_part, dege_part = deg(ni_s, ei_s, zvec)
    dv_tab = degv_part[0] + degv_part[1]

    rowpass = _make_row_pass_kernel(R, CH0, CH1, D, with_scalar=True)
    he_part, dvs_part = rowpass(xw, dv_tab, ni_g, ei_s, zrows, zvec)

    he_s = _edge_scale(he_part[0], he_part[1], dvs_part[0], dvs_part[1],
                       dege_part[0], dege_part[1], b_conv)

    aggpass = _make_row_pass_kernel(R, CH0, CH1, D, with_scalar=False)
    agg_part = aggpass(he_s, ei_g, ni_s, zrows)

    y = _readout(agg_part[0], agg_part[1], dv_tab, W_read, b_read)
    return y[:N].astype(out_dtype)

# --- scband reference (transcript-rebuilt; emitter-appended) ---
"""Pipeline reference for scband-perturb-predictor-59811714564726 (READ-ONLY COPY).

The authoritative reference and input builder live on the scoring server;
editing this copy changes nothing except your own understanding.
"""

import jax
jax.config.update('jax_enable_x64', True)
import jax.numpy as jnp
import numpy as np

N = 10000      # nodes
NE = 10000     # hyperedges
NNZ = 320000   # incidence pairs
IN_DIM = 128
HID = 128

def setup_inputs(seed: int = 0) -> dict:
    key = jax.random.key(seed)
    k1, k2, k3, k4 = jax.random.split(key, 4)
    x = jax.random.normal(k1, (N, IN_DIM), dtype=jnp.float32)
    hyperedge_index = jax.random.randint(k2, (2, NNZ), 0, NE, dtype=jnp.int64)
    W_conv = jax.random.normal(k3, (IN_DIM, HID), dtype=jnp.float32) / np.sqrt(IN_DIM)
    b_conv = jnp.zeros((HID,), dtype=jnp.float32)
    W_read = jax.random.normal(k4, (1, HID), dtype=jnp.float32) / np.sqrt(HID)
    b_read = jnp.zeros((1,), dtype=jnp.float32)
    return {"x": x, "hyperedge_index": hyperedge_index, "W_conv": W_conv,
            "b_conv": b_conv, "W_read": W_read, "b_read": b_read}

def reference(x, hyperedge_index, W_conv, b_conv, W_read, b_read):
    # UniGCNConv (UniGNN): node->hyperedge mean aggregation, then GCN-normalized
    # hyperedge->node aggregation with linear transform, followed by relu + per-node readout.
    node_idx = hyperedge_index[0]
    edge_idx = hyperedge_index[1]
    ones = jnp.ones((node_idx.shape[0],), dtype=x.dtype)
    deg_v = jax.ops.segment_sum(ones, node_idx, num_segments=N)          # node degree d_i
    deg_e = jax.ops.segment_sum(ones, edge_idx, num_segments=NE)         # hyperedge size |e|
    deg_v_safe = jnp.maximum(deg_v, 1.0)
    deg_e_safe = jnp.maximum(deg_e, 1.0)
    # h_e = mean_{v in e} x_v   (gather + scatter-add)
    h_e = jax.ops.segment_sum(x[node_idx], edge_idx, num_segments=NE) / deg_e_safe[:, None]
    # d~_e = mean_{v in e} d_v
    de_tilde = jax.ops.segment_sum(deg_v[node_idx], edge_idx, num_segments=NE) / deg_e_safe
    de_tilde = jnp.maximum(de_tilde, 1.0)
    # linear transform of hyperedge features
    he_lin = h_e @ W_conv + b_conv
    # x'_i = (1/sqrt(d_i)) * sum_{e ni i} (1/sqrt(d~_e)) * W h_e
    msg = he_lin[edge_idx] * (1.0 / jnp.sqrt(de_tilde))[edge_idx][:, None]
    agg = jax.ops.segment_sum(msg, node_idx, num_segments=N)
    out_conv = agg * (1.0 / jnp.sqrt(deg_v_safe))[:, None]
    h = jax.nn.relu(out_conv)
    # vmap(readout): eqx Linear weight is [out, in]
    y = h @ W_read.T + b_read
    return y.squeeze(-1)

if __name__ == "__main__":
    import jax
    _d = setup_inputs()
    print(jax.jit(kernel)(*tuple(_d.values())))

</pallas_src>

<mosaic_0001>
#map = affine_map<(d0, d1) -> (0, 0)>
#map1 = affine_map<(d0, d1) -> (0, 0, 0)>
module attributes {stable_mosaic.version = 14 : i64} {
  func.func @body(%arg0: i32, %arg1: i32, %arg2: memref<10240x128xf32, #tpu.memory_space<hbm>>, %arg3: memref<2560x128xi32, #tpu.memory_space<hbm>>, %arg4: memref<2560x128xi32, #tpu.memory_space<hbm>>, %arg5: memref<640x128xf32, #tpu.memory_space<hbm>>, %arg6: memref<2x10240x128xf32, #tpu.memory_space<hbm>>, %arg7: memref<2x2x128xi32, #tpu.memory_space<vmem>>, %arg8: memref<2x2x128xi32, #tpu.memory_space<vmem>>, %arg9: memref<2x128x128xf32, #tpu.memory_space<vmem>>, %arg10: memref<10240x128xf32, #tpu.memory_space<vmem_shared>>, %arg11: memref<!tpu.dma_semaphore, #tpu.memory_space<semaphore_mem>>, %arg12: memref<!tpu.dma_semaphore, #tpu.memory_space<semaphore_mem>>, %arg13: memref<!tpu.dma_semaphore, #tpu.memory_space<semaphore_mem>>, %arg14: memref<!tpu.dma_semaphore, #tpu.memory_space<semaphore_mem>>, %arg15: memref<!tpu.dma_semaphore, #tpu.memory_space<semaphore_mem>>) attributes {dimension_semantics = [#tpu.dimension_semantics<core_parallel>, #tpu.dimension_semantics<subcore_parallel>], iteration_bounds = array<i64: 2, 16>, scalar_prefetch = 0 : i64, scratch_operands = 9 : i64, tpu.core_type = #tpu.core_type<sc_vector_subcore>, window_params = [{transform_indices = #map}, {transform_indices = #map}, {transform_indices = #map}, {transform_indices = #map}, {transform_indices = #map1}]} {
    %eq3A = arith.constant 0 : i32
    %eq3A_0 = arith.cmpi eq, %arg0, %eq3A : i32
    %jit3A = arith.constant 76 : i32
    %jit3A_1 = arith.constant 4 : i32
    %select_n3A = arith.select %eq3A_0, %jit3A, %jit3A_1 : i32
    %eq3A_2 = arith.constant 0 : i32
    %eq3A_3 = arith.cmpi eq, %arg0, %eq3A_2 : i32
    %mul3A = arith.constant 152 : i32
    %mul3A_4 = arith.muli %arg1, %mul3A : i32
    %mul3A_5 = arith.constant 8 : i32
    %mul3A_6 = arith.muli %arg1, %mul3A_5 : i32
    %add3A = arith.constant 2432 : i32
    %add3A_7 = arith.addi %add3A, %mul3A_6 : i32
    %select_n3A_8 = arith.select %eq3A_3, %mul3A_4, %add3A_7 : i32
    %run_scoped3A = arith.constant 0 : i32
    "tpu.region"() ({
      %run_scoped3A_390 = tpu.sem_alloc : memref<!tpu.dma_semaphore, #tpu.memory_space<semaphore_mem>>
      %dma_start3A_391 = arith.constant 0 : i32
      %dma_start3A_392 = arith.constant 0 : i32
      %dma_start3A_393 = tpu.memref_slice %arg7[%run_scoped3A, %dma_start3A_391, %dma_start3A_392] : memref<2x2x128xi32, #tpu.memory_space<vmem>> -> memref<1x2x128xi32, #tpu.memory_space<vmem>>
      %dma_start3A_394 = tpu.memref_squeeze %dma_start3A_393 : memref<1x2x128xi32, #tpu.memory_space<vmem>> -> memref<2x128xi32, #tpu.memory_space<vmem>>
      %dma_start3A_395 = arith.constant 0 : i32
      %dma_start3A_396 = tpu.memref_slice %arg3[%select_n3A_8, %dma_start3A_395] : memref<2560x128xi32, #tpu.memory_space<hbm>> -> memref<2x128xi32, #tpu.memory_space<hbm>>
      %dma_start3A_397 = arith.constant 0 : i32
      %dma_start3A_398 = arith.constant 0 : i32
      %dma_start3A_399 = tpu.memref_slice %arg7[%run_scoped3A, %dma_start3A_397, %dma_start3A_398] : memref<2x2x128xi32, #tpu.memory_space<vmem>> -> memref<1x2x128xi32, #tpu.memory_space<vmem>>
      %dma_start3A_400 = tpu.memref_squeeze %dma_start3A_399 : memref<1x2x128xi32, #tpu.memory_space<vmem>> -> memref<2x128xi32, #tpu.memory_space<vmem>>
      %dma_start3A_401 = arith.constant 0 : i32
      %dma_start3A_402 = tpu.memref_slice %arg3[%select_n3A_8, %dma_start3A_401] : memref<2560x128xi32, #tpu.memory_space<hbm>> -> memref<2x128xi32, #tpu.memory_space<hbm>>
      tpu.enqueue_dma source(%dma_start3A_402 : memref<2x128xi32, #tpu.memory_space<hbm>>) target(%dma_start3A_400 : memref<2x128xi32, #tpu.memory_space<vmem>>) target_semaphore(%run_scoped3A_390 : memref<!tpu.dma_semaphore, #tpu.memory_space<semaphore_mem>>)
      %dma_wait3A_403 = arith.constant 0 : i32
      %dma_wait3A_404 = arith.constant 0 : i32
      %dma_wait3A_405 = tpu.memref_slice %arg7[%run_scoped3A, %dma_wait3A_403, %dma_wait3A_404] : memref<2x2x128xi32, #tpu.memory_space<vmem>> -> memref<1x2x128xi32, #tpu.memory_space<vmem>>
      %dma_wait3A_406 = tpu.memref_squeeze %dma_wait3A_405 : memref<1x2x128xi32, #tpu.memory_space<vmem>> -> memref<2x128xi32, #tpu.memory_space<vmem>>
      %dma_wait3A_407 = arith.constant 0 : i32
      %dma_wait3A_408 = tpu.memref_slice %arg3[%select_n3A_8, %dma_wait3A_407] : memref<2560x128xi32, #tpu.memory_space<hbm>> -> memref<2x128xi32, #tpu.memory_space<hbm>>
      %dma_wait3A_409 = arith.constant 0 : i32
      %dma_wait3A_410 = arith.constant 0 : i32
      %dma_wait3A_411 = tpu.memref_slice %arg7[%run_scoped3A, %dma_wait3A_409, %dma_wait3A_410] : memref<2x2x128xi32, #tpu.memory_space<vmem>> -> memref<1x2x128xi32, #tpu.memory_space<vmem>>
      %dma_wait3A_412 = tpu.memref_squeeze %dma_wait3A_411 : memref<1x2x128xi32, #tpu.memory_space<vmem>> -> memref<2x128xi32, #tpu.memory_space<vmem>>
      %dma_wait3A_413 = arith.constant 0 : i32
      %dma_wait3A_414 = tpu.memref_slice %arg3[%select_n3A_8, %dma_wait3A_413] : memref<2560x128xi32, #tpu.memory_space<hbm>> -> memref<2x128xi32, #tpu.memory_space<hbm>>
      tpu.wait_dma2 semaphore(%run_scoped3A_390 : memref<!tpu.dma_semaphore, #tpu.memory_space<semaphore_mem>>) src(%dma_wait3A_414 : memref<2x128xi32, #tpu.memory_space<hbm>>) dst(%dma_wait3A_412 : memref<2x128xi32, #tpu.memory_space<vmem>>)
      tpu.yield
    }) : () -> ()
    %run_scoped3A_9 = arith.constant 0 : i32
    "tpu.region"() ({
      %run_scoped3A_390 = tpu.sem_alloc : memref<!tpu.dma_semaphore, #tpu.memory_space<semaphore_mem>>
      %dma_start3A_391 = arith.constant 0 : i32
      %dma_start3A_392 = arith.constant 0 : i32
      %dma_start3A_393 = tpu.memref_slice %arg8[%run_scoped3A_9, %dma_start3A_391, %dma_start3A_392] : memref<2x2x128xi32, #tpu.memory_space<vmem>> -> memref<1x2x128xi32, #tpu.memory_space<vmem>>
      %dma_start3A_394 = tpu.memref_squeeze %dma_start3A_393 : memref<1x2x128xi32, #tpu.memory_space<vmem>> -> memref<2x128xi32, #tpu.memory_space<vmem>>
      %dma_start3A_395 = arith.constant 0 : i32
      %dma_start3A_396 = tpu.memref_slice %arg4[%select_n3A_8, %dma_start3A_395] : memref<2560x128xi32, #tpu.memory_space<hbm>> -> memref<2x128xi32, #tpu.memory_space<hbm>>
      %dma_start3A_397 = arith.constant 0 : i32
      %dma_start3A_398 = arith.constant 0 : i32
      %dma_start3A_399 = tpu.memref_slice %arg8[%run_scoped3A_9, %dma_start3A_397, %dma_start3A_398] : memref<2x2x128xi32, #tpu.memory_space<vmem>> -> memref<1x2x128xi32, #tpu.memory_space<vmem>>
      %dma_start3A_400 = tpu.memref_squeeze %dma_start3A_399 : memref<1x2x128xi32, #tpu.memory_space<vmem>> -> memref<2x128xi32, #tpu.memory_space<vmem>>
      %dma_start3A_401 = arith.constant 0 : i32
      %dma_start3A_402 = tpu.memref_slice %arg4[%select_n3A_8, %dma_start3A_401] : memref<2560x128xi32, #tpu.memory_space<hbm>> -> memref<2x128xi32, #tpu.memory_space<hbm>>
      tpu.enqueue_dma source(%dma_start3A_402 : memref<2x128xi32, #tpu.memory_space<hbm>>) target(%dma_start3A_400 : memref<2x128xi32, #tpu.memory_space<vmem>>) target_semaphore(%run_scoped3A_390 : memref<!tpu.dma_semaphore, #tpu.memory_space<semaphore_mem>>)
      %dma_wait3A_403 = arith.constant 0 : i32
      %dma_wait3A_404 = arith.constant 0 : i32
      %dma_wait3A_405 = tpu.memref_slice %arg8[%run_scoped3A_9, %dma_wait3A_403, %dma_wait3A_404] : memref<2x2x128xi32, #tpu.memory_space<vmem>> -> memref<1x2x128xi32, #tpu.memory_space<vmem>>
      %dma_wait3A_406 = tpu.memref_squeeze %dma_wait3A_405 : memref<1x2x128xi32, #tpu.memory_space<vmem>> -> memref<2x128xi32, #tpu.memory_space<vmem>>
      %dma_wait3A_407 = arith.constant 0 : i32
      %dma_wait3A_408 = tpu.memref_slice %arg4[%select_n3A_8, %dma_wait3A_407] : memref<2560x128xi32, #tpu.memory_space<hbm>> -> memref<2x128xi32, #tpu.memory_space<hbm>>
      %dma_wait3A_409 = arith.constant 0 : i32
      %dma_wait3A_410 = arith.constant 0 : i32
      %dma_wait3A_411 = tpu.memref_slice %arg8[%run_scoped3A_9, %dma_wait3A_409, %dma_wait3A_410] : memref<2x2x128xi32, #tpu.memory_space<vmem>> -> memref<1x2x128xi32, #tpu.memory_space<vmem>>
      %dma_wait3A_412 = tpu.memref_squeeze %dma_wait3A_411 : memref<1x2x128xi32, #tpu.memory_space<vmem>> -> memref<2x128xi32, #tpu.memory_space<vmem>>
      %dma_wait3A_413 = arith.constant 0 : i32
      %dma_wait3A_414 = tpu.memref_slice %arg4[%select_n3A_8, %dma_wait3A_413] : memref<2560x128xi32, #tpu.memory_space<hbm>> -> memref<2x128xi32, #tpu.memory_space<hbm>>
      tpu.wait_dma2 semaphore(%run_scoped3A_390 : memref<!tpu.dma_semaphore, #tpu.memory_space<semaphore_mem>>) src(%dma_wait3A_414 : memref<2x128xi32, #tpu.memory_space<hbm>>) dst(%dma_wait3A_412 : memref<2x128xi32, #tpu.memory_space<vmem>>)
      tpu.yield
    }) : () -> ()
    %mul3A_10 = arith.constant 640 : i32
    %mul3A_11 = arith.muli %arg1, %mul3A_10 : i32
    "tpu.region"() ({
      %run_scoped3A_390 = tpu.sem_alloc : memref<!tpu.dma_semaphore, #tpu.memory_space<semaphore_mem>>
      %dma_start3A_391 = arith.constant 0 : i32
      %dma_start3A_392 = tpu.memref_slice %arg10[%mul3A_11, %dma_start3A_391] : memref<10240x128xf32, #tpu.memory_space<vmem_shared>> -> memref<640x128xf32, #tpu.memory_space<vmem_shared>>
      tpu.enqueue_dma source(%arg5 : memref<640x128xf32, #tpu.memory_space<hbm>>) target(%dma_start3A_392 : memref<640x128xf32, #tpu.memory_space<vmem_shared>>) target_semaphore(%run_scoped3A_390 : memref<!tpu.dma_semaphore, #tpu.memory_space<semaphore_mem>>)
      %dma_wait3A_393 = arith.constant 0 : i32
      %dma_wait3A_394 = tpu.memref_slice %arg10[%mul3A_11, %dma_wait3A_393] : memref<10240x128xf32, #tpu.memory_space<vmem_shared>> -> memref<640x128xf32, #tpu.memory_space<vmem_shared>>
      tpu.wait_dma2 semaphore(%run_scoped3A_390 : memref<!tpu.dma_semaphore, #tpu.memory_space<semaphore_mem>>) src(%arg5 : memref<640x128xf32, #tpu.memory_space<hbm>>) dst(%dma_wait3A_394 : memref<640x128xf32, #tpu.memory_space<vmem_shared>>)
      tpu.yield
    }) : () -> ()
    %barrier3A = arith.constant 0 : index
    tpu.barrier barrier_id(%barrier3A)
    %mul3A_12 = arith.constant 1 : i32
    %mul3A_13 = arith.constant 2 : i32
    %mul3A_14 = arith.muli %mul3A_12, %mul3A_13 : i32
    %add3A_15 = arith.addi %select_n3A_8, %mul3A_14 : i32
    %dma_start3A = arith.constant 1 : i32
    %dma_start3A_16 = arith.constant 0 : i32
    %dma_start3A_17 = arith.constant 0 : i32
    %dma_start3A_18 = tpu.memref_slice %arg7[%dma_start3A, %dma_start3A_16, %dma_start3A_17] : memref<2x2x128xi32, #tpu.memory_space<vmem>> -> memref<1x2x128xi32, #tpu.memory_space<vmem>>
    %dma_start3A_19 = tpu.memref_squeeze %dma_start3A_18 : memref<1x2x128xi32, #tpu.memory_space<vmem>> -> memref<2x128xi32, #tpu.memory_space<vmem>>
    %dma_start3A_20 = arith.constant 0 : i32
    %dma_start3A_21 = tpu.memref_slice %arg3[%add3A_15, %dma_start3A_20] : memref<2560x128xi32, #tpu.memory_space<hbm>> -> memref<2x128xi32, #tpu.memory_space<hbm>>
    %dma_start3A_22 = arith.constant 0 : i32
    %dma_start3A_23 = arith.constant 0 : i32
    %dma_start3A_24 = tpu.memref_slice %arg7[%dma_start3A, %dma_start3A_22, %dma_start3A_23] : memref<2x2x128xi32, #tpu.memory_space<vmem>> -> memref<1x2x128xi32, #tpu.memory_space<vmem>>
    %dma_start3A_25 = tpu.memref_squeeze %dma_start3A_24 : memref<1x2x128xi32, #tpu.memory_space<vmem>> -> memref<2x128xi32, #tpu.memory_space<vmem>>
    %dma_start3A_26 = arith.constant 0 : i32
    %dma_start3A_27 = tpu.memref_slice %arg3[%add3A_15, %dma_start3A_26] : memref<2560x128xi32, #tpu.memory_space<hbm>> -> memref<2x128xi32, #tpu.memory_space<hbm>>
    tpu.enqueue_dma source(%dma_start3A_27 : memref<2x128xi32, #tpu.memory_space<hbm>>) target(%dma_start3A_25 : memref<2x128xi32, #tpu.memory_space<vmem>>) target_semaphore(%arg11 : memref<!tpu.dma_semaphore, #tpu.memory_space<semaphore_mem>>)
    %dma_start3A_28 = arith.constant 1 : i32
    %dma_start3A_29 = arith.constant 0 : i32
    %dma_start3A_30 = arith.constant 0 : i32
    %dma_start3A_31 = tpu.memref_slice %arg8[%dma_start3A_28, %dma_start3A_29, %dma_start3A_30] : memref<2x2x128xi32, #tpu.memory_space<vmem>> -> memref<1x2x128xi32, #tpu.memory_space<vmem>>
    %dma_start3A_32 = tpu.memref_squeeze %dma_start3A_31 : memref<1x2x128xi32, #tpu.memory_space<vmem>> -> memref<2x128xi32, #tpu.memory_space<vmem>>
    %dma_start3A_33 = arith.constant 0 : i32
    %dma_start3A_34 = tpu.memref_slice %arg4[%add3A_15, %dma_start3A_33] : memref<2560x128xi32, #tpu.memory_space<hbm>> -> memref<2x128xi32, #tpu.memory_space<hbm>>
    %dma_start3A_35 = arith.constant 0 : i32
    %dma_start3A_36 = arith.constant 0 : i32
    %dma_start3A_37 = tpu.memref_slice %arg8[%dma_start3A_28, %dma_start3A_35, %dma_start3A_36] : memref<2x2x128xi32, #tpu.memory_space<vmem>> -> memref<1x2x128xi32, #tpu.memory_space<vmem>>
    %dma_start3A_38 = tpu.memref_squeeze %dma_start3A_37 : memref<1x2x128xi32, #tpu.memory_space<vmem>> -> memref<2x128xi32, #tpu.memory_space<vmem>>
    %dma_start3A_39 = arith.constant 0 : i32
    %dma_start3A_40 = tpu.memref_slice %arg4[%add3A_15, %dma_start3A_39] : memref<2560x128xi32, #tpu.memory_space<hbm>> -> memref<2x128xi32, #tpu.memory_space<hbm>>
    tpu.enqueue_dma source(%dma_start3A_40 : memref<2x128xi32, #tpu.memory_space<hbm>>) target(%dma_start3A_38 : memref<2x128xi32, #tpu.memory_space<vmem>>) target_semaphore(%arg11 : memref<!tpu.dma_semaphore, #tpu.memory_space<semaphore_mem>>)
    %dma_start3A_41 = arith.constant 0 : i32
    %dma_start3A_42 = arith.constant 0 : i32
    %dma_start3A_43 = arith.constant 0 : i32
    %dma_start3A_44 = arith.constant 0 : i32
    %dma_start3A_45 = arith.constant 0 : i32
    %dma_start3A_46 = tpu.memref_slice %arg9[%dma_start3A_43, %dma_start3A_44, %dma_start3A_45] : memref<2x128x128xf32, #tpu.memory_space<vmem>> -> memref<1x128x128xf32, #tpu.memory_space<vmem>>
    %dma_start3A_47 = tpu.memref_squeeze %dma_start3A_46 : memref<1x128x128xf32, #tpu.memory_space<vmem>> -> memref<128x128xf32, #tpu.memory_space<vmem>>
    %dma_start3A_48 = arith.constant 0 : i32
    %dma_start3A_49 = tpu.memref_slice %arg7[%dma_start3A_41, %dma_start3A_42, %dma_start3A_48] : memref<2x2x128xi32, #tpu.memory_space<vmem>> -> memref<1x1x128xi32, #tpu.memory_space<vmem>>
    %dma_start3A_50 = tpu.memref_squeeze %dma_start3A_49 : memref<1x1x128xi32, #tpu.memory_space<vmem>> -> memref<128xi32, #tpu.memory_space<vmem>>
    %dma_start3A_51 = arith.constant 0 : i32
    %dma_start3A_52 = arith.constant 0 : i32
    %dma_start3A_53 = tpu.memref_slice %arg2[%dma_start3A_51, %dma_start3A_52] : memref<10240x128xf32, #tpu.memory_space<hbm>> -> memref<10240x128xf32, #tpu.memory_space<hbm>>
    tpu.enqueue_indirect_dma source(%dma_start3A_53 : memref<10240x128xf32, #tpu.memory_space<hbm>>) target(%dma_start3A_47 : memref<128x128xf32, #tpu.memory_space<vmem>>) offsets(%dma_start3A_50 : memref<128xi32, #tpu.memory_space<vmem>>) semaphore(%arg12 : memref<!tpu.dma_semaphore, #tpu.memory_space<semaphore_mem>>)
    %dma_start3A_54 = arith.constant 0 : i32
    %dma_start3A_55 = arith.constant 1 : i32
    %dma_start3A_56 = arith.constant 1 : i32
    %dma_start3A_57 = arith.constant 0 : i32
    %dma_start3A_58 = arith.constant 0 : i32
    %dma_start3A_59 = tpu.memref_slice %arg9[%dma_start3A_56, %dma_start3A_57, %dma_start3A_58] : memref<2x128x128xf32, #tpu.memory_space<vmem>> -> memref<1x128x128xf32, #tpu.memory_space<vmem>>
    %dma_start3A_60 = tpu.memref_squeeze %dma_start3A_59 : memref<1x128x128xf32, #tpu.memory_space<vmem>> -> memref<128x128xf32, #tpu.memory_space<vmem>>
    %dma_start3A_61 = arith.constant 0 : i32
    %dma_start3A_62 = tpu.memref_slice %arg7[%dma_start3A_54, %dma_start3A_55, %dma_start3A_61] : memref<2x2x128xi32, #tpu.memory_space<vmem>> -> memref<1x1x128xi32, #tpu.memory_space<vmem>>
    %dma_start3A_63 = tpu.memref_squeeze %dma_start3A_62 : memref<1x1x128xi32, #tpu.memory_space<vmem>> -> memref<128xi32, #tpu.memory_space<vmem>>
    %dma_start3A_64 = arith.constant 0 : i32
    %dma_start3A_65 = arith.constant 0 : i32
    %dma_start3A_66 = tpu.memref_slice %arg2[%dma_start3A_64, %dma_start3A_65] : memref<10240x128xf32, #tpu.memory_space<hbm>> -> memref<10240x128xf32, #tpu.memory_space<hbm>>
    tpu.enqueue_indirect_dma source(%dma_start3A_66 : memref<10240x128xf32, #tpu.memory_space<hbm>>) target(%dma_start3A_60 : memref<128x128xf32, #tpu.memory_space<vmem>>) offsets(%dma_start3A_63 : memref<128xi32, #tpu.memory_space<vmem>>) semaphore(%arg13 : memref<!tpu.dma_semaphore, #tpu.memory_space<semaphore_mem>>)
    %sub3A = arith.constant 1 : i32
    %sub3A_67 = arith.subi %select_n3A, %sub3A : i32
    %while3A = arith.constant 0 : i32
    %while3A_68 = arith.constant 0 : i32
    %while3A_69 = arith.subi %sub3A_67, %while3A_68 : i32
    %while3A_70 = arith.addi %while3A_68, %while3A_69 : i32
    %while3A_71 = arith.constant 1 : i32
    %while3A_72 = arith.divsi %while3A_69, %while3A_71 : i32
    %while3A_73 = arith.muli %while3A_72, %while3A_71 : i32
    %while3A_74 = arith.addi %while3A_68, %while3A_73 : i32
    %while3A_75 = arith.constant 1 : i32
    scf.for %while3A_390 = %while3A_68 to %while3A_74 step %while3A_75  : i32 {
      %rem3A = arith.constant 2 : i32
      %rem3A_391 = arith.remsi %while3A_390, %rem3A : i32
      %add3A_392 = arith.constant 1 : i32
      %add3A_393 = arith.addi %while3A_390, %add3A_392 : i32
      %rem3A_394 = arith.constant 2 : i32
      %rem3A_395 = arith.remsi %add3A_393, %rem3A_394 : i32
      %dma_wait3A_396 = arith.constant 0 : i32
      %dma_wait3A_397 = arith.constant 0 : i32
      %dma_wait3A_398 = arith.constant 0 : i32
      %dma_wait3A_399 = arith.constant 0 : i32
      %dma_wait3A_400 = arith.constant 0 : i32
      %dma_wait3A_401 = tpu.memref_slice %arg9[%dma_wait3A_398, %dma_wait3A_399, %dma_wait3A_400] : memref<2x128x128xf32, #tpu.memory_space<vmem>> -> memref<1x128x128xf32, #tpu.memory_space<vmem>>
      %dma_wait3A_402 = tpu.memref_squeeze %dma_wait3A_401 : memref<1x128x128xf32, #tpu.memory_space<vmem>> -> memref<128x128xf32, #tpu.memory_space<vmem>>
      %dma_wait3A_403 = arith.constant 0 : i32
      %dma_wait3A_404 = tpu.memref_slice %arg7[%dma_wait3A_396, %dma_wait3A_397, %dma_wait3A_403] : memref<2x2x128xi32, #tpu.memory_space<vmem>> -> memref<1x1x128xi32, #tpu.memory_space<vmem>>
      %dma_wait3A_405 = tpu.memref_squeeze %dma_wait3A_404 : memref<1x1x128xi32, #tpu.memory_space<vmem>> -> memref<128xi32, #tpu.memory_space<vmem>>
      %dma_wait3A_406 = arith.constant 0 : i32
      %dma_wait3A_407 = arith.constant 0 : i32
      %dma_wait3A_408 = tpu.memref_slice %arg2[%dma_wait3A_406, %dma_wait3A_407] : memref<10240x128xf32, #tpu.memory_space<hbm>> -> memref<10240x128xf32, #tpu.memory_space<hbm>>
      tpu.wait_indirect_dma semaphore(%arg12 : memref<!tpu.dma_semaphore, #tpu.memory_space<semaphore_mem>>) src(%dma_wait3A_408 : memref<10240x128xf32, #tpu.memory_space<hbm>>) dst(%dma_wait3A_402 : memref<128x128xf32, #tpu.memory_space<vmem>>)
      %dma_start3A_409 = arith.constant 0 : i32
      %dma_start3A_410 = arith.constant 0 : i32
      %dma_start3A_411 = arith.constant 0 : i32
      %dma_start3A_412 = arith.constant 0 : i32
      %dma_start3A_413 = tpu.memref_slice %arg9[%dma_start3A_409, %dma_start3A_411, %dma_start3A_412] : memref<2x128x128xf32, #tpu.memory_space<vmem>> -> memref<1x128x128xf32, #tpu.memory_space<vmem>>
      %dma_start3A_414 = tpu.memref_squeeze %dma_start3A_413 : memref<1x128x128xf32, #tpu.memory_space<vmem>> -> memref<128x128xf32, #tpu.memory_space<vmem>>
      %dma_start3A_415 = arith.constant 0 : i32
      %dma_start3A_416 = tpu.memref_slice %arg8[%rem3A_391, %dma_start3A_410, %dma_start3A_415] : memref<2x2x128xi32, #tpu.memory_space<vmem>> -> memref<1x1x128xi32, #tpu.memory_space<vmem>>
      %dma_start3A_417 = tpu.memref_squeeze %dma_start3A_416 : memref<1x1x128xi32, #tpu.memory_space<vmem>> -> memref<128xi32, #tpu.memory_space<vmem>>
      %dma_start3A_418 = arith.constant 0 : i32
      %dma_start3A_419 = arith.constant 0 : i32
      %dma_start3A_420 = tpu.memref_slice %arg10[%dma_start3A_418, %dma_start3A_419] : memref<10240x128xf32, #tpu.memory_space<vmem_shared>> -> memref<10240x128xf32, #tpu.memory_space<vmem_shared>>
      tpu.enqueue_indirect_dma source(%dma_start3A_414 : memref<128x128xf32, #tpu.memory_space<vmem>>) target(%dma_start3A_420 : memref<10240x128xf32, #tpu.memory_space<vmem_shared>>) offsets(%dma_start3A_417 : memref<128xi32, #tpu.memory_space<vmem>>) semaphore(%arg14 : memref<!tpu.dma_semaphore, #tpu.memory_space<semaphore_mem>>) {add = true}
      %dma_wait3A_421 = arith.constant 0 : i32
      %dma_wait3A_422 = arith.constant 0 : i32
      %dma_wait3A_423 = arith.constant 1 : i32
      %dma_wait3A_424 = arith.constant 0 : i32
      %dma_wait3A_425 = arith.constant 0 : i32
      %dma_wait3A_426 = tpu.memref_slice %arg9[%dma_wait3A_423, %dma_wait3A_424, %dma_wait3A_425] : memref<2x128x128xf32, #tpu.memory_space<vmem>> -> memref<1x128x128xf32, #tpu.memory_space<vmem>>
      %dma_wait3A_427 = tpu.memref_squeeze %dma_wait3A_426 : memref<1x128x128xf32, #tpu.memory_space<vmem>> -> memref<128x128xf32, #tpu.memory_space<vmem>>
      %dma_wait3A_428 = arith.constant 0 : i32
      %dma_wait3A_429 = tpu.memref_slice %arg7[%dma_wait3A_421, %dma_wait3A_422, %dma_wait3A_428] : memref<2x2x128xi32, #tpu.memory_space<vmem>> -> memref<1x1x128xi32, #tpu.memory_space<vmem>>
      %dma_wait3A_430 = tpu.memref_squeeze %dma_wait3A_429 : memref<1x1x128xi32, #tpu.memory_space<vmem>> -> memref<128xi32, #tpu.memory_space<vmem>>
      %dma_wait3A_431 = arith.constant 0 : i32
      %dma_wait3A_432 = arith.constant 0 : i32
      %dma_wait3A_433 = tpu.memref_slice %arg2[%dma_wait3A_431, %dma_wait3A_432] : memref<10240x128xf32, #tpu.memory_space<hbm>> -> memref<10240x128xf32, #tpu.memory_space<hbm>>
      tpu.wait_indirect_dma semaphore(%arg13 : memref<!tpu.dma_semaphore, #tpu.memory_space<semaphore_mem>>) src(%dma_wait3A_433 : memref<10240x128xf32, #tpu.memory_space<hbm>>) dst(%dma_wait3A_427 : memref<128x128xf32, #tpu.memory_space<vmem>>)
      %dma_start3A_434 = arith.constant 1 : i32
      %dma_start3A_435 = arith.constant 1 : i32
      %dma_start3A_436 = arith.constant 0 : i32
      %dma_start3A_437 = arith.constant 0 : i32
      %dma_start3A_438 = tpu.memref_slice %arg9[%dma_start3A_434, %dma_start3A_436, %dma_start3A_437] : memref<2x128x128xf32, #tpu.memory_space<vmem>> -> memref<1x128x128xf32, #tpu.memory_space<vmem>>
      %dma_start3A_439 = tpu.memref_squeeze %dma_start3A_438 : memref<1x128x128xf32, #tpu.memory_space<vmem>> -> memref<128x128xf32, #tpu.memory_space<vmem>>
      %dma_start3A_440 = arith.constant 0 : i32
      %dma_start3A_441 = tpu.memref_slice %arg8[%rem3A_391, %dma_start3A_435, %dma_start3A_440] : memref<2x2x128xi32, #tpu.memory_space<vmem>> -> memref<1x1x128xi32, #tpu.memory_space<vmem>>
      %dma_start3A_442 = tpu.memref_squeeze %dma_start3A_441 : memref<1x1x128xi32, #tpu.memory_space<vmem>> -> memref<128xi32, #tpu.memory_space<vmem>>
      %dma_start3A_443 = arith.constant 0 : i32
      %dma_start3A_444 = arith.constant 0 : i32
      %dma_start3A_445 = tpu.memref_slice %arg10[%dma_start3A_443, %dma_start3A_444] : memref<10240x128xf32, #tpu.memory_space<vmem_shared>> -> memref<10240x128xf32, #tpu.memory_space<vmem_shared>>
      tpu.enqueue_indirect_dma source(%dma_start3A_439 : memref<128x128xf32, #tpu.memory_space<vmem>>) target(%dma_start3A_445 : memref<10240x128xf32, #tpu.memory_space<vmem_shared>>) offsets(%dma_start3A_442 : memref<128xi32, #tpu.memory_space<vmem>>) semaphore(%arg15 : memref<!tpu.dma_semaphore, #tpu.memory_space<semaphore_mem>>) {add = true}
      %dma_wait3A_446 = arith.constant 0 : i32
      %dma_wait3A_447 = arith.constant 0 : i32
      %dma_wait3A_448 = arith.constant 0 : i32
      %dma_wait3A_449 = tpu.memref_slice %arg7[%dma_wait3A_446, %dma_wait3A_447, %dma_wait3A_448] : memref<2x2x128xi32, #tpu.memory_space<vmem>> -> memref<1x2x128xi32, #tpu.memory_space<vmem>>
      %dma_wait3A_450 = tpu.memref_squeeze %dma_wait3A_449 : memref<1x2x128xi32, #tpu.memory_space<vmem>> -> memref<2x128xi32, #tpu.memory_space<vmem>>
      %dma_wait3A_451 = arith.constant 0 : i32
      %dma_wait3A_452 = arith.constant 0 : i32
      %dma_wait3A_453 = tpu.memref_slice %arg3[%dma_wait3A_451, %dma_wait3A_452] : memref<2560x128xi32, #tpu.memory_space<hbm>> -> memref<2x128xi32, #tpu.memory_space<hbm>>
      %dma_wait3A_454 = arith.constant 0 : i32
      %dma_wait3A_455 = arith.constant 0 : i32
      %dma_wait3A_456 = tpu.memref_slice %arg7[%dma_wait3A_446, %dma_wait3A_454, %dma_wait3A_455] : memref<2x2x128xi32, #tpu.memory_space<vmem>> -> memref<1x2x128xi32, #tpu.memory_space<vmem>>
      %dma_wait3A_457 = tpu.memref_squeeze %dma_wait3A_456 : memref<1x2x128xi32, #tpu.memory_space<vmem>> -> memref<2x128xi32, #tpu.memory_space<vmem>>
      %dma_wait3A_458 = arith.constant 0 : i32
      %dma_wait3A_459 = arith.constant 0 : i32
      %dma_wait3A_460 = tpu.memref_slice %arg3[%dma_wait3A_458, %dma_wait3A_459] : memref<2560x128xi32, #tpu.memory_space<hbm>> -> memref<2x128xi32, #tpu.memory_space<hbm>>
      tpu.wait_dma2 semaphore(%arg11 : memref<!tpu.dma_semaphore, #tpu.memory_space<semaphore_mem>>) src(%dma_wait3A_460 : memref<2x128xi32, #tpu.memory_space<hbm>>) dst(%dma_wait3A_457 : memref<2x128xi32, #tpu.memory_space<vmem>>)
      %dma_wait3A_461 = arith.constant 0 : i32
      %dma_wait3A_462 = arith.constant 0 : i32
      %dma_wait3A_463 = arith.constant 0 : i32
      %dma_wait3A_464 = tpu.memref_slice %arg8[%dma_wait3A_461, %dma_wait3A_462, %dma_wait3A_463] : memref<2x2x128xi32, #tpu.memory_space<vmem>> -> memref<1x2x128xi32, #tpu.memory_space<vmem>>
      %dma_wait3A_465 = tpu.memref_squeeze %dma_wait3A_464 : memref<1x2x128xi32, #tpu.memory_space<vmem>> -> memref<2x128xi32, #tpu.memory_space<vmem>>
      %dma_wait3A_466 = arith.constant 0 : i32
      %dma_wait3A_467 = arith.constant 0 : i32
      %dma_wait3A_468 = tpu.memref_slice %arg4[%dma_wait3A_466, %dma_wait3A_467] : memref<2560x128xi32, #tpu.memory_space<hbm>> -> memref<2x128xi32, #tpu.memory_space<hbm>>
      %dma_wait3A_469 = arith.constant 0 : i32
      %dma_wait3A_470 = arith.constant 0 : i32
      %dma_wait3A_471 = tpu.memref_slice %arg8[%dma_wait3A_461, %dma_wait3A_469, %dma_wait3A_470] : memref<2x2x128xi32, #tpu.memory_space<vmem>> -> memref<1x2x128xi32, #tpu.memory_space<vmem>>
      %dma_wait3A_472 = tpu.memref_squeeze %dma_wait3A_471 : memref<1x2x128xi32, #tpu.memory_space<vmem>> -> memref<2x128xi32, #tpu.memory_space<vmem>>
      %dma_wait3A_473 = arith.constant 0 : i32
      %dma_wait3A_474 = arith.constant 0 : i32
      %dma_wait3A_475 = tpu.memref_slice %arg4[%dma_wait3A_473, %dma_wait3A_474] : memref<2560x128xi32, #tpu.memory_space<hbm>> -> memref<2x128xi32, #tpu.memory_space<hbm>>
      tpu.wait_dma2 semaphore(%arg11 : memref<!tpu.dma_semaphore, #tpu.memory_space<semaphore_mem>>) src(%dma_wait3A_475 : memref<2x128xi32, #tpu.memory_space<hbm>>) dst(%dma_wait3A_472 : memref<2x128xi32, #tpu.memory_space<vmem>>)
      %dma_wait3A_476 = arith.constant 0 : i32
      %dma_wait3A_477 = arith.constant 0 : i32
      %dma_wait3A_478 = arith.constant 0 : i32
      %dma_wait3A_479 = arith.constant 0 : i32
      %dma_wait3A_480 = arith.constant 0 : i32
      %dma_wait3A_481 = tpu.memref_slice %arg9[%dma_wait3A_476, %dma_wait3A_479, %dma_wait3A_480] : memref<2x128x128xf32, #tpu.memory_space<vmem>> -> memref<1x128x128xf32, #tpu.memory_space<vmem>>
      %dma_wait3A_482 = tpu.memref_squeeze %dma_wait3A_481 : memref<1x128x128xf32, #tpu.memory_space<vmem>> -> memref<128x128xf32, #tpu.memory_space<vmem>>
      %dma_wait3A_483 = arith.constant 0 : i32
      %dma_wait3A_484 = tpu.memref_slice %arg8[%dma_wait3A_477, %dma_wait3A_478, %dma_wait3A_483] : memref<2x2x128xi32, #tpu.memory_space<vmem>> -> memref<1x1x128xi32, #tpu.memory_space<vmem>>
      %dma_wait3A_485 = tpu.memref_squeeze %dma_wait3A_484 : memref<1x1x128xi32, #tpu.memory_space<vmem>> -> memref<128xi32, #tpu.memory_space<vmem>>
      %dma_wait3A_486 = arith.constant 0 : i32
      %dma_wait3A_487 = arith.constant 0 : i32
      %dma_wait3A_488 = tpu.memref_slice %arg10[%dma_wait3A_486, %dma_wait3A_487] : memref<10240x128xf32, #tpu.memory_space<vmem_shared>> -> memref<10240x128xf32, #tpu.memory_space<vmem_shared>>
      tpu.wait_indirect_dma semaphore(%arg14 : memref<!tpu.dma_semaphore, #tpu.memory_space<semaphore_mem>>) src(%dma_wait3A_482 : memref<128x128xf32, #tpu.memory_space<vmem>>) dst(%dma_wait3A_488 : memref<10240x128xf32, #tpu.memory_space<vmem_shared>>)
      %dma_wait3A_489 = arith.constant 1 : i32
      %dma_wait3A_490 = arith.constant 0 : i32
      %dma_wait3A_491 = arith.constant 0 : i32
      %dma_wait3A_492 = arith.constant 0 : i32
      %dma_wait3A_493 = arith.constant 0 : i32
      %dma_wait3A_494 = tpu.memref_slice %arg9[%dma_wait3A_489, %dma_wait3A_492, %dma_wait3A_493] : memref<2x128x128xf32, #tpu.memory_space<vmem>> -> memref<1x128x128xf32, #tpu.memory_space<vmem>>
      %dma_wait3A_495 = tpu.memref_squeeze %dma_wait3A_494 : memref<1x128x128xf32, #tpu.memory_space<vmem>> -> memref<128x128xf32, #tpu.memory_space<vmem>>
      %dma_wait3A_496 = arith.constant 0 : i32
      %dma_wait3A_497 = tpu.memref_slice %arg8[%dma_wait3A_490, %dma_wait3A_491, %dma_wait3A_496] : memref<2x2x128xi32, #tpu.memory_space<vmem>> -> memref<1x1x128xi32, #tpu.memory_space<vmem>>
      %dma_wait3A_498 = tpu.memref_squeeze %dma_wait3A_497 : memref<1x1x128xi32, #tpu.memory_space<vmem>> -> memref<128xi32, #tpu.memory_space<vmem>>
      %dma_wait3A_499 = arith.constant 0 : i32
      %dma_wait3A_500 = arith.constant 0 : i32
      %dma_wait3A_501 = tpu.memref_slice %arg10[%dma_wait3A_499, %dma_wait3A_500] : memref<10240x128xf32, #tpu.memory_space<vmem_shared>> -> memref<10240x128xf32, #tpu.memory_space<vmem_shared>>
      tpu.wait_indirect_dma semaphore(%arg15 : memref<!tpu.dma_semaphore, #tpu.memory_space<semaphore_mem>>) src(%dma_wait3A_495 : memref<128x128xf32, #tpu.memory_space<vmem>>) dst(%dma_wait3A_501 : memref<10240x128xf32, #tpu.memory_space<vmem_shared>>)
      %dma_start3A_502 = arith.constant 0 : i32
      %dma_start3A_503 = arith.constant 0 : i32
      %dma_start3A_504 = arith.constant 0 : i32
      %dma_start3A_505 = arith.constant 0 : i32
      %dma_start3A_506 = tpu.memref_slice %arg9[%dma_start3A_503, %dma_start3A_504, %dma_start3A_505] : memref<2x128x128xf32, #tpu.memory_space<vmem>> -> memref<1x128x128xf32, #tpu.memory_space<vmem>>
      %dma_start3A_507 = tpu.memref_squeeze %dma_start3A_506 : memref<1x128x128xf32, #tpu.memory_space<vmem>> -> memref<128x128xf32, #tpu.memory_space<vmem>>
      %dma_start3A_508 = arith.constant 0 : i32
      %dma_start3A_509 = tpu.memref_slice %arg7[%rem3A_395, %dma_start3A_502, %dma_start3A_508] : memref<2x2x128xi32, #tpu.memory_space<vmem>> -> memref<1x1x128xi32, #tpu.memory_space<vmem>>
      %dma_start3A_510 = tpu.memref_squeeze %dma_start3A_509 : memref<1x1x128xi32, #tpu.memory_space<vmem>> -> memref<128xi32, #tpu.memory_space<vmem>>
      %dma_start3A_511 = arith.constant 0 : i32
      %dma_start3A_512 = arith.constant 0 : i32
      %dma_start3A_513 = tpu.memref_slice %arg2[%dma_start3A_511, %dma_start3A_512] : memref<10240x128xf32, #tpu.memory_space<hbm>> -> memref<10240x128xf32, #tpu.memory_space<hbm>>
      tpu.enqueue_indirect_dma source(%dma_start3A_513 : memref<10240x128xf32, #tpu.memory_space<hbm>>) target(%dma_start3A_507 : memref<128x128xf32, #tpu.memory_space<vmem>>) offsets(%dma_start3A_510 : memref<128xi32, #tpu.memory_space<vmem>>) semaphore(%arg12 : memref<!tpu.dma_semaphore, #tpu.memory_space<semaphore_mem>>)
      %dma_start3A_514 = arith.constant 1 : i32
      %dma_start3A_515 = arith.constant 1 : i32
      %dma_start3A_516 = arith.constant 0 : i32
      %dma_start3A_517 = arith.constant 0 : i32
      %dma_start3A_518 = tpu.memref_slice %arg9[%dma_start3A_515, %dma_start3A_516, %dma_start3A_517] : memref<2x128x128xf32, #tpu.memory_space<vmem>> -> memref<1x128x128xf32, #tpu.memory_space<vmem>>
      %dma_start3A_519 = tpu.memref_squeeze %dma_start3A_518 : memref<1x128x128xf32, #tpu.memory_space<vmem>> -> memref<128x128xf32, #tpu.memory_space<vmem>>
      %dma_start3A_520 = arith.constant 0 : i32
      %dma_start3A_521 = tpu.memref_slice %arg7[%rem3A_395, %dma_start3A_514, %dma_start3A_520] : memref<2x2x128xi32, #tpu.memory_space<vmem>> -> memref<1x1x128xi32, #tpu.memory_space<vmem>>
      %dma_start3A_522 = tpu.memref_squeeze %dma_start3A_521 : memref<1x1x128xi32, #tpu.memory_space<vmem>> -> memref<128xi32, #tpu.memory_space<vmem>>
      %dma_start3A_523 = arith.constant 0 : i32
      %dma_start3A_524 = arith.constant 0 : i32
      %dma_start3A_525 = tpu.memref_slice %arg2[%dma_start3A_523, %dma_start3A_524] : memref<10240x128xf32, #tpu.memory_space<hbm>> -> memref<10240x128xf32, #tpu.memory_space<hbm>>
      tpu.enqueue_indirect_dma source(%dma_start3A_525 : memref<10240x128xf32, #tpu.memory_space<hbm>>) target(%dma_start3A_519 : memref<128x128xf32, #tpu.memory_space<vmem>>) offsets(%dma_start3A_522 : memref<128xi32, #tpu.memory_space<vmem>>) semaphore(%arg13 : memref<!tpu.dma_semaphore, #tpu.memory_space<semaphore_mem>>)
      %add3A_526 = arith.constant 2 : i32
      %add3A_527 = arith.addi %while3A_390, %add3A_526 : i32
      %sub3A_528 = arith.constant 1 : i32
      %sub3A_529 = arith.subi %select_n3A, %sub3A_528 : i32
      %min3A = arith.minsi %add3A_527, %sub3A_529 : i32
      %mul3A_530 = arith.constant 2 : i32
      %mul3A_531 = arith.muli %min3A, %mul3A_530 : i32
      %add3A_532 = arith.addi %select_n3A_8, %mul3A_531 : i32
      %dma_start3A_533 = arith.constant 0 : i32
      %dma_start3A_534 = arith.constant 0 : i32
      %dma_start3A_535 = tpu.memref_slice %arg7[%rem3A_391, %dma_start3A_533, %dma_start3A_534] : memref<2x2x128xi32, #tpu.memory_space<vmem>> -> memref<1x2x128xi32, #tpu.memory_space<vmem>>
      %dma_start3A_536 = tpu.memref_squeeze %dma_start3A_535 : memref<1x2x128xi32, #tpu.memory_space<vmem>> -> memref<2x128xi32, #tpu.memory_space<vmem>>
      %dma_start3A_537 = arith.constant 0 : i32
      %dma_start3A_538 = tpu.memref_slice %arg3[%add3A_532, %dma_start3A_537] : memref<2560x128xi32, #tpu.memory_space<hbm>> -> memref<2x128xi32, #tpu.memory_space<hbm>>
      %dma_start3A_539 = arith.constant 0 : i32
      %dma_start3A_540 = arith.constant 0 : i32
      %dma_start3A_541 = tpu.memref_slice %arg7[%rem3A_391, %dma_start3A_539, %dma_start3A_540] : memref<2x2x128xi32, #tpu.memory_space<vmem>> -> memref<1x2x128xi32, #tpu.memory_space<vmem>>
      %dma_start3A_542 = tpu.memref_squeeze %dma_start3A_541 : memref<1x2x128xi32, #tpu.memory_space<vmem>> -> memref<2x128xi32, #tpu.memory_space<vmem>>
      %dma_start3A_543 = arith.constant 0 : i32
      %dma_start3A_544 = tpu.memref_slice %arg3[%add3A_532, %dma_start3A_543] : memref<2560x128xi32, #tpu.memory_space<hbm>> -> memref<2x128xi32, #tpu.memory_space<hbm>>
      tpu.enqueue_dma source(%dma_start3A_544 : memref<2x128xi32, #tpu.memory_space<hbm>>) target(%dma_start3A_542 : memref<2x128xi32, #tpu.memory_space<vmem>>) target_semaphore(%arg11 : memref<!tpu.dma_semaphore, #tpu.memory_space<semaphore_mem>>)
      %dma_start3A_545 = arith.constant 0 : i32
      %dma_start3A_546 = arith.constant 0 : i32
      %dma_start3A_547 = tpu.memref_slice %arg8[%rem3A_391, %dma_start3A_545, %dma_start3A_546] : memref<2x2x128xi32, #tpu.memory_space<vmem>> -> memref<1x2x128xi32, #tpu.memory_space<vmem>>
      %dma_start3A_548 = tpu.memref_squeeze %dma_start3A_547 : memref<1x2x128xi32, #tpu.memory_space<vmem>> -> memref<2x128xi32, #tpu.memory_space<vmem>>
      %dma_start3A_549 = arith.constant 0 : i32
      %dma_start3A_550 = tpu.memref_slice %arg4[%add3A_532, %dma_start3A_549] : memref<2560x128xi32, #tpu.memory_space<hbm>> -> memref<2x128xi32, #tpu.memory_space<hbm>>
      %dma_start3A_551 = arith.constant 0 : i32
      %dma_start3A_552 = arith.constant 0 : i32
      %dma_start3A_553 = tpu.memref_slice %arg8[%rem3A_391, %dma_start3A_551, %dma_start3A_552] : memref<2x2x128xi32, #tpu.memory_space<vmem>> -> memref<1x2x128xi32, #tpu.memory_space<vmem>>
      %dma_start3A_554 = tpu.memref_squeeze %dma_start3A_553 : memref<1x2x128xi32, #tpu.memory_space<vmem>> -> memref<2x128xi32, #tpu.memory_space<vmem>>
      %dma_start3A_555 = arith.constant 0 : i32
      %dma_start3A_556 = tpu.memref_slice %arg4[%add3A_532, %dma_start3A_555] : memref<2560x128xi32, #tpu.memory_space<hbm>> -> memref<2x128xi32, #tpu.memory_space<hbm>>
      tpu.enqueue_dma source(%dma_start3A_556 : memref<2x128xi32, #tpu.memory_space<hbm>>) target(%dma_start3A_554 : memref<2x128xi32, #tpu.memory_space<vmem>>) target_semaphore(%arg11 : memref<!tpu.dma_semaphore, #tpu.memory_space<semaphore_mem>>)
    }
    %while3A_76 = arith.constant 1 : i32
    scf.for %while3A_390 = %while3A_74 to %while3A_70 step %while3A_76  : i32 {
      %rem3A = arith.constant 2 : i32
      %rem3A_391 = arith.remsi %while3A_390, %rem3A : i32
      %add3A_392 = arith.constant 1 : i32
      %add3A_393 = arith.addi %while3A_390, %add3A_392 : i32
      %rem3A_394 = arith.constant 2 : i32
      %rem3A_395 = arith.remsi %add3A_393, %rem3A_394 : i32
      %dma_wait3A_396 = arith.constant 0 : i32
      %dma_wait3A_397 = arith.constant 0 : i32
      %dma_wait3A_398 = arith.constant 0 : i32
      %dma_wait3A_399 = arith.constant 0 : i32
      %dma_wait3A_400 = arith.constant 0 : i32
      %dma_wait3A_401 = tpu.memref_slice %arg9[%dma_wait3A_398, %dma_wait3A_399, %dma_wait3A_400] : memref<2x128x128xf32, #tpu.memory_space<vmem>> -> memref<1x128x128xf32, #tpu.memory_space<vmem>>
      %dma_wait3A_402 = tpu.memref_squeeze %dma_wait3A_401 : memref<1x128x128xf32, #tpu.memory_space<vmem>> -> memref<128x128xf32, #tpu.memory_space<vmem>>
      %dma_wait3A_403 = arith.constant 0 : i32
      %dma_wait3A_404 = tpu.memref_slice %arg7[%dma_wait3A_396, %dma_wait3A_397, %dma_wait3A_403] : memref<2x2x128xi32, #tpu.memory_space<vmem>> -> memref<1x1x128xi32, #tpu.memory_space<vmem>>
      %dma_wait3A_405 = tpu.memref_squeeze %dma_wait3A_404 : memref<1x1x128xi32, #tpu.memory_space<vmem>> -> memref<128xi32, #tpu.memory_space<vmem>>
      %dma_wait3A_406 = arith.constant 0 : i32
      %dma_wait3A_407 = arith.constant 0 : i32
      %dma_wait3A_408 = tpu.memref_slice %arg2[%dma_wait3A_406, %dma_wait3A_407] : memref<10240x128xf32, #tpu.memory_space<hbm>> -> memref<10240x128xf32, #tpu.memory_space<hbm>>
      tpu.wait_indirect_dma semaphore(%arg12 : memref<!tpu.dma_semaphore, #tpu.memory_space<semaphore_mem>>) src(%dma_wait3A_408 : memref<10240x128xf32, #tpu.memory_space<hbm>>) dst(%dma_wait3A_402 : memref<128x128xf32, #tpu.memory_space<vmem>>)
      %dma_start3A_409 = arith.constant 0 : i32
      %dma_start3A_410 = arith.constant 0 : i32
      %dma_start3A_411 = arith.constant 0 : i32
      %dma_start3A_412 = arith.constant 0 : i32
      %dma_start3A_413 = tpu.memref_slice %arg9[%dma_start3A_409, %dma_start3A_411, %dma_start3A_412] : memref<2x128x128xf32, #tpu.memory_space<vmem>> -> memref<1x128x128xf32, #tpu.memory_space<vmem>>
      %dma_start3A_414 = tpu.memref_squeeze %dma_start3A_413 : memref<1x128x128xf32, #tpu.memory_space<vmem>> -> memref<128x128xf32, #tpu.memory_space<vmem>>
      %dma_start3A_415 = arith.constant 0 : i32
      %dma_start3A_416 = tpu.memref_slice %arg8[%rem3A_391, %dma_start3A_410, %dma_start3A_415] : memref<2x2x128xi32, #tpu.memory_space<vmem>> -> memref<1x1x128xi32, #tpu.memory_space<vmem>>
      %dma_start3A_417 = tpu.memref_squeeze %dma_start3A_416 : memref<1x1x128xi32, #tpu.memory_space<vmem>> -> memref<128xi32, #tpu.memory_space<vmem>>
      %dma_start3A_418 = arith.constant 0 : i32
      %dma_start3A_419 = arith.constant 0 : i32
      %dma_start3A_420 = tpu.memref_slice %arg10[%dma_start3A_418, %dma_start3A_419] : memref<10240x128xf32, #tpu.memory_space<vmem_shared>> -> memref<10240x128xf32, #tpu.memory_space<vmem_shared>>
      tpu.enqueue_indirect_dma source(%dma_start3A_414 : memref<128x128xf32, #tpu.memory_space<vmem>>) target(%dma_start3A_420 : memref<10240x128xf32, #tpu.memory_space<vmem_shared>>) offsets(%dma_start3A_417 : memref<128xi32, #tpu.memory_space<vmem>>) semaphore(%arg14 : memref<!tpu.dma_semaphore, #tpu.memory_space<semaphore_mem>>) {add = true}
      %dma_wait3A_421 = arith.constant 0 : i32
      %dma_wait3A_422 = arith.constant 0 : i32
      %dma_wait3A_423 = arith.constant 1 : i32
      %dma_wait3A_424 = arith.constant 0 : i32
      %dma_wait3A_425 = arith.constant 0 : i32
      %dma_wait3A_426 = tpu.memref_slice %arg9[%dma_wait3A_423, %dma_wait3A_424, %dma_wait3A_425] : memref<2x128x128xf32, #tpu.memory_space<vmem>> -> memref<1x128x128xf32, #tpu.memory_space<vmem>>
      %dma_wait3A_427 = tpu.memref_squeeze %dma_wait3A_426 : memref<1x128x128xf32, #tpu.memory_space<vmem>> -> memref<128x128xf32, #tpu.memory_space<vmem>>
      %dma_wait3A_428 = arith.constant 0 : i32
      %dma_wait3A_429 = tpu.memref_slice %arg7[%dma_wait3A_421, %dma_wait3A_422, %dma_wait3A_428] : memref<2x2x128xi32, #tpu.memory_space<vmem>> -> memref<1x1x128xi32, #tpu.memory_space<vmem>>
      %dma_wait3A_430 = tpu.memref_squeeze %dma_wait3A_429 : memref<1x1x128xi32, #tpu.memory_space<vmem>> -> memref<128xi32, #tpu.memory_space<vmem>>
      %dma_wait3A_431 = arith.constant 0 : i32
      %dma_wait3A_432 = arith.constant 0 : i32
      %dma_wait3A_433 = tpu.memref_slice %arg2[%dma_wait3A_431, %dma_wait3A_432] : memref<10240x128xf32, #tpu.memory_space<hbm>> -> memref<10240x128xf32, #tpu.memory_space<hbm>>
      tpu.wait_indirect_dma semaphore(%arg13 : memref<!tpu.dma_semaphore, #tpu.memory_space<semaphore_mem>>) src(%dma_wait3A_433 : memref<10240x128xf32, #tpu.memory_space<hbm>>) dst(%dma_wait3A_427 : memref<128x128xf32, #tpu.memory_space<vmem>>)
      %dma_start3A_434 = arith.constant 1 : i32
      %dma_start3A_435 = arith.constant 1 : i32
      %dma_start3A_436 = arith.constant 0 : i32
      %dma_start3A_437 = arith.constant 0 : i32
      %dma_start3A_438 = tpu.memref_slice %arg9[%dma_start3A_434, %dma_start3A_436, %dma_start3A_437] : memref<2x128x128xf32, #tpu.memory_space<vmem>> -> memref<1x128x128xf32, #tpu.memory_space<vmem>>
      %dma_start3A_439 = tpu.memref_squeeze %dma_start3A_438 : memref<1x128x128xf32, #tpu.memory_space<vmem>> -> memref<128x128xf32, #tpu.memory_space<vmem>>
      %dma_start3A_440 = arith.constant 0 : i32
      %dma_start3A_441 = tpu.memref_slice %arg8[%rem3A_391, %dma_start3A_435, %dma_start3A_440] : memref<2x2x128xi32, #tpu.memory_space<vmem>> -> memref<1x1x128xi32, #tpu.memory_space<vmem>>
      %dma_start3A_442 = tpu.memref_squeeze %dma_start3A_441 : memref<1x1x128xi32, #tpu.memory_space<vmem>> -> memref<128xi32, #tpu.memory_space<vmem>>
      %dma_start3A_443 = arith.constant 0 : i32
      %dma_start3A_444 = arith.constant 0 : i32
      %dma_start3A_445 = tpu.memref_slice %arg10[%dma_start3A_443, %dma_start3A_444] : memref<10240x128xf32, #tpu.memory_space<vmem_shared>> -> memref<10240x128xf32, #tpu.memory_space<vmem_shared>>
      tpu.enqueue_indirect_dma source(%dma_start3A_439 : memref<128x128xf32, #tpu.memory_space<vmem>>) target(%dma_start3A_445 : memref<10240x128xf32, #tpu.memory_space<vmem_shared>>) offsets(%dma_start3A_442 : memref<128xi32, #tpu.memory_space<vmem>>) semaphore(%arg15 : memref<!tpu.dma_semaphore, #tpu.memory_space<semaphore_mem>>) {add = true}
      %dma_wait3A_446 = arith.constant 0 : i32
      %dma_wait3A_447 = arith.constant 0 : i32
      %dma_wait3A_448 = arith.constant 0 : i32
      %dma_wait3A_449 = tpu.memref_slice %arg7[%dma_wait3A_446, %dma_wait3A_447, %dma_wait3A_448] : memref<2x2x128xi32, #tpu.memory_space<vmem>> -> memref<1x2x128xi32, #tpu.memory_space<vmem>>
      %dma_wait3A_450 = tpu.memref_squeeze %dma_wait3A_449 : memref<1x2x128xi32, #tpu.memory_space<vmem>> -> memref<2x128xi32, #tpu.memory_space<vmem>>
      %dma_wait3A_451 = arith.constant 0 : i32
      %dma_wait3A_452 = arith.constant 0 : i32
      %dma_wait3A_453 = tpu.memref_slice %arg3[%dma_wait3A_451, %dma_wait3A_452] : memref<2560x128xi32, #tpu.memory_space<hbm>> -> memref<2x128xi32, #tpu.memory_space<hbm>>
      %dma_wait3A_454 = arith.constant 0 : i32
      %dma_wait3A_455 = arith.constant 0 : i32
      %dma_wait3A_456 = tpu.memref_slice %arg7[%dma_wait3A_446, %dma_wait3A_454, %dma_wait3A_455] : memref<2x2x128xi32, #tpu.memory_space<vmem>> -> memref<1x2x128xi32, #tpu.memory_space<vmem>>
      %dma_wait3A_457 = tpu.memref_squeeze %dma_wait3A_456 : memref<1x2x128xi32, #tpu.memory_space<vmem>> -> memref<2x128xi32, #tpu.memory_space<vmem>>
      %dma_wait3A_458 = arith.constant 0 : i32
      %dma_wait3A_459 = arith.constant 0 : i32
      %dma_wait3A_460 = tpu.memref_slice %arg3[%dma_wait3A_458, %dma_wait3A_459] : memref<2560x128xi32, #tpu.memory_space<hbm>> -> memref<2x128xi32, #tpu.memory_space<hbm>>
      tpu.wait_dma2 semaphore(%arg11 : memref<!tpu.dma_semaphore, #tpu.memory_space<semaphore_mem>>) src(%dma_wait3A_460 : memref<2x128xi32, #tpu.memory_space<hbm>>) dst(%dma_wait3A_457 : memref<2x128xi32, #tpu.memory_space<vmem>>)
      %dma_wait3A_461 = arith.constant 0 : i32
      %dma_wait3A_462 = arith.constant 0 : i32
      %dma_wait3A_463 = arith.constant 0 : i32
      %dma_wait3A_464 = tpu.memref_slice %arg8[%dma_wait3A_461, %dma_wait3A_462, %dma_wait3A_463] : memref<2x2x128xi32, #tpu.memory_space<vmem>> -> memref<1x2x128xi32, #tpu.memory_space<vmem>>
      %dma_wait3A_465 = tpu.memref_squeeze %dma_wait3A_464 : memref<1x2x128xi32, #tpu.memory_space<vmem>> -> memref<2x128xi32, #tpu.memory_space<vmem>>
      %dma_wait3A_466 = arith.constant 0 : i32
      %dma_wait3A_467 = arith.constant 0 : i32
      %dma_wait3A_468 = tpu.memref_slice %arg4[%dma_wait3A_466, %dma_wait3A_467] : memref<2560x128xi32, #tpu.memory_space<hbm>> -> memref<2x128xi32, #tpu.memory_space<hbm>>
      %dma_wait3A_469 = arith.constant 0 : i32
      %dma_wait3A_470 = arith.constant 0 : i32
      %dma_wait3A_471 = tpu.memref_slice %arg8[%dma_wait3A_461, %dma_wait3A_469, %dma_wait3A_470] : memref<2x2x128xi32, #tpu.memory_space<vmem>> -> memref<1x2x128xi32, #tpu.memory_space<vmem>>
      %dma_wait3A_472 = tpu.memref_squeeze %dma_wait3A_471 : memref<1x2x128xi32, #tpu.memory_space<vmem>> -> memref<2x128xi32, #tpu.memory_space<vmem>>
      %dma_wait3A_473 = arith.constant 0 : i32
      %dma_wait3A_474 = arith.constant 0 : i32
      %dma_wait3A_475 = tpu.memref_slice %arg4[%dma_wait3A_473, %dma_wait3A_474] : memref<2560x128xi32, #tpu.memory_space<hbm>> -> memref<2x128xi32, #tpu.memory_space<hbm>>
      tpu.wait_dma2 semaphore(%arg11 : memref<!tpu.dma_semaphore, #tpu.memory_space<semaphore_mem>>) src(%dma_wait3A_475 : memref<2x128xi32, #tpu.memory_space<hbm>>) dst(%dma_wait3A_472 : memref<2x128xi32, #tpu.memory_space<vmem>>)
      %dma_wait3A_476 = arith.constant 0 : i32
      %dma_wait3A_477 = arith.constant 0 : i32
      %dma_wait3A_478 = arith.constant 0 : i32
      %dma_wait3A_479 = arith.constant 0 : i32
      %dma_wait3A_480 = arith.constant 0 : i32
      %dma_wait3A_481 = tpu.memref_slice %arg9[%dma_wait3A_476, %dma_wait3A_479, %dma_wait3A_480] : memref<2x128x128xf32, #tpu.memory_space<vmem>> -> memref<1x128x128xf32, #tpu.memory_space<vmem>>
      %dma_wait3A_482 = tpu.memref_squeeze %dma_wait3A_481 : memref<1x128x128xf32, #tpu.memory_space<vmem>> -> memref<128x128xf32, #tpu.memory_space<vmem>>
      %dma_wait3A_483 = arith.constant 0 : i32
      %dma_wait3A_484 = tpu.memref_slice %arg8[%dma_wait3A_477, %dma_wait3A_478, %dma_wait3A_483] : memref<2x2x128xi32, #tpu.memory_space<vmem>> -> memref<1x1x128xi32, #tpu.memory_space<vmem>>
      %dma_wait3A_485 = tpu.memref_squeeze %dma_wait3A_484 : memref<1x1x128xi32, #tpu.memory_space<vmem>> -> memref<128xi32, #tpu.memory_space<vmem>>
      %dma_wait3A_486 = arith.constant 0 : i32
      %dma_wait3A_487 = arith.constant 0 : i32
      %dma_wait3A_488 = tpu.memref_slice %arg10[%dma_wait3A_486, %dma_wait3A_487] : memref<10240x128xf32, #tpu.memory_space<vmem_shared>> -> memref<10240x128xf32, #tpu.memory_space<vmem_shared>>
      tpu.wait_indirect_dma semaphore(%arg14 : memref<!tpu.dma_semaphore, #tpu.memory_space<semaphore_mem>>) src(%dma_wait3A_482 : memref<128x128xf32, #tpu.memory_space<vmem>>) dst(%dma_wait3A_488 : memref<10240x128xf32, #tpu.memory_space<vmem_shared>>)
      %dma_wait3A_489 = arith.constant 1 : i32
      %dma_wait3A_490 = arith.constant 0 : i32
      %dma_wait3A_491 = arith.constant 0 : i32
      %dma_wait3A_492 = arith.constant 0 : i32
      %dma_wait3A_493 = arith.constant 0 : i32
      %dma_wait3A_494 = tpu.memref_slice %arg9[%dma_wait3A_489, %dma_wait3A_492, %dma_wait3A_493] : memref<2x128x128xf32, #tpu.memory_space<vmem>> -> memref<1x128x128xf32, #tpu.memory_space<vmem>>
      %dma_wait3A_495 = tpu.memref_squeeze %dma_wait3A_494 : memref<1x128x128xf32, #tpu.memory_space<vmem>> -> memref<128x128xf32, #tpu.memory_space<vmem>>
      %dma_wait3A_496 = arith.constant 0 : i32
      %dma_wait3A_497 = tpu.memref_slice %arg8[%dma_wait3A_490, %dma_wait3A_491, %dma_wait3A_496] : memref<2x2x128xi32, #tpu.memory_space<vmem>> -> memref<1x1x128xi32, #tpu.memory_space<vmem>>
      %dma_wait3A_498 = tpu.memref_squeeze %dma_wait3A_497 : memref<1x1x128xi32, #tpu.memory_space<vmem>> -> memref<128xi32, #tpu.memory_space<vmem>>
      %dma_wait3A_499 = arith.constant 0 : i32
      %dma_wait3A_500 = arith.constant 0 : i32
      %dma_wait3A_501 = tpu.memref_slice %arg10[%dma_wait3A_499, %dma_wait3A_500] : memref<10240x128xf32, #tpu.memory_space<vmem_shared>> -> memref<10240x128xf32, #tpu.memory_space<vmem_shared>>
      tpu.wait_indirect_dma semaphore(%arg15 : memref<!tpu.dma_semaphore, #tpu.memory_space<semaphore_mem>>) src(%dma_wait3A_495 : memref<128x128xf32, #tpu.memory_space<vmem>>) dst(%dma_wait3A_501 : memref<10240x128xf32, #tpu.memory_space<vmem_shared>>)
      %dma_start3A_502 = arith.constant 0 : i32
      %dma_start3A_503 = arith.constant 0 : i32
      %dma_start3A_504 = arith.constant 0 : i32
      %dma_start3A_505 = arith.constant 0 : i32
      %dma_start3A_506 = tpu.memref_slice %arg9[%dma_start3A_503, %dma_start3A_504, %dma_start3A_505] : memref<2x128x128xf32, #tpu.memory_space<vmem>> -> memref<1x128x128xf32, #tpu.memory_space<vmem>>
      %dma_start3A_507 = tpu.memref_squeeze %dma_start3A_506 : memref<1x128x128xf32, #tpu.memory_space<vmem>> -> memref<128x128xf32, #tpu.memory_space<vmem>>
      %dma_start3A_508 = arith.constant 0 : i32
      %dma_start3A_509 = tpu.memref_slice %arg7[%rem3A_395, %dma_start3A_502, %dma_start3A_508] : memref<2x2x128xi32, #tpu.memory_space<vmem>> -> memref<1x1x128xi32, #tpu.memory_space<vmem>>
      %dma_start3A_510 = tpu.memref_squeeze %dma_start3A_509 : memref<1x1x128xi32, #tpu.memory_space<vmem>> -> memref<128xi32, #tpu.memory_space<vmem>>
      %dma_start3A_511 = arith.constant 0 : i32
      %dma_start3A_512 = arith.constant 0 : i32
      %dma_start3A_513 = tpu.memref_slice %arg2[%dma_start3A_511, %dma_start3A_512] : memref<10240x128xf32, #tpu.memory_space<hbm>> -> memref<10240x128xf32, #tpu.memory_space<hbm>>
      tpu.enqueue_indirect_dma source(%dma_start3A_513 : memref<10240x128xf32, #tpu.memory_space<hbm>>) target(%dma_start3A_507 : memref<128x128xf32, #tpu.memory_space<vmem>>) offsets(%dma_start3A_510 : memref<128xi32, #tpu.memory_space<vmem>>) semaphore(%arg12 : memref<!tpu.dma_semaphore, #tpu.memory_space<semaphore_mem>>)
      %dma_start3A_514 = arith.constant 1 : i32
      %dma_start3A_515 = arith.constant 1 : i32
      %dma_start3A_516 = arith.constant 0 : i32
      %dma_start3A_517 = arith.constant 0 : i32
      %dma_start3A_518 = tpu.memref_slice %arg9[%dma_start3A_515, %dma_start3A_516, %dma_start3A_517] : memref<2x128x128xf32, #tpu.memory_space<vmem>> -> memref<1x128x128xf32, #tpu.memory_space<vmem>>
      %dma_start3A_519 = tpu.memref_squeeze %dma_start3A_518 : memref<1x128x128xf32, #tpu.memory_space<vmem>> -> memref<128x128xf32, #tpu.memory_space<vmem>>
      %dma_start3A_520 = arith.constant 0 : i32
      %dma_start3A_521 = tpu.memref_slice %arg7[%rem3A_395, %dma_start3A_514, %dma_start3A_520] : memref<2x2x128xi32, #tpu.memory_space<vmem>> -> memref<1x1x128xi32, #tpu.memory_space<vmem>>
      %dma_start3A_522 = tpu.memref_squeeze %dma_start3A_521 : memref<1x1x128xi32, #tpu.memory_space<vmem>> -> memref<128xi32, #tpu.memory_space<vmem>>
      %dma_start3A_523 = arith.constant 0 : i32
      %dma_start3A_524 = arith.constant 0 : i32
      %dma_start3A_525 = tpu.memref_slice %arg2[%dma_start3A_523, %dma_start3A_524] : memref<10240x128xf32, #tpu.memory_space<hbm>> -> memref<10240x128xf32, #tpu.memory_space<hbm>>
      tpu.enqueue_indirect_dma source(%dma_start3A_525 : memref<10240x128xf32, #tpu.memory_space<hbm>>) target(%dma_start3A_519 : memref<128x128xf32, #tpu.memory_space<vmem>>) offsets(%dma_start3A_522 : memref<128xi32, #tpu.memory_space<vmem>>) semaphore(%arg13 : memref<!tpu.dma_semaphore, #tpu.memory_space<semaphore_mem>>)
      %add3A_526 = arith.constant 2 : i32
      %add3A_527 = arith.addi %while3A_390, %add3A_526 : i32
      %sub3A_528 = arith.constant 1 : i32
      %sub3A_529 = arith.subi %select_n3A, %sub3A_528 : i32
      %min3A = arith.minsi %add3A_527, %sub3A_529 : i32
      %mul3A_530 = arith.constant 2 : i32
      %mul3A_531 = arith.muli %min3A, %mul3A_530 : i32
      %add3A_532 = arith.addi %select_n3A_8, %mul3A_531 : i32
      %dma_start3A_533 = arith.constant 0 : i32
      %dma_start3A_534 = arith.constant 0 : i32
      %dma_start3A_535 = tpu.memref_slice %arg7[%rem3A_391, %dma_start3A_533, %dma_start3A_534] : memref<2x2x128xi32, #tpu.memory_space<vmem>> -> memref<1x2x128xi32, #tpu.memory_space<vmem>>
      %dma_start3A_536 = tpu.memref_squeeze %dma_start3A_535 : memref<1x2x128xi32, #tpu.memory_space<vmem>> -> memref<2x128xi32, #tpu.memory_space<vmem>>
      %dma_start3A_537 = arith.constant 0 : i32
      %dma_start3A_538 = tpu.memref_slice %arg3[%add3A_532, %dma_start3A_537] : memref<2560x128xi32, #tpu.memory_space<hbm>> -> memref<2x128xi32, #tpu.memory_space<hbm>>
      %dma_start3A_539 = arith.constant 0 : i32
      %dma_start3A_540 = arith.constant 0 : i32
      %dma_start3A_541 = tpu.memref_slice %arg7[%rem3A_391, %dma_start3A_539, %dma_start3A_540] : memref<2x2x128xi32, #tpu.memory_space<vmem>> -> memref<1x2x128xi32, #tpu.memory_space<vmem>>
      %dma_start3A_542 = tpu.memref_squeeze %dma_start3A_541 : memref<1x2x128xi32, #tpu.memory_space<vmem>> -> memref<2x128xi32, #tpu.memory_space<vmem>>
      %dma_start3A_543 = arith.constant 0 : i32
      %dma_start3A_544 = tpu.memref_slice %arg3[%add3A_532, %dma_start3A_543] : memref<2560x128xi32, #tpu.memory_space<hbm>> -> memref<2x128xi32, #tpu.memory_space<hbm>>
      tpu.enqueue_dma source(%dma_start3A_544 : memref<2x128xi32, #tpu.memory_space<hbm>>) target(%dma_start3A_542 : memref<2x128xi32, #tpu.memory_space<vmem>>) target_semaphore(%arg11 : memref<!tpu.dma_semaphore, #tpu.memory_space<semaphore_mem>>)
      %dma_start3A_545 = arith.constant 0 : i32
      %dma_start3A_546 = arith.constant 0 : i32
      %dma_start3A_547 = tpu.memref_slice %arg8[%rem3A_391, %dma_start3A_545, %dma_start3A_546] : memref<2x2x128xi32, #tpu.memory_space<vmem>> -> memref<1x2x128xi32, #tpu.memory_space<vmem>>
      %dma_start3A_548 = tpu.memref_squeeze %dma_start3A_547 : memref<1x2x128xi32, #tpu.memory_space<vmem>> -> memref<2x128xi32, #tpu.memory_space<vmem>>
      %dma_start3A_549 = arith.constant 0 : i32
      %dma_start3A_550 = tpu.memref_slice %arg4[%add3A_532, %dma_start3A_549] : memref<2560x128xi32, #tpu.memory_space<hbm>> -> memref<2x128xi32, #tpu.memory_space<hbm>>
      %dma_start3A_551 = arith.constant 0 : i32
      %dma_start3A_552 = arith.constant 0 : i32
      %dma_start3A_553 = tpu.memref_slice %arg8[%rem3A_391, %dma_start3A_551, %dma_start3A_552] : memref<2x2x128xi32, #tpu.memory_space<vmem>> -> memref<1x2x128xi32, #tpu.memory_space<vmem>>
      %dma_start3A_554 = tpu.memref_squeeze %dma_start3A_553 : memref<1x2x128xi32, #tpu.memory_space<vmem>> -> memref<2x128xi32, #tpu.memory_space<vmem>>
      %dma_start3A_555 = arith.constant 0 : i32
      %dma_start3A_556 = tpu.memref_slice %arg4[%add3A_532, %dma_start3A_555] : memref<2560x128xi32, #tpu.memory_space<hbm>> -> memref<2x128xi32, #tpu.memory_space<hbm>>
      tpu.enqueue_dma source(%dma_start3A_556 : memref<2x128xi32, #tpu.memory_space<hbm>>) target(%dma_start3A_554 : memref<2x128xi32, #tpu.memory_space<vmem>>) target_semaphore(%arg11 : memref<!tpu.dma_semaphore, #tpu.memory_space<semaphore_mem>>)
    }
    %dma_wait3A = arith.constant 0 : i32
    %dma_wait3A_77 = arith.constant 0 : i32
    %dma_wait3A_78 = arith.constant 0 : i32
    %dma_wait3A_79 = arith.constant 0 : i32
    %dma_wait3A_80 = arith.constant 0 : i32
    %dma_wait3A_81 = tpu.memref_slice %arg9[%dma_wait3A_78, %dma_wait3A_79, %dma_wait3A_80] : memref<2x128x128xf32, #tpu.memory_space<vmem>> -> memref<1x128x128xf32, #tpu.memory_space<vmem>>
    %dma_wait3A_82 = tpu.memref_squeeze %dma_wait3A_81 : memref<1x128x128xf32, #tpu.memory_space<vmem>> -> memref<128x128xf32, #tpu.memory_space<vmem>>
    %dma_wait3A_83 = arith.constant 0 : i32
    %dma_wait3A_84 = tpu.memref_slice %arg7[%dma_wait3A, %dma_wait3A_77, %dma_wait3A_83] : memref<2x2x128xi32, #tpu.memory_space<vmem>> -> memref<1x1x128xi32, #tpu.memory_space<vmem>>
    %dma_wait3A_85 = tpu.memref_squeeze %dma_wait3A_84 : memref<1x1x128xi32, #tpu.memory_space<vmem>> -> memref<128xi32, #tpu.memory_space<vmem>>
    %dma_wait3A_86 = arith.constant 0 : i32
    %dma_wait3A_87 = arith.constant 0 : i32
    %dma_wait3A_88 = tpu.memref_slice %arg2[%dma_wait3A_86, %dma_wait3A_87] : memref<10240x128xf32, #tpu.memory_space<hbm>> -> memref<10240x128xf32, #tpu.memory_space<hbm>>
    tpu.wait_indirect_dma semaphore(%arg12 : memref<!tpu.dma_semaphore, #tpu.memory_space<semaphore_mem>>) src(%dma_wait3A_88 : memref<10240x128xf32, #tpu.memory_space<hbm>>) dst(%dma_wait3A_82 : memref<128x128xf32, #tpu.memory_space<vmem>>)
    %dma_start3A_89 = arith.constant 0 : i32
    %dma_start3A_90 = arith.constant 1 : i32
    %dma_start3A_91 = arith.constant 0 : i32
    %dma_start3A_92 = arith.constant 0 : i32
    %dma_start3A_93 = arith.constant 0 : i32
    %dma_start3A_94 = tpu.memref_slice %arg9[%dma_start3A_89, %dma_start3A_92, %dma_start3A_93] : memref<2x128x128xf32, #tpu.memory_space<vmem>> -> memref<1x128x128xf32, #tpu.memory_space<vmem>>
    %dma_start3A_95 = tpu.memref_squeeze %dma_start3A_94 : memref<1x128x128xf32, #tpu.memory_space<vmem>> -> memref<128x128xf32, #tpu.memory_space<vmem>>
    %dma_start3A_96 = arith.constant 0 : i32
    %dma_start3A_97 = tpu.memref_slice %arg8[%dma_start3A_90, %dma_start3A_91, %dma_start3A_96] : memref<2x2x128xi32, #tpu.memory_space<vmem>> -> memref<1x1x128xi32, #tpu.memory_space<vmem>>
    %dma_start3A_98 = tpu.memref_squeeze %dma_start3A_97 : memref<1x1x128xi32, #tpu.memory_space<vmem>> -> memref<128xi32, #tpu.memory_space<vmem>>
    %dma_start3A_99 = arith.constant 0 : i32
    %dma_start3A_100 = arith.constant 0 : i32
    %dma_start3A_101 = tpu.memref_slice %arg10[%dma_start3A_99, %dma_start3A_100] : memref<10240x128xf32, #tpu.memory_space<vmem_shared>> -> memref<10240x128xf32, #tpu.memory_space<vmem_shared>>
    tpu.enqueue_indirect_dma source(%dma_start3A_95 : memref<128x128xf32, #tpu.memory_space<vmem>>) target(%dma_start3A_101 : memref<10240x128xf32, #tpu.memory_space<vmem_shared>>) offsets(%dma_start3A_98 : memref<128xi32, #tpu.memory_space<vmem>>) semaphore(%arg14 : memref<!tpu.dma_semaphore, #tpu.memory_space<semaphore_mem>>) {add = true}
    %dma_wait3A_102 = arith.constant 0 : i32
    %dma_wait3A_103 = arith.constant 0 : i32
    %dma_wait3A_104 = arith.constant 1 : i32
    %dma_wait3A_105 = arith.constant 0 : i32
    %dma_wait3A_106 = arith.constant 0 : i32
    %dma_wait3A_107 = tpu.memref_slice %arg9[%dma_wait3A_104, %dma_wait3A_105, %dma_wait3A_106] : memref<2x128x128xf32, #tpu.memory_space<vmem>> -> memref<1x128x128xf32, #tpu.memory_space<vmem>>
    %dma_wait3A_108 = tpu.memref_squeeze %dma_wait3A_107 : memref<1x128x128xf32, #tpu.memory_space<vmem>> -> memref<128x128xf32, #tpu.memory_space<vmem>>
    %dma_wait3A_109 = arith.constant 0 : i32
    %dma_wait3A_110 = tpu.memref_slice %arg7[%dma_wait3A_102, %dma_wait3A_103, %dma_wait3A_109] : memref<2x2x128xi32, #tpu.memory_space<vmem>> -> memref<1x1x128xi32, #tpu.memory_space<vmem>>
    %dma_wait3A_111 = tpu.memref_squeeze %dma_wait3A_110 : memref<1x1x128xi32, #tpu.memory_space<vmem>> -> memref<128xi32, #tpu.memory_space<vmem>>
    %dma_wait3A_112 = arith.constant 0 : i32
    %dma_wait3A_113 = arith.constant 0 : i32
    %dma_wait3A_114 = tpu.memref_slice %arg2[%dma_wait3A_112, %dma_wait3A_113] : memref<10240x128xf32, #tpu.memory_space<hbm>> -> memref<10240x128xf32, #tpu.memory_space<hbm>>
    tpu.wait_indirect_dma semaphore(%arg13 : memref<!tpu.dma_semaphore, #tpu.memory_space<semaphore_mem>>) src(%dma_wait3A_114 : memref<10240x128xf32, #tpu.memory_space<hbm>>) dst(%dma_wait3A_108 : memref<128x128xf32, #tpu.memory_space<vmem>>)
    %dma_start3A_115 = arith.constant 1 : i32
    %dma_start3A_116 = arith.constant 1 : i32
    %dma_start3A_117 = arith.constant 1 : i32
    %dma_start3A_118 = arith.constant 0 : i32
    %dma_start3A_119 = arith.constant 0 : i32
    %dma_start3A_120 = tpu.memref_slice %arg9[%dma_start3A_115, %dma_start3A_118, %dma_start3A_119] : memref<2x128x128xf32, #tpu.memory_space<vmem>> -> memref<1x128x128xf32, #tpu.memory_space<vmem>>
    %dma_start3A_121 = tpu.memref_squeeze %dma_start3A_120 : memref<1x128x128xf32, #tpu.memory_space<vmem>> -> memref<128x128xf32, #tpu.memory_space<vmem>>
    %dma_start3A_122 = arith.constant 0 : i32
    %dma_start3A_123 = tpu.memref_slice %arg8[%dma_start3A_116, %dma_start3A_117, %dma_start3A_122] : memref<2x2x128xi32, #tpu.memory_space<vmem>> -> memref<1x1x128xi32, #tpu.memory_space<vmem>>
    %dma_start3A_124 = tpu.memref_squeeze %dma_start3A_123 : memref<1x1x128xi32, #tpu.memory_space<vmem>> -> memref<128xi32, #tpu.memory_space<vmem>>
    %dma_start3A_125 = arith.constant 0 : i32
    %dma_start3A_126 = arith.constant 0 : i32
    %dma_start3A_127 = tpu.memref_slice %arg10[%dma_start3A_125, %dma_start3A_126] : memref<10240x128xf32, #tpu.memory_space<vmem_shared>> -> memref<10240x128xf32, #tpu.memory_space<vmem_shared>>
    tpu.enqueue_indirect_dma source(%dma_start3A_121 : memref<128x128xf32, #tpu.memory_space<vmem>>) target(%dma_start3A_127 : memref<10240x128xf32, #tpu.memory_space<vmem_shared>>) offsets(%dma_start3A_124 : memref<128xi32, #tpu.memory_space<vmem>>) semaphore(%arg15 : memref<!tpu.dma_semaphore, #tpu.memory_space<semaphore_mem>>) {add = true}
    %dma_wait3A_128 = arith.constant 0 : i32
    %dma_wait3A_129 = arith.constant 0 : i32
    %dma_wait3A_130 = arith.constant 0 : i32
    %dma_wait3A_131 = tpu.memref_slice %arg7[%dma_wait3A_128, %dma_wait3A_129, %dma_wait3A_130] : memref<2x2x128xi32, #tpu.memory_space<vmem>> -> memref<1x2x128xi32, #tpu.memory_space<vmem>>
    %dma_wait3A_132 = tpu.memref_squeeze %dma_wait3A_131 : memref<1x2x128xi32, #tpu.memory_space<vmem>> -> memref<2x128xi32, #tpu.memory_space<vmem>>
    %dma_wait3A_133 = arith.constant 0 : i32
    %dma_wait3A_134 = arith.constant 0 : i32
    %dma_wait3A_135 = tpu.memref_slice %arg3[%dma_wait3A_133, %dma_wait3A_134] : memref<2560x128xi32, #tpu.memory_space<hbm>> -> memref<2x128xi32, #tpu.memory_space<hbm>>
    %dma_wait3A_136 = arith.constant 0 : i32
    %dma_wait3A_137 = arith.constant 0 : i32
    %dma_wait3A_138 = tpu.memref_slice %arg7[%dma_wait3A_128, %dma_wait3A_136, %dma_wait3A_137] : memref<2x2x128xi32, #tpu.memory_space<vmem>> -> memref<1x2x128xi32, #tpu.memory_space<vmem>>
    %dma_wait3A_139 = tpu.memref_squeeze %dma_wait3A_138 : memref<1x2x128xi32, #tpu.memory_space<vmem>> -> memref<2x128xi32, #tpu.memory_space<vmem>>
    %dma_wait3A_140 = arith.constant 0 : i32
    %dma_wait3A_141 = arith.constant 0 : i32
    %dma_wait3A_142 = tpu.memref_slice %arg3[%dma_wait3A_140, %dma_wait3A_141] : memref<2560x128xi32, #tpu.memory_space<hbm>> -> memref<2x128xi32, #tpu.memory_space<hbm>>
    tpu.wait_dma2 semaphore(%arg11 : memref<!tpu.dma_semaphore, #tpu.memory_space<semaphore_mem>>) src(%dma_wait3A_142 : memref<2x128xi32, #tpu.memory_space<hbm>>) dst(%dma_wait3A_139 : memref<2x128xi32, #tpu.memory_space<vmem>>)
    %dma_wait3A_143 = arith.constant 0 : i32
    %dma_wait3A_144 = arith.constant 0 : i32
    %dma_wait3A_145 = arith.constant 0 : i32
    %dma_wait3A_146 = tpu.memref_slice %arg8[%dma_wait3A_143, %dma_wait3A_144, %dma_wait3A_145] : memref<2x2x128xi32, #tpu.memory_space<vmem>> -> memref<1x2x128xi32, #tpu.memory_space<vmem>>
    %dma_wait3A_147 = tpu.memref_squeeze %dma_wait3A_146 : memref<1x2x128xi32, #tpu.memory_space<vmem>> -> memref<2x128xi32, #tpu.memory_space<vmem>>
    %dma_wait3A_148 = arith.constant 0 : i32
    %dma_wait3A_149 = arith.constant 0 : i32
    %dma_wait3A_150 = tpu.memref_slice %arg4[%dma_wait3A_148, %dma_wait3A_149] : memref<2560x128xi32, #tpu.memory_space<hbm>> -> memref<2x128xi32, #tpu.memory_space<hbm>>
    %dma_wait3A_151 = arith.constant 0 : i32
    %dma_wait3A_152 = arith.constant 0 : i32
    %dma_wait3A_153 = tpu.memref_slice %arg8[%dma_wait3A_143, %dma_wait3A_151, %dma_wait3A_152] : memref<2x2x128xi32, #tpu.memory_space<vmem>> -> memref<1x2x128xi32, #tpu.memory_space<vmem>>
    %dma_wait3A_154 = tpu.memref_squeeze %dma_wait3A_153 : memref<1x2x128xi32, #tpu.memory_space<vmem>> -> memref<2x128xi32, #tpu.memory_space<vmem>>
    %dma_wait3A_155 = arith.constant 0 : i32
    %dma_wait3A_156 = arith.constant 0 : i32
    %dma_wait3A_157 = tpu.memref_slice %arg4[%dma_wait3A_155, %dma_wait3A_156] : memref<2560x128xi32, #tpu.memory_space<hbm>> -> memref<2x128xi32, #tpu.memory_space<hbm>>
    tpu.wait_dma2 semaphore(%arg11 : memref<!tpu.dma_semaphore, #tpu.memory_space<semaphore_mem>>) src(%dma_wait3A_157 : memref<2x128xi32, #tpu.memory_space<hbm>>) dst(%dma_wait3A_154 : memref<2x128xi32, #tpu.memory_space<vmem>>)
    %dma_wait3A_158 = arith.constant 0 : i32
    %dma_wait3A_159 = arith.constant 0 : i32
    %dma_wait3A_160 = arith.constant 0 : i32
    %dma_wait3A_161 = arith.constant 0 : i32
    %dma_wait3A_162 = arith.constant 0 : i32
    %dma_wait3A_163 = tpu.memref_slice %arg9[%dma_wait3A_158, %dma_wait3A_161, %dma_wait3A_162] : memref<2x128x128xf32, #tpu.memory_space<vmem>> -> memref<1x128x128xf32, #tpu.memory_space<vmem>>
    %dma_wait3A_164 = tpu.memref_squeeze %dma_wait3A_163 : memref<1x128x128xf32, #tpu.memory_space<vmem>> -> memref<128x128xf32, #tpu.memory_space<vmem>>
    %dma_wait3A_165 = arith.constant 0 : i32
    %dma_wait3A_166 = tpu.memref_slice %arg8[%dma_wait3A_159, %dma_wait3A_160, %dma_wait3A_165] : memref<2x2x128xi32, #tpu.memory_space<vmem>> -> memref<1x1x128xi32, #tpu.memory_space<vmem>>
    %dma_wait3A_167 = tpu.memref_squeeze %dma_wait3A_166 : memref<1x1x128xi32, #tpu.memory_space<vmem>> -> memref<128xi32, #tpu.memory_space<vmem>>
    %dma_wait3A_168 = arith.constant 0 : i32
    %dma_wait3A_169 = arith.constant 0 : i32
    %dma_wait3A_170 = tpu.memref_slice %arg10[%dma_wait3A_168, %dma_wait3A_169] : memref<10240x128xf32, #tpu.memory_space<vmem_shared>> -> memref<10240x128xf32, #tpu.memory_space<vmem_shared>>
    tpu.wait_indirect_dma semaphore(%arg14 : memref<!tpu.dma_semaphore, #tpu.memory_space<semaphore_mem>>) src(%dma_wait3A_164 : memref<128x128xf32, #tpu.memory_space<vmem>>) dst(%dma_wait3A_170 : memref<10240x128xf32, #tpu.memory_space<vmem_shared>>)
    %dma_wait3A_171 = arith.constant 1 : i32
    %dma_wait3A_172 = arith.constant 0 : i32
    %dma_wait3A_173 = arith.constant 0 : i32
    %dma_wait3A_174 = arith.constant 0 : i32
    %dma_wait3A_175 = arith.constant 0 : i32
    %dma_wait3A_176 = tpu.memref_slice %arg9[%dma_wait3A_171, %dma_wait3A_174, %dma_wait3A_175] : memref<2x128x128xf32, #tpu.memory_space<vmem>> -> memref<1x128x128xf32, #tpu.memory_space<vmem>>
    %dma_wait3A_177 = tpu.memref_squeeze %dma_wait3A_176 : memref<1x128x128xf32, #tpu.memory_space<vmem>> -> memref<128x128xf32, #tpu.memory_space<vmem>>
    %dma_wait3A_178 = arith.constant 0 : i32
    %dma_wait3A_179 = tpu.memref_slice %arg8[%dma_wait3A_172, %dma_wait3A_173, %dma_wait3A_178] : memref<2x2x128xi32, #tpu.memory_space<vmem>> -> memref<1x1x128xi32, #tpu.memory_space<vmem>>
    %dma_wait3A_180 = tpu.memref_squeeze %dma_wait3A_179 : memref<1x1x128xi32, #tpu.memory_space<vmem>> -> memref<128xi32, #tpu.memory_space<vmem>>
    %dma_wait3A_181 = arith.constant 0 : i32
    %dma_wait3A_182 = arith.constant 0 : i32
    %dma_wait3A_183 = tpu.memref_slice %arg10[%dma_wait3A_181, %dma_wait3A_182] : memref<10240x128xf32, #tpu.memory_space<vmem_shared>> -> memref<10240x128xf32, #tpu.memory_space<vmem_shared>>
    tpu.wait_indirect_dma semaphore(%arg15 : memref<!tpu.dma_semaphore, #tpu.memory_space<semaphore_mem>>) src(%dma_wait3A_177 : memref<128x128xf32, #tpu.memory_space<vmem>>) dst(%dma_wait3A_183 : memref<10240x128xf32, #tpu.memory_space<vmem_shared>>)
    %barrier3A_184 = arith.constant 0 : index
    tpu.barrier barrier_id(%barrier3A_184)
    %mul3A_185 = arith.constant 640 : i32
    %mul3A_186 = arith.muli %arg1, %mul3A_185 : i32
    %add3A_187 = arith.constant 0 : i32
    %add3A_188 = arith.addi %mul3A_186, %add3A_187 : i32
    %run_scoped3A_189 = arith.constant 0 : i32
    "tpu.region"() ({
      %run_scoped3A_390 = tpu.sem_alloc : memref<!tpu.dma_semaphore, #tpu.memory_space<semaphore_mem>>
      %dma_start3A_391 = arith.constant 0 : i32
      %dma_start3A_392 = arith.constant 0 : i32
      %dma_start3A_393 = tpu.memref_slice %arg9[%run_scoped3A_189, %dma_start3A_391, %dma_start3A_392] : memref<2x128x128xf32, #tpu.memory_space<vmem>> -> memref<1x128x128xf32, #tpu.memory_space<vmem>>
      %dma_start3A_394 = tpu.memref_squeeze %dma_start3A_393 : memref<1x128x128xf32, #tpu.memory_space<vmem>> -> memref<128x128xf32, #tpu.memory_space<vmem>>
      %dma_start3A_395 = arith.constant 0 : i32
      %dma_start3A_396 = tpu.memref_slice %arg10[%add3A_188, %dma_start3A_395] : memref<10240x128xf32, #tpu.memory_space<vmem_shared>> -> memref<128x128xf32, #tpu.memory_space<vmem_shared>>
      %dma_start3A_397 = arith.constant 0 : i32
      %dma_start3A_398 = arith.constant 0 : i32
      %dma_start3A_399 = tpu.memref_slice %arg9[%run_scoped3A_189, %dma_start3A_397, %dma_start3A_398] : memref<2x128x128xf32, #tpu.memory_space<vmem>> -> memref<1x128x128xf32, #tpu.memory_space<vmem>>
      %dma_start3A_400 = tpu.memref_squeeze %dma_start3A_399 : memref<1x128x128xf32, #tpu.memory_space<vmem>> -> memref<128x128xf32, #tpu.memory_space<vmem>>
      %dma_start3A_401 = arith.constant 0 : i32
      %dma_start3A_402 = tpu.memref_slice %arg10[%add3A_188, %dma_start3A_401] : memref<10240x128xf32, #tpu.memory_space<vmem_shared>> -> memref<128x128xf32, #tpu.memory_space<vmem_shared>>
      tpu.enqueue_dma source(%dma_start3A_402 : memref<128x128xf32, #tpu.memory_space<vmem_shared>>) target(%dma_start3A_400 : memref<128x128xf32, #tpu.memory_space<vmem>>) target_semaphore(%run_scoped3A_390 : memref<!tpu.dma_semaphore, #tpu.memory_space<semaphore_mem>>)
      %dma_wait3A_403 = arith.constant 0 : i32
      %dma_wait3A_404 = arith.constant 0 : i32
      %dma_wait3A_405 = tpu.memref_slice %arg9[%run_scoped3A_189, %dma_wait3A_403, %dma_wait3A_404] : memref<2x128x128xf32, #tpu.memory_space<vmem>> -> memref<1x128x128xf32, #tpu.memory_space<vmem>>
      %dma_wait3A_406 = tpu.memref_squeeze %dma_wait3A_405 : memref<1x128x128xf32, #tpu.memory_space<vmem>> -> memref<128x128xf32, #tpu.memory_space<vmem>>
      %dma_wait3A_407 = arith.constant 0 : i32
      %dma_wait3A_408 = tpu.memref_slice %arg10[%add3A_188, %dma_wait3A_407] : memref<10240x128xf32, #tpu.memory_space<vmem_shared>> -> memref<128x128xf32, #tpu.memory_space<vmem_shared>>
      %dma_wait3A_409 = arith.constant 0 : i32
      %dma_wait3A_410 = arith.constant 0 : i32
      %dma_wait3A_411 = tpu.memref_slice %arg9[%run_scoped3A_189, %dma_wait3A_409, %dma_wait3A_410] : memref<2x128x128xf32, #tpu.memory_space<vmem>> -> memref<1x128x128xf32, #tpu.memory_space<vmem>>
      %dma_wait3A_412 = tpu.memref_squeeze %dma_wait3A_411 : memref<1x128x128xf32, #tpu.memory_space<vmem>> -> memref<128x128xf32, #tpu.memory_space<vmem>>
      %dma_wait3A_413 = arith.constant 0 : i32
      %dma_wait3A_414 = tpu.memref_slice %arg10[%add3A_188, %dma_wait3A_413] : memref<10240x128xf32, #tpu.memory_space<vmem_shared>> -> memref<128x128xf32, #tpu.memory_space<vmem_shared>>
      tpu.wait_dma2 semaphore(%run_scoped3A_390 : memref<!tpu.dma_semaphore, #tpu.memory_space<semaphore_mem>>) src(%dma_wait3A_414 : memref<128x128xf32, #tpu.memory_space<vmem_shared>>) dst(%dma_wait3A_412 : memref<128x128xf32, #tpu.memory_space<vmem>>)
      tpu.yield
    }) : () -> ()
    %mul3A_190 = arith.constant 640 : i32
    %mul3A_191 = arith.muli %arg1, %mul3A_190 : i32
    %add3A_192 = arith.constant 0 : i32
    %add3A_193 = arith.addi %mul3A_191, %add3A_192 : i32
    %dma_start3A_194 = arith.constant 0 : i32
    %dma_start3A_195 = arith.constant 0 : i32
    %dma_start3A_196 = arith.constant 0 : i32
    %dma_start3A_197 = tpu.memref_slice %arg9[%dma_start3A_194, %dma_start3A_195, %dma_start3A_196] : memref<2x128x128xf32, #tpu.memory_space<vmem>> -> memref<1x128x128xf32, #tpu.memory_space<vmem>>
    %dma_start3A_198 = tpu.memref_squeeze %dma_start3A_197 : memref<1x128x128xf32, #tpu.memory_space<vmem>> -> memref<128x128xf32, #tpu.memory_space<vmem>>
    %dma_start3A_199 = arith.constant 0 : i32
    %dma_start3A_200 = tpu.memref_slice %arg6[%arg0, %add3A_193, %dma_start3A_199] : memref<2x10240x128xf32, #tpu.memory_space<hbm>> -> memref<1x128x128xf32, #tpu.memory_space<hbm>>
    %dma_start3A_201 = tpu.memref_squeeze %dma_start3A_200 : memref<1x128x128xf32, #tpu.memory_space<hbm>> -> memref<128x128xf32, #tpu.memory_space<hbm>>
    %dma_start3A_202 = arith.constant 0 : i32
    %dma_start3A_203 = tpu.memref_slice %arg6[%arg0, %add3A_193, %dma_start3A_202] : memref<2x10240x128xf32, #tpu.memory_space<hbm>> -> memref<1x128x128xf32, #tpu.memory_space<hbm>>
    %dma_start3A_204 = tpu.memref_squeeze %dma_start3A_203 : memref<1x128x128xf32, #tpu.memory_space<hbm>> -> memref<128x128xf32, #tpu.memory_space<hbm>>
    %dma_start3A_205 = arith.constant 0 : i32
    %dma_start3A_206 = arith.constant 0 : i32
    %dma_start3A_207 = tpu.memref_slice %arg9[%dma_start3A_194, %dma_start3A_205, %dma_start3A_206] : memref<2x128x128xf32, #tpu.memory_space<vmem>> -> memref<1x128x128xf32, #tpu.memory_space<vmem>>
    %dma_start3A_208 = tpu.memref_squeeze %dma_start3A_207 : memref<1x128x128xf32, #tpu.memory_space<vmem>> -> memref<128x128xf32, #tpu.memory_space<vmem>>
    tpu.enqueue_dma source(%dma_start3A_208 : memref<128x128xf32, #tpu.memory_space<vmem>>) target(%dma_start3A_204 : memref<128x128xf32, #tpu.memory_space<hbm>>) target_semaphore(%arg14 : memref<!tpu.dma_semaphore, #tpu.memory_space<semaphore_mem>>)
    %mul3A_209 = arith.constant 640 : i32
    %mul3A_210 = arith.muli %arg1, %mul3A_209 : i32
    %add3A_211 = arith.constant 128 : i32
    %add3A_212 = arith.addi %mul3A_210, %add3A_211 : i32
    %run_scoped3A_213 = arith.constant 1 : i32
    "tpu.region"() ({
      %run_scoped3A_390 = tpu.sem_alloc : memref<!tpu.dma_semaphore, #tpu.memory_space<semaphore_mem>>
      %dma_start3A_391 = arith.constant 0 : i32
      %dma_start3A_392 = arith.constant 0 : i32
      %dma_start3A_393 = tpu.memref_slice %arg9[%run_scoped3A_213, %dma_start3A_391, %dma_start3A_392] : memref<2x128x128xf32, #tpu.memory_space<vmem>> -> memref<1x128x128xf32, #tpu.memory_space<vmem>>
      %dma_start3A_394 = tpu.memref_squeeze %dma_start3A_393 : memref<1x128x128xf32, #tpu.memory_space<vmem>> -> memref<128x128xf32, #tpu.memory_space<vmem>>
      %dma_start3A_395 = arith.constant 0 : i32
      %dma_start3A_396 = tpu.memref_slice %arg10[%add3A_212, %dma_start3A_395] : memref<10240x128xf32, #tpu.memory_space<vmem_shared>> -> memref<128x128xf32, #tpu.memory_space<vmem_shared>>
      %dma_start3A_397 = arith.constant 0 : i32
      %dma_start3A_398 = arith.constant 0 : i32
      %dma_start3A_399 = tpu.memref_slice %arg9[%run_scoped3A_213, %dma_start3A_397, %dma_start3A_398] : memref<2x128x128xf32, #tpu.memory_space<vmem>> -> memref<1x128x128xf32, #tpu.memory_space<vmem>>
      %dma_start3A_400 = tpu.memref_squeeze %dma_start3A_399 : memref<1x128x128xf32, #tpu.memory_space<vmem>> -> memref<128x128xf32, #tpu.memory_space<vmem>>
      %dma_start3A_401 = arith.constant 0 : i32
      %dma_start3A_402 = tpu.memref_slice %arg10[%add3A_212, %dma_start3A_401] : memref<10240x128xf32, #tpu.memory_space<vmem_shared>> -> memref<128x128xf32, #tpu.memory_space<vmem_shared>>
      tpu.enqueue_dma source(%dma_start3A_402 : memref<128x128xf32, #tpu.memory_space<vmem_shared>>) target(%dma_start3A_400 : memref<128x128xf32, #tpu.memory_space<vmem>>) target_semaphore(%run_scoped3A_390 : memref<!tpu.dma_semaphore, #tpu.memory_space<semaphore_mem>>)
      %dma_wait3A_403 = arith.constant 0 : i32
      %dma_wait3A_404 = arith.constant 0 : i32
      %dma_wait3A_405 = tpu.memref_slice %arg9[%run_scoped3A_213, %dma_wait3A_403, %dma_wait3A_404] : memref<2x128x128xf32, #tpu.memory_space<vmem>> -> memref<1x128x128xf32, #tpu.memory_space<vmem>>
      %dma_wait3A_406 = tpu.memref_squeeze %dma_wait3A_405 : memref<1x128x128xf32, #tpu.memory_space<vmem>> -> memref<128x128xf32, #tpu.memory_space<vmem>>
      %dma_wait3A_407 = arith.constant 0 : i32
      %dma_wait3A_408 = tpu.memref_slice %arg10[%add3A_212, %dma_wait3A_407] : memref<10240x128xf32, #tpu.memory_space<vmem_shared>> -> memref<128x128xf32, #tpu.memory_space<vmem_shared>>
      %dma_wait3A_409 = arith.constant 0 : i32
      %dma_wait3A_410 = arith.constant 0 : i32
      %dma_wait3A_411 = tpu.memref_slice %arg9[%run_scoped3A_213, %dma_wait3A_409, %dma_wait3A_410] : memref<2x128x128xf32, #tpu.memory_space<vmem>> -> memref<1x128x128xf32, #tpu.memory_space<vmem>>
      %dma_wait3A_412 = tpu.memref_squeeze %dma_wait3A_411 : memref<1x128x128xf32, #tpu.memory_space<vmem>> -> memref<128x128xf32, #tpu.memory_space<vmem>>
      %dma_wait3A_413 = arith.constant 0 : i32
      %dma_wait3A_414 = tpu.memref_slice %arg10[%add3A_212, %dma_wait3A_413] : memref<10240x128xf32, #tpu.memory_space<vmem_shared>> -> memref<128x128xf32, #tpu.memory_space<vmem_shared>>
      tpu.wait_dma2 semaphore(%run_scoped3A_390 : memref<!tpu.dma_semaphore, #tpu.memory_space<semaphore_mem>>) src(%dma_wait3A_414 : memref<128x128xf32, #tpu.memory_space<vmem_shared>>) dst(%dma_wait3A_412 : memref<128x128xf32, #tpu.memory_space<vmem>>)
      tpu.yield
    }) : () -> ()
    %mul3A_214 = arith.constant 640 : i32
    %mul3A_215 = arith.muli %arg1, %mul3A_214 : i32
    %add3A_216 = arith.constant 128 : i32
    %add3A_217 = arith.addi %mul3A_215, %add3A_216 : i32
    %dma_start3A_218 = arith.constant 1 : i32
    %dma_start3A_219 = arith.constant 0 : i32
    %dma_start3A_220 = arith.constant 0 : i32
    %dma_start3A_221 = tpu.memref_slice %arg9[%dma_start3A_218, %dma_start3A_219, %dma_start3A_220] : memref<2x128x128xf32, #tpu.memory_space<vmem>> -> memref<1x128x128xf32, #tpu.memory_space<vmem>>
    %dma_start3A_222 = tpu.memref_squeeze %dma_start3A_221 : memref<1x128x128xf32, #tpu.memory_space<vmem>> -> memref<128x128xf32, #tpu.memory_space<vmem>>
    %dma_start3A_223 = arith.constant 0 : i32
    %dma_start3A_224 = tpu.memref_slice %arg6[%arg0, %add3A_217, %dma_start3A_223] : memref<2x10240x128xf32, #tpu.memory_space<hbm>> -> memref<1x128x128xf32, #tpu.memory_space<hbm>>
    %dma_start3A_225 = tpu.memref_squeeze %dma_start3A_224 : memref<1x128x128xf32, #tpu.memory_space<hbm>> -> memref<128x128xf32, #tpu.memory_space<hbm>>
    %dma_start3A_226 = arith.constant 0 : i32
    %dma_start3A_227 = tpu.memref_slice %arg6[%arg0, %add3A_217, %dma_start3A_226] : memref<2x10240x128xf32, #tpu.memory_space<hbm>> -> memref<1x128x128xf32, #tpu.memory_space<hbm>>
    %dma_start3A_228 = tpu.memref_squeeze %dma_start3A_227 : memref<1x128x128xf32, #tpu.memory_space<hbm>> -> memref<128x128xf32, #tpu.memory_space<hbm>>
    %dma_start3A_229 = arith.constant 0 : i32
    %dma_start3A_230 = arith.constant 0 : i32
    %dma_start3A_231 = tpu.memref_slice %arg9[%dma_start3A_218, %dma_start3A_229, %dma_start3A_230] : memref<2x128x128xf32, #tpu.memory_space<vmem>> -> memref<1x128x128xf32, #tpu.memory_space<vmem>>
    %dma_start3A_232 = tpu.memref_squeeze %dma_start3A_231 : memref<1x128x128xf32, #tpu.memory_space<vmem>> -> memref<128x128xf32, #tpu.memory_space<vmem>>
    tpu.enqueue_dma source(%dma_start3A_232 : memref<128x128xf32, #tpu.memory_space<vmem>>) target(%dma_start3A_228 : memref<128x128xf32, #tpu.memory_space<hbm>>) target_semaphore(%arg15 : memref<!tpu.dma_semaphore, #tpu.memory_space<semaphore_mem>>)
    %dma_wait3A_233 = arith.constant 0 : i32
    %dma_wait3A_234 = arith.constant 0 : i32
    %dma_wait3A_235 = arith.constant 0 : i32
    %dma_wait3A_236 = tpu.memref_slice %arg9[%dma_wait3A_233, %dma_wait3A_234, %dma_wait3A_235] : memref<2x128x128xf32, #tpu.memory_space<vmem>> -> memref<1x128x128xf32, #tpu.memory_space<vmem>>
    %dma_wait3A_237 = tpu.memref_squeeze %dma_wait3A_236 : memref<1x128x128xf32, #tpu.memory_space<vmem>> -> memref<128x128xf32, #tpu.memory_space<vmem>>
    %dma_wait3A_238 = arith.constant 0 : i32
    %dma_wait3A_239 = arith.constant 0 : i32
    %dma_wait3A_240 = tpu.memref_slice %arg6[%arg0, %dma_wait3A_238, %dma_wait3A_239] : memref<2x10240x128xf32, #tpu.memory_space<hbm>> -> memref<1x128x128xf32, #tpu.memory_space<hbm>>
    %dma_wait3A_241 = tpu.memref_squeeze %dma_wait3A_240 : memref<1x128x128xf32, #tpu.memory_space<hbm>> -> memref<128x128xf32, #tpu.memory_space<hbm>>
    %dma_wait3A_242 = arith.constant 0 : i32
    %dma_wait3A_243 = arith.constant 0 : i32
    %dma_wait3A_244 = tpu.memref_slice %arg6[%arg0, %dma_wait3A_242, %dma_wait3A_243] : memref<2x10240x128xf32, #tpu.memory_space<hbm>> -> memref<1x128x128xf32, #tpu.memory_space<hbm>>
    %dma_wait3A_245 = tpu.memref_squeeze %dma_wait3A_244 : memref<1x128x128xf32, #tpu.memory_space<hbm>> -> memref<128x128xf32, #tpu.memory_space<hbm>>
    %dma_wait3A_246 = arith.constant 0 : i32
    %dma_wait3A_247 = arith.constant 0 : i32
    %dma_wait3A_248 = tpu.memref_slice %arg9[%dma_wait3A_233, %dma_wait3A_246, %dma_wait3A_247] : memref<2x128x128xf32, #tpu.memory_space<vmem>> -> memref<1x128x128xf32, #tpu.memory_space<vmem>>
    %dma_wait3A_249 = tpu.memref_squeeze %dma_wait3A_248 : memref<1x128x128xf32, #tpu.memory_space<vmem>> -> memref<128x128xf32, #tpu.memory_space<vmem>>
    tpu.wait_dma2 semaphore(%arg14 : memref<!tpu.dma_semaphore, #tpu.memory_space<semaphore_mem>>) src(%dma_wait3A_249 : memref<128x128xf32, #tpu.memory_space<vmem>>) dst(%dma_wait3A_245 : memref<128x128xf32, #tpu.memory_space<hbm>>)
    %mul3A_250 = arith.constant 640 : i32
    %mul3A_251 = arith.muli %arg1, %mul3A_250 : i32
    %add3A_252 = arith.constant 256 : i32
    %add3A_253 = arith.addi %mul3A_251, %add3A_252 : i32
    %run_scoped3A_254 = arith.constant 0 : i32
    "tpu.region"() ({
      %run_scoped3A_390 = tpu.sem_alloc : memref<!tpu.dma_semaphore, #tpu.memory_space<semaphore_mem>>
      %dma_start3A_391 = arith.constant 0 : i32
      %dma_start3A_392 = arith.constant 0 : i32
      %dma_start3A_393 = tpu.memref_slice %arg9[%run_scoped3A_254, %dma_start3A_391, %dma_start3A_392] : memref<2x128x128xf32, #tpu.memory_space<vmem>> -> memref<1x128x128xf32, #tpu.memory_space<vmem>>
      %dma_start3A_394 = tpu.memref_squeeze %dma_start3A_393 : memref<1x128x128xf32, #tpu.memory_space<vmem>> -> memref<128x128xf32, #tpu.memory_space<vmem>>
      %dma_start3A_395 = arith.constant 0 : i32
      %dma_start3A_396 = tpu.memref_slice %arg10[%add3A_253, %dma_start3A_395] : memref<10240x128xf32, #tpu.memory_space<vmem_shared>> -> memref<128x128xf32, #tpu.memory_space<vmem_shared>>
      %dma_start3A_397 = arith.constant 0 : i32
      %dma_start3A_398 = arith.constant 0 : i32
      %dma_start3A_399 = tpu.memref_slice %arg9[%run_scoped3A_254, %dma_start3A_397, %dma_start3A_398] : memref<2x128x128xf32, #tpu.memory_space<vmem>> -> memref<1x128x128xf32, #tpu.memory_space<vmem>>
      %dma_start3A_400 = tpu.memref_squeeze %dma_start3A_399 : memref<1x128x128xf32, #tpu.memory_space<vmem>> -> memref<128x128xf32, #tpu.memory_space<vmem>>
      %dma_start3A_401 = arith.constant 0 : i32
      %dma_start3A_402 = tpu.memref_slice %arg10[%add3A_253, %dma_start3A_401] : memref<10240x128xf32, #tpu.memory_space<vmem_shared>> -> memref<128x128xf32, #tpu.memory_space<vmem_shared>>
      tpu.enqueue_dma source(%dma_start3A_402 : memref<128x128xf32, #tpu.memory_space<vmem_shared>>) target(%dma_start3A_400 : memref<128x128xf32, #tpu.memory_space<vmem>>) target_semaphore(%run_scoped3A_390 : memref<!tpu.dma_semaphore, #tpu.memory_space<semaphore_mem>>)
      %dma_wait3A_403 = arith.constant 0 : i32
      %dma_wait3A_404 = arith.constant 0 : i32
      %dma_wait3A_405 = tpu.memref_slice %arg9[%run_scoped3A_254, %dma_wait3A_403, %dma_wait3A_404] : memref<2x128x128xf32, #tpu.memory_space<vmem>> -> memref<1x128x128xf32, #tpu.memory_space<vmem>>
      %dma_wait3A_406 = tpu.memref_squeeze %dma_wait3A_405 : memref<1x128x128xf32, #tpu.memory_space<vmem>> -> memref<128x128xf32, #tpu.memory_space<vmem>>
      %dma_wait3A_407 = arith.constant 0 : i32
      %dma_wait3A_408 = tpu.memref_slice %arg10[%add3A_253, %dma_wait3A_407] : memref<10240x128xf32, #tpu.memory_space<vmem_shared>> -> memref<128x128xf32, #tpu.memory_space<vmem_shared>>
      %dma_wait3A_409 = arith.constant 0 : i32
      %dma_wait3A_410 = arith.constant 0 : i32
      %dma_wait3A_411 = tpu.memref_slice %arg9[%run_scoped3A_254, %dma_wait3A_409, %dma_wait3A_410] : memref<2x128x128xf32, #tpu.memory_space<vmem>> -> memref<1x128x128xf32, #tpu.memory_space<vmem>>
      %dma_wait3A_412 = tpu.memref_squeeze %dma_wait3A_411 : memref<1x128x128xf32, #tpu.memory_space<vmem>> -> memref<128x128xf32, #tpu.memory_space<vmem>>
      %dma_wait3A_413 = arith.constant 0 : i32
      %dma_wait3A_414 = tpu.memref_slice %arg10[%add3A_253, %dma_wait3A_413] : memref<10240x128xf32, #tpu.memory_space<vmem_shared>> -> memref<128x128xf32, #tpu.memory_space<vmem_shared>>
      tpu.wait_dma2 semaphore(%run_scoped3A_390 : memref<!tpu.dma_semaphore, #tpu.memory_space<semaphore_mem>>) src(%dma_wait3A_414 : memref<128x128xf32, #tpu.memory_space<vmem_shared>>) dst(%dma_wait3A_412 : memref<128x128xf32, #tpu.memory_space<vmem>>)
      tpu.yield
    }) : () -> ()
    %mul3A_255 = arith.constant 640 : i32
    %mul3A_256 = arith.muli %arg1, %mul3A_255 : i32
    %add3A_257 = arith.constant 256 : i32
    %add3A_258 = arith.addi %mul3A_256, %add3A_257 : i32
    %dma_start3A_259 = arith.constant 0 : i32
    %dma_start3A_260 = arith.constant 0 : i32
    %dma_start3A_261 = arith.constant 0 : i32
    %dma_start3A_262 = tpu.memref_slice %arg9[%dma_start3A_259, %dma_start3A_260, %dma_start3A_261] : memref<2x128x128xf32, #tpu.memory_space<vmem>> -> memref<1x128x128xf32, #tpu.memory_space<vmem>>
    %dma_start3A_263 = tpu.memref_squeeze %dma_start3A_262 : memref<1x128x128xf32, #tpu.memory_space<vmem>> -> memref<128x128xf32, #tpu.memory_space<vmem>>
    %dma_start3A_264 = arith.constant 0 : i32
    %dma_start3A_265 = tpu.memref_slice %arg6[%arg0, %add3A_258, %dma_start3A_264] : memref<2x10240x128xf32, #tpu.memory_space<hbm>> -> memref<1x128x128xf32, #tpu.memory_space<hbm>>
    %dma_start3A_266 = tpu.memref_squeeze %dma_start3A_265 : memref<1x128x128xf32, #tpu.memory_space<hbm>> -> memref<128x128xf32, #tpu.memory_space<hbm>>
    %dma_start3A_267 = arith.constant 0 : i32
    %dma_start3A_268 = tpu.memref_slice %arg6[%arg0, %add3A_258, %dma_start3A_267] : memref<2x10240x128xf32, #tpu.memory_space<hbm>> -> memref<1x128x128xf32, #tpu.memory_space<hbm>>
    %dma_start3A_269 = tpu.memref_squeeze %dma_start3A_268 : memref<1x128x128xf32, #tpu.memory_space<hbm>> -> memref<128x128xf32, #tpu.memory_space<hbm>>
    %dma_start3A_270 = arith.constant 0 : i32
    %dma_start3A_271 = arith.constant 0 : i32
    %dma_start3A_272 = tpu.memref_slice %arg9[%dma_start3A_259, %dma_start3A_270, %dma_start3A_271] : memref<2x128x128xf32, #tpu.memory_space<vmem>> -> memref<1x128x128xf32, #tpu.memory_space<vmem>>
    %dma_start3A_273 = tpu.memref_squeeze %dma_start3A_272 : memref<1x128x128xf32, #tpu.memory_space<vmem>> -> memref<128x128xf32, #tpu.memory_space<vmem>>
    tpu.enqueue_dma source(%dma_start3A_273 : memref<128x128xf32, #tpu.memory_space<vmem>>) target(%dma_start3A_269 : memref<128x128xf32, #tpu.memory_space<hbm>>) target_semaphore(%arg14 : memref<!tpu.dma_semaphore, #tpu.memory_space<semaphore_mem>>)
    %dma_wait3A_274 = arith.constant 1 : i32
    %dma_wait3A_275 = arith.constant 0 : i32
    %dma_wait3A_276 = arith.constant 0 : i32
    %dma_wait3A_277 = tpu.memref_slice %arg9[%dma_wait3A_274, %dma_wait3A_275, %dma_wait3A_276] : memref<2x128x128xf32, #tpu.memory_space<vmem>> -> memref<1x128x128xf32, #tpu.memory_space<vmem>>
    %dma_wait3A_278 = tpu.memref_squeeze %dma_wait3A_277 : memref<1x128x128xf32, #tpu.memory_space<vmem>> -> memref<128x128xf32, #tpu.memory_space<vmem>>
    %dma_wait3A_279 = arith.constant 0 : i32
    %dma_wait3A_280 = arith.constant 0 : i32
    %dma_wait3A_281 = tpu.memref_slice %arg6[%arg0, %dma_wait3A_279, %dma_wait3A_280] : memref<2x10240x128xf32, #tpu.memory_space<hbm>> -> memref<1x128x128xf32, #tpu.memory_space<hbm>>
    %dma_wait3A_282 = tpu.memref_squeeze %dma_wait3A_281 : memref<1x128x128xf32, #tpu.memory_space<hbm>> -> memref<128x128xf32, #tpu.memory_space<hbm>>
    %dma_wait3A_283 = arith.constant 0 : i32
    %dma_wait3A_284 = arith.constant 0 : i32
    %dma_wait3A_285 = tpu.memref_slice %arg6[%arg0, %dma_wait3A_283, %dma_wait3A_284] : memref<2x10240x128xf32, #tpu.memory_space<hbm>> -> memref<1x128x128xf32, #tpu.memory_space<hbm>>
    %dma_wait3A_286 = tpu.memref_squeeze %dma_wait3A_285 : memref<1x128x128xf32, #tpu.memory_space<hbm>> -> memref<128x128xf32, #tpu.memory_space<hbm>>
    %dma_wait3A_287 = arith.constant 0 : i32
    %dma_wait3A_288 = arith.constant 0 : i32
    %dma_wait3A_289 = tpu.memref_slice %arg9[%dma_wait3A_274, %dma_wait3A_287, %dma_wait3A_288] : memref<2x128x128xf32, #tpu.memory_space<vmem>> -> memref<1x128x128xf32, #tpu.memory_space<vmem>>
    %dma_wait3A_290 = tpu.memref_squeeze %dma_wait3A_289 : memref<1x128x128xf32, #tpu.memory_space<vmem>> -> memref<128x128xf32, #tpu.memory_space<vmem>>
    tpu.wait_dma2 semaphore(%arg15 : memref<!tpu.dma_semaphore, #tpu.memory_space<semaphore_mem>>) src(%dma_wait3A_290 : memref<128x128xf32, #tpu.memory_space<vmem>>) dst(%dma_wait3A_286 : memref<128x128xf32, #tpu.memory_space<hbm>>)
    %mul3A_291 = arith.constant 640 : i32
    %mul3A_292 = arith.muli %arg1, %mul3A_291 : i32
    %add3A_293 = arith.constant 384 : i32
    %add3A_294 = arith.addi %mul3A_292, %add3A_293 : i32
    %run_scoped3A_295 = arith.constant 1 : i32
    "tpu.region"() ({
      %run_scoped3A_390 = tpu.sem_alloc : memref<!tpu.dma_semaphore, #tpu.memory_space<semaphore_mem>>
      %dma_start3A_391 = arith.constant 0 : i32
      %dma_start3A_392 = arith.constant 0 : i32
      %dma_start3A_393 = tpu.memref_slice %arg9[%run_scoped3A_295, %dma_start3A_391, %dma_start3A_392] : memref<2x128x128xf32, #tpu.memory_space<vmem>> -> memref<1x128x128xf32, #tpu.memory_space<vmem>>
      %dma_start3A_394 = tpu.memref_squeeze %dma_start3A_393 : memref<1x128x128xf32, #tpu.memory_space<vmem>> -> memref<128x128xf32, #tpu.memory_space<vmem>>
      %dma_start3A_395 = arith.constant 0 : i32
      %dma_start3A_396 = tpu.memref_slice %arg10[%add3A_294, %dma_start3A_395] : memref<10240x128xf32, #tpu.memory_space<vmem_shared>> -> memref<128x128xf32, #tpu.memory_space<vmem_shared>>
      %dma_start3A_397 = arith.constant 0 : i32
      %dma_start3A_398 = arith.constant 0 : i32
      %dma_start3A_399 = tpu.memref_slice %arg9[%run_scoped3A_295, %dma_start3A_397, %dma_start3A_398] : memref<2x128x128xf32, #tpu.memory_space<vmem>> -> memref<1x128x128xf32, #tpu.memory_space<vmem>>
      %dma_start3A_400 = tpu.memref_squeeze %dma_start3A_399 : memref<1x128x128xf32, #tpu.memory_space<vmem>> -> memref<128x128xf32, #tpu.memory_space<vmem>>
      %dma_start3A_401 = arith.constant 0 : i32
      %dma_start3A_402 = tpu.memref_slice %arg10[%add3A_294, %dma_start3A_401] : memref<10240x128xf32, #tpu.memory_space<vmem_shared>> -> memref<128x128xf32, #tpu.memory_space<vmem_shared>>
      tpu.enqueue_dma source(%dma_start3A_402 : memref<128x128xf32, #tpu.memory_space<vmem_shared>>) target(%dma_start3A_400 : memref<128x128xf32, #tpu.memory_space<vmem>>) target_semaphore(%run_scoped3A_390 : memref<!tpu.dma_semaphore, #tpu.memory_space<semaphore_mem>>)
      %dma_wait3A_403 = arith.constant 0 : i32
      %dma_wait3A_404 = arith.constant 0 : i32
      %dma_wait3A_405 = tpu.memref_slice %arg9[%run_scoped3A_295, %dma_wait3A_403, %dma_wait3A_404] : memref<2x128x128xf32, #tpu.memory_space<vmem>> -> memref<1x128x128xf32, #tpu.memory_space<vmem>>
      %dma_wait3A_406 = tpu.memref_squeeze %dma_wait3A_405 : memref<1x128x128xf32, #tpu.memory_space<vmem>> -> memref<128x128xf32, #tpu.memory_space<vmem>>
      %dma_wait3A_407 = arith.constant 0 : i32
      %dma_wait3A_408 = tpu.memref_slice %arg10[%add3A_294, %dma_wait3A_407] : memref<10240x128xf32, #tpu.memory_space<vmem_shared>> -> memref<128x128xf32, #tpu.memory_space<vmem_shared>>
      %dma_wait3A_409 = arith.constant 0 : i32
      %dma_wait3A_410 = arith.constant 0 : i32
      %dma_wait3A_411 = tpu.memref_slice %arg9[%run_scoped3A_295, %dma_wait3A_409, %dma_wait3A_410] : memref<2x128x128xf32, #tpu.memory_space<vmem>> -> memref<1x128x128xf32, #tpu.memory_space<vmem>>
      %dma_wait3A_412 = tpu.memref_squeeze %dma_wait3A_411 : memref<1x128x128xf32, #tpu.memory_space<vmem>> -> memref<128x128xf32, #tpu.memory_space<vmem>>
      %dma_wait3A_413 = arith.constant 0 : i32
      %dma_wait3A_414 = tpu.memref_slice %arg10[%add3A_294, %dma_wait3A_413] : memref<10240x128xf32, #tpu.memory_space<vmem_shared>> -> memref<128x128xf32, #tpu.memory_space<vmem_shared>>
      tpu.wait_dma2 semaphore(%run_scoped3A_390 : memref<!tpu.dma_semaphore, #tpu.memory_space<semaphore_mem>>) src(%dma_wait3A_414 : memref<128x128xf32, #tpu.memory_space<vmem_shared>>) dst(%dma_wait3A_412 : memref<128x128xf32, #tpu.memory_space<vmem>>)
      tpu.yield
    }) : () -> ()
    %mul3A_296 = arith.constant 640 : i32
    %mul3A_297 = arith.muli %arg1, %mul3A_296 : i32
    %add3A_298 = arith.constant 384 : i32
    %add3A_299 = arith.addi %mul3A_297, %add3A_298 : i32
    %dma_start3A_300 = arith.constant 1 : i32
    %dma_start3A_301 = arith.constant 0 : i32
    %dma_start3A_302 = arith.constant 0 : i32
    %dma_start3A_303 = tpu.memref_slice %arg9[%dma_start3A_300, %dma_start3A_301, %dma_start3A_302] : memref<2x128x128xf32, #tpu.memory_space<vmem>> -> memref<1x128x128xf32, #tpu.memory_space<vmem>>
    %dma_start3A_304 = tpu.memref_squeeze %dma_start3A_303 : memref<1x128x128xf32, #tpu.memory_space<vmem>> -> memref<128x128xf32, #tpu.memory_space<vmem>>
    %dma_start3A_305 = arith.constant 0 : i32
    %dma_start3A_306 = tpu.memref_slice %arg6[%arg0, %add3A_299, %dma_start3A_305] : memref<2x10240x128xf32, #tpu.memory_space<hbm>> -> memref<1x128x128xf32, #tpu.memory_space<hbm>>
    %dma_start3A_307 = tpu.memref_squeeze %dma_start3A_306 : memref<1x128x128xf32, #tpu.memory_space<hbm>> -> memref<128x128xf32, #tpu.memory_space<hbm>>
    %dma_start3A_308 = arith.constant 0 : i32
    %dma_start3A_309 = tpu.memref_slice %arg6[%arg0, %add3A_299, %dma_start3A_308] : memref<2x10240x128xf32, #tpu.memory_space<hbm>> -> memref<1x128x128xf32, #tpu.memory_space<hbm>>
    %dma_start3A_310 = tpu.memref_squeeze %dma_start3A_309 : memref<1x128x128xf32, #tpu.memory_space<hbm>> -> memref<128x128xf32, #tpu.memory_space<hbm>>
    %dma_start3A_311 = arith.constant 0 : i32
    %dma_start3A_312 = arith.constant 0 : i32
    %dma_start3A_313 = tpu.memref_slice %arg9[%dma_start3A_300, %dma_start3A_311, %dma_start3A_312] : memref<2x128x128xf32, #tpu.memory_space<vmem>> -> memref<1x128x128xf32, #tpu.memory_space<vmem>>
    %dma_start3A_314 = tpu.memref_squeeze %dma_start3A_313 : memref<1x128x128xf32, #tpu.memory_space<vmem>> -> memref<128x128xf32, #tpu.memory_space<vmem>>
    tpu.enqueue_dma source(%dma_start3A_314 : memref<128x128xf32, #tpu.memory_space<vmem>>) target(%dma_start3A_310 : memref<128x128xf32, #tpu.memory_space<hbm>>) target_semaphore(%arg15 : memref<!tpu.dma_semaphore, #tpu.memory_space<semaphore_mem>>)
    %dma_wait3A_315 = arith.constant 0 : i32
    %dma_wait3A_316 = arith.constant 0 : i32
    %dma_wait3A_317 = arith.constant 0 : i32
    %dma_wait3A_318 = tpu.memref_slice %arg9[%dma_wait3A_315, %dma_wait3A_316, %dma_wait3A_317] : memref<2x128x128xf32, #tpu.memory_space<vmem>> -> memref<1x128x128xf32, #tpu.memory_space<vmem>>
    %dma_wait3A_319 = tpu.memref_squeeze %dma_wait3A_318 : memref<1x128x128xf32, #tpu.memory_space<vmem>> -> memref<128x128xf32, #tpu.memory_space<vmem>>
    %dma_wait3A_320 = arith.constant 0 : i32
    %dma_wait3A_321 = arith.constant 0 : i32
    %dma_wait3A_322 = tpu.memref_slice %arg6[%arg0, %dma_wait3A_320, %dma_wait3A_321] : memref<2x10240x128xf32, #tpu.memory_space<hbm>> -> memref<1x128x128xf32, #tpu.memory_space<hbm>>
    %dma_wait3A_323 = tpu.memref_squeeze %dma_wait3A_322 : memref<1x128x128xf32, #tpu.memory_space<hbm>> -> memref<128x128xf32, #tpu.memory_space<hbm>>
    %dma_wait3A_324 = arith.constant 0 : i32
    %dma_wait3A_325 = arith.constant 0 : i32
    %dma_wait3A_326 = tpu.memref_slice %arg6[%arg0, %dma_wait3A_324, %dma_wait3A_325] : memref<2x10240x128xf32, #tpu.memory_space<hbm>> -> memref<1x128x128xf32, #tpu.memory_space<hbm>>
    %dma_wait3A_327 = tpu.memref_squeeze %dma_wait3A_326 : memref<1x128x128xf32, #tpu.memory_space<hbm>> -> memref<128x128xf32, #tpu.memory_space<hbm>>
    %dma_wait3A_328 = arith.constant 0 : i32
    %dma_wait3A_329 = arith.constant 0 : i32
    %dma_wait3A_330 = tpu.memref_slice %arg9[%dma_wait3A_315, %dma_wait3A_328, %dma_wait3A_329] : memref<2x128x128xf32, #tpu.memory_space<vmem>> -> memref<1x128x128xf32, #tpu.memory_space<vmem>>
    %dma_wait3A_331 = tpu.memref_squeeze %dma_wait3A_330 : memref<1x128x128xf32, #tpu.memory_space<vmem>> -> memref<128x128xf32, #tpu.memory_space<vmem>>
    tpu.wait_dma2 semaphore(%arg14 : memref<!tpu.dma_semaphore, #tpu.memory_space<semaphore_mem>>) src(%dma_wait3A_331 : memref<128x128xf32, #tpu.memory_space<vmem>>) dst(%dma_wait3A_327 : memref<128x128xf32, #tpu.memory_space<hbm>>)
    %mul3A_332 = arith.constant 640 : i32
    %mul3A_333 = arith.muli %arg1, %mul3A_332 : i32
    %add3A_334 = arith.constant 512 : i32
    %add3A_335 = arith.addi %mul3A_333, %add3A_334 : i32
    %run_scoped3A_336 = arith.constant 0 : i32
    "tpu.region"() ({
      %run_scoped3A_390 = tpu.sem_alloc : memref<!tpu.dma_semaphore, #tpu.memory_space<semaphore_mem>>
      %dma_start3A_391 = arith.constant 0 : i32
      %dma_start3A_392 = arith.constant 0 : i32
      %dma_start3A_393 = tpu.memref_slice %arg9[%run_scoped3A_336, %dma_start3A_391, %dma_start3A_392] : memref<2x128x128xf32, #tpu.memory_space<vmem>> -> memref<1x128x128xf32, #tpu.memory_space<vmem>>
      %dma_start3A_394 = tpu.memref_squeeze %dma_start3A_393 : memref<1x128x128xf32, #tpu.memory_space<vmem>> -> memref<128x128xf32, #tpu.memory_space<vmem>>
      %dma_start3A_395 = arith.constant 0 : i32
      %dma_start3A_396 = tpu.memref_slice %arg10[%add3A_335, %dma_start3A_395] : memref<10240x128xf32, #tpu.memory_space<vmem_shared>> -> memref<128x128xf32, #tpu.memory_space<vmem_shared>>
      %dma_start3A_397 = arith.constant 0 : i32
      %dma_start3A_398 = arith.constant 0 : i32
      %dma_start3A_399 = tpu.memref_slice %arg9[%run_scoped3A_336, %dma_start3A_397, %dma_start3A_398] : memref<2x128x128xf32, #tpu.memory_space<vmem>> -> memref<1x128x128xf32, #tpu.memory_space<vmem>>
      %dma_start3A_400 = tpu.memref_squeeze %dma_start3A_399 : memref<1x128x128xf32, #tpu.memory_space<vmem>> -> memref<128x128xf32, #tpu.memory_space<vmem>>
      %dma_start3A_401 = arith.constant 0 : i32
      %dma_start3A_402 = tpu.memref_slice %arg10[%add3A_335, %dma_start3A_401] : memref<10240x128xf32, #tpu.memory_space<vmem_shared>> -> memref<128x128xf32, #tpu.memory_space<vmem_shared>>
      tpu.enqueue_dma source(%dma_start3A_402 : memref<128x128xf32, #tpu.memory_space<vmem_shared>>) target(%dma_start3A_400 : memref<128x128xf32, #tpu.memory_space<vmem>>) target_semaphore(%run_scoped3A_390 : memref<!tpu.dma_semaphore, #tpu.memory_space<semaphore_mem>>)
      %dma_wait3A_403 = arith.constant 0 : i32
      %dma_wait3A_404 = arith.constant 0 : i32
      %dma_wait3A_405 = tpu.memref_slice %arg9[%run_scoped3A_336, %dma_wait3A_403, %dma_wait3A_404] : memref<2x128x128xf32, #tpu.memory_space<vmem>> -> memref<1x128x128xf32, #tpu.memory_space<vmem>>
      %dma_wait3A_406 = tpu.memref_squeeze %dma_wait3A_405 : memref<1x128x128xf32, #tpu.memory_space<vmem>> -> memref<128x128xf32, #tpu.memory_space<vmem>>
      %dma_wait3A_407 = arith.constant 0 : i32
      %dma_wait3A_408 = tpu.memref_slice %arg10[%add3A_335, %dma_wait3A_407] : memref<10240x128xf32, #tpu.memory_space<vmem_shared>> -> memref<128x128xf32, #tpu.memory_space<vmem_shared>>
      %dma_wait3A_409 = arith.constant 0 : i32
      %dma_wait3A_410 = arith.constant 0 : i32
      %dma_wait3A_411 = tpu.memref_slice %arg9[%run_scoped3A_336, %dma_wait3A_409, %dma_wait3A_410] : memref<2x128x128xf32, #tpu.memory_space<vmem>> -> memref<1x128x128xf32, #tpu.memory_space<vmem>>
      %dma_wait3A_412 = tpu.memref_squeeze %dma_wait3A_411 : memref<1x128x128xf32, #tpu.memory_space<vmem>> -> memref<128x128xf32, #tpu.memory_space<vmem>>
      %dma_wait3A_413 = arith.constant 0 : i32
      %dma_wait3A_414 = tpu.memref_slice %arg10[%add3A_335, %dma_wait3A_413] : memref<10240x128xf32, #tpu.memory_space<vmem_shared>> -> memref<128x128xf32, #tpu.memory_space<vmem_shared>>
      tpu.wait_dma2 semaphore(%run_scoped3A_390 : memref<!tpu.dma_semaphore, #tpu.memory_space<semaphore_mem>>) src(%dma_wait3A_414 : memref<128x128xf32, #tpu.memory_space<vmem_shared>>) dst(%dma_wait3A_412 : memref<128x128xf32, #tpu.memory_space<vmem>>)
      tpu.yield
    }) : () -> ()
    %mul3A_337 = arith.constant 640 : i32
    %mul3A_338 = arith.muli %arg1, %mul3A_337 : i32
    %add3A_339 = arith.constant 512 : i32
    %add3A_340 = arith.addi %mul3A_338, %add3A_339 : i32
    %dma_start3A_341 = arith.constant 0 : i32
    %dma_start3A_342 = arith.constant 0 : i32
    %dma_start3A_343 = arith.constant 0 : i32
    %dma_start3A_344 = tpu.memref_slice %arg9[%dma_start3A_341, %dma_start3A_342, %dma_start3A_343] : memref<2x128x128xf32, #tpu.memory_space<vmem>> -> memref<1x128x128xf32, #tpu.memory_space<vmem>>
    %dma_start3A_345 = tpu.memref_squeeze %dma_start3A_344 : memref<1x128x128xf32, #tpu.memory_space<vmem>> -> memref<128x128xf32, #tpu.memory_space<vmem>>
    %dma_start3A_346 = arith.constant 0 : i32
    %dma_start3A_347 = tpu.memref_slice %arg6[%arg0, %add3A_340, %dma_start3A_346] : memref<2x10240x128xf32, #tpu.memory_space<hbm>> -> memref<1x128x128xf32, #tpu.memory_space<hbm>>
    %dma_start3A_348 = tpu.memref_squeeze %dma_start3A_347 : memref<1x128x128xf32, #tpu.memory_space<hbm>> -> memref<128x128xf32, #tpu.memory_space<hbm>>
    %dma_start3A_349 = arith.constant 0 : i32
    %dma_start3A_350 = tpu.memref_slice %arg6[%arg0, %add3A_340, %dma_start3A_349] : memref<2x10240x128xf32, #tpu.memory_space<hbm>> -> memref<1x128x128xf32, #tpu.memory_space<hbm>>
    %dma_start3A_351 = tpu.memref_squeeze %dma_start3A_350 : memref<1x128x128xf32, #tpu.memory_space<hbm>> -> memref<128x128xf32, #tpu.memory_space<hbm>>
    %dma_start3A_352 = arith.constant 0 : i32
    %dma_start3A_353 = arith.constant 0 : i32
    %dma_start3A_354 = tpu.memref_slice %arg9[%dma_start3A_341, %dma_start3A_352, %dma_start3A_353] : memref<2x128x128xf32, #tpu.memory_space<vmem>> -> memref<1x128x128xf32, #tpu.memory_space<vmem>>
    %dma_start3A_355 = tpu.memref_squeeze %dma_start3A_354 : memref<1x128x128xf32, #tpu.memory_space<vmem>> -> memref<128x128xf32, #tpu.memory_space<vmem>>
    tpu.enqueue_dma source(%dma_start3A_355 : memref<128x128xf32, #tpu.memory_space<vmem>>) target(%dma_start3A_351 : memref<128x128xf32, #tpu.memory_space<hbm>>) target_semaphore(%arg14 : memref<!tpu.dma_semaphore, #tpu.memory_space<semaphore_mem>>)
    %dma_wait3A_356 = arith.constant 0 : i32
    %dma_wait3A_357 = arith.constant 0 : i32
    %dma_wait3A_358 = arith.constant 0 : i32
    %dma_wait3A_359 = tpu.memref_slice %arg9[%dma_wait3A_356, %dma_wait3A_357, %dma_wait3A_358] : memref<2x128x128xf32, #tpu.memory_space<vmem>> -> memref<1x128x128xf32, #tpu.memory_space<vmem>>
    %dma_wait3A_360 = tpu.memref_squeeze %dma_wait3A_359 : memref<1x128x128xf32, #tpu.memory_space<vmem>> -> memref<128x128xf32, #tpu.memory_space<vmem>>
    %dma_wait3A_361 = arith.constant 0 : i32
    %dma_wait3A_362 = arith.constant 0 : i32
    %dma_wait3A_363 = tpu.memref_slice %arg6[%arg0, %dma_wait3A_361, %dma_wait3A_362] : memref<2x10240x128xf32, #tpu.memory_space<hbm>> -> memref<1x128x128xf32, #tpu.memory_space<hbm>>
    %dma_wait3A_364 = tpu.memref_squeeze %dma_wait3A_363 : memref<1x128x128xf32, #tpu.memory_space<hbm>> -> memref<128x128xf32, #tpu.memory_space<hbm>>
    %dma_wait3A_365 = arith.constant 0 : i32
    %dma_wait3A_366 = arith.constant 0 : i32
    %dma_wait3A_367 = tpu.memref_slice %arg6[%arg0, %dma_wait3A_365, %dma_wait3A_366] : memref<2x10240x128xf32, #tpu.memory_space<hbm>> -> memref<1x128x128xf32, #tpu.memory_space<hbm>>
    %dma_wait3A_368 = tpu.memref_squeeze %dma_wait3A_367 : memref<1x128x128xf32, #tpu.memory_space<hbm>> -> memref<128x128xf32, #tpu.memory_space<hbm>>
    %dma_wait3A_369 = arith.constant 0 : i32
    %dma_wait3A_370 = arith.constant 0 : i32
    %dma_wait3A_371 = tpu.memref_slice %arg9[%dma_wait3A_356, %dma_wait3A_369, %dma_wait3A_370] : memref<2x128x128xf32, #tpu.memory_space<vmem>> -> memref<1x128x128xf32, #tpu.memory_space<vmem>>
    %dma_wait3A_372 = tpu.memref_squeeze %dma_wait3A_371 : memref<1x128x128xf32, #tpu.memory_space<vmem>> -> memref<128x128xf32, #tpu.memory_space<vmem>>
    tpu.wait_dma2 semaphore(%arg14 : memref<!tpu.dma_semaphore, #tpu.memory_space<semaphore_mem>>) src(%dma_wait3A_372 : memref<128x128xf32, #tpu.memory_space<vmem>>) dst(%dma_wait3A_368 : memref<128x128xf32, #tpu.memory_space<hbm>>)
    %dma_wait3A_373 = arith.constant 1 : i32
    %dma_wait3A_374 = arith.constant 0 : i32
    %dma_wait3A_375 = arith.constant 0 : i32
    %dma_wait3A_376 = tpu.memref_slice %arg9[%dma_wait3A_373, %dma_wait3A_374, %dma_wait3A_375] : memref<2x128x128xf32, #tpu.memory_space<vmem>> -> memref<1x128x128xf32, #tpu.memory_space<vmem>>
    %dma_wait3A_377 = tpu.memref_squeeze %dma_wait3A_376 : memref<1x128x128xf32, #tpu.memory_space<vmem>> -> memref<128x128xf32, #tpu.memory_space<vmem>>
    %dma_wait3A_378 = arith.constant 0 : i32
    %dma_wait3A_379 = arith.constant 0 : i32
    %dma_wait3A_380 = tpu.memref_slice %arg6[%arg0, %dma_wait3A_378, %dma_wait3A_379] : memref<2x10240x128xf32, #tpu.memory_space<hbm>> -> memref<1x128x128xf32, #tpu.memory_space<hbm>>
    %dma_wait3A_381 = tpu.memref_squeeze %dma_wait3A_380 : memref<1x128x128xf32, #tpu.memory_space<hbm>> -> memref<128x128xf32, #tpu.memory_space<hbm>>
    %dma_wait3A_382 = arith.constant 0 : i32
    %dma_wait3A_383 = arith.constant 0 : i32
    %dma_wait3A_384 = tpu.memref_slice %arg6[%arg0, %dma_wait3A_382, %dma_wait3A_383] : memref<2x10240x128xf32, #tpu.memory_space<hbm>> -> memref<1x128x128xf32, #tpu.memory_space<hbm>>
    %dma_wait3A_385 = tpu.memref_squeeze %dma_wait3A_384 : memref<1x128x128xf32, #tpu.memory_space<hbm>> -> memref<128x128xf32, #tpu.memory_space<hbm>>
    %dma_wait3A_386 = arith.constant 0 : i32
    %dma_wait3A_387 = arith.constant 0 : i32
    %dma_wait3A_388 = tpu.memref_slice %arg9[%dma_wait3A_373, %dma_wait3A_386, %dma_wait3A_387] : memref<2x128x128xf32, #tpu.memory_space<vmem>> -> memref<1x128x128xf32, #tpu.memory_space<vmem>>
    %dma_wait3A_389 = tpu.memref_squeeze %dma_wait3A_388 : memref<1x128x128xf32, #tpu.memory_space<vmem>> -> memref<128x128xf32, #tpu.memory_space<vmem>>
    tpu.wait_dma2 semaphore(%arg15 : memref<!tpu.dma_semaphore, #tpu.memory_space<semaphore_mem>>) src(%dma_wait3A_389 : memref<128x128xf32, #tpu.memory_space<vmem>>) dst(%dma_wait3A_385 : memref<128x128xf32, #tpu.memory_space<hbm>>)
    return
  }
}

#map = affine_map<(d0, d1) -> (0, 0)>
#map1 = affine_map<(d0, d1) -> (0)>
module attributes {stable_mosaic.version = 14 : i64} {
  func.func @deg_kernel(%arg0: i32, %arg1: i32, %arg2: memref<2560x128xi32, #tpu.memory_space<hbm>>, %arg3: memref<2560x128xi32, #tpu.memory_space<hbm>>, %arg4: memref<640xf32, #tpu.memory_space<hbm>>, %arg5: memref<2x10240xf32, #tpu.memory_space<hbm>>, %arg6: memref<2x10240xf32, #tpu.memory_space<hbm>>, %arg7: memref<80x128xi32, #tpu.memory_space<vmem>>, %arg8: memref<80x128xi32, #tpu.memory_space<vmem>>, %arg9: memref<128xf32, #tpu.memory_space<vmem>>, %arg10: memref<10240xf32, #tpu.memory_space<vmem_shared>>, %arg11: memref<10240xf32, #tpu.memory_space<vmem_shared>>, %arg12: memref<!tpu.dma_semaphore, #tpu.memory_space<semaphore_mem>>, %arg13: memref<!tpu.dma_semaphore, #tpu.memory_space<semaphore_mem>>) attributes {dimension_semantics = [#tpu.dimension_semantics<core_parallel>, #tpu.dimension_semantics<subcore_parallel>], iteration_bounds = array<i64: 2, 16>, scalar_prefetch = 0 : i64, scratch_operands = 7 : i64, tpu.core_type = #tpu.core_type<sc_vector_subcore>, window_params = [{transform_indices = #map}, {transform_indices = #map}, {transform_indices = #map1}, {transform_indices = #map}, {transform_indices = #map}]} {
    %mul3A = arith.constant 16 : i32
    %mul3A_0 = arith.muli %arg0, %mul3A : i32
    %add3A = arith.addi %mul3A_0, %arg1 : i32
    %broadcast_in_dim3A = arith.constant 1.000000e+00 : f32
    %broadcast_in_dim3A_1 = vector.broadcast %broadcast_in_dim3A : f32 to vector<16xf32>
    %while3A = arith.constant 0 : i32
    %while3A_2 = arith.constant 0 : i32
    %while3A_3 = arith.constant 8 : i32
    %while3A_4 = arith.subi %while3A_3, %while3A_2 : i32
    %while3A_5 = arith.addi %while3A_2, %while3A_4 : i32
    %while3A_6 = arith.constant 1 : i32
    %while3A_7 = arith.divsi %while3A_4, %while3A_6 : i32
    %while3A_8 = arith.muli %while3A_7, %while3A_6 : i32
    %while3A_9 = arith.addi %while3A_2, %while3A_8 : i32
    %while3A_10 = arith.constant 1 : i32
    scf.for %while3A_51 = %while3A_2 to %while3A_9 step %while3A_10  : i32 {
      %mul3A_52 = arith.constant 16 : i32
      %mul3A_53 = arith.muli %while3A_51, %mul3A_52 : i32
      %swap3A = arith.index_cast %mul3A_53 : i32 to index
      %swap3A_54 = tpu.vector_load %arg9[%swap3A] {strides = array<i32>} : memref<128xf32, #tpu.memory_space<vmem>>, vector<16xf32>,
      %swap3A_55 = vector.shape_cast %swap3A_54 : vector<16xf32> to vector<16xf32>
      %swap3A_56 = vector.shape_cast %broadcast_in_dim3A_1 : vector<16xf32> to vector<16xf32>
      tpu.vector_store %arg9[%swap3A], %swap3A_56 {strides = array<i32>} : memref<128xf32, #tpu.memory_space<vmem>>, vector<16xf32>,
    }
    %while3A_11 = arith.constant 1 : i32
    scf.for %while3A_51 = %while3A_9 to %while3A_5 step %while3A_11  : i32 {
      %mul3A_52 = arith.constant 16 : i32
      %mul3A_53 = arith.muli %while3A_51, %mul3A_52 : i32
      %swap3A = arith.index_cast %mul3A_53 : i32 to index
      %swap3A_54 = tpu.vector_load %arg9[%swap3A] {strides = array<i32>} : memref<128xf32, #tpu.memory_space<vmem>>, vector<16xf32>,
      %swap3A_55 = vector.shape_cast %swap3A_54 : vector<16xf32> to vector<16xf32>
      %swap3A_56 = vector.shape_cast %broadcast_in_dim3A_1 : vector<16xf32> to vector<16xf32>
      tpu.vector_store %arg9[%swap3A], %swap3A_56 {strides = array<i32>} : memref<128xf32, #tpu.memory_space<vmem>>, vector<16xf32>,
    }
    %mul3A_12 = arith.constant 80 : i32
    %mul3A_13 = arith.muli %add3A, %mul3A_12 : i32
    "tpu.region"() ({
      %run_scoped3A = tpu.sem_alloc : memref<!tpu.dma_semaphore, #tpu.memory_space<semaphore_mem>>
      %dma_start3A = arith.constant 0 : i32
      %dma_start3A_51 = tpu.memref_slice %arg2[%mul3A_13, %dma_start3A] : memref<2560x128xi32, #tpu.memory_space<hbm>> -> memref<80x128xi32, #tpu.memory_space<hbm>>
      %dma_start3A_52 = arith.constant 0 : i32
      %dma_start3A_53 = tpu.memref_slice %arg2[%mul3A_13, %dma_start3A_52] : memref<2560x128xi32, #tpu.memory_space<hbm>> -> memref<80x128xi32, #tpu.memory_space<hbm>>
      tpu.enqueue_dma source(%dma_start3A_53 : memref<80x128xi32, #tpu.memory_space<hbm>>) target(%arg7 : memref<80x128xi32, #tpu.memory_space<vmem>>) target_semaphore(%run_scoped3A : memref<!tpu.dma_semaphore, #tpu.memory_space<semaphore_mem>>)
      %dma_wait3A = arith.constant 0 : i32
      %dma_wait3A_54 = tpu.memref_slice %arg2[%mul3A_13, %dma_wait3A] : memref<2560x128xi32, #tpu.memory_space<hbm>> -> memref<80x128xi32, #tpu.memory_space<hbm>>
      %dma_wait3A_55 = arith.constant 0 : i32
      %dma_wait3A_56 = tpu.memref_slice %arg2[%mul3A_13, %dma_wait3A_55] : memref<2560x128xi32, #tpu.memory_space<hbm>> -> memref<80x128xi32, #tpu.memory_space<hbm>>
      tpu.wait_dma2 semaphore(%run_scoped3A : memref<!tpu.dma_semaphore, #tpu.memory_space<semaphore_mem>>) src(%dma_wait3A_56 : memref<80x128xi32, #tpu.memory_space<hbm>>) dst(%arg7 : memref<80x128xi32, #tpu.memory_space<vmem>>)
      tpu.yield
    }) : () -> ()
    %mul3A_14 = arith.constant 80 : i32
    %mul3A_15 = arith.muli %add3A, %mul3A_14 : i32
    "tpu.region"() ({
      %run_scoped3A = tpu.sem_alloc : memref<!tpu.dma_semaphore, #tpu.memory_space<semaphore_mem>>
      %dma_start3A = arith.constant 0 : i32
      %dma_start3A_51 = tpu.memref_slice %arg3[%mul3A_15, %dma_start3A] : memref<2560x128xi32, #tpu.memory_space<hbm>> -> memref<80x128xi32, #tpu.memory_space<hbm>>
      %dma_start3A_52 = arith.constant 0 : i32
      %dma_start3A_53 = tpu.memref_slice %arg3[%mul3A_15, %dma_start3A_52] : memref<2560x128xi32, #tpu.memory_space<hbm>> -> memref<80x128xi32, #tpu.memory_space<hbm>>
      tpu.enqueue_dma source(%dma_start3A_53 : memref<80x128xi32, #tpu.memory_space<hbm>>) target(%arg8 : memref<80x128xi32, #tpu.memory_space<vmem>>) target_semaphore(%run_scoped3A : memref<!tpu.dma_semaphore, #tpu.memory_space<semaphore_mem>>)
      %dma_wait3A = arith.constant 0 : i32
      %dma_wait3A_54 = tpu.memref_slice %arg3[%mul3A_15, %dma_wait3A] : memref<2560x128xi32, #tpu.memory_space<hbm>> -> memref<80x128xi32, #tpu.memory_space<hbm>>
      %dma_wait3A_55 = arith.constant 0 : i32
      %dma_wait3A_56 = tpu.memref_slice %arg3[%mul3A_15, %dma_wait3A_55] : memref<2560x128xi32, #tpu.memory_space<hbm>> -> memref<80x128xi32, #tpu.memory_space<hbm>>
      tpu.wait_dma2 semaphore(%run_scoped3A : memref<!tpu.dma_semaphore, #tpu.memory_space<semaphore_mem>>) src(%dma_wait3A_56 : memref<80x128xi32, #tpu.memory_space<hbm>>) dst(%arg8 : memref<80x128xi32, #tpu.memory_space<vmem>>)
      tpu.yield
    }) : () -> ()
    %mul3A_16 = arith.constant 640 : i32
    %mul3A_17 = arith.muli %arg1, %mul3A_16 : i32
    "tpu.region"() ({
      %run_scoped3A = tpu.sem_alloc : memref<!tpu.dma_semaphore, #tpu.memory_space<semaphore_mem>>
      %dma_start3A = tpu.memref_slice %arg10[%mul3A_17] : memref<10240xf32, #tpu.memory_space<vmem_shared>> -> memref<640xf32, #tpu.memory_space<vmem_shared>>
      tpu.enqueue_dma source(%arg4 : memref<640xf32, #tpu.memory_space<hbm>>) target(%dma_start3A : memref<640xf32, #tpu.memory_space<vmem_shared>>) target_semaphore(%run_scoped3A : memref<!tpu.dma_semaphore, #tpu.memory_space<semaphore_mem>>)
      %dma_wait3A = tpu.memref_slice %arg10[%mul3A_17] : memref<10240xf32, #tpu.memory_space<vmem_shared>> -> memref<640xf32, #tpu.memory_space<vmem_shared>>
      tpu.wait_dma2 semaphore(%run_scoped3A : memref<!tpu.dma_semaphore, #tpu.memory_space<semaphore_mem>>) src(%arg4 : memref<640xf32, #tpu.memory_space<hbm>>) dst(%dma_wait3A : memref<640xf32, #tpu.memory_space<vmem_shared>>)
      tpu.yield
    }) : () -> ()
    %mul3A_18 = arith.constant 640 : i32
    %mul3A_19 = arith.muli %arg1, %mul3A_18 : i32
    "tpu.region"() ({
      %run_scoped3A = tpu.sem_alloc : memref<!tpu.dma_semaphore, #tpu.memory_space<semaphore_mem>>
      %dma_start3A = tpu.memref_slice %arg11[%mul3A_19] : memref<10240xf32, #tpu.memory_space<vmem_shared>> -> memref<640xf32, #tpu.memory_space<vmem_shared>>
      tpu.enqueue_dma source(%arg4 : memref<640xf32, #tpu.memory_space<hbm>>) target(%dma_start3A : memref<640xf32, #tpu.memory_space<vmem_shared>>) target_semaphore(%run_scoped3A : memref<!tpu.dma_semaphore, #tpu.memory_space<semaphore_mem>>)
      %dma_wait3A = tpu.memref_slice %arg11[%mul3A_19] : memref<10240xf32, #tpu.memory_space<vmem_shared>> -> memref<640xf32, #tpu.memory_space<vmem_shared>>
      tpu.wait_dma2 semaphore(%run_scoped3A : memref<!tpu.dma_semaphore, #tpu.memory_space<semaphore_mem>>) src(%arg4 : memref<640xf32, #tpu.memory_space<hbm>>) dst(%dma_wait3A : memref<640xf32, #tpu.memory_space<vmem_shared>>)
      tpu.yield
    }) : () -> ()
    %barrier3A = arith.constant 0 : index
    tpu.barrier barrier_id(%barrier3A)
    %while3A_20 = arith.constant 0 : i32
    %while3A_21 = arith.constant 0 : i32
    %while3A_22 = arith.constant 80 : i32
    %while3A_23 = arith.subi %while3A_22, %while3A_21 : i32
    %while3A_24 = arith.addi %while3A_21, %while3A_23 : i32
    %while3A_25 = arith.constant 1 : i32
    %while3A_26 = arith.divsi %while3A_23, %while3A_25 : i32
    %while3A_27 = arith.muli %while3A_26, %while3A_25 : i32
    %while3A_28 = arith.addi %while3A_21, %while3A_27 : i32
    %while3A_29 = arith.constant 1 : i32
    scf.for %while3A_51 = %while3A_21 to %while3A_28 step %while3A_29  : i32 {
      %dma_start3A = arith.constant 0 : i32
      %dma_start3A_52 = tpu.memref_slice %arg7[%while3A_51, %dma_start3A] : memref<80x128xi32, #tpu.memory_space<vmem>> -> memref<1x128xi32, #tpu.memory_space<vmem>>
      %dma_start3A_53 = tpu.memref_squeeze %dma_start3A_52 : memref<1x128xi32, #tpu.memory_space<vmem>> -> memref<128xi32, #tpu.memory_space<vmem>>
      %dma_start3A_54 = arith.constant 0 : i32
      %dma_start3A_55 = tpu.memref_slice %arg10[%dma_start3A_54] : memref<10240xf32, #tpu.memory_space<vmem_shared>> -> memref<10240xf32, #tpu.memory_space<vmem_shared>>
      tpu.enqueue_indirect_dma source(%arg9 : memref<128xf32, #tpu.memory_space<vmem>>) target(%dma_start3A_55 : memref<10240xf32, #tpu.memory_space<vmem_shared>>) offsets(%dma_start3A_53 : memref<128xi32, #tpu.memory_space<vmem>>) semaphore(%arg12 : memref<!tpu.dma_semaphore, #tpu.memory_space<semaphore_mem>>) {add = true}
      %dma_start3A_56 = arith.constant 0 : i32
      %dma_start3A_57 = tpu.memref_slice %arg8[%while3A_51, %dma_start3A_56] : memref<80x128xi32, #tpu.memory_space<vmem>> -> memref<1x128xi32, #tpu.memory_space<vmem>>
      %dma_start3A_58 = tpu.memref_squeeze %dma_start3A_57 : memref<1x128xi32, #tpu.memory_space<vmem>> -> memref<128xi32, #tpu.memory_space<vmem>>
      %dma_start3A_59 = arith.constant 0 : i32
      %dma_start3A_60 = tpu.memref_slice %arg11[%dma_start3A_59] : memref<10240xf32, #tpu.memory_space<vmem_shared>> -> memref<10240xf32, #tpu.memory_space<vmem_shared>>
      tpu.enqueue_indirect_dma source(%arg9 : memref<128xf32, #tpu.memory_space<vmem>>) target(%dma_start3A_60 : memref<10240xf32, #tpu.memory_space<vmem_shared>>) offsets(%dma_start3A_58 : memref<128xi32, #tpu.memory_space<vmem>>) semaphore(%arg13 : memref<!tpu.dma_semaphore, #tpu.memory_space<semaphore_mem>>) {add = true}
    }
    %while3A_30 = arith.constant 1 : i32
    scf.for %while3A_51 = %while3A_28 to %while3A_24 step %while3A_30  : i32 {
      %dma_start3A = arith.constant 0 : i32
      %dma_start3A_52 = tpu.memref_slice %arg7[%while3A_51, %dma_start3A] : memref<80x128xi32, #tpu.memory_space<vmem>> -> memref<1x128xi32, #tpu.memory_space<vmem>>
      %dma_start3A_53 = tpu.memref_squeeze %dma_start3A_52 : memref<1x128xi32, #tpu.memory_space<vmem>> -> memref<128xi32, #tpu.memory_space<vmem>>
      %dma_start3A_54 = arith.constant 0 : i32
      %dma_start3A_55 = tpu.memref_slice %arg10[%dma_start3A_54] : memref<10240xf32, #tpu.memory_space<vmem_shared>> -> memref<10240xf32, #tpu.memory_space<vmem_shared>>
      tpu.enqueue_indirect_dma source(%arg9 : memref<128xf32, #tpu.memory_space<vmem>>) target(%dma_start3A_55 : memref<10240xf32, #tpu.memory_space<vmem_shared>>) offsets(%dma_start3A_53 : memref<128xi32, #tpu.memory_space<vmem>>) semaphore(%arg12 : memref<!tpu.dma_semaphore, #tpu.memory_space<semaphore_mem>>) {add = true}
      %dma_start3A_56 = arith.constant 0 : i32
      %dma_start3A_57 = tpu.memref_slice %arg8[%while3A_51, %dma_start3A_56] : memref<80x128xi32, #tpu.memory_space<vmem>> -> memref<1x128xi32, #tpu.memory_space<vmem>>
      %dma_start3A_58 = tpu.memref_squeeze %dma_start3A_57 : memref<1x128xi32, #tpu.memory_space<vmem>> -> memref<128xi32, #tpu.memory_space<vmem>>
      %dma_start3A_59 = arith.constant 0 : i32
      %dma_start3A_60 = tpu.memref_slice %arg11[%dma_start3A_59] : memref<10240xf32, #tpu.memory_space<vmem_shared>> -> memref<10240xf32, #tpu.memory_space<vmem_shared>>
      tpu.enqueue_indirect_dma source(%arg9 : memref<128xf32, #tpu.memory_space<vmem>>) target(%dma_start3A_60 : memref<10240xf32, #tpu.memory_space<vmem_shared>>) offsets(%dma_start3A_58 : memref<128xi32, #tpu.memory_space<vmem>>) semaphore(%arg13 : memref<!tpu.dma_semaphore, #tpu.memory_space<semaphore_mem>>) {add = true}
    }
    %while3A_31 = arith.constant 0 : i32
    %while3A_32 = arith.constant 0 : i32
    %while3A_33 = arith.constant 80 : i32
    %while3A_34 = arith.subi %while3A_33, %while3A_32 : i32
    %while3A_35 = arith.addi %while3A_32, %while3A_34 : i32
    %while3A_36 = arith.constant 1 : i32
    %while3A_37 = arith.divsi %while3A_34, %while3A_36 : i32
    %while3A_38 = arith.muli %while3A_37, %while3A_36 : i32
    %while3A_39 = arith.addi %while3A_32, %while3A_38 : i32
    %while3A_40 = arith.constant 1 : i32
    scf.for %while3A_51 = %while3A_32 to %while3A_39 step %while3A_40  : i32 {
      %dma_wait3A = arith.constant 0 : i32
      %dma_wait3A_52 = arith.constant 0 : i32
      %dma_wait3A_53 = tpu.memref_slice %arg7[%dma_wait3A, %dma_wait3A_52] : memref<80x128xi32, #tpu.memory_space<vmem>> -> memref<1x128xi32, #tpu.memory_space<vmem>>
      %dma_wait3A_54 = tpu.memref_squeeze %dma_wait3A_53 : memref<1x128xi32, #tpu.memory_space<vmem>> -> memref<128xi32, #tpu.memory_space<vmem>>
      %dma_wait3A_55 = arith.constant 0 : i32
      %dma_wait3A_56 = tpu.memref_slice %arg10[%dma_wait3A_55] : memref<10240xf32, #tpu.memory_space<vmem_shared>> -> memref<10240xf32, #tpu.memory_space<vmem_shared>>
      tpu.wait_indirect_dma semaphore(%arg12 : memref<!tpu.dma_semaphore, #tpu.memory_space<semaphore_mem>>) src(%arg9 : memref<128xf32, #tpu.memory_space<vmem>>) dst(%dma_wait3A_56 : memref<10240xf32, #tpu.memory_space<vmem_shared>>)
      %dma_wait3A_57 = arith.constant 0 : i32
      %dma_wait3A_58 = arith.constant 0 : i32
      %dma_wait3A_59 = tpu.memref_slice %arg8[%dma_wait3A_57, %dma_wait3A_58] : memref<80x128xi32, #tpu.memory_space<vmem>> -> memref<1x128xi32, #tpu.memory_space<vmem>>
      %dma_wait3A_60 = tpu.memref_squeeze %dma_wait3A_59 : memref<1x128xi32, #tpu.memory_space<vmem>> -> memref<128xi32, #tpu.memory_space<vmem>>
      %dma_wait3A_61 = arith.constant 0 : i32
      %dma_wait3A_62 = tpu.memref_slice %arg11[%dma_wait3A_61] : memref<10240xf32, #tpu.memory_space<vmem_shared>> -> memref<10240xf32, #tpu.memory_space<vmem_shared>>
      tpu.wait_indirect_dma semaphore(%arg13 : memref<!tpu.dma_semaphore, #tpu.memory_space<semaphore_mem>>) src(%arg9 : memref<128xf32, #tpu.memory_space<vmem>>) dst(%dma_wait3A_62 : memref<10240xf32, #tpu.memory_space<vmem_shared>>)
    }
    %while3A_41 = arith.constant 1 : i32
    scf.for %while3A_51 = %while3A_39 to %while3A_35 step %while3A_41  : i32 {
      %dma_wait3A = arith.constant 0 : i32
      %dma_wait3A_52 = arith.constant 0 : i32
      %dma_wait3A_53 = tpu.memref_slice %arg7[%dma_wait3A, %dma_wait3A_52] : memref<80x128xi32, #tpu.memory_space<vmem>> -> memref<1x128xi32, #tpu.memory_space<vmem>>
      %dma_wait3A_54 = tpu.memref_squeeze %dma_wait3A_53 : memref<1x128xi32, #tpu.memory_space<vmem>> -> memref<128xi32, #tpu.memory_space<vmem>>
      %dma_wait3A_55 = arith.constant 0 : i32
      %dma_wait3A_56 = tpu.memref_slice %arg10[%dma_wait3A_55] : memref<10240xf32, #tpu.memory_space<vmem_shared>> -> memref<10240xf32, #tpu.memory_space<vmem_shared>>
      tpu.wait_indirect_dma semaphore(%arg12 : memref<!tpu.dma_semaphore, #tpu.memory_space<semaphore_mem>>) src(%arg9 : memref<128xf32, #tpu.memory_space<vmem>>) dst(%dma_wait3A_56 : memref<10240xf32, #tpu.memory_space<vmem_shared>>)
      %dma_wait3A_57 = arith.constant 0 : i32
      %dma_wait3A_58 = arith.constant 0 : i32
      %dma_wait3A_59 = tpu.memref_slice %arg8[%dma_wait3A_57, %dma_wait3A_58] : memref<80x128xi32, #tpu.memory_space<vmem>> -> memref<1x128xi32, #tpu.memory_space<vmem>>
      %dma_wait3A_60 = tpu.memref_squeeze %dma_wait3A_59 : memref<1x128xi32, #tpu.memory_space<vmem>> -> memref<128xi32, #tpu.memory_space<vmem>>
      %dma_wait3A_61 = arith.constant 0 : i32
      %dma_wait3A_62 = tpu.memref_slice %arg11[%dma_wait3A_61] : memref<10240xf32, #tpu.memory_space<vmem_shared>> -> memref<10240xf32, #tpu.memory_space<vmem_shared>>
      tpu.wait_indirect_dma semaphore(%arg13 : memref<!tpu.dma_semaphore, #tpu.memory_space<semaphore_mem>>) src(%arg9 : memref<128xf32, #tpu.memory_space<vmem>>) dst(%dma_wait3A_62 : memref<10240xf32, #tpu.memory_space<vmem_shared>>)
    }
    %barrier3A_42 = arith.constant 0 : index
    tpu.barrier barrier_id(%barrier3A_42)
    %mul3A_43 = arith.constant 640 : i32
    %mul3A_44 = arith.muli %arg1, %mul3A_43 : i32
    %mul3A_45 = arith.constant 640 : i32
    %mul3A_46 = arith.muli %arg1, %mul3A_45 : i32
    "tpu.region"() ({
      %run_scoped3A = tpu.sem_alloc : memref<!tpu.dma_semaphore, #tpu.memory_space<semaphore_mem>>
      %dma_start3A = tpu.memref_slice %arg5[%arg0, %mul3A_46] : memref<2x10240xf32, #tpu.memory_space<hbm>> -> memref<1x640xf32, #tpu.memory_space<hbm>>
      %dma_start3A_51 = tpu.memref_squeeze %dma_start3A : memref<1x640xf32, #tpu.memory_space<hbm>> -> memref<640xf32, #tpu.memory_space<hbm>>
      %dma_start3A_52 = tpu.memref_slice %arg10[%mul3A_44] : memref<10240xf32, #tpu.memory_space<vmem_shared>> -> memref<640xf32, #tpu.memory_space<vmem_shared>>
      tpu.enqueue_dma source(%dma_start3A_52 : memref<640xf32, #tpu.memory_space<vmem_shared>>) target(%dma_start3A_51 : memref<640xf32, #tpu.memory_space<hbm>>) target_semaphore(%run_scoped3A : memref<!tpu.dma_semaphore, #tpu.memory_space<semaphore_mem>>)
      %dma_wait3A = tpu.memref_slice %arg5[%arg0, %mul3A_46] : memref<2x10240xf32, #tpu.memory_space<hbm>> -> memref<1x640xf32, #tpu.memory_space<hbm>>
      %dma_wait3A_53 = tpu.memref_squeeze %dma_wait3A : memref<1x640xf32, #tpu.memory_space<hbm>> -> memref<640xf32, #tpu.memory_space<hbm>>
      %dma_wait3A_54 = tpu.memref_slice %arg10[%mul3A_44] : memref<10240xf32, #tpu.memory_space<vmem_shared>> -> memref<640xf32, #tpu.memory_space<vmem_shared>>
      tpu.wait_dma2 semaphore(%run_scoped3A : memref<!tpu.dma_semaphore, #tpu.memory_space<semaphore_mem>>) src(%dma_wait3A_54 : memref<640xf32, #tpu.memory_space<vmem_shared>>) dst(%dma_wait3A_53 : memref<640xf32, #tpu.memory_space<hbm>>)
      tpu.yield
    }) : () -> ()
    %mul3A_47 = arith.constant 640 : i32
    %mul3A_48 = arith.muli %arg1, %mul3A_47 : i32
    %mul3A_49 = arith.constant 640 : i32
    %mul3A_50 = arith.muli %arg1, %mul3A_49 : i32
    "tpu.region"() ({
      %run_scoped3A = tpu.sem_alloc : memref<!tpu.dma_semaphore, #tpu.memory_space<semaphore_mem>>
      %dma_start3A = tpu.memref_slice %arg6[%arg0, %mul3A_50] : memref<2x10240xf32, #tpu.memory_space<hbm>> -> memref<1x640xf32, #tpu.memory_space<hbm>>
      %dma_start3A_51 = tpu.memref_squeeze %dma_start3A : memref<1x640xf32, #tpu.memory_space<hbm>> -> memref<640xf32, #tpu.memory_space<hbm>>
      %dma_start3A_52 = tpu.memref_slice %arg11[%mul3A_48] : memref<10240xf32, #tpu.memory_space<vmem_shared>> -> memref<640xf32, #tpu.memory_space<vmem_shared>>
      tpu.enqueue_dma source(%dma_start3A_52 : memref<640xf32, #tpu.memory_space<vmem_shared>>) target(%dma_start3A_51 : memref<640xf32, #tpu.memory_space<hbm>>) target_semaphore(%run_scoped3A : memref<!tpu.dma_semaphore, #tpu.memory_space<semaphore_mem>>)
      %dma_wait3A = tpu.memref_slice %arg6[%arg0, %mul3A_50] : memref<2x10240xf32, #tpu.memory_space<hbm>> -> memref<1x640xf32, #tpu.memory_space<hbm>>
      %dma_wait3A_53 = tpu.memref_squeeze %dma_wait3A : memref<1x640xf32, #tpu.memory_space<hbm>> -> memref<640xf32, #tpu.memory_space<hbm>>
      %dma_wait3A_54 = tpu.memref_slice %arg11[%mul3A_48] : memref<10240xf32, #tpu.memory_space<vmem_shared>> -> memref<640xf32, #tpu.memory_space<vmem_shared>>
      tpu.wait_dma2 semaphore(%run_scoped3A : memref<!tpu.dma_semaphore, #tpu.memory_space<semaphore_mem>>) src(%dma_wait3A_54 : memref<640xf32, #tpu.memory_space<vmem_shared>>) dst(%dma_wait3A_53 : memref<640xf32, #tpu.memory_space<hbm>>)
      tpu.yield
    }) : () -> ()
    return
  }
}

#map = affine_map<(d0, d1) -> (0, 0)>
#map1 = affine_map<(d0, d1) -> (0)>
#map2 = affine_map<(d0, d1) -> (0, 0, 0)>
module attributes {stable_mosaic.version = 14 : i64} {
  func.func @body(%arg0: i32, %arg1: i32, %arg2: memref<10240x128xf32, #tpu.memory_space<hbm>>, %arg3: memref<10240xf32, #tpu.memory_space<hbm>>, %arg4: memref<2560x128xi32, #tpu.memory_space<hbm>>, %arg5: memref<2560x128xi32, #tpu.memory_space<hbm>>, %arg6: memref<640x128xf32, #tpu.memory_space<hbm>>, %arg7: memref<640xf32, #tpu.memory_space<hbm>>, %arg8: memref<2x10240x128xf32, #tpu.memory_space<hbm>>, %arg9: memref<2x10240xf32, #tpu.memory_space<hbm>>, %arg10: memref<2x2x128xi32, #tpu.memory_space<vmem>>, %arg11: memref<2x2x128xi32, #tpu.memory_space<vmem>>, %arg12: memref<2x128x128xf32, #tpu.memory_space<vmem>>, %arg13: memref<10240x128xf32, #tpu.memory_space<vmem_shared>>, %arg14: memref<!tpu.dma_semaphore, #tpu.memory_space<semaphore_mem>>, %arg15: memref<!tpu.dma_semaphore, #tpu.memory_space<semaphore_mem>>, %arg16: memref<!tpu.dma_semaphore, #tpu.memory_space<semaphore_mem>>, %arg17: memref<!tpu.dma_semaphore, #tpu.memory_space<semaphore_mem>>, %arg18: memref<!tpu.dma_semaphore, #tpu.memory_space<semaphore_mem>>, %arg19: memref<2x128xf32, #tpu.memory_space<vmem>>, %arg20: memref<10240xf32, #tpu.memory_space<vmem_shared>>) attributes {dimension_semantics = [#tpu.dimension_semantics<core_parallel>, #tpu.dimension_semantics<subcore_parallel>], iteration_bounds = array<i64: 2, 16>, scalar_prefetch = 0 : i64, scratch_operands = 11 : i64, tpu.core_type = #tpu.core_type<sc_vector_subcore>, window_params = [{transform_indices = #map}, {transform_indices = #map1}, {transform_indices = #map}, {transform_indices = #map}, {transform_indices = #map}, {transform_indices = #map1}, {transform_indices = #map2}, {transform_indices = #map}]} {
    %eq3A = arith.constant 0 : i32
    %eq3A_0 = arith.cmpi eq, %arg0, %eq3A : i32
    %jit3A = arith.constant 76 : i32
    %jit3A_1 = arith.constant 4 : i32
    %select_n3A = arith.select %eq3A_0, %jit3A, %jit3A_1 : i32
    %eq3A_2 = arith.constant 0 : i32
    %eq3A_3 = arith.cmpi eq, %arg0, %eq3A_2 : i32
    %mul3A = arith.constant 152 : i32
    %mul3A_4 = arith.muli %arg1, %mul3A : i32
    %mul3A_5 = arith.constant 8 : i32
    %mul3A_6 = arith.muli %arg1, %mul3A_5 : i32
    %add3A = arith.constant 2432 : i32
    %add3A_7 = arith.addi %add3A, %mul3A_6 : i32
    %select_n3A_8 = arith.select %eq3A_3, %mul3A_4, %add3A_7 : i32
    %run_scoped3A = arith.constant 0 : i32
    "tpu.region"() ({
      %run_scoped3A_484 = tpu.sem_alloc : memref<!tpu.dma_semaphore, #tpu.memory_space<semaphore_mem>>
      %dma_start3A_485 = arith.constant 0 : i32
      %dma_start3A_486 = arith.constant 0 : i32
      %dma_start3A_487 = tpu.memref_slice %arg10[%run_scoped3A, %dma_start3A_485, %dma_start3A_486] : memref<2x2x128xi32, #tpu.memory_space<vmem>> -> memref<1x2x128xi32, #tpu.memory_space<vmem>>
      %dma_start3A_488 = tpu.memref_squeeze %dma_start3A_487 : memref<1x2x128xi32, #tpu.memory_space<vmem>> -> memref<2x128xi32, #tpu.memory_space<vmem>>
      %dma_start3A_489 = arith.constant 0 : i32
      %dma_start3A_490 = tpu.memref_slice %arg4[%select_n3A_8, %dma_start3A_489] : memref<2560x128xi32, #tpu.memory_space<hbm>> -> memref<2x128xi32, #tpu.memory_space<hbm>>
      %dma_start3A_491 = arith.constant 0 : i32
      %dma_start3A_492 = arith.constant 0 : i32
      %dma_start3A_493 = tpu.memref_slice %arg10[%run_scoped3A, %dma_start3A_491, %dma_start3A_492] : memref<2x2x128xi32, #tpu.memory_space<vmem>> -> memref<1x2x128xi32, #tpu.memory_space<vmem>>
      %dma_start3A_494 = tpu.memref_squeeze %dma_start3A_493 : memref<1x2x128xi32, #tpu.memory_space<vmem>> -> memref<2x128xi32, #tpu.memory_space<vmem>>
      %dma_start3A_495 = arith.constant 0 : i32
      %dma_start3A_496 = tpu.memref_slice %arg4[%select_n3A_8, %dma_start3A_495] : memref<2560x128xi32, #tpu.memory_space<hbm>> -> memref<2x128xi32, #tpu.memory_space<hbm>>
      tpu.enqueue_dma source(%dma_start3A_496 : memref<2x128xi32, #tpu.memory_space<hbm>>) target(%dma_start3A_494 : memref<2x128xi32, #tpu.memory_space<vmem>>) target_semaphore(%run_scoped3A_484 : memref<!tpu.dma_semaphore, #tpu.memory_space<semaphore_mem>>)
      %dma_wait3A_497 = arith.constant 0 : i32
      %dma_wait3A_498 = arith.constant 0 : i32
      %dma_wait3A_499 = tpu.memref_slice %arg10[%run_scoped3A, %dma_wait3A_497, %dma_wait3A_498] : memref<2x2x128xi32, #tpu.memory_space<vmem>> -> memref<1x2x128xi32, #tpu.memory_space<vmem>>
      %dma_wait3A_500 = tpu.memref_squeeze %dma_wait3A_499 : memref<1x2x128xi32, #tpu.memory_space<vmem>> -> memref<2x128xi32, #tpu.memory_space<vmem>>
      %dma_wait3A_501 = arith.constant 0 : i32
      %dma_wait3A_502 = tpu.memref_slice %arg4[%select_n3A_8, %dma_wait3A_501] : memref<2560x128xi32, #tpu.memory_space<hbm>> -> memref<2x128xi32, #tpu.memory_space<hbm>>
      %dma_wait3A_503 = arith.constant 0 : i32
      %dma_wait3A_504 = arith.constant 0 : i32
      %dma_wait3A_505 = tpu.memref_slice %arg10[%run_scoped3A, %dma_wait3A_503, %dma_wait3A_504] : memref<2x2x128xi32, #tpu.memory_space<vmem>> -> memref<1x2x128xi32, #tpu.memory_space<vmem>>
      %dma_wait3A_506 = tpu.memref_squeeze %dma_wait3A_505 : memref<1x2x128xi32, #tpu.memory_space<vmem>> -> memref<2x128xi32, #tpu.memory_space<vmem>>
      %dma_wait3A_507 = arith.constant 0 : i32
      %dma_wait3A_508 = tpu.memref_slice %arg4[%select_n3A_8, %dma_wait3A_507] : memref<2560x128xi32, #tpu.memory_space<hbm>> -> memref<2x128xi32, #tpu.memory_space<hbm>>
      tpu.wait_dma2 semaphore(%run_scoped3A_484 : memref<!tpu.dma_semaphore, #tpu.memory_space<semaphore_mem>>) src(%dma_wait3A_508 : memref<2x128xi32, #tpu.memory_space<hbm>>) dst(%dma_wait3A_506 : memref<2x128xi32, #tpu.memory_space<vmem>>)
      tpu.yield
    }) : () -> ()
    %run_scoped3A_9 = arith.constant 0 : i32
    "tpu.region"() ({
      %run_scoped3A_484 = tpu.sem_alloc : memref<!tpu.dma_semaphore, #tpu.memory_space<semaphore_mem>>
      %dma_start3A_485 = arith.constant 0 : i32
      %dma_start3A_486 = arith.constant 0 : i32
      %dma_start3A_487 = tpu.memref_slice %arg11[%run_scoped3A_9, %dma_start3A_485, %dma_start3A_486] : memref<2x2x128xi32, #tpu.memory_space<vmem>> -> memref<1x2x128xi32, #tpu.memory_space<vmem>>
      %dma_start3A_488 = tpu.memref_squeeze %dma_start3A_487 : memref<1x2x128xi32, #tpu.memory_space<vmem>> -> memref<2x128xi32, #tpu.memory_space<vmem>>
      %dma_start3A_489 = arith.constant 0 : i32
      %dma_start3A_490 = tpu.memref_slice %arg5[%select_n3A_8, %dma_start3A_489] : memref<2560x128xi32, #tpu.memory_space<hbm>> -> memref<2x128xi32, #tpu.memory_space<hbm>>
      %dma_start3A_491 = arith.constant 0 : i32
      %dma_start3A_492 = arith.constant 0 : i32
      %dma_start3A_493 = tpu.memref_slice %arg11[%run_scoped3A_9, %dma_start3A_491, %dma_start3A_492] : memref<2x2x128xi32, #tpu.memory_space<vmem>> -> memref<1x2x128xi32, #tpu.memory_space<vmem>>
      %dma_start3A_494 = tpu.memref_squeeze %dma_start3A_493 : memref<1x2x128xi32, #tpu.memory_space<vmem>> -> memref<2x128xi32, #tpu.memory_space<vmem>>
      %dma_start3A_495 = arith.constant 0 : i32
      %dma_start3A_496 = tpu.memref_slice %arg5[%select_n3A_8, %dma_start3A_495] : memref<2560x128xi32, #tpu.memory_space<hbm>> -> memref<2x128xi32, #tpu.memory_space<hbm>>
      tpu.enqueue_dma source(%dma_start3A_496 : memref<2x128xi32, #tpu.memory_space<hbm>>) target(%dma_start3A_494 : memref<2x128xi32, #tpu.memory_space<vmem>>) target_semaphore(%run_scoped3A_484 : memref<!tpu.dma_semaphore, #tpu.memory_space<semaphore_mem>>)
      %dma_wait3A_497 = arith.constant 0 : i32
      %dma_wait3A_498 = arith.constant 0 : i32
      %dma_wait3A_499 = tpu.memref_slice %arg11[%run_scoped3A_9, %dma_wait3A_497, %dma_wait3A_498] : memref<2x2x128xi32, #tpu.memory_space<vmem>> -> memref<1x2x128xi32, #tpu.memory_space<vmem>>
      %dma_wait3A_500 = tpu.memref_squeeze %dma_wait3A_499 : memref<1x2x128xi32, #tpu.memory_space<vmem>> -> memref<2x128xi32, #tpu.memory_space<vmem>>
      %dma_wait3A_501 = arith.constant 0 : i32
      %dma_wait3A_502 = tpu.memref_slice %arg5[%select_n3A_8, %dma_wait3A_501] : memref<2560x128xi32, #tpu.memory_space<hbm>> -> memref<2x128xi32, #tpu.memory_space<hbm>>
      %dma_wait3A_503 = arith.constant 0 : i32
      %dma_wait3A_504 = arith.constant 0 : i32
      %dma_wait3A_505 = tpu.memref_slice %arg11[%run_scoped3A_9, %dma_wait3A_503, %dma_wait3A_504] : memref<2x2x128xi32, #tpu.memory_space<vmem>> -> memref<1x2x128xi32, #tpu.memory_space<vmem>>
      %dma_wait3A_506 = tpu.memref_squeeze %dma_wait3A_505 : memref<1x2x128xi32, #tpu.memory_space<vmem>> -> memref<2x128xi32, #tpu.memory_space<vmem>>
      %dma_wait3A_507 = arith.constant 0 : i32
      %dma_wait3A_508 = tpu.memref_slice %arg5[%select_n3A_8, %dma_wait3A_507] : memref<2560x128xi32, #tpu.memory_space<hbm>> -> memref<2x128xi32, #tpu.memory_space<hbm>>
      tpu.wait_dma2 semaphore(%run_scoped3A_484 : memref<!tpu.dma_semaphore, #tpu.memory_space<semaphore_mem>>) src(%dma_wait3A_508 : memref<2x128xi32, #tpu.memory_space<hbm>>) dst(%dma_wait3A_506 : memref<2x128xi32, #tpu.memory_space<vmem>>)
      tpu.yield
    }) : () -> ()
    %mul3A_10 = arith.constant 640 : i32
    %mul3A_11 = arith.muli %arg1, %mul3A_10 : i32
    "tpu.region"() ({
      %run_scoped3A_484 = tpu.sem_alloc : memref<!tpu.dma_semaphore, #tpu.memory_space<semaphore_mem>>
      %dma_start3A_485 = arith.constant 0 : i32
      %dma_start3A_486 = tpu.memref_slice %arg13[%mul3A_11, %dma_start3A_485] : memref<10240x128xf32, #tpu.memory_space<vmem_shared>> -> memref<640x128xf32, #tpu.memory_space<vmem_shared>>
      tpu.enqueue_dma source(%arg6 : memref<640x128xf32, #tpu.memory_space<hbm>>) target(%dma_start3A_486 : memref<640x128xf32, #tpu.memory_space<vmem_shared>>) target_semaphore(%run_scoped3A_484 : memref<!tpu.dma_semaphore, #tpu.memory_space<semaphore_mem>>)
      %dma_wait3A_487 = arith.constant 0 : i32
      %dma_wait3A_488 = tpu.memref_slice %arg13[%mul3A_11, %dma_wait3A_487] : memref<10240x128xf32, #tpu.memory_space<vmem_shared>> -> memref<640x128xf32, #tpu.memory_space<vmem_shared>>
      tpu.wait_dma2 semaphore(%run_scoped3A_484 : memref<!tpu.dma_semaphore, #tpu.memory_space<semaphore_mem>>) src(%arg6 : memref<640x128xf32, #tpu.memory_space<hbm>>) dst(%dma_wait3A_488 : memref<640x128xf32, #tpu.memory_space<vmem_shared>>)
      tpu.yield
    }) : () -> ()
    %mul3A_12 = arith.constant 640 : i32
    %mul3A_13 = arith.muli %arg1, %mul3A_12 : i32
    "tpu.region"() ({
      %run_scoped3A_484 = tpu.sem_alloc : memref<!tpu.dma_semaphore, #tpu.memory_space<semaphore_mem>>
      %dma_start3A_485 = tpu.memref_slice %arg20[%mul3A_13] : memref<10240xf32, #tpu.memory_space<vmem_shared>> -> memref<640xf32, #tpu.memory_space<vmem_shared>>
      tpu.enqueue_dma source(%arg7 : memref<640xf32, #tpu.memory_space<hbm>>) target(%dma_start3A_485 : memref<640xf32, #tpu.memory_space<vmem_shared>>) target_semaphore(%run_scoped3A_484 : memref<!tpu.dma_semaphore, #tpu.memory_space<semaphore_mem>>)
      %dma_wait3A_486 = tpu.memref_slice %arg20[%mul3A_13] : memref<10240xf32, #tpu.memory_space<vmem_shared>> -> memref<640xf32, #tpu.memory_space<vmem_shared>>
      tpu.wait_dma2 semaphore(%run_scoped3A_484 : memref<!tpu.dma_semaphore, #tpu.memory_space<semaphore_mem>>) src(%arg7 : memref<640xf32, #tpu.memory_space<hbm>>) dst(%dma_wait3A_486 : memref<640xf32, #tpu.memory_space<vmem_shared>>)
      tpu.yield
    }) : () -> ()
    %barrier3A = arith.constant 0 : index
    tpu.barrier barrier_id(%barrier3A)
    %mul3A_14 = arith.constant 1 : i32
    %mul3A_15 = arith.constant 2 : i32
    %mul3A_16 = arith.muli %mul3A_14, %mul3A_15 : i32
    %add3A_17 = arith.addi %select_n3A_8, %mul3A_16 : i32
    %dma_start3A = arith.constant 1 : i32
    %dma_start3A_18 = arith.constant 0 : i32
    %dma_start3A_19 = arith.constant 0 : i32
    %dma_start3A_20 = tpu.memref_slice %arg10[%dma_start3A, %dma_start3A_18, %dma_start3A_19] : memref<2x2x128xi32, #tpu.memory_space<vmem>> -> memref<1x2x128xi32, #tpu.memory_space<vmem>>
    %dma_start3A_21 = tpu.memref_squeeze %dma_start3A_20 : memref<1x2x128xi32, #tpu.memory_space<vmem>> -> memref<2x128xi32, #tpu.memory_space<vmem>>
    %dma_start3A_22 = arith.constant 0 : i32
    %dma_start3A_23 = tpu.memref_slice %arg4[%add3A_17, %dma_start3A_22] : memref<2560x128xi32, #tpu.memory_space<hbm>> -> memref<2x128xi32, #tpu.memory_space<hbm>>
    %dma_start3A_24 = arith.constant 0 : i32
    %dma_start3A_25 = arith.constant 0 : i32
    %dma_start3A_26 = tpu.memref_slice %arg10[%dma_start3A, %dma_start3A_24, %dma_start3A_25] : memref<2x2x128xi32, #tpu.memory_space<vmem>> -> memref<1x2x128xi32, #tpu.memory_space<vmem>>
    %dma_start3A_27 = tpu.memref_squeeze %dma_start3A_26 : memref<1x2x128xi32, #tpu.memory_space<vmem>> -> memref<2x128xi32, #tpu.memory_space<vmem>>
    %dma_start3A_28 = arith.constant 0 : i32
    %dma_start3A_29 = tpu.memref_slice %arg4[%add3A_17, %dma_start3A_28] : memref<2560x128xi32, #tpu.memory_space<hbm>> -> memref<2x128xi32, #tpu.memory_space<hbm>>
    tpu.enqueue_dma source(%dma_start3A_29 : memref<2x128xi32, #tpu.memory_space<hbm>>) target(%dma_start3A_27 : memref<2x128xi32, #tpu.memory_space<vmem>>) target_semaphore(%arg14 : memref<!tpu.dma_semaphore, #tpu.memory_space<semaphore_mem>>)
    %dma_start3A_30 = arith.constant 1 : i32
    %dma_start3A_31 = arith.constant 0 : i32
    %dma_start3A_32 = arith.constant 0 : i32
    %dma_start3A_33 = tpu.memref_slice %arg11[%dma_start3A_30, %dma_start3A_31, %dma_start3A_32] : memref<2x2x128xi32, #tpu.memory_space<vmem>> -> memref<1x2x128xi32, #tpu.memory_space<vmem>>
    %dma_start3A_34 = tpu.memref_squeeze %dma_start3A_33 : memref<1x2x128xi32, #tpu.memory_space<vmem>> -> memref<2x128xi32, #tpu.memory_space<vmem>>
    %dma_start3A_35 = arith.constant 0 : i32
    %dma_start3A_36 = tpu.memref_slice %arg5[%add3A_17, %dma_start3A_35] : memref<2560x128xi32, #tpu.memory_space<hbm>> -> memref<2x128xi32, #tpu.memory_space<hbm>>
    %dma_start3A_37 = arith.constant 0 : i32
    %dma_start3A_38 = arith.constant 0 : i32
    %dma_start3A_39 = tpu.memref_slice %arg11[%dma_start3A_30, %dma_start3A_37, %dma_start3A_38] : memref<2x2x128xi32, #tpu.memory_space<vmem>> -> memref<1x2x128xi32, #tpu.memory_space<vmem>>
    %dma_start3A_40 = tpu.memref_squeeze %dma_start3A_39 : memref<1x2x128xi32, #tpu.memory_space<vmem>> -> memref<2x128xi32, #tpu.memory_space<vmem>>
    %dma_start3A_41 = arith.constant 0 : i32
    %dma_start3A_42 = tpu.memref_slice %arg5[%add3A_17, %dma_start3A_41] : memref<2560x128xi32, #tpu.memory_space<hbm>> -> memref<2x128xi32, #tpu.memory_space<hbm>>
    tpu.enqueue_dma source(%dma_start3A_42 : memref<2x128xi32, #tpu.memory_space<hbm>>) target(%dma_start3A_40 : memref<2x128xi32, #tpu.memory_space<vmem>>) target_semaphore(%arg14 : memref<!tpu.dma_semaphore, #tpu.memory_space<semaphore_mem>>)
    %dma_start3A_43 = arith.constant 0 : i32
    %dma_start3A_44 = arith.constant 0 : i32
    %dma_start3A_45 = arith.constant 0 : i32
    %dma_start3A_46 = arith.constant 0 : i32
    %dma_start3A_47 = arith.constant 0 : i32
    %dma_start3A_48 = tpu.memref_slice %arg12[%dma_start3A_45, %dma_start3A_46, %dma_start3A_47] : memref<2x128x128xf32, #tpu.memory_space<vmem>> -> memref<1x128x128xf32, #tpu.memory_space<vmem>>
    %dma_start3A_49 = tpu.memref_squeeze %dma_start3A_48 : memref<1x128x128xf32, #tpu.memory_space<vmem>> -> memref<128x128xf32, #tpu.memory_space<vmem>>
    %dma_start3A_50 = arith.constant 0 : i32
    %dma_start3A_51 = tpu.memref_slice %arg10[%dma_start3A_43, %dma_start3A_44, %dma_start3A_50] : memref<2x2x128xi32, #tpu.memory_space<vmem>> -> memref<1x1x128xi32, #tpu.memory_space<vmem>>
    %dma_start3A_52 = tpu.memref_squeeze %dma_start3A_51 : memref<1x1x128xi32, #tpu.memory_space<vmem>> -> memref<128xi32, #tpu.memory_space<vmem>>
    %dma_start3A_53 = arith.constant 0 : i32
    %dma_start3A_54 = arith.constant 0 : i32
    %dma_start3A_55 = tpu.memref_slice %arg2[%dma_start3A_53, %dma_start3A_54] : memref<10240x128xf32, #tpu.memory_space<hbm>> -> memref<10240x128xf32, #tpu.memory_space<hbm>>
    tpu.enqueue_indirect_dma source(%dma_start3A_55 : memref<10240x128xf32, #tpu.memory_space<hbm>>) target(%dma_start3A_49 : memref<128x128xf32, #tpu.memory_space<vmem>>) offsets(%dma_start3A_52 : memref<128xi32, #tpu.memory_space<vmem>>) semaphore(%arg15 : memref<!tpu.dma_semaphore, #tpu.memory_space<semaphore_mem>>)
    %dma_start3A_56 = arith.constant 0 : i32
    %dma_start3A_57 = arith.constant 0 : i32
    %dma_start3A_58 = arith.constant 0 : i32
    %dma_start3A_59 = arith.constant 0 : i32
    %dma_start3A_60 = tpu.memref_slice %arg19[%dma_start3A_58, %dma_start3A_59] : memref<2x128xf32, #tpu.memory_space<vmem>> -> memref<1x128xf32, #tpu.memory_space<vmem>>
    %dma_start3A_61 = tpu.memref_squeeze %dma_start3A_60 : memref<1x128xf32, #tpu.memory_space<vmem>> -> memref<128xf32, #tpu.memory_space<vmem>>
    %dma_start3A_62 = arith.constant 0 : i32
    %dma_start3A_63 = tpu.memref_slice %arg10[%dma_start3A_56, %dma_start3A_57, %dma_start3A_62] : memref<2x2x128xi32, #tpu.memory_space<vmem>> -> memref<1x1x128xi32, #tpu.memory_space<vmem>>
    %dma_start3A_64 = tpu.memref_squeeze %dma_start3A_63 : memref<1x1x128xi32, #tpu.memory_space<vmem>> -> memref<128xi32, #tpu.memory_space<vmem>>
    %dma_start3A_65 = arith.constant 0 : i32
    %dma_start3A_66 = tpu.memref_slice %arg3[%dma_start3A_65] : memref<10240xf32, #tpu.memory_space<hbm>> -> memref<10240xf32, #tpu.memory_space<hbm>>
    tpu.enqueue_indirect_dma source(%dma_start3A_66 : memref<10240xf32, #tpu.memory_space<hbm>>) target(%dma_start3A_61 : memref<128xf32, #tpu.memory_space<vmem>>) offsets(%dma_start3A_64 : memref<128xi32, #tpu.memory_space<vmem>>) semaphore(%arg15 : memref<!tpu.dma_semaphore, #tpu.memory_space<semaphore_mem>>)
    %dma_start3A_67 = arith.constant 0 : i32
    %dma_start3A_68 = arith.constant 1 : i32
    %dma_start3A_69 = arith.constant 1 : i32
    %dma_start3A_70 = arith.constant 0 : i32
    %dma_start3A_71 = arith.constant 0 : i32
    %dma_start3A_72 = tpu.memref_slice %arg12[%dma_start3A_69, %dma_start3A_70, %dma_start3A_71] : memref<2x128x128xf32, #tpu.memory_space<vmem>> -> memref<1x128x128xf32, #tpu.memory_space<vmem>>
    %dma_start3A_73 = tpu.memref_squeeze %dma_start3A_72 : memref<1x128x128xf32, #tpu.memory_space<vmem>> -> memref<128x128xf32, #tpu.memory_space<vmem>>
    %dma_start3A_74 = arith.constant 0 : i32
    %dma_start3A_75 = tpu.memref_slice %arg10[%dma_start3A_67, %dma_start3A_68, %dma_start3A_74] : memref<2x2x128xi32, #tpu.memory_space<vmem>> -> memref<1x1x128xi32, #tpu.memory_space<vmem>>
    %dma_start3A_76 = tpu.memref_squeeze %dma_start3A_75 : memref<1x1x128xi32, #tpu.memory_space<vmem>> -> memref<128xi32, #tpu.memory_space<vmem>>
    %dma_start3A_77 = arith.constant 0 : i32
    %dma_start3A_78 = arith.constant 0 : i32
    %dma_start3A_79 = tpu.memref_slice %arg2[%dma_start3A_77, %dma_start3A_78] : memref<10240x128xf32, #tpu.memory_space<hbm>> -> memref<10240x128xf32, #tpu.memory_space<hbm>>
    tpu.enqueue_indirect_dma source(%dma_start3A_79 : memref<10240x128xf32, #tpu.memory_space<hbm>>) target(%dma_start3A_73 : memref<128x128xf32, #tpu.memory_space<vmem>>) offsets(%dma_start3A_76 : memref<128xi32, #tpu.memory_space<vmem>>) semaphore(%arg16 : memref<!tpu.dma_semaphore, #tpu.memory_space<semaphore_mem>>)
    %dma_start3A_80 = arith.constant 0 : i32
    %dma_start3A_81 = arith.constant 1 : i32
    %dma_start3A_82 = arith.constant 1 : i32
    %dma_start3A_83 = arith.constant 0 : i32
    %dma_start3A_84 = tpu.memref_slice %arg19[%dma_start3A_82, %dma_start3A_83] : memref<2x128xf32, #tpu.memory_space<vmem>> -> memref<1x128xf32, #tpu.memory_space<vmem>>
    %dma_start3A_85 = tpu.memref_squeeze %dma_start3A_84 : memref<1x128xf32, #tpu.memory_space<vmem>> -> memref<128xf32, #tpu.memory_space<vmem>>
    %dma_start3A_86 = arith.constant 0 : i32
    %dma_start3A_87 = tpu.memref_slice %arg10[%dma_start3A_80, %dma_start3A_81, %dma_start3A_86] : memref<2x2x128xi32, #tpu.memory_space<vmem>> -> memref<1x1x128xi32, #tpu.memory_space<vmem>>
    %dma_start3A_88 = tpu.memref_squeeze %dma_start3A_87 : memref<1x1x128xi32, #tpu.memory_space<vmem>> -> memref<128xi32, #tpu.memory_space<vmem>>
    %dma_start3A_89 = arith.constant 0 : i32
    %dma_start3A_90 = tpu.memref_slice %arg3[%dma_start3A_89] : memref<10240xf32, #tpu.memory_space<hbm>> -> memref<10240xf32, #tpu.memory_space<hbm>>
    tpu.enqueue_indirect_dma source(%dma_start3A_90 : memref<10240xf32, #tpu.memory_space<hbm>>) target(%dma_start3A_85 : memref<128xf32, #tpu.memory_space<vmem>>) offsets(%dma_start3A_88 : memref<128xi32, #tpu.memory_space<vmem>>) semaphore(%arg16 : memref<!tpu.dma_semaphore, #tpu.memory_space<semaphore_mem>>)
    %sub3A = arith.constant 1 : i32
    %sub3A_91 = arith.subi %select_n3A, %sub3A : i32
    %while3A = arith.constant 0 : i32
    %while3A_92 = arith.constant 0 : i32
    %while3A_93 = arith.subi %sub3A_91, %while3A_92 : i32
    %while3A_94 = arith.addi %while3A_92, %while3A_93 : i32
    %while3A_95 = arith.constant 1 : i32
    %while3A_96 = arith.divsi %while3A_93, %while3A_95 : i32
    %while3A_97 = arith.muli %while3A_96, %while3A_95 : i32
    %while3A_98 = arith.addi %while3A_92, %while3A_97 : i32
    %while3A_99 = arith.constant 1 : i32
    scf.for %while3A_484 = %while3A_92 to %while3A_98 step %while3A_99  : i32 {
      %rem3A = arith.constant 2 : i32
      %rem3A_485 = arith.remsi %while3A_484, %rem3A : i32
      %add3A_486 = arith.constant 1 : i32
      %add3A_487 = arith.addi %while3A_484, %add3A_486 : i32
      %rem3A_488 = arith.constant 2 : i32
      %rem3A_489 = arith.remsi %add3A_487, %rem3A_488 : i32
      %dma_wait3A_490 = arith.constant 0 : i32
      %dma_wait3A_491 = arith.constant 0 : i32
      %dma_wait3A_492 = arith.constant 0 : i32
      %dma_wait3A_493 = arith.constant 0 : i32
      %dma_wait3A_494 = arith.constant 0 : i32
      %dma_wait3A_495 = tpu.memref_slice %arg12[%dma_wait3A_492, %dma_wait3A_493, %dma_wait3A_494] : memref<2x128x128xf32, #tpu.memory_space<vmem>> -> memref<1x128x128xf32, #tpu.memory_space<vmem>>
      %dma_wait3A_496 = tpu.memref_squeeze %dma_wait3A_495 : memref<1x128x128xf32, #tpu.memory_space<vmem>> -> memref<128x128xf32, #tpu.memory_space<vmem>>
      %dma_wait3A_497 = arith.constant 0 : i32
      %dma_wait3A_498 = tpu.memref_slice %arg10[%dma_wait3A_490, %dma_wait3A_491, %dma_wait3A_497] : memref<2x2x128xi32, #tpu.memory_space<vmem>> -> memref<1x1x128xi32, #tpu.memory_space<vmem>>
      %dma_wait3A_499 = tpu.memref_squeeze %dma_wait3A_498 : memref<1x1x128xi32, #tpu.memory_space<vmem>> -> memref<128xi32, #tpu.memory_space<vmem>>
      %dma_wait3A_500 = arith.constant 0 : i32
      %dma_wait3A_501 = arith.constant 0 : i32
      %dma_wait3A_502 = tpu.memref_slice %arg2[%dma_wait3A_500, %dma_wait3A_501] : memref<10240x128xf32, #tpu.memory_space<hbm>> -> memref<10240x128xf32, #tpu.memory_space<hbm>>
      tpu.wait_indirect_dma semaphore(%arg15 : memref<!tpu.dma_semaphore, #tpu.memory_space<semaphore_mem>>) src(%dma_wait3A_502 : memref<10240x128xf32, #tpu.memory_space<hbm>>) dst(%dma_wait3A_496 : memref<128x128xf32, #tpu.memory_space<vmem>>)
      %dma_wait3A_503 = arith.constant 0 : i32
      %dma_wait3A_504 = arith.constant 0 : i32
      %dma_wait3A_505 = arith.constant 0 : i32
      %dma_wait3A_506 = arith.constant 0 : i32
      %dma_wait3A_507 = tpu.memref_slice %arg19[%dma_wait3A_505, %dma_wait3A_506] : memref<2x128xf32, #tpu.memory_space<vmem>> -> memref<1x128xf32, #tpu.memory_space<vmem>>
      %dma_wait3A_508 = tpu.memref_squeeze %dma_wait3A_507 : memref<1x128xf32, #tpu.memory_space<vmem>> -> memref<128xf32, #tpu.memory_space<vmem>>
      %dma_wait3A_509 = arith.constant 0 : i32
      %dma_wait3A_510 = tpu.memref_slice %arg10[%dma_wait3A_503, %dma_wait3A_504, %dma_wait3A_509] : memref<2x2x128xi32, #tpu.memory_space<vmem>> -> memref<1x1x128xi32, #tpu.memory_space<vmem>>
      %dma_wait3A_511 = tpu.memref_squeeze %dma_wait3A_510 : memref<1x1x128xi32, #tpu.memory_space<vmem>> -> memref<128xi32, #tpu.memory_space<vmem>>
      %dma_wait3A_512 = arith.constant 0 : i32
      %dma_wait3A_513 = tpu.memref_slice %arg3[%dma_wait3A_512] : memref<10240xf32, #tpu.memory_space<hbm>> -> memref<10240xf32, #tpu.memory_space<hbm>>
      tpu.wait_indirect_dma semaphore(%arg15 : memref<!tpu.dma_semaphore, #tpu.memory_space<semaphore_mem>>) src(%dma_wait3A_513 : memref<10240xf32, #tpu.memory_space<hbm>>) dst(%dma_wait3A_508 : memref<128xf32, #tpu.memory_space<vmem>>)
      %dma_start3A_514 = arith.constant 0 : i32
      %dma_start3A_515 = arith.constant 0 : i32
      %dma_start3A_516 = arith.constant 0 : i32
      %dma_start3A_517 = arith.constant 0 : i32
      %dma_start3A_518 = tpu.memref_slice %arg12[%dma_start3A_514, %dma_start3A_516, %dma_start3A_517] : memref<2x128x128xf32, #tpu.memory_space<vmem>> -> memref<1x128x128xf32, #tpu.memory_space<vmem>>
      %dma_start3A_519 = tpu.memref_squeeze %dma_start3A_518 : memref<1x128x128xf32, #tpu.memory_space<vmem>> -> memref<128x128xf32, #tpu.memory_space<vmem>>
      %dma_start3A_520 = arith.constant 0 : i32
      %dma_start3A_521 = tpu.memref_slice %arg11[%rem3A_485, %dma_start3A_515, %dma_start3A_520] : memref<2x2x128xi32, #tpu.memory_space<vmem>> -> memref<1x1x128xi32, #tpu.memory_space<vmem>>
      %dma_start3A_522 = tpu.memref_squeeze %dma_start3A_521 : memref<1x1x128xi32, #tpu.memory_space<vmem>> -> memref<128xi32, #tpu.memory_space<vmem>>
      %dma_start3A_523 = arith.constant 0 : i32
      %dma_start3A_524 = arith.constant 0 : i32
      %dma_start3A_525 = tpu.memref_slice %arg13[%dma_start3A_523, %dma_start3A_524] : memref<10240x128xf32, #tpu.memory_space<vmem_shared>> -> memref<10240x128xf32, #tpu.memory_space<vmem_shared>>
      tpu.enqueue_indirect_dma source(%dma_start3A_519 : memref<128x128xf32, #tpu.memory_space<vmem>>) target(%dma_start3A_525 : memref<10240x128xf32, #tpu.memory_space<vmem_shared>>) offsets(%dma_start3A_522 : memref<128xi32, #tpu.memory_space<vmem>>) semaphore(%arg17 : memref<!tpu.dma_semaphore, #tpu.memory_space<semaphore_mem>>) {add = true}
      %dma_start3A_526 = arith.constant 0 : i32
      %dma_start3A_527 = arith.constant 0 : i32
      %dma_start3A_528 = arith.constant 0 : i32
      %dma_start3A_529 = tpu.memref_slice %arg19[%dma_start3A_526, %dma_start3A_528] : memref<2x128xf32, #tpu.memory_space<vmem>> -> memref<1x128xf32, #tpu.memory_space<vmem>>
      %dma_start3A_530 = tpu.memref_squeeze %dma_start3A_529 : memref<1x128xf32, #tpu.memory_space<vmem>> -> memref<128xf32, #tpu.memory_space<vmem>>
      %dma_start3A_531 = arith.constant 0 : i32
      %dma_start3A_532 = tpu.memref_slice %arg11[%rem3A_485, %dma_start3A_527, %dma_start3A_531] : memref<2x2x128xi32, #tpu.memory_space<vmem>> -> memref<1x1x128xi32, #tpu.memory_space<vmem>>
      %dma_start3A_533 = tpu.memref_squeeze %dma_start3A_532 : memref<1x1x128xi32, #tpu.memory_space<vmem>> -> memref<128xi32, #tpu.memory_space<vmem>>
      %dma_start3A_534 = arith.constant 0 : i32
      %dma_start3A_535 = tpu.memref_slice %arg20[%dma_start3A_534] : memref<10240xf32, #tpu.memory_space<vmem_shared>> -> memref<10240xf32, #tpu.memory_space<vmem_shared>>
      tpu.enqueue_indirect_dma source(%dma_start3A_530 : memref<128xf32, #tpu.memory_space<vmem>>) target(%dma_start3A_535 : memref<10240xf32, #tpu.memory_space<vmem_shared>>) offsets(%dma_start3A_533 : memref<128xi32, #tpu.memory_space<vmem>>) semaphore(%arg17 : memref<!tpu.dma_semaphore, #tpu.memory_space<semaphore_mem>>) {add = true}
      %dma_wait3A_536 = arith.constant 0 : i32
      %dma_wait3A_537 = arith.constant 0 : i32
      %dma_wait3A_538 = arith.constant 1 : i32
      %dma_wait3A_539 = arith.constant 0 : i32
      %dma_wait3A_540 = arith.constant 0 : i32
      %dma_wait3A_541 = tpu.memref_slice %arg12[%dma_wait3A_538, %dma_wait3A_539, %dma_wait3A_540] : memref<2x128x128xf32, #tpu.memory_space<vmem>> -> memref<1x128x128xf32, #tpu.memory_space<vmem>>
      %dma_wait3A_542 = tpu.memref_squeeze %dma_wait3A_541 : memref<1x128x128xf32, #tpu.memory_space<vmem>> -> memref<128x128xf32, #tpu.memory_space<vmem>>
      %dma_wait3A_543 = arith.constant 0 : i32
      %dma_wait3A_544 = tpu.memref_slice %arg10[%dma_wait3A_536, %dma_wait3A_537, %dma_wait3A_543] : memref<2x2x128xi32, #tpu.memory_space<vmem>> -> memref<1x1x128xi32, #tpu.memory_space<vmem>>
      %dma_wait3A_545 = tpu.memref_squeeze %dma_wait3A_544 : memref<1x1x128xi32, #tpu.memory_space<vmem>> -> memref<128xi32, #tpu.memory_space<vmem>>
      %dma_wait3A_546 = arith.constant 0 : i32
      %dma_wait3A_547 = arith.constant 0 : i32
      %dma_wait3A_548 = tpu.memref_slice %arg2[%dma_wait3A_546, %dma_wait3A_547] : memref<10240x128xf32, #tpu.memory_space<hbm>> -> memref<10240x128xf32, #tpu.memory_space<hbm>>
      tpu.wait_indirect_dma semaphore(%arg16 : memref<!tpu.dma_semaphore, #tpu.memory_space<semaphore_mem>>) src(%dma_wait3A_548 : memref<10240x128xf32, #tpu.memory_space<hbm>>) dst(%dma_wait3A_542 : memref<128x128xf32, #tpu.memory_space<vmem>>)
      %dma_wait3A_549 = arith.constant 0 : i32
      %dma_wait3A_550 = arith.constant 0 : i32
      %dma_wait3A_551 = arith.constant 1 : i32
      %dma_wait3A_552 = arith.constant 0 : i32
      %dma_wait3A_553 = tpu.memref_slice %arg19[%dma_wait3A_551, %dma_wait3A_552] : memref<2x128xf32, #tpu.memory_space<vmem>> -> memref<1x128xf32, #tpu.memory_space<vmem>>
      %dma_wait3A_554 = tpu.memref_squeeze %dma_wait3A_553 : memref<1x128xf32, #tpu.memory_space<vmem>> -> memref<128xf32, #tpu.memory_space<vmem>>
      %dma_wait3A_555 = arith.constant 0 : i32
      %dma_wait3A_556 = tpu.memref_slice %arg10[%dma_wait3A_549, %dma_wait3A_550, %dma_wait3A_555] : memref<2x2x128xi32, #tpu.memory_space<vmem>> -> memref<1x1x128xi32, #tpu.memory_space<vmem>>
      %dma_wait3A_557 = tpu.memref_squeeze %dma_wait3A_556 : memref<1x1x128xi32, #tpu.memory_space<vmem>> -> memref<128xi32, #tpu.memory_space<vmem>>
      %dma_wait3A_558 = arith.constant 0 : i32
      %dma_wait3A_559 = tpu.memref_slice %arg3[%dma_wait3A_558] : memref<10240xf32, #tpu.memory_space<hbm>> -> memref<10240xf32, #tpu.memory_space<hbm>>
      tpu.wait_indirect_dma semaphore(%arg16 : memref<!tpu.dma_semaphore, #tpu.memory_space<semaphore_mem>>) src(%dma_wait3A_559 : memref<10240xf32, #tpu.memory_space<hbm>>) dst(%dma_wait3A_554 : memref<128xf32, #tpu.memory_space<vmem>>)
      %dma_start3A_560 = arith.constant 1 : i32
      %dma_start3A_561 = arith.constant 1 : i32
      %dma_start3A_562 = arith.constant 0 : i32
      %dma_start3A_563 = arith.constant 0 : i32
      %dma_start3A_564 = tpu.memref_slice %arg12[%dma_start3A_560, %dma_start3A_562, %dma_start3A_563] : memref<2x128x128xf32, #tpu.memory_space<vmem>> -> memref<1x128x128xf32, #tpu.memory_space<vmem>>
      %dma_start3A_565 = tpu.memref_squeeze %dma_start3A_564 : memref<1x128x128xf32, #tpu.memory_space<vmem>> -> memref<128x128xf32, #tpu.memory_space<vmem>>
      %dma_start3A_566 = arith.constant 0 : i32
      %dma_start3A_567 = tpu.memref_slice %arg11[%rem3A_485, %dma_start3A_561, %dma_start3A_566] : memref<2x2x128xi32, #tpu.memory_space<vmem>> -> memref<1x1x128xi32, #tpu.memory_space<vmem>>
      %dma_start3A_568 = tpu.memref_squeeze %dma_start3A_567 : memref<1x1x128xi32, #tpu.memory_space<vmem>> -> memref<128xi32, #tpu.memory_space<vmem>>
      %dma_start3A_569 = arith.constant 0 : i32
      %dma_start3A_570 = arith.constant 0 : i32
      %dma_start3A_571 = tpu.memref_slice %arg13[%dma_start3A_569, %dma_start3A_570] : memref<10240x128xf32, #tpu.memory_space<vmem_shared>> -> memref<10240x128xf32, #tpu.memory_space<vmem_shared>>
      tpu.enqueue_indirect_dma source(%dma_start3A_565 : memref<128x128xf32, #tpu.memory_space<vmem>>) target(%dma_start3A_571 : memref<10240x128xf32, #tpu.memory_space<vmem_shared>>) offsets(%dma_start3A_568 : memref<128xi32, #tpu.memory_space<vmem>>) semaphore(%arg18 : memref<!tpu.dma_semaphore, #tpu.memory_space<semaphore_mem>>) {add = true}
      %dma_start3A_572 = arith.constant 1 : i32
      %dma_start3A_573 = arith.constant 1 : i32
      %dma_start3A_574 = arith.constant 0 : i32
      %dma_start3A_575 = tpu.memref_slice %arg19[%dma_start3A_572, %dma_start3A_574] : memref<2x128xf32, #tpu.memory_space<vmem>> -> memref<1x128xf32, #tpu.memory_space<vmem>>
      %dma_start3A_576 = tpu.memref_squeeze %dma_start3A_575 : memref<1x128xf32, #tpu.memory_space<vmem>> -> memref<128xf32, #tpu.memory_space<vmem>>
      %dma_start3A_577 = arith.constant 0 : i32
      %dma_start3A_578 = tpu.memref_slice %arg11[%rem3A_485, %dma_start3A_573, %dma_start3A_577] : memref<2x2x128xi32, #tpu.memory_space<vmem>> -> memref<1x1x128xi32, #tpu.memory_space<vmem>>
      %dma_start3A_579 = tpu.memref_squeeze %dma_start3A_578 : memref<1x1x128xi32, #tpu.memory_space<vmem>> -> memref<128xi32, #tpu.memory_space<vmem>>
      %dma_start3A_580 = arith.constant 0 : i32
      %dma_start3A_581 = tpu.memref_slice %arg20[%dma_start3A_580] : memref<10240xf32, #tpu.memory_space<vmem_shared>> -> memref<10240xf32, #tpu.memory_space<vmem_shared>>
      tpu.enqueue_indirect_dma source(%dma_start3A_576 : memref<128xf32, #tpu.memory_space<vmem>>) target(%dma_start3A_581 : memref<10240xf32, #tpu.memory_space<vmem_shared>>) offsets(%dma_start3A_579 : memref<128xi32, #tpu.memory_space<vmem>>) semaphore(%arg18 : memref<!tpu.dma_semaphore, #tpu.memory_space<semaphore_mem>>) {add = true}
      %dma_wait3A_582 = arith.constant 0 : i32
      %dma_wait3A_583 = arith.constant 0 : i32
      %dma_wait3A_584 = arith.constant 0 : i32
      %dma_wait3A_585 = tpu.memref_slice %arg10[%dma_wait3A_582, %dma_wait3A_583, %dma_wait3A_584] : memref<2x2x128xi32, #tpu.memory_space<vmem>> -> memref<1x2x128xi32, #tpu.memory_space<vmem>>
      %dma_wait3A_586 = tpu.memref_squeeze %dma_wait3A_585 : memref<1x2x128xi32, #tpu.memory_space<vmem>> -> memref<2x128xi32, #tpu.memory_space<vmem>>
      %dma_wait3A_587 = arith.constant 0 : i32
      %dma_wait3A_588 = arith.constant 0 : i32
      %dma_wait3A_589 = tpu.memref_slice %arg4[%dma_wait3A_587, %dma_wait3A_588] : memref<2560x128xi32, #tpu.memory_space<hbm>> -> memref<2x128xi32, #tpu.memory_space<hbm>>
      %dma_wait3A_590 = arith.constant 0 : i32
      %dma_wait3A_591 = arith.constant 0 : i32
      %dma_wait3A_592 = tpu.memref_slice %arg10[%dma_wait3A_582, %dma_wait3A_590, %dma_wait3A_591] : memref<2x2x128xi32, #tpu.memory_space<vmem>> -> memref<1x2x128xi32, #tpu.memory_space<vmem>>
      %dma_wait3A_593 = tpu.memref_squeeze %dma_wait3A_592 : memref<1x2x128xi32, #tpu.memory_space<vmem>> -> memref<2x128xi32, #tpu.memory_space<vmem>>
      %dma_wait3A_594 = arith.constant 0 : i32
      %dma_wait3A_595 = arith.constant 0 : i32
      %dma_wait3A_596 = tpu.memref_slice %arg4[%dma_wait3A_594, %dma_wait3A_595] : memref<2560x128xi32, #tpu.memory_space<hbm>> -> memref<2x128xi32, #tpu.memory_space<hbm>>
      tpu.wait_dma2 semaphore(%arg14 : memref<!tpu.dma_semaphore, #tpu.memory_space<semaphore_mem>>) src(%dma_wait3A_596 : memref<2x128xi32, #tpu.memory_space<hbm>>) dst(%dma_wait3A_593 : memref<2x128xi32, #tpu.memory_space<vmem>>)
      %dma_wait3A_597 = arith.constant 0 : i32
      %dma_wait3A_598 = arith.constant 0 : i32
      %dma_wait3A_599 = arith.constant 0 : i32
      %dma_wait3A_600 = tpu.memref_slice %arg11[%dma_wait3A_597, %dma_wait3A_598, %dma_wait3A_599] : memref<2x2x128xi32, #tpu.memory_space<vmem>> -> memref<1x2x128xi32, #tpu.memory_space<vmem>>
      %dma_wait3A_601 = tpu.memref_squeeze %dma_wait3A_600 : memref<1x2x128xi32, #tpu.memory_space<vmem>> -> memref<2x128xi32, #tpu.memory_space<vmem>>
      %dma_wait3A_602 = arith.constant 0 : i32
      %dma_wait3A_603 = arith.constant 0 : i32
      %dma_wait3A_604 = tpu.memref_slice %arg5[%dma_wait3A_602, %dma_wait3A_603] : memref<2560x128xi32, #tpu.memory_space<hbm>> -> memref<2x128xi32, #tpu.memory_space<hbm>>
      %dma_wait3A_605 = arith.constant 0 : i32
      %dma_wait3A_606 = arith.constant 0 : i32
      %dma_wait3A_607 = tpu.memref_slice %arg11[%dma_wait3A_597, %dma_wait3A_605, %dma_wait3A_606] : memref<2x2x128xi32, #tpu.memory_space<vmem>> -> memref<1x2x128xi32, #tpu.memory_space<vmem>>
      %dma_wait3A_608 = tpu.memref_squeeze %dma_wait3A_607 : memref<1x2x128xi32, #tpu.memory_space<vmem>> -> memref<2x128xi32, #tpu.memory_space<vmem>>
      %dma_wait3A_609 = arith.constant 0 : i32
      %dma_wait3A_610 = arith.constant 0 : i32
      %dma_wait3A_611 = tpu.memref_slice %arg5[%dma_wait3A_609, %dma_wait3A_610] : memref<2560x128xi32, #tpu.memory_space<hbm>> -> memref<2x128xi32, #tpu.memory_space<hbm>>
      tpu.wait_dma2 semaphore(%arg14 : memref<!tpu.dma_semaphore, #tpu.memory_space<semaphore_mem>>) src(%dma_wait3A_611 : memref<2x128xi32, #tpu.memory_space<hbm>>) dst(%dma_wait3A_608 : memref<2x128xi32, #tpu.memory_space<vmem>>)
      %dma_wait3A_612 = arith.constant 0 : i32
      %dma_wait3A_613 = arith.constant 0 : i32
      %dma_wait3A_614 = arith.constant 0 : i32
      %dma_wait3A_615 = arith.constant 0 : i32
      %dma_wait3A_616 = arith.constant 0 : i32
      %dma_wait3A_617 = tpu.memref_slice %arg12[%dma_wait3A_612, %dma_wait3A_615, %dma_wait3A_616] : memref<2x128x128xf32, #tpu.memory_space<vmem>> -> memref<1x128x128xf32, #tpu.memory_space<vmem>>
      %dma_wait3A_618 = tpu.memref_squeeze %dma_wait3A_617 : memref<1x128x128xf32, #tpu.memory_space<vmem>> -> memref<128x128xf32, #tpu.memory_space<vmem>>
      %dma_wait3A_619 = arith.constant 0 : i32
      %dma_wait3A_620 = tpu.memref_slice %arg11[%dma_wait3A_613, %dma_wait3A_614, %dma_wait3A_619] : memref<2x2x128xi32, #tpu.memory_space<vmem>> -> memref<1x1x128xi32, #tpu.memory_space<vmem>>
      %dma_wait3A_621 = tpu.memref_squeeze %dma_wait3A_620 : memref<1x1x128xi32, #tpu.memory_space<vmem>> -> memref<128xi32, #tpu.memory_space<vmem>>
      %dma_wait3A_622 = arith.constant 0 : i32
      %dma_wait3A_623 = arith.constant 0 : i32
      %dma_wait3A_624 = tpu.memref_slice %arg13[%dma_wait3A_622, %dma_wait3A_623] : memref<10240x128xf32, #tpu.memory_space<vmem_shared>> -> memref<10240x128xf32, #tpu.memory_space<vmem_shared>>
      tpu.wait_indirect_dma semaphore(%arg17 : memref<!tpu.dma_semaphore, #tpu.memory_space<semaphore_mem>>) src(%dma_wait3A_618 : memref<128x128xf32, #tpu.memory_space<vmem>>) dst(%dma_wait3A_624 : memref<10240x128xf32, #tpu.memory_space<vmem_shared>>)
      %dma_wait3A_625 = arith.constant 0 : i32
      %dma_wait3A_626 = arith.constant 0 : i32
      %dma_wait3A_627 = arith.constant 0 : i32
      %dma_wait3A_628 = arith.constant 0 : i32
      %dma_wait3A_629 = tpu.memref_slice %arg19[%dma_wait3A_625, %dma_wait3A_628] : memref<2x128xf32, #tpu.memory_space<vmem>> -> memref<1x128xf32, #tpu.memory_space<vmem>>
      %dma_wait3A_630 = tpu.memref_squeeze %dma_wait3A_629 : memref<1x128xf32, #tpu.memory_space<vmem>> -> memref<128xf32, #tpu.memory_space<vmem>>
      %dma_wait3A_631 = arith.constant 0 : i32
      %dma_wait3A_632 = tpu.memref_slice %arg11[%dma_wait3A_626, %dma_wait3A_627, %dma_wait3A_631] : memref<2x2x128xi32, #tpu.memory_space<vmem>> -> memref<1x1x128xi32, #tpu.memory_space<vmem>>
      %dma_wait3A_633 = tpu.memref_squeeze %dma_wait3A_632 : memref<1x1x128xi32, #tpu.memory_space<vmem>> -> memref<128xi32, #tpu.memory_space<vmem>>
      %dma_wait3A_634 = arith.constant 0 : i32
      %dma_wait3A_635 = tpu.memref_slice %arg20[%dma_wait3A_634] : memref<10240xf32, #tpu.memory_space<vmem_shared>> -> memref<10240xf32, #tpu.memory_space<vmem_shared>>
      tpu.wait_indirect_dma semaphore(%arg17 : memref<!tpu.dma_semaphore, #tpu.memory_space<semaphore_mem>>) src(%dma_wait3A_630 : memref<128xf32, #tpu.memory_space<vmem>>) dst(%dma_wait3A_635 : memref<10240xf32, #tpu.memory_space<vmem_shared>>)
      %dma_wait3A_636 = arith.constant 1 : i32
      %dma_wait3A_637 = arith.constant 0 : i32
      %dma_wait3A_638 = arith.constant 0 : i32
      %dma_wait3A_639 = arith.constant 0 : i32
      %dma_wait3A_640 = arith.constant 0 : i32
      %dma_wait3A_641 = tpu.memref_slice %arg12[%dma_wait3A_636, %dma_wait3A_639, %dma_wait3A_640] : memref<2x128x128xf32, #tpu.memory_space<vmem>> -> memref<1x128x128xf32, #tpu.memory_space<vmem>>
      %dma_wait3A_642 = tpu.memref_squeeze %dma_wait3A_641 : memref<1x128x128xf32, #tpu.memory_space<vmem>> -> memref<128x128xf32, #tpu.memory_space<vmem>>
      %dma_wait3A_643 = arith.constant 0 : i32
      %dma_wait3A_644 = tpu.memref_slice %arg11[%dma_wait3A_637, %dma_wait3A_638, %dma_wait3A_643] : memref<2x2x128xi32, #tpu.memory_space<vmem>> -> memref<1x1x128xi32, #tpu.memory_space<vmem>>
      %dma_wait3A_645 = tpu.memref_squeeze %dma_wait3A_644 : memref<1x1x128xi32, #tpu.memory_space<vmem>> -> memref<128xi32, #tpu.memory_space<vmem>>
      %dma_wait3A_646 = arith.constant 0 : i32
      %dma_wait3A_647 = arith.constant 0 : i32
      %dma_wait3A_648 = tpu.memref_slice %arg13[%dma_wait3A_646, %dma_wait3A_647] : memref<10240x128xf32, #tpu.memory_space<vmem_shared>> -> memref<10240x128xf32, #tpu.memory_space<vmem_shared>>
      tpu.wait_indirect_dma semaphore(%arg18 : memref<!tpu.dma_semaphore, #tpu.memory_space<semaphore_mem>>) src(%dma_wait3A_642 : memref<128x128xf32, #tpu.memory_space<vmem>>) dst(%dma_wait3A_648 : memref<10240x128xf32, #tpu.memory_space<vmem_shared>>)
      %dma_wait3A_649 = arith.constant 1 : i32
      %dma_wait3A_650 = arith.constant 0 : i32
      %dma_wait3A_651 = arith.constant 0 : i32
      %dma_wait3A_652 = arith.constant 0 : i32
      %dma_wait3A_653 = tpu.memref_slice %arg19[%dma_wait3A_649, %dma_wait3A_652] : memref<2x128xf32, #tpu.memory_space<vmem>> -> memref<1x128xf32, #tpu.memory_space<vmem>>
      %dma_wait3A_654 = tpu.memref_squeeze %dma_wait3A_653 : memref<1x128xf32, #tpu.memory_space<vmem>> -> memref<128xf32, #tpu.memory_space<vmem>>
      %dma_wait3A_655 = arith.constant 0 : i32
      %dma_wait3A_656 = tpu.memref_slice %arg11[%dma_wait3A_650, %dma_wait3A_651, %dma_wait3A_655] : memref<2x2x128xi32, #tpu.memory_space<vmem>> -> memref<1x1x128xi32, #tpu.memory_space<vmem>>
      %dma_wait3A_657 = tpu.memref_squeeze %dma_wait3A_656 : memref<1x1x128xi32, #tpu.memory_space<vmem>> -> memref<128xi32, #tpu.memory_space<vmem>>
      %dma_wait3A_658 = arith.constant 0 : i32
      %dma_wait3A_659 = tpu.memref_slice %arg20[%dma_wait3A_658] : memref<10240xf32, #tpu.memory_space<vmem_shared>> -> memref<10240xf32, #tpu.memory_space<vmem_shared>>
      tpu.wait_indirect_dma semaphore(%arg18 : memref<!tpu.dma_semaphore, #tpu.memory_space<semaphore_mem>>) src(%dma_wait3A_654 : memref<128xf32, #tpu.memory_space<vmem>>) dst(%dma_wait3A_659 : memref<10240xf32, #tpu.memory_space<vmem_shared>>)
      %dma_start3A_660 = arith.constant 0 : i32
      %dma_start3A_661 = arith.constant 0 : i32
      %dma_start3A_662 = arith.constant 0 : i32
      %dma_start3A_663 = arith.constant 0 : i32
      %dma_start3A_664 = tpu.memref_slice %arg12[%dma_start3A_661, %dma_start3A_662, %dma_start3A_663] : memref<2x128x128xf32, #tpu.memory_space<vmem>> -> memref<1x128x128xf32, #tpu.memory_space<vmem>>
      %dma_start3A_665 = tpu.memref_squeeze %dma_start3A_664 : memref<1x128x128xf32, #tpu.memory_space<vmem>> -> memref<128x128xf32, #tpu.memory_space<vmem>>
      %dma_start3A_666 = arith.constant 0 : i32
      %dma_start3A_667 = tpu.memref_slice %arg10[%rem3A_489, %dma_start3A_660, %dma_start3A_666] : memref<2x2x128xi32, #tpu.memory_space<vmem>> -> memref<1x1x128xi32, #tpu.memory_space<vmem>>
      %dma_start3A_668 = tpu.memref_squeeze %dma_start3A_667 : memref<1x1x128xi32, #tpu.memory_space<vmem>> -> memref<128xi32, #tpu.memory_space<vmem>>
      %dma_start3A_669 = arith.constant 0 : i32
      %dma_start3A_670 = arith.constant 0 : i32
      %dma_start3A_671 = tpu.memref_slice %arg2[%dma_start3A_669, %dma_start3A_670] : memref<10240x128xf32, #tpu.memory_space<hbm>> -> memref<10240x128xf32, #tpu.memory_space<hbm>>
      tpu.enqueue_indirect_dma source(%dma_start3A_671 : memref<10240x128xf32, #tpu.memory_space<hbm>>) target(%dma_start3A_665 : memref<128x128xf32, #tpu.memory_space<vmem>>) offsets(%dma_start3A_668 : memref<128xi32, #tpu.memory_space<vmem>>) semaphore(%arg15 : memref<!tpu.dma_semaphore, #tpu.memory_space<semaphore_mem>>)
      %dma_start3A_672 = arith.constant 0 : i32
      %dma_start3A_673 = arith.constant 0 : i32
      %dma_start3A_674 = arith.constant 0 : i32
      %dma_start3A_675 = tpu.memref_slice %arg19[%dma_start3A_673, %dma_start3A_674] : memref<2x128xf32, #tpu.memory_space<vmem>> -> memref<1x128xf32, #tpu.memory_space<vmem>>
      %dma_start3A_676 = tpu.memref_squeeze %dma_start3A_675 : memref<1x128xf32, #tpu.memory_space<vmem>> -> memref<128xf32, #tpu.memory_space<vmem>>
      %dma_start3A_677 = arith.constant 0 : i32
      %dma_start3A_678 = tpu.memref_slice %arg10[%rem3A_489, %dma_start3A_672, %dma_start3A_677] : memref<2x2x128xi32, #tpu.memory_space<vmem>> -> memref<1x1x128xi32, #tpu.memory_space<vmem>>
      %dma_start3A_679 = tpu.memref_squeeze %dma_start3A_678 : memref<1x1x128xi32, #tpu.memory_space<vmem>> -> memref<128xi32, #tpu.memory_space<vmem>>
      %dma_start3A_680 = arith.constant 0 : i32
      %dma_start3A_681 = tpu.memref_slice %arg3[%dma_start3A_680] : memref<10240xf32, #tpu.memory_space<hbm>> -> memref<10240xf32, #tpu.memory_space<hbm>>
      tpu.enqueue_indirect_dma source(%dma_start3A_681 : memref<10240xf32, #tpu.memory_space<hbm>>) target(%dma_start3A_676 : memref<128xf32, #tpu.memory_space<vmem>>) offsets(%dma_start3A_679 : memref<128xi32, #tpu.memory_space<vmem>>) semaphore(%arg15 : memref<!tpu.dma_semaphore, #tpu.memory_space<semaphore_mem>>)
      %dma_start3A_682 = arith.constant 1 : i32
      %dma_start3A_683 = arith.constant 1 : i32
      %dma_start3A_684 = arith.constant 0 : i32
      %dma_start3A_685 = arith.constant 0 : i32
      %dma_start3A_686 = tpu.memref_slice %arg12[%dma_start3A_683, %dma_start3A_684, %dma_start3A_685] : memref<2x128x128xf32, #tpu.memory_space<vmem>> -> memref<1x128x128xf32, #tpu.memory_space<vmem>>
      %dma_start3A_687 = tpu.memref_squeeze %dma_start3A_686 : memref<1x128x128xf32, #tpu.memory_space<vmem>> -> memref<128x128xf32, #tpu.memory_space<vmem>>
      %dma_start3A_688 = arith.constant 0 : i32
      %dma_start3A_689 = tpu.memref_slice %arg10[%rem3A_489, %dma_start3A_682, %dma_start3A_688] : memref<2x2x128xi32, #tpu.memory_space<vmem>> -> memref<1x1x128xi32, #tpu.memory_space<vmem>>
      %dma_start3A_690 = tpu.memref_squeeze %dma_start3A_689 : memref<1x1x128xi32, #tpu.memory_space<vmem>> -> memref<128xi32, #tpu.memory_space<vmem>>
      %dma_start3A_691 = arith.constant 0 : i32
      %dma_start3A_692 = arith.constant 0 : i32
      %dma_start3A_693 = tpu.memref_slice %arg2[%dma_start3A_691, %dma_start3A_692] : memref<10240x128xf32, #tpu.memory_space<hbm>> -> memref<10240x128xf32, #tpu.memory_space<hbm>>
      tpu.enqueue_indirect_dma source(%dma_start3A_693 : memref<10240x128xf32, #tpu.memory_space<hbm>>) target(%dma_start3A_687 : memref<128x128xf32, #tpu.memory_space<vmem>>) offsets(%dma_start3A_690 : memref<128xi32, #tpu.memory_space<vmem>>) semaphore(%arg16 : memref<!tpu.dma_semaphore, #tpu.memory_space<semaphore_mem>>)
      %dma_start3A_694 = arith.constant 1 : i32
      %dma_start3A_695 = arith.constant 1 : i32
      %dma_start3A_696 = arith.constant 0 : i32
      %dma_start3A_697 = tpu.memref_slice %arg19[%dma_start3A_695, %dma_start3A_696] : memref<2x128xf32, #tpu.memory_space<vmem>> -> memref<1x128xf32, #tpu.memory_space<vmem>>
      %dma_start3A_698 = tpu.memref_squeeze %dma_start3A_697 : memref<1x128xf32, #tpu.memory_space<vmem>> -> memref<128xf32, #tpu.memory_space<vmem>>
      %dma_start3A_699 = arith.constant 0 : i32
      %dma_start3A_700 = tpu.memref_slice %arg10[%rem3A_489, %dma_start3A_694, %dma_start3A_699] : memref<2x2x128xi32, #tpu.memory_space<vmem>> -> memref<1x1x128xi32, #tpu.memory_space<vmem>>
      %dma_start3A_701 = tpu.memref_squeeze %dma_start3A_700 : memref<1x1x128xi32, #tpu.memory_space<vmem>> -> memref<128xi32, #tpu.memory_space<vmem>>
      %dma_start3A_702 = arith.constant 0 : i32
      %dma_start3A_703 = tpu.memref_slice %arg3[%dma_start3A_702] : memref<10240xf32, #tpu.memory_space<hbm>> -> memref<10240xf32, #tpu.memory_space<hbm>>
      tpu.enqueue_indirect_dma source(%dma_start3A_703 : memref<10240xf32, #tpu.memory_space<hbm>>) target(%dma_start3A_698 : memref<128xf32, #tpu.memory_space<vmem>>) offsets(%dma_start3A_701 : memref<128xi32, #tpu.memory_space<vmem>>) semaphore(%arg16 : memref<!tpu.dma_semaphore, #tpu.memory_space<semaphore_mem>>)
      %add3A_704 = arith.constant 2 : i32
      %add3A_705 = arith.addi %while3A_484, %add3A_704 : i32
      %sub3A_706 = arith.constant 1 : i32
      %sub3A_707 = arith.subi %select_n3A, %sub3A_706 : i32
      %min3A = arith.minsi %add3A_705, %sub3A_707 : i32
      %mul3A_708 = arith.constant 2 : i32
      %mul3A_709 = arith.muli %min3A, %mul3A_708 : i32
      %add3A_710 = arith.addi %select_n3A_8, %mul3A_709 : i32
      %dma_start3A_711 = arith.constant 0 : i32
      %dma_start3A_712 = arith.constant 0 : i32
      %dma_start3A_713 = tpu.memref_slice %arg10[%rem3A_485, %dma_start3A_711, %dma_start3A_712] : memref<2x2x128xi32, #tpu.memory_space<vmem>> -> memref<1x2x128xi32, #tpu.memory_space<vmem>>
      %dma_start3A_714 = tpu.memref_squeeze %dma_start3A_713 : memref<1x2x128xi32, #tpu.memory_space<vmem>> -> memref<2x128xi32, #tpu.memory_space<vmem>>
      %dma_start3A_715 = arith.constant 0 : i32
      %dma_start3A_716 = tpu.memref_slice %arg4[%add3A_710, %dma_start3A_715] : memref<2560x128xi32, #tpu.memory_space<hbm>> -> memref<2x128xi32, #tpu.memory_space<hbm>>
      %dma_start3A_717 = arith.constant 0 : i32
      %dma_start3A_718 = arith.constant 0 : i32
      %dma_start3A_719 = tpu.memref_slice %arg10[%rem3A_485, %dma_start3A_717, %dma_start3A_718] : memref<2x2x128xi32, #tpu.memory_space<vmem>> -> memref<1x2x128xi32, #tpu.memory_space<vmem>>
      %dma_start3A_720 = tpu.memref_squeeze %dma_start3A_719 : memref<1x2x128xi32, #tpu.memory_space<vmem>> -> memref<2x128xi32, #tpu.memory_space<vmem>>
      %dma_start3A_721 = arith.constant 0 : i32
      %dma_start3A_722 = tpu.memref_slice %arg4[%add3A_710, %dma_start3A_721] : memref<2560x128xi32, #tpu.memory_space<hbm>> -> memref<2x128xi32, #tpu.memory_space<hbm>>
      tpu.enqueue_dma source(%dma_start3A_722 : memref<2x128xi32, #tpu.memory_space<hbm>>) target(%dma_start3A_720 : memref<2x128xi32, #tpu.memory_space<vmem>>) target_semaphore(%arg14 : memref<!tpu.dma_semaphore, #tpu.memory_space<semaphore_mem>>)
      %dma_start3A_723 = arith.constant 0 : i32
      %dma_start3A_724 = arith.constant 0 : i32
      %dma_start3A_725 = tpu.memref_slice %arg11[%rem3A_485, %dma_start3A_723, %dma_start3A_724] : memref<2x2x128xi32, #tpu.memory_space<vmem>> -> memref<1x2x128xi32, #tpu.memory_space<vmem>>
      %dma_start3A_726 = tpu.memref_squeeze %dma_start3A_725 : memref<1x2x128xi32, #tpu.memory_space<vmem>> -> memref<2x128xi32, #tpu.memory_space<vmem>>
      %dma_start3A_727 = arith.constant 0 : i32
      %dma_start3A_728 = tpu.memref_slice %arg5[%add3A_710, %dma_start3A_727] : memref<2560x128xi32, #tpu.memory_space<hbm>> -> memref<2x128xi32, #tpu.memory_space<hbm>>
      %dma_start3A_729 = arith.constant 0 : i32
      %dma_start3A_730 = arith.constant 0 : i32
      %dma_start3A_731 = tpu.memref_slice %arg11[%rem3A_485, %dma_start3A_729, %dma_start3A_730] : memref<2x2x128xi32, #tpu.memory_space<vmem>> -> memref<1x2x128xi32, #tpu.memory_space<vmem>>
      %dma_start3A_732 = tpu.memref_squeeze %dma_start3A_731 : memref<1x2x128xi32, #tpu.memory_space<vmem>> -> memref<2x128xi32, #tpu.memory_space<vmem>>
      %dma_start3A_733 = arith.constant 0 : i32
      %dma_start3A_734 = tpu.memref_slice %arg5[%add3A_710, %dma_start3A_733] : memref<2560x128xi32, #tpu.memory_space<hbm>> -> memref<2x128xi32, #tpu.memory_space<hbm>>
      tpu.enqueue_dma source(%dma_start3A_734 : memref<2x128xi32, #tpu.memory_space<hbm>>) target(%dma_start3A_732 : memref<2x128xi32, #tpu.memory_space<vmem>>) target_semaphore(%arg14 : memref<!tpu.dma_semaphore, #tpu.memory_space<semaphore_mem>>)
    }
    %while3A_100 = arith.constant 1 : i32
    scf.for %while3A_484 = %while3A_98 to %while3A_94 step %while3A_100  : i32 {
      %rem3A = arith.constant 2 : i32
      %rem3A_485 = arith.remsi %while3A_484, %rem3A : i32
      %add3A_486 = arith.constant 1 : i32
      %add3A_487 = arith.addi %while3A_484, %add3A_486 : i32
      %rem3A_488 = arith.constant 2 : i32
      %rem3A_489 = arith.remsi %add3A_487, %rem3A_488 : i32
      %dma_wait3A_490 = arith.constant 0 : i32
      %dma_wait3A_491 = arith.constant 0 : i32
      %dma_wait3A_492 = arith.constant 0 : i32
      %dma_wait3A_493 = arith.constant 0 : i32
      %dma_wait3A_494 = arith.constant 0 : i32
      %dma_wait3A_495 = tpu.memref_slice %arg12[%dma_wait3A_492, %dma_wait3A_493, %dma_wait3A_494] : memref<2x128x128xf32, #tpu.memory_space<vmem>> -> memref<1x128x128xf32, #tpu.memory_space<vmem>>
      %dma_wait3A_496 = tpu.memref_squeeze %dma_wait3A_495 : memref<1x128x128xf32, #tpu.memory_space<vmem>> -> memref<128x128xf32, #tpu.memory_space<vmem>>
      %dma_wait3A_497 = arith.constant 0 : i32
      %dma_wait3A_498 = tpu.memref_slice %arg10[%dma_wait3A_490, %dma_wait3A_491, %dma_wait3A_497] : memref<2x2x128xi32, #tpu.memory_space<vmem>> -> memref<1x1x128xi32, #tpu.memory_space<vmem>>
      %dma_wait3A_499 = tpu.memref_squeeze %dma_wait3A_498 : memref<1x1x128xi32, #tpu.memory_space<vmem>> -> memref<128xi32, #tpu.memory_space<vmem>>
      %dma_wait3A_500 = arith.constant 0 : i32
      %dma_wait3A_501 = arith.constant 0 : i32
      %dma_wait3A_502 = tpu.memref_slice %arg2[%dma_wait3A_500, %dma_wait3A_501] : memref<10240x128xf32, #tpu.memory_space<hbm>> -> memref<10240x128xf32, #tpu.memory_space<hbm>>
      tpu.wait_indirect_dma semaphore(%arg15 : memref<!tpu.dma_semaphore, #tpu.memory_space<semaphore_mem>>) src(%dma_wait3A_502 : memref<10240x128xf32, #tpu.memory_space<hbm>>) dst(%dma_wait3A_496 : memref<128x128xf32, #tpu.memory_space<vmem>>)
      %dma_wait3A_503 = arith.constant 0 : i32
      %dma_wait3A_504 = arith.constant 0 : i32
      %dma_wait3A_505 = arith.constant 0 : i32
      %dma_wait3A_506 = arith.constant 0 : i32
      %dma_wait3A_507 = tpu.memref_slice %arg19[%dma_wait3A_505, %dma_wait3A_506] : memref<2x128xf32, #tpu.memory_space<vmem>> -> memref<1x128xf32, #tpu.memory_space<vmem>>
      %dma_wait3A_508 = tpu.memref_squeeze %dma_wait3A_507 : memref<1x128xf32, #tpu.memory_space<vmem>> -> memref<128xf32, #tpu.memory_space<vmem>>
      %dma_wait3A_509 = arith.constant 0 : i32
      %dma_wait3A_510 = tpu.memref_slice %arg10[%dma_wait3A_503, %dma_wait3A_504, %dma_wait3A_509] : memref<2x2x128xi32, #tpu.memory_space<vmem>> -> memref<1x1x128xi32, #tpu.memory_space<vmem>>
      %dma_wait3A_511 = tpu.memref_squeeze %dma_wait3A_510 : memref<1x1x128xi32, #tpu.memory_space<vmem>> -> memref<128xi32, #tpu.memory_space<vmem>>
      %dma_wait3A_512 = arith.constant 0 : i32
      %dma_wait3A_513 = tpu.memref_slice %arg3[%dma_wait3A_512] : memref<10240xf32, #tpu.memory_space<hbm>> -> memref<10240xf32, #tpu.memory_space<hbm>>
      tpu.wait_indirect_dma semaphore(%arg15 : memref<!tpu.dma_semaphore, #tpu.memory_space<semaphore_mem>>) src(%dma_wait3A_513 : memref<10240xf32, #tpu.memory_space<hbm>>) dst(%dma_wait3A_508 : memref<128xf32, #tpu.memory_space<vmem>>)
      %dma_start3A_514 = arith.constant 0 : i32
      %dma_start3A_515 = arith.constant 0 : i32
      %dma_start3A_516 = arith.constant 0 : i32
      %dma_start3A_517 = arith.constant 0 : i32
      %dma_start3A_518 = tpu.memref_slice %arg12[%dma_start3A_514, %dma_start3A_516, %dma_start3A_517] : memref<2x128x128xf32, #tpu.memory_space<vmem>> -> memref<1x128x128xf32, #tpu.memory_space<vmem>>
      %dma_start3A_519 = tpu.memref_squeeze %dma_start3A_518 : memref<1x128x128xf32, #tpu.memory_space<vmem>> -> memref<128x128xf32, #tpu.memory_space<vmem>>
      %dma_start3A_520 = arith.constant 0 : i32
      %dma_start3A_521 = tpu.memref_slice %arg11[%rem3A_485, %dma_start3A_515, %dma_start3A_520] : memref<2x2x128xi32, #tpu.memory_space<vmem>> -> memref<1x1x128xi32, #tpu.memory_space<vmem>>
      %dma_start3A_522 = tpu.memref_squeeze %dma_start3A_521 : memref<1x1x128xi32, #tpu.memory_space<vmem>> -> memref<128xi32, #tpu.memory_space<vmem>>
      %dma_start3A_523 = arith.constant 0 : i32
      %dma_start3A_524 = arith.constant 0 : i32
      %dma_start3A_525 = tpu.memref_slice %arg13[%dma_start3A_523, %dma_start3A_524] : memref<10240x128xf32, #tpu.memory_space<vmem_shared>> -> memref<10240x128xf32, #tpu.memory_space<vmem_shared>>
      tpu.enqueue_indirect_dma source(%dma_start3A_519 : memref<128x128xf32, #tpu.memory_space<vmem>>) target(%dma_start3A_525 : memref<10240x128xf32, #tpu.memory_space<vmem_shared>>) offsets(%dma_start3A_522 : memref<128xi32, #tpu.memory_space<vmem>>) semaphore(%arg17 : memref<!tpu.dma_semaphore, #tpu.memory_space<semaphore_mem>>) {add = true}
      %dma_start3A_526 = arith.constant 0 : i32
      %dma_start3A_527 = arith.constant 0 : i32
      %dma_start3A_528 = arith.constant 0 : i32
      %dma_start3A_529 = tpu.memref_slice %arg19[%dma_start3A_526, %dma_start3A_528] : memref<2x128xf32, #tpu.memory_space<vmem>> -> memref<1x128xf32, #tpu.memory_space<vmem>>
      %dma_start3A_530 = tpu.memref_squeeze %dma_start3A_529 : memref<1x128xf32, #tpu.memory_space<vmem>> -> memref<128xf32, #tpu.memory_space<vmem>>
      %dma_start3A_531 = arith.constant 0 : i32
      %dma_start3A_532 = tpu.memref_slice %arg11[%rem3A_485, %dma_start3A_527, %dma_start3A_531] : memref<2x2x128xi32, #tpu.memory_space<vmem>> -> memref<1x1x128xi32, #tpu.memory_space<vmem>>
      %dma_start3A_533 = tpu.memref_squeeze %dma_start3A_532 : memref<1x1x128xi32, #tpu.memory_space<vmem>> -> memref<128xi32, #tpu.memory_space<vmem>>
      %dma_start3A_534 = arith.constant 0 : i32
      %dma_start3A_535 = tpu.memref_slice %arg20[%dma_start3A_534] : memref<10240xf32, #tpu.memory_space<vmem_shared>> -> memref<10240xf32, #tpu.memory_space<vmem_shared>>
      tpu.enqueue_indirect_dma source(%dma_start3A_530 : memref<128xf32, #tpu.memory_space<vmem>>) target(%dma_start3A_535 : memref<10240xf32, #tpu.memory_space<vmem_shared>>) offsets(%dma_start3A_533 : memref<128xi32, #tpu.memory_space<vmem>>) semaphore(%arg17 : memref<!tpu.dma_semaphore, #tpu.memory_space<semaphore_mem>>) {add = true}
      %dma_wait3A_536 = arith.constant 0 : i32
      %dma_wait3A_537 = arith.constant 0 : i32
      %dma_wait3A_538 = arith.constant 1 : i32
      %dma_wait3A_539 = arith.constant 0 : i32
      %dma_wait3A_540 = arith.constant 0 : i32
      %dma_wait3A_541 = tpu.memref_slice %arg12[%dma_wait3A_538, %dma_wait3A_539, %dma_wait3A_540] : memref<2x128x128xf32, #tpu.memory_space<vmem>> -> memref<1x128x128xf32, #tpu.memory_space<vmem>>
      %dma_wait3A_542 = tpu.memref_squeeze %dma_wait3A_541 : memref<1x128x128xf32, #tpu.memory_space<vmem>> -> memref<128x128xf32, #tpu.memory_space<vmem>>
      %dma_wait3A_543 = arith.constant 0 : i32
      %dma_wait3A_544 = tpu.memref_slice %arg10[%dma_wait3A_536, %dma_wait3A_537, %dma_wait3A_543] : memref<2x2x128xi32, #tpu.memory_space<vmem>> -> memref<1x1x128xi32, #tpu.memory_space<vmem>>
      %dma_wait3A_545 = tpu.memref_squeeze %dma_wait3A_544 : memref<1x1x128xi32, #tpu.memory_space<vmem>> -> memref<128xi32, #tpu.memory_space<vmem>>
      %dma_wait3A_546 = arith.constant 0 : i32
      %dma_wait3A_547 = arith.constant 0 : i32
      %dma_wait3A_548 = tpu.memref_slice %arg2[%dma_wait3A_546, %dma_wait3A_547] : memref<10240x128xf32, #tpu.memory_space<hbm>> -> memref<10240x128xf32, #tpu.memory_space<hbm>>
      tpu.wait_indirect_dma semaphore(%arg16 : memref<!tpu.dma_semaphore, #tpu.memory_space<semaphore_mem>>) src(%dma_wait3A_548 : memref<10240x128xf32, #tpu.memory_space<hbm>>) dst(%dma_wait3A_542 : memref<128x128xf32, #tpu.memory_space<vmem>>)
      %dma_wait3A_549 = arith.constant 0 : i32
      %dma_wait3A_550 = arith.constant 0 : i32
      %dma_wait3A_551 = arith.constant 1 : i32
      %dma_wait3A_552 = arith.constant 0 : i32
      %dma_wait3A_553 = tpu.memref_slice %arg19[%dma_wait3A_551, %dma_wait3A_552] : memref<2x128xf32, #tpu.memory_space<vmem>> -> memref<1x128xf32, #tpu.memory_space<vmem>>
      %dma_wait3A_554 = tpu.memref_squeeze %dma_wait3A_553 : memref<1x128xf32, #tpu.memory_space<vmem>> -> memref<128xf32, #tpu.memory_space<vmem>>
      %dma_wait3A_555 = arith.constant 0 : i32
      %dma_wait3A_556 = tpu.memref_slice %arg10[%dma_wait3A_549, %dma_wait3A_550, %dma_wait3A_555] : memref<2x2x128xi32, #tpu.memory_space<vmem>> -> memref<1x1x128xi32, #tpu.memory_space<vmem>>
      %dma_wait3A_557 = tpu.memref_squeeze %dma_wait3A_556 : memref<1x1x128xi32, #tpu.memory_space<vmem>> -> memref<128xi32, #tpu.memory_space<vmem>>
      %dma_wait3A_558 = arith.constant 0 : i32
      %dma_wait3A_559 = tpu.memref_slice %arg3[%dma_wait3A_558] : memref<10240xf32, #tpu.memory_space<hbm>> -> memref<10240xf32, #tpu.memory_space<hbm>>
      tpu.wait_indirect_dma semaphore(%arg16 : memref<!tpu.dma_semaphore, #tpu.memory_space<semaphore_mem>>) src(%dma_wait3A_559 : memref<10240xf32, #tpu.memory_space<hbm>>) dst(%dma_wait3A_554 : memref<128xf32, #tpu.memory_space<vmem>>)
      %dma_start3A_560 = arith.constant 1 : i32
      %dma_start3A_561 = arith.constant 1 : i32
      %dma_start3A_562 = arith.constant 0 : i32
      %dma_start3A_563 = arith.constant 0 : i32
      %dma_start3A_564 = tpu.memref_slice %arg12[%dma_start3A_560, %dma_start3A_562, %dma_start3A_563] : memref<2x128x128xf32, #tpu.memory_space<vmem>> -> memref<1x128x128xf32, #tpu.memory_space<vmem>>
      %dma_start3A_565 = tpu.memref_squeeze %dma_start3A_564 : memref<1x128x128xf32, #tpu.memory_space<vmem>> -> memref<128x128xf32, #tpu.memory_space<vmem>>
      %dma_start3A_566 = arith.constant 0 : i32
      %dma_start3A_567 = tpu.memref_slice %arg11[%rem3A_485, %dma_start3A_561, %dma_start3A_566] : memref<2x2x128xi32, #tpu.memory_space<vmem>> -> memref<1x1x128xi32, #tpu.memory_space<vmem>>
      %dma_start3A_568 = tpu.memref_squeeze %dma_start3A_567 : memref<1x1x128xi32, #tpu.memory_space<vmem>> -> memref<128xi32, #tpu.memory_space<vmem>>
      %dma_start3A_569 = arith.constant 0 : i32
      %dma_start3A_570 = arith.constant 0 : i32
      %dma_start3A_571 = tpu.memref_slice %arg13[%dma_start3A_569, %dma_start3A_570] : memref<10240x128xf32, #tpu.memory_space<vmem_shared>> -> memref<10240x128xf32, #tpu.memory_space<vmem_shared>>
      tpu.enqueue_indirect_dma source(%dma_start3A_565 : memref<128x128xf32, #tpu.memory_space<vmem>>) target(%dma_start3A_571 : memref<10240x128xf32, #tpu.memory_space<vmem_shared>>) offsets(%dma_start3A_568 : memref<128xi32, #tpu.memory_space<vmem>>) semaphore(%arg18 : memref<!tpu.dma_semaphore, #tpu.memory_space<semaphore_mem>>) {add = true}
      %dma_start3A_572 = arith.constant 1 : i32
      %dma_start3A_573 = arith.constant 1 : i32
      %dma_start3A_574 = arith.constant 0 : i32
      %dma_start3A_575 = tpu.memref_slice %arg19[%dma_start3A_572, %dma_start3A_574] : memref<2x128xf32, #tpu.memory_space<vmem>> -> memref<1x128xf32, #tpu.memory_space<vmem>>
      %dma_start3A_576 = tpu.memref_squeeze %dma_start3A_575 : memref<1x128xf32, #tpu.memory_space<vmem>> -> memref<128xf32, #tpu.memory_space<vmem>>
      %dma_start3A_577 = arith.constant 0 : i32
      %dma_start3A_578 = tpu.memref_slice %arg11[%rem3A_485, %dma_start3A_573, %dma_start3A_577] : memref<2x2x128xi32, #tpu.memory_space<vmem>> -> memref<1x1x128xi32, #tpu.memory_space<vmem>>
      %dma_start3A_579 = tpu.memref_squeeze %dma_start3A_578 : memref<1x1x128xi32, #tpu.memory_space<vmem>> -> memref<128xi32, #tpu.memory_space<vmem>>
      %dma_start3A_580 = arith.constant 0 : i32
      %dma_start3A_581 = tpu.memref_slice %arg20[%dma_start3A_580] : memref<10240xf32, #tpu.memory_space<vmem_shared>> -> memref<10240xf32, #tpu.memory_space<vmem_shared>>
      tpu.enqueue_indirect_dma source(%dma_start3A_576 : memref<128xf32, #tpu.memory_space<vmem>>) target(%dma_start3A_581 : memref<10240xf32, #tpu.memory_space<vmem_shared>>) offsets(%dma_start3A_579 : memref<128xi32, #tpu.memory_space<vmem>>) semaphore(%arg18 : memref<!tpu.dma_semaphore, #tpu.memory_space<semaphore_mem>>) {add = true}
      %dma_wait3A_582 = arith.constant 0 : i32
      %dma_wait3A_583 = arith.constant 0 : i32
      %dma_wait3A_584 = arith.constant 0 : i32
      %dma_wait3A_585 = tpu.memref_slice %arg10[%dma_wait3A_582, %dma_wait3A_583, %dma_wait3A_584] : memref<2x2x128xi32, #tpu.memory_space<vmem>> -> memref<1x2x128xi32, #tpu.memory_space<vmem>>
      %dma_wait3A_586 = tpu.memref_squeeze %dma_wait3A_585 : memref<1x2x128xi32, #tpu.memory_space<vmem>> -> memref<2x128xi32, #tpu.memory_space<vmem>>
      %dma_wait3A_587 = arith.constant 0 : i32
      %dma_wait3A_588 = arith.constant 0 : i32
      %dma_wait3A_589 = tpu.memref_slice %arg4[%dma_wait3A_587, %dma_wait3A_588] : memref<2560x128xi32, #tpu.memory_space<hbm>> -> memref<2x128xi32, #tpu.memory_space<hbm>>
      %dma_wait3A_590 = arith.constant 0 : i32
      %dma_wait3A_591 = arith.constant 0 : i32
      %dma_wait3A_592 = tpu.memref_slice %arg10[%dma_wait3A_582, %dma_wait3A_590, %dma_wait3A_591] : memref<2x2x128xi32, #tpu.memory_space<vmem>> -> memref<1x2x128xi32, #tpu.memory_space<vmem>>
      %dma_wait3A_593 = tpu.memref_squeeze %dma_wait3A_592 : memref<1x2x128xi32, #tpu.memory_space<vmem>> -> memref<2x128xi32, #tpu.memory_space<vmem>>
      %dma_wait3A_594 = arith.constant 0 : i32
      %dma_wait3A_595 = arith.constant 0 : i32
      %dma_wait3A_596 = tpu.memref_slice %arg4[%dma_wait3A_594, %dma_wait3A_595] : memref<2560x128xi32, #tpu.memory_space<hbm>> -> memref<2x128xi32, #tpu.memory_space<hbm>>
      tpu.wait_dma2 semaphore(%arg14 : memref<!tpu.dma_semaphore, #tpu.memory_space<semaphore_mem>>) src(%dma_wait3A_596 : memref<2x128xi32, #tpu.memory_space<hbm>>) dst(%dma_wait3A_593 : memref<2x128xi32, #tpu.memory_space<vmem>>)
      %dma_wait3A_597 = arith.constant 0 : i32
      %dma_wait3A_598 = arith.constant 0 : i32
      %dma_wait3A_599 = arith.constant 0 : i32
      %dma_wait3A_600 = tpu.memref_slice %arg11[%dma_wait3A_597, %dma_wait3A_598, %dma_wait3A_599] : memref<2x2x128xi32, #tpu.memory_space<vmem>> -> memref<1x2x128xi32, #tpu.memory_space<vmem>>
      %dma_wait3A_601 = tpu.memref_squeeze %dma_wait3A_600 : memref<1x2x128xi32, #tpu.memory_space<vmem>> -> memref<2x128xi32, #tpu.memory_space<vmem>>
      %dma_wait3A_602 = arith.constant 0 : i32
      %dma_wait3A_603 = arith.constant 0 : i32
      %dma_wait3A_604 = tpu.memref_slice %arg5[%dma_wait3A_602, %dma_wait3A_603] : memref<2560x128xi32, #tpu.memory_space<hbm>> -> memref<2x128xi32, #tpu.memory_space<hbm>>
      %dma_wait3A_605 = arith.constant 0 : i32
      %dma_wait3A_606 = arith.constant 0 : i32
      %dma_wait3A_607 = tpu.memref_slice %arg11[%dma_wait3A_597, %dma_wait3A_605, %dma_wait3A_606] : memref<2x2x128xi32, #tpu.memory_space<vmem>> -> memref<1x2x128xi32, #tpu.memory_space<vmem>>
      %dma_wait3A_608 = tpu.memref_squeeze %dma_wait3A_607 : memref<1x2x128xi32, #tpu.memory_space<vmem>> -> memref<2x128xi32, #tpu.memory_space<vmem>>
      %dma_wait3A_609 = arith.constant 0 : i32
      %dma_wait3A_610 = arith.constant 0 : i32
      %dma_wait3A_611 = tpu.memref_slice %arg5[%dma_wait3A_609, %dma_wait3A_610] : memref<2560x128xi32, #tpu.memory_space<hbm>> -> memref<2x128xi32, #tpu.memory_space<hbm>>
      tpu.wait_dma2 semaphore(%arg14 : memref<!tpu.dma_semaphore, #tpu.memory_space<semaphore_mem>>) src(%dma_wait3A_611 : memref<2x128xi32, #tpu.memory_space<hbm>>) dst(%dma_wait3A_608 : memref<2x128xi32, #tpu.memory_space<vmem>>)
      %dma_wait3A_612 = arith.constant 0 : i32
      %dma_wait3A_613 = arith.constant 0 : i32
      %dma_wait3A_614 = arith.constant 0 : i32
      %dma_wait3A_615 = arith.constant 0 : i32
      %dma_wait3A_616 = arith.constant 0 : i32
      %dma_wait3A_617 = tpu.memref_slice %arg12[%dma_wait3A_612, %dma_wait3A_615, %dma_wait3A_616] : memref<2x128x128xf32, #tpu.memory_space<vmem>> -> memref<1x128x128xf32, #tpu.memory_space<vmem>>
      %dma_wait3A_618 = tpu.memref_squeeze %dma_wait3A_617 : memref<1x128x128xf32, #tpu.memory_space<vmem>> -> memref<128x128xf32, #tpu.memory_space<vmem>>
      %dma_wait3A_619 = arith.constant 0 : i32
      %dma_wait3A_620 = tpu.memref_slice %arg11[%dma_wait3A_613, %dma_wait3A_614, %dma_wait3A_619] : memref<2x2x128xi32, #tpu.memory_space<vmem>> -> memref<1x1x128xi32, #tpu.memory_space<vmem>>
      %dma_wait3A_621 = tpu.memref_squeeze %dma_wait3A_620 : memref<1x1x128xi32, #tpu.memory_space<vmem>> -> memref<128xi32, #tpu.memory_space<vmem>>
      %dma_wait3A_622 = arith.constant 0 : i32
      %dma_wait3A_623 = arith.constant 0 : i32
      %dma_wait3A_624 = tpu.memref_slice %arg13[%dma_wait3A_622, %dma_wait3A_623] : memref<10240x128xf32, #tpu.memory_space<vmem_shared>> -> memref<10240x128xf32, #tpu.memory_space<vmem_shared>>
      tpu.wait_indirect_dma semaphore(%arg17 : memref<!tpu.dma_semaphore, #tpu.memory_space<semaphore_mem>>) src(%dma_wait3A_618 : memref<128x128xf32, #tpu.memory_space<vmem>>) dst(%dma_wait3A_624 : memref<10240x128xf32, #tpu.memory_space<vmem_shared>>)
      %dma_wait3A_625 = arith.constant 0 : i32
      %dma_wait3A_626 = arith.constant 0 : i32
      %dma_wait3A_627 = arith.constant 0 : i32
      %dma_wait3A_628 = arith.constant 0 : i32
      %dma_wait3A_629 = tpu.memref_slice %arg19[%dma_wait3A_625, %dma_wait3A_628] : memref<2x128xf32, #tpu.memory_space<vmem>> -> memref<1x128xf32, #tpu.memory_space<vmem>>
      %dma_wait3A_630 = tpu.memref_squeeze %dma_wait3A_629 : memref<1x128xf32, #tpu.memory_space<vmem>> -> memref<128xf32, #tpu.memory_space<vmem>>
      %dma_wait3A_631 = arith.constant 0 : i32
      %dma_wait3A_632 = tpu.memref_slice %arg11[%dma_wait3A_626, %dma_wait3A_627, %dma_wait3A_631] : memref<2x2x128xi32, #tpu.memory_space<vmem>> -> memref<1x1x128xi32, #tpu.memory_space<vmem>>
      %dma_wait3A_633 = tpu.memref_squeeze %dma_wait3A_632 : memref<1x1x128xi32, #tpu.memory_space<vmem>> -> memref<128xi32, #tpu.memory_space<vmem>>
      %dma_wait3A_634 = arith.constant 0 : i32
      %dma_wait3A_635 = tpu.memref_slice %arg20[%dma_wait3A_634] : memref<10240xf32, #tpu.memory_space<vmem_shared>> -> memref<10240xf32, #tpu.memory_space<vmem_shared>>
      tpu.wait_indirect_dma semaphore(%arg17 : memref<!tpu.dma_semaphore, #tpu.memory_space<semaphore_mem>>) src(%dma_wait3A_630 : memref<128xf32, #tpu.memory_space<vmem>>) dst(%dma_wait3A_635 : memref<10240xf32, #tpu.memory_space<vmem_shared>>)
      %dma_wait3A_636 = arith.constant 1 : i32
      %dma_wait3A_637 = arith.constant 0 : i32
      %dma_wait3A_638 = arith.constant 0 : i32
      %dma_wait3A_639 = arith.constant 0 : i32
      %dma_wait3A_640 = arith.constant 0 : i32
      %dma_wait3A_641 = tpu.memref_slice %arg12[%dma_wait3A_636, %dma_wait3A_639, %dma_wait3A_640] : memref<2x128x128xf32, #tpu.memory_space<vmem>> -> memref<1x128x128xf32, #tpu.memory_space<vmem>>
      %dma_wait3A_642 = tpu.memref_squeeze %dma_wait3A_641 : memref<1x128x128xf32, #tpu.memory_space<vmem>> -> memref<128x128xf32, #tpu.memory_space<vmem>>
      %dma_wait3A_643 = arith.constant 0 : i32
      %dma_wait3A_644 = tpu.memref_slice %arg11[%dma_wait3A_637, %dma_wait3A_638, %dma_wait3A_643] : memref<2x2x128xi32, #tpu.memory_space<vmem>> -> memref<1x1x128xi32, #tpu.memory_space<vmem>>
      %dma_wait3A_645 = tpu.memref_squeeze %dma_wait3A_644 : memref<1x1x128xi32, #tpu.memory_space<vmem>> -> memref<128xi32, #tpu.memory_space<vmem>>
      %dma_wait3A_646 = arith.constant 0 : i32
      %dma_wait3A_647 = arith.constant 0 : i32
      %dma_wait3A_648 = tpu.memref_slice %arg13[%dma_wait3A_646, %dma_wait3A_647] : memref<10240x128xf32, #tpu.memory_space<vmem_shared>> -> memref<10240x128xf32, #tpu.memory_space<vmem_shared>>
      tpu.wait_indirect_dma semaphore(%arg18 : memref<!tpu.dma_semaphore, #tpu.memory_space<semaphore_mem>>) src(%dma_wait3A_642 : memref<128x128xf32, #tpu.memory_space<vmem>>) dst(%dma_wait3A_648 : memref<10240x128xf32, #tpu.memory_space<vmem_shared>>)
      %dma_wait3A_649 = arith.constant 1 : i32
      %dma_wait3A_650 = arith.constant 0 : i32
      %dma_wait3A_651 = arith.constant 0 : i32
      %dma_wait3A_652 = arith.constant 0 : i32
      %dma_wait3A_653 = tpu.memref_slice %arg19[%dma_wait3A_649, %dma_wait3A_652] : memref<2x128xf32, #tpu.memory_space<vmem>> -> memref<1x128xf32, #tpu.memory_space<vmem>>
      %dma_wait3A_654 = tpu.memref_squeeze %dma_wait3A_653 : memref<1x128xf32, #tpu.memory_space<vmem>> -> memref<128xf32, #tpu.memory_space<vmem>>
      %dma_wait3A_655 = arith.constant 0 : i32
      %dma_wait3A_656 = tpu.memref_slice %arg11[%dma_wait3A_650, %dma_wait3A_651, %dma_wait3A_655] : memref<2x2x128xi32, #tpu.memory_space<vmem>> -> memref<1x1x128xi32, #tpu.memory_space<vmem>>
      %dma_wait3A_657 = tpu.memref_squeeze %dma_wait3A_656 : memref<1x1x128xi32, #tpu.memory_space<vmem>> -> memref<128xi32, #tpu.memory_space<vmem>>
      %dma_wait3A_658 = arith.constant 0 : i32
      %dma_wait3A_659 = tpu.memref_slice %arg20[%dma_wait3A_658] : memref<10240xf32, #tpu.memory_space<vmem_shared>> -> memref<10240xf32, #tpu.memory_space<vmem_shared>>
      tpu.wait_indirect_dma semaphore(%arg18 : memref<!tpu.dma_semaphore, #tpu.memory_space<semaphore_mem>>) src(%dma_wait3A_654 : memref<128xf32, #tpu.memory_space<vmem>>) dst(%dma_wait3A_659 : memref<10240xf32, #tpu.memory_space<vmem_shared>>)
      %dma_start3A_660 = arith.constant 0 : i32
      %dma_start3A_661 = arith.constant 0 : i32
      %dma_start3A_662 = arith.constant 0 : i32
      %dma_start3A_663 = arith.constant 0 : i32
      %dma_start3A_664 = tpu.memref_slice %arg12[%dma_start3A_661, %dma_start3A_662, %dma_start3A_663] : memref<2x128x128xf32, #tpu.memory_space<vmem>> -> memref<1x128x128xf32, #tpu.memory_space<vmem>>
      %dma_start3A_665 = tpu.memref_squeeze %dma_start3A_664 : memref<1x128x128xf32, #tpu.memory_space<vmem>> -> memref<128x128xf32, #tpu.memory_space<vmem>>
      %dma_start3A_666 = arith.constant 0 : i32
      %dma_start3A_667 = tpu.memref_slice %arg10[%rem3A_489, %dma_start3A_660, %dma_start3A_666] : memref<2x2x128xi32, #tpu.memory_space<vmem>> -> memref<1x1x128xi32, #tpu.memory_space<vmem>>
      %dma_start3A_668 = tpu.memref_squeeze %dma_start3A_667 : memref<1x1x128xi32, #tpu.memory_space<vmem>> -> memref<128xi32, #tpu.memory_space<vmem>>
      %dma_start3A_669 = arith.constant 0 : i32
      %dma_start3A_670 = arith.constant 0 : i32
      %dma_start3A_671 = tpu.memref_slice %arg2[%dma_start3A_669, %dma_start3A_670] : memref<10240x128xf32, #tpu.memory_space<hbm>> -> memref<10240x128xf32, #tpu.memory_space<hbm>>
      tpu.enqueue_indirect_dma source(%dma_start3A_671 : memref<10240x128xf32, #tpu.memory_space<hbm>>) target(%dma_start3A_665 : memref<128x128xf32, #tpu.memory_space<vmem>>) offsets(%dma_start3A_668 : memref<128xi32, #tpu.memory_space<vmem>>) semaphore(%arg15 : memref<!tpu.dma_semaphore, #tpu.memory_space<semaphore_mem>>)
      %dma_start3A_672 = arith.constant 0 : i32
      %dma_start3A_673 = arith.constant 0 : i32
      %dma_start3A_674 = arith.constant 0 : i32
      %dma_start3A_675 = tpu.memref_slice %arg19[%dma_start3A_673, %dma_start3A_674] : memref<2x128xf32, #tpu.memory_space<vmem>> -> memref<1x128xf32, #tpu.memory_space<vmem>>
      %dma_start3A_676 = tpu.memref_squeeze %dma_start3A_675 : memref<1x128xf32, #tpu.memory_space<vmem>> -> memref<128xf32, #tpu.memory_space<vmem>>
      %dma_start3A_677 = arith.constant 0 : i32
      %dma_start3A_678 = tpu.memref_slice %arg10[%rem3A_489, %dma_start3A_672, %dma_start3A_677] : memref<2x2x128xi32, #tpu.memory_space<vmem>> -> memref<1x1x128xi32, #tpu.memory_space<vmem>>
      %dma_start3A_679 = tpu.memref_squeeze %dma_start3A_678 : memref<1x1x128xi32, #tpu.memory_space<vmem>> -> memref<128xi32, #tpu.memory_space<vmem>>
      %dma_start3A_680 = arith.constant 0 : i32
      %dma_start3A_681 = tpu.memref_slice %arg3[%dma_start3A_680] : memref<10240xf32, #tpu.memory_space<hbm>> -> memref<10240xf32, #tpu.memory_space<hbm>>
      tpu.enqueue_indirect_dma source(%dma_start3A_681 : memref<10240xf32, #tpu.memory_space<hbm>>) target(%dma_start3A_676 : memref<128xf32, #tpu.memory_space<vmem>>) offsets(%dma_start3A_679 : memref<128xi32, #tpu.memory_space<vmem>>) semaphore(%arg15 : memref<!tpu.dma_semaphore, #tpu.memory_space<semaphore_mem>>)
      %dma_start3A_682 = arith.constant 1 : i32
      %dma_start3A_683 = arith.constant 1 : i32
      %dma_start3A_684 = arith.constant 0 : i32
      %dma_start3A_685 = arith.constant 0 : i32
      %dma_start3A_686 = tpu.memref_slice %arg12[%dma_start3A_683, %dma_start3A_684, %dma_start3A_685] : memref<2x128x128xf32, #tpu.memory_space<vmem>> -> memref<1x128x128xf32, #tpu.memory_space<vmem>>
      %dma_start3A_687 = tpu.memref_squeeze %dma_start3A_686 : memref<1x128x128xf32, #tpu.memory_space<vmem>> -> memref<128x128xf32, #tpu.memory_space<vmem>>
      %dma_start3A_688 = arith.constant 0 : i32
      %dma_start3A_689 = tpu.memref_slice %arg10[%rem3A_489, %dma_start3A_682, %dma_start3A_688] : memref<2x2x128xi32, #tpu.memory_space<vmem>> -> memref<1x1x128xi32, #tpu.memory_space<vmem>>
      %dma_start3A_690 = tpu.memref_squeeze %dma_start3A_689 : memref<1x1x128xi32, #tpu.memory_space<vmem>> -> memref<128xi32, #tpu.memory_space<vmem>>
      %dma_start3A_691 = arith.constant 0 : i32
      %dma_start3A_692 = arith.constant 0 : i32
      %dma_start3A_693 = tpu.memref_slice %arg2[%dma_start3A_691, %dma_start3A_692] : memref<10240x128xf32, #tpu.memory_space<hbm>> -> memref<10240x128xf32, #tpu.memory_space<hbm>>
      tpu.enqueue_indirect_dma source(%dma_start3A_693 : memref<10240x128xf32, #tpu.memory_space<hbm>>) target(%dma_start3A_687 : memref<128x128xf32, #tpu.memory_space<vmem>>) offsets(%dma_start3A_690 : memref<128xi32, #tpu.memory_space<vmem>>) semaphore(%arg16 : memref<!tpu.dma_semaphore, #tpu.memory_space<semaphore_mem>>)
      %dma_start3A_694 = arith.constant 1 : i32
      %dma_start3A_695 = arith.constant 1 : i32
      %dma_start3A_696 = arith.constant 0 : i32
      %dma_start3A_697 = tpu.memref_slice %arg19[%dma_start3A_695, %dma_start3A_696] : memref<2x128xf32, #tpu.memory_space<vmem>> -> memref<1x128xf32, #tpu.memory_space<vmem>>
      %dma_start3A_698 = tpu.memref_squeeze %dma_start3A_697 : memref<1x128xf32, #tpu.memory_space<vmem>> -> memref<128xf32, #tpu.memory_space<vmem>>
      %dma_start3A_699 = arith.constant 0 : i32
      %dma_start3A_700 = tpu.memref_slice %arg10[%rem3A_489, %dma_start3A_694, %dma_start3A_699] : memref<2x2x128xi32, #tpu.memory_space<vmem>> -> memref<1x1x128xi32, #tpu.memory_space<vmem>>
      %dma_start3A_701 = tpu.memref_squeeze %dma_start3A_700 : memref<1x1x128xi32, #tpu.memory_space<vmem>> -> memref<128xi32, #tpu.memory_space<vmem>>
      %dma_start3A_702 = arith.constant 0 : i32
      %dma_start3A_703 = tpu.memref_slice %arg3[%dma_start3A_702] : memref<10240xf32, #tpu.memory_space<hbm>> -> memref<10240xf32, #tpu.memory_space<hbm>>
      tpu.enqueue_indirect_dma source(%dma_start3A_703 : memref<10240xf32, #tpu.memory_space<hbm>>) target(%dma_start3A_698 : memref<128xf32, #tpu.memory_space<vmem>>) offsets(%dma_start3A_701 : memref<128xi32, #tpu.memory_space<vmem>>) semaphore(%arg16 : memref<!tpu.dma_semaphore, #tpu.memory_space<semaphore_mem>>)
      %add3A_704 = arith.constant 2 : i32
      %add3A_705 = arith.addi %while3A_484, %add3A_704 : i32
      %sub3A_706 = arith.constant 1 : i32
      %sub3A_707 = arith.subi %select_n3A, %sub3A_706 : i32
      %min3A = arith.minsi %add3A_705, %sub3A_707 : i32
      %mul3A_708 = arith.constant 2 : i32
      %mul3A_709 = arith.muli %min3A, %mul3A_708 : i32
      %add3A_710 = arith.addi %select_n3A_8, %mul3A_709 : i32
      %dma_start3A_711 = arith.constant 0 : i32
      %dma_start3A_712 = arith.constant 0 : i32
      %dma_start3A_713 = tpu.memref_slice %arg10[%rem3A_485, %dma_start3A_711, %dma_start3A_712] : memref<2x2x128xi32, #tpu.memory_space<vmem>> -> memref<1x2x128xi32, #tpu.memory_space<vmem>>
      %dma_start3A_714 = tpu.memref_squeeze %dma_start3A_713 : memref<1x2x128xi32, #tpu.memory_space<vmem>> -> memref<2x128xi32, #tpu.memory_space<vmem>>
      %dma_start3A_715 = arith.constant 0 : i32
      %dma_start3A_716 = tpu.memref_slice %arg4[%add3A_710, %dma_start3A_715] : memref<2560x128xi32, #tpu.memory_space<hbm>> -> memref<2x128xi32, #tpu.memory_space<hbm>>
      %dma_start3A_717 = arith.constant 0 : i32
      %dma_start3A_718 = arith.constant 0 : i32
      %dma_start3A_719 = tpu.memref_slice %arg10[%rem3A_485, %dma_start3A_717, %dma_start3A_718] : memref<2x2x128xi32, #tpu.memory_space<vmem>> -> memref<1x2x128xi32, #tpu.memory_space<vmem>>
      %dma_start3A_720 = tpu.memref_squeeze %dma_start3A_719 : memref<1x2x128xi32, #tpu.memory_space<vmem>> -> memref<2x128xi32, #tpu.memory_space<vmem>>
      %dma_start3A_721 = arith.constant 0 : i32
      %dma_start3A_722 = tpu.memref_slice %arg4[%add3A_710, %dma_start3A_721] : memref<2560x128xi32, #tpu.memory_space<hbm>> -> memref<2x128xi32, #tpu.memory_space<hbm>>
      tpu.enqueue_dma source(%dma_start3A_722 : memref<2x128xi32, #tpu.memory_space<hbm>>) target(%dma_start3A_720 : memref<2x128xi32, #tpu.memory_space<vmem>>) target_semaphore(%arg14 : memref<!tpu.dma_semaphore, #tpu.memory_space<semaphore_mem>>)
      %dma_start3A_723 = arith.constant 0 : i32
      %dma_start3A_724 = arith.constant 0 : i32
      %dma_start3A_725 = tpu.memref_slice %arg11[%rem3A_485, %dma_start3A_723, %dma_start3A_724] : memref<2x2x128xi32, #tpu.memory_space<vmem>> -> memref<1x2x128xi32, #tpu.memory_space<vmem>>
      %dma_start3A_726 = tpu.memref_squeeze %dma_start3A_725 : memref<1x2x128xi32, #tpu.memory_space<vmem>> -> memref<2x128xi32, #tpu.memory_space<vmem>>
      %dma_start3A_727 = arith.constant 0 : i32
      %dma_start3A_728 = tpu.memref_slice %arg5[%add3A_710, %dma_start3A_727] : memref<2560x128xi32, #tpu.memory_space<hbm>> -> memref<2x128xi32, #tpu.memory_space<hbm>>
      %dma_start3A_729 = arith.constant 0 : i32
      %dma_start3A_730 = arith.constant 0 : i32
      %dma_start3A_731 = tpu.memref_slice %arg11[%rem3A_485, %dma_start3A_729, %dma_start3A_730] : memref<2x2x128xi32, #tpu.memory_space<vmem>> -> memref<1x2x128xi32, #tpu.memory_space<vmem>>
      %dma_start3A_732 = tpu.memref_squeeze %dma_start3A_731 : memref<1x2x128xi32, #tpu.memory_space<vmem>> -> memref<2x128xi32, #tpu.memory_space<vmem>>
      %dma_start3A_733 = arith.constant 0 : i32
      %dma_start3A_734 = tpu.memref_slice %arg5[%add3A_710, %dma_start3A_733] : memref<2560x128xi32, #tpu.memory_space<hbm>> -> memref<2x128xi32, #tpu.memory_space<hbm>>
      tpu.enqueue_dma source(%dma_start3A_734 : memref<2x128xi32, #tpu.memory_space<hbm>>) target(%dma_start3A_732 : memref<2x128xi32, #tpu.memory_space<vmem>>) target_semaphore(%arg14 : memref<!tpu.dma_semaphore, #tpu.memory_space<semaphore_mem>>)
    }
    %dma_wait3A = arith.constant 0 : i32
    %dma_wait3A_101 = arith.constant 0 : i32
    %dma_wait3A_102 = arith.constant 0 : i32
    %dma_wait3A_103 = arith.constant 0 : i32
    %dma_wait3A_104 = arith.constant 0 : i32
    %dma_wait3A_105 = tpu.memref_slice %arg12[%dma_wait3A_102, %dma_wait3A_103, %dma_wait3A_104] : memref<2x128x128xf32, #tpu.memory_space<vmem>> -> memref<1x128x128xf32, #tpu.memory_space<vmem>>
    %dma_wait3A_106 = tpu.memref_squeeze %dma_wait3A_105 : memref<1x128x128xf32, #tpu.memory_space<vmem>> -> memref<128x128xf32, #tpu.memory_space<vmem>>
    %dma_wait3A_107 = arith.constant 0 : i32
    %dma_wait3A_108 = tpu.memref_slice %arg10[%dma_wait3A, %dma_wait3A_101, %dma_wait3A_107] : memref<2x2x128xi32, #tpu.memory_space<vmem>> -> memref<1x1x128xi32, #tpu.memory_space<vmem>>
    %dma_wait3A_109 = tpu.memref_squeeze %dma_wait3A_108 : memref<1x1x128xi32, #tpu.memory_space<vmem>> -> memref<128xi32, #tpu.memory_space<vmem>>
    %dma_wait3A_110 = arith.constant 0 : i32
    %dma_wait3A_111 = arith.constant 0 : i32
    %dma_wait3A_112 = tpu.memref_slice %arg2[%dma_wait3A_110, %dma_wait3A_111] : memref<10240x128xf32, #tpu.memory_space<hbm>> -> memref<10240x128xf32, #tpu.memory_space<hbm>>
    tpu.wait_indirect_dma semaphore(%arg15 : memref<!tpu.dma_semaphore, #tpu.memory_space<semaphore_mem>>) src(%dma_wait3A_112 : memref<10240x128xf32, #tpu.memory_space<hbm>>) dst(%dma_wait3A_106 : memref<128x128xf32, #tpu.memory_space<vmem>>)
    %dma_wait3A_113 = arith.constant 0 : i32
    %dma_wait3A_114 = arith.constant 0 : i32
    %dma_wait3A_115 = arith.constant 0 : i32
    %dma_wait3A_116 = arith.constant 0 : i32
    %dma_wait3A_117 = tpu.memref_slice %arg19[%dma_wait3A_115, %dma_wait3A_116] : memref<2x128xf32, #tpu.memory_space<vmem>> -> memref<1x128xf32, #tpu.memory_space<vmem>>
    %dma_wait3A_118 = tpu.memref_squeeze %dma_wait3A_117 : memref<1x128xf32, #tpu.memory_space<vmem>> -> memref<128xf32, #tpu.memory_space<vmem>>
    %dma_wait3A_119 = arith.constant 0 : i32
    %dma_wait3A_120 = tpu.memref_slice %arg10[%dma_wait3A_113, %dma_wait3A_114, %dma_wait3A_119] : memref<2x2x128xi32, #tpu.memory_space<vmem>> -> memref<1x1x128xi32, #tpu.memory_space<vmem>>
    %dma_wait3A_121 = tpu.memref_squeeze %dma_wait3A_120 : memref<1x1x128xi32, #tpu.memory_space<vmem>> -> memref<128xi32, #tpu.memory_space<vmem>>
    %dma_wait3A_122 = arith.constant 0 : i32
    %dma_wait3A_123 = tpu.memref_slice %arg3[%dma_wait3A_122] : memref<10240xf32, #tpu.memory_space<hbm>> -> memref<10240xf32, #tpu.memory_space<hbm>>
    tpu.wait_indirect_dma semaphore(%arg15 : memref<!tpu.dma_semaphore, #tpu.memory_space<semaphore_mem>>) src(%dma_wait3A_123 : memref<10240xf32, #tpu.memory_space<hbm>>) dst(%dma_wait3A_118 : memref<128xf32, #tpu.memory_space<vmem>>)
    %dma_start3A_124 = arith.constant 0 : i32
    %dma_start3A_125 = arith.constant 1 : i32
    %dma_start3A_126 = arith.constant 0 : i32
    %dma_start3A_127 = arith.constant 0 : i32
    %dma_start3A_128 = arith.constant 0 : i32
    %dma_start3A_129 = tpu.memref_slice %arg12[%dma_start3A_124, %dma_start3A_127, %dma_start3A_128] : memref<2x128x128xf32, #tpu.memory_space<vmem>> -> memref<1x128x128xf32, #tpu.memory_space<vmem>>
    %dma_start3A_130 = tpu.memref_squeeze %dma_start3A_129 : memref<1x128x128xf32, #tpu.memory_space<vmem>> -> memref<128x128xf32, #tpu.memory_space<vmem>>
    %dma_start3A_131 = arith.constant 0 : i32
    %dma_start3A_132 = tpu.memref_slice %arg11[%dma_start3A_125, %dma_start3A_126, %dma_start3A_131] : memref<2x2x128xi32, #tpu.memory_space<vmem>> -> memref<1x1x128xi32, #tpu.memory_space<vmem>>
    %dma_start3A_133 = tpu.memref_squeeze %dma_start3A_132 : memref<1x1x128xi32, #tpu.memory_space<vmem>> -> memref<128xi32, #tpu.memory_space<vmem>>
    %dma_start3A_134 = arith.constant 0 : i32
    %dma_start3A_135 = arith.constant 0 : i32
    %dma_start3A_136 = tpu.memref_slice %arg13[%dma_start3A_134, %dma_start3A_135] : memref<10240x128xf32, #tpu.memory_space<vmem_shared>> -> memref<10240x128xf32, #tpu.memory_space<vmem_shared>>
    tpu.enqueue_indirect_dma source(%dma_start3A_130 : memref<128x128xf32, #tpu.memory_space<vmem>>) target(%dma_start3A_136 : memref<10240x128xf32, #tpu.memory_space<vmem_shared>>) offsets(%dma_start3A_133 : memref<128xi32, #tpu.memory_space<vmem>>) semaphore(%arg17 : memref<!tpu.dma_semaphore, #tpu.memory_space<semaphore_mem>>) {add = true}
    %dma_start3A_137 = arith.constant 0 : i32
    %dma_start3A_138 = arith.constant 1 : i32
    %dma_start3A_139 = arith.constant 0 : i32
    %dma_start3A_140 = arith.constant 0 : i32
    %dma_start3A_141 = tpu.memref_slice %arg19[%dma_start3A_137, %dma_start3A_140] : memref<2x128xf32, #tpu.memory_space<vmem>> -> memref<1x128xf32, #tpu.memory_space<vmem>>
    %dma_start3A_142 = tpu.memref_squeeze %dma_start3A_141 : memref<1x128xf32, #tpu.memory_space<vmem>> -> memref<128xf32, #tpu.memory_space<vmem>>
    %dma_start3A_143 = arith.constant 0 : i32
    %dma_start3A_144 = tpu.memref_slice %arg11[%dma_start3A_138, %dma_start3A_139, %dma_start3A_143] : memref<2x2x128xi32, #tpu.memory_space<vmem>> -> memref<1x1x128xi32, #tpu.memory_space<vmem>>
    %dma_start3A_145 = tpu.memref_squeeze %dma_start3A_144 : memref<1x1x128xi32, #tpu.memory_space<vmem>> -> memref<128xi32, #tpu.memory_space<vmem>>
    %dma_start3A_146 = arith.constant 0 : i32
    %dma_start3A_147 = tpu.memref_slice %arg20[%dma_start3A_146] : memref<10240xf32, #tpu.memory_space<vmem_shared>> -> memref<10240xf32, #tpu.memory_space<vmem_shared>>
    tpu.enqueue_indirect_dma source(%dma_start3A_142 : memref<128xf32, #tpu.memory_space<vmem>>) target(%dma_start3A_147 : memref<10240xf32, #tpu.memory_space<vmem_shared>>) offsets(%dma_start3A_145 : memref<128xi32, #tpu.memory_space<vmem>>) semaphore(%arg17 : memref<!tpu.dma_semaphore, #tpu.memory_space<semaphore_mem>>) {add = true}
    %dma_wait3A_148 = arith.constant 0 : i32
    %dma_wait3A_149 = arith.constant 0 : i32
    %dma_wait3A_150 = arith.constant 1 : i32
    %dma_wait3A_151 = arith.constant 0 : i32
    %dma_wait3A_152 = arith.constant 0 : i32
    %dma_wait3A_153 = tpu.memref_slice %arg12[%dma_wait3A_150, %dma_wait3A_151, %dma_wait3A_152] : memref<2x128x128xf32, #tpu.memory_space<vmem>> -> memref<1x128x128xf32, #tpu.memory_space<vmem>>
    %dma_wait3A_154 = tpu.memref_squeeze %dma_wait3A_153 : memref<1x128x128xf32, #tpu.memory_space<vmem>> -> memref<128x128xf32, #tpu.memory_space<vmem>>
    %dma_wait3A_155 = arith.constant 0 : i32
    %dma_wait3A_156 = tpu.memref_slice %arg10[%dma_wait3A_148, %dma_wait3A_149, %dma_wait3A_155] : memref<2x2x128xi32, #tpu.memory_space<vmem>> -> memref<1x1x128xi32, #tpu.memory_space<vmem>>
    %dma_wait3A_157 = tpu.memref_squeeze %dma_wait3A_156 : memref<1x1x128xi32, #tpu.memory_space<vmem>> -> memref<128xi32, #tpu.memory_space<vmem>>
    %dma_wait3A_158 = arith.constant 0 : i32
    %dma_wait3A_159 = arith.constant 0 : i32
    %dma_wait3A_160 = tpu.memref_slice %arg2[%dma_wait3A_158, %dma_wait3A_159] : memref<10240x128xf32, #tpu.memory_space<hbm>> -> memref<10240x128xf32, #tpu.memory_space<hbm>>
    tpu.wait_indirect_dma semaphore(%arg16 : memref<!tpu.dma_semaphore, #tpu.memory_space<semaphore_mem>>) src(%dma_wait3A_160 : memref<10240x128xf32, #tpu.memory_space<hbm>>) dst(%dma_wait3A_154 : memref<128x128xf32, #tpu.memory_space<vmem>>)
    %dma_wait3A_161 = arith.constant 0 : i32
    %dma_wait3A_162 = arith.constant 0 : i32
    %dma_wait3A_163 = arith.constant 1 : i32
    %dma_wait3A_164 = arith.constant 0 : i32
    %dma_wait3A_165 = tpu.memref_slice %arg19[%dma_wait3A_163, %dma_wait3A_164] : memref<2x128xf32, #tpu.memory_space<vmem>> -> memref<1x128xf32, #tpu.memory_space<vmem>>
    %dma_wait3A_166 = tpu.memref_squeeze %dma_wait3A_165 : memref<1x128xf32, #tpu.memory_space<vmem>> -> memref<128xf32, #tpu.memory_space<vmem>>
    %dma_wait3A_167 = arith.constant 0 : i32
    %dma_wait3A_168 = tpu.memref_slice %arg10[%dma_wait3A_161, %dma_wait3A_162, %dma_wait3A_167] : memref<2x2x128xi32, #tpu.memory_space<vmem>> -> memref<1x1x128xi32, #tpu.memory_space<vmem>>
    %dma_wait3A_169 = tpu.memref_squeeze %dma_wait3A_168 : memref<1x1x128xi32, #tpu.memory_space<vmem>> -> memref<128xi32, #tpu.memory_space<vmem>>
    %dma_wait3A_170 = arith.constant 0 : i32
    %dma_wait3A_171 = tpu.memref_slice %arg3[%dma_wait3A_170] : memref<10240xf32, #tpu.memory_space<hbm>> -> memref<10240xf32, #tpu.memory_space<hbm>>
    tpu.wait_indirect_dma semaphore(%arg16 : memref<!tpu.dma_semaphore, #tpu.memory_space<semaphore_mem>>) src(%dma_wait3A_171 : memref<10240xf32, #tpu.memory_space<hbm>>) dst(%dma_wait3A_166 : memref<128xf32, #tpu.memory_space<vmem>>)
    %dma_start3A_172 = arith.constant 1 : i32
    %dma_start3A_173 = arith.constant 1 : i32
    %dma_start3A_174 = arith.constant 1 : i32
    %dma_start3A_175 = arith.constant 0 : i32
    %dma_start3A_176 = arith.constant 0 : i32
    %dma_start3A_177 = tpu.memref_slice %arg12[%dma_start3A_172, %dma_start3A_175, %dma_start3A_176] : memref<2x128x128xf32, #tpu.memory_space<vmem>> -> memref<1x128x128xf32, #tpu.memory_space<vmem>>
    %dma_start3A_178 = tpu.memref_squeeze %dma_start3A_177 : memref<1x128x128xf32, #tpu.memory_space<vmem>> -> memref<128x128xf32, #tpu.memory_space<vmem>>
    %dma_start3A_179 = arith.constant 0 : i32
    %dma_start3A_180 = tpu.memref_slice %arg11[%dma_start3A_173, %dma_start3A_174, %dma_start3A_179] : memref<2x2x128xi32, #tpu.memory_space<vmem>> -> memref<1x1x128xi32, #tpu.memory_space<vmem>>
    %dma_start3A_181 = tpu.memref_squeeze %dma_start3A_180 : memref<1x1x128xi32, #tpu.memory_space<vmem>> -> memref<128xi32, #tpu.memory_space<vmem>>
    %dma_start3A_182 = arith.constant 0 : i32
    %dma_start3A_183 = arith.constant 0 : i32
    %dma_start3A_184 = tpu.memref_slice %arg13[%dma_start3A_182, %dma_start3A_183] : memref<10240x128xf32, #tpu.memory_space<vmem_shared>> -> memref<10240x128xf32, #tpu.memory_space<vmem_shared>>
    tpu.enqueue_indirect_dma source(%dma_start3A_178 : memref<128x128xf32, #tpu.memory_space<vmem>>) target(%dma_start3A_184 : memref<10240x128xf32, #tpu.memory_space<vmem_shared>>) offsets(%dma_start3A_181 : memref<128xi32, #tpu.memory_space<vmem>>) semaphore(%arg18 : memref<!tpu.dma_semaphore, #tpu.memory_space<semaphore_mem>>) {add = true}
    %dma_start3A_185 = arith.constant 1 : i32
    %dma_start3A_186 = arith.constant 1 : i32
    %dma_start3A_187 = arith.constant 1 : i32
    %dma_start3A_188 = arith.constant 0 : i32
    %dma_start3A_189 = tpu.memref_slice %arg19[%dma_start3A_185, %dma_start3A_188] : memref<2x128xf32, #tpu.memory_space<vmem>> -> memref<1x128xf32, #tpu.memory_space<vmem>>
    %dma_start3A_190 = tpu.memref_squeeze %dma_start3A_189 : memref<1x128xf32, #tpu.memory_space<vmem>> -> memref<128xf32, #tpu.memory_space<vmem>>
    %dma_start3A_191 = arith.constant 0 : i32
    %dma_start3A_192 = tpu.memref_slice %arg11[%dma_start3A_186, %dma_start3A_187, %dma_start3A_191] : memref<2x2x128xi32, #tpu.memory_space<vmem>> -> memref<1x1x128xi32, #tpu.memory_space<vmem>>
    %dma_start3A_193 = tpu.memref_squeeze %dma_start3A_192 : memref<1x1x128xi32, #tpu.memory_space<vmem>> -> memref<128xi32, #tpu.memory_space<vmem>>
    %dma_start3A_194 = arith.constant 0 : i32
    %dma_start3A_195 = tpu.memref_slice %arg20[%dma_start3A_194] : memref<10240xf32, #tpu.memory_space<vmem_shared>> -> memref<10240xf32, #tpu.memory_space<vmem_shared>>
    tpu.enqueue_indirect_dma source(%dma_start3A_190 : memref<128xf32, #tpu.memory_space<vmem>>) target(%dma_start3A_195 : memref<10240xf32, #tpu.memory_space<vmem_shared>>) offsets(%dma_start3A_193 : memref<128xi32, #tpu.memory_space<vmem>>) semaphore(%arg18 : memref<!tpu.dma_semaphore, #tpu.memory_space<semaphore_mem>>) {add = true}
    %dma_wait3A_196 = arith.constant 0 : i32
    %dma_wait3A_197 = arith.constant 0 : i32
    %dma_wait3A_198 = arith.constant 0 : i32
    %dma_wait3A_199 = tpu.memref_slice %arg10[%dma_wait3A_196, %dma_wait3A_197, %dma_wait3A_198] : memref<2x2x128xi32, #tpu.memory_space<vmem>> -> memref<1x2x128xi32, #tpu.memory_space<vmem>>
    %dma_wait3A_200 = tpu.memref_squeeze %dma_wait3A_199 : memref<1x2x128xi32, #tpu.memory_space<vmem>> -> memref<2x128xi32, #tpu.memory_space<vmem>>
    %dma_wait3A_201 = arith.constant 0 : i32
    %dma_wait3A_202 = arith.constant 0 : i32
    %dma_wait3A_203 = tpu.memref_slice %arg4[%dma_wait3A_201, %dma_wait3A_202] : memref<2560x128xi32, #tpu.memory_space<hbm>> -> memref<2x128xi32, #tpu.memory_space<hbm>>
    %dma_wait3A_204 = arith.constant 0 : i32
    %dma_wait3A_205 = arith.constant 0 : i32
    %dma_wait3A_206 = tpu.memref_slice %arg10[%dma_wait3A_196, %dma_wait3A_204, %dma_wait3A_205] : memref<2x2x128xi32, #tpu.memory_space<vmem>> -> memref<1x2x128xi32, #tpu.memory_space<vmem>>
    %dma_wait3A_207 = tpu.memref_squeeze %dma_wait3A_206 : memref<1x2x128xi32, #tpu.memory_space<vmem>> -> memref<2x128xi32, #tpu.memory_space<vmem>>
    %dma_wait3A_208 = arith.constant 0 : i32
    %dma_wait3A_209 = arith.constant 0 : i32
    %dma_wait3A_210 = tpu.memref_slice %arg4[%dma_wait3A_208, %dma_wait3A_209] : memref<2560x128xi32, #tpu.memory_space<hbm>> -> memref<2x128xi32, #tpu.memory_space<hbm>>
    tpu.wait_dma2 semaphore(%arg14 : memref<!tpu.dma_semaphore, #tpu.memory_space<semaphore_mem>>) src(%dma_wait3A_210 : memref<2x128xi32, #tpu.memory_space<hbm>>) dst(%dma_wait3A_207 : memref<2x128xi32, #tpu.memory_space<vmem>>)
    %dma_wait3A_211 = arith.constant 0 : i32
    %dma_wait3A_212 = arith.constant 0 : i32
    %dma_wait3A_213 = arith.constant 0 : i32
    %dma_wait3A_214 = tpu.memref_slice %arg11[%dma_wait3A_211, %dma_wait3A_212, %dma_wait3A_213] : memref<2x2x128xi32, #tpu.memory_space<vmem>> -> memref<1x2x128xi32, #tpu.memory_space<vmem>>
    %dma_wait3A_215 = tpu.memref_squeeze %dma_wait3A_214 : memref<1x2x128xi32, #tpu.memory_space<vmem>> -> memref<2x128xi32, #tpu.memory_space<vmem>>
    %dma_wait3A_216 = arith.constant 0 : i32
    %dma_wait3A_217 = arith.constant 0 : i32
    %dma_wait3A_218 = tpu.memref_slice %arg5[%dma_wait3A_216, %dma_wait3A_217] : memref<2560x128xi32, #tpu.memory_space<hbm>> -> memref<2x128xi32, #tpu.memory_space<hbm>>
    %dma_wait3A_219 = arith.constant 0 : i32
    %dma_wait3A_220 = arith.constant 0 : i32
    %dma_wait3A_221 = tpu.memref_slice %arg11[%dma_wait3A_211, %dma_wait3A_219, %dma_wait3A_220] : memref<2x2x128xi32, #tpu.memory_space<vmem>> -> memref<1x2x128xi32, #tpu.memory_space<vmem>>
    %dma_wait3A_222 = tpu.memref_squeeze %dma_wait3A_221 : memref<1x2x128xi32, #tpu.memory_space<vmem>> -> memref<2x128xi32, #tpu.memory_space<vmem>>
    %dma_wait3A_223 = arith.constant 0 : i32
    %dma_wait3A_224 = arith.constant 0 : i32
    %dma_wait3A_225 = tpu.memref_slice %arg5[%dma_wait3A_223, %dma_wait3A_224] : memref<2560x128xi32, #tpu.memory_space<hbm>> -> memref<2x128xi32, #tpu.memory_space<hbm>>
    tpu.wait_dma2 semaphore(%arg14 : memref<!tpu.dma_semaphore, #tpu.memory_space<semaphore_mem>>) src(%dma_wait3A_225 : memref<2x128xi32, #tpu.memory_space<hbm>>) dst(%dma_wait3A_222 : memref<2x128xi32, #tpu.memory_space<vmem>>)
    %dma_wait3A_226 = arith.constant 0 : i32
    %dma_wait3A_227 = arith.constant 0 : i32
    %dma_wait3A_228 = arith.constant 0 : i32
    %dma_wait3A_229 = arith.constant 0 : i32
    %dma_wait3A_230 = arith.constant 0 : i32
    %dma_wait3A_231 = tpu.memref_slice %arg12[%dma_wait3A_226, %dma_wait3A_229, %dma_wait3A_230] : memref<2x128x128xf32, #tpu.memory_space<vmem>> -> memref<1x128x128xf32, #tpu.memory_space<vmem>>
    %dma_wait3A_232 = tpu.memref_squeeze %dma_wait3A_231 : memref<1x128x128xf32, #tpu.memory_space<vmem>> -> memref<128x128xf32, #tpu.memory_space<vmem>>
    %dma_wait3A_233 = arith.constant 0 : i32
    %dma_wait3A_234 = tpu.memref_slice %arg11[%dma_wait3A_227, %dma_wait3A_228, %dma_wait3A_233] : memref<2x2x128xi32, #tpu.memory_space<vmem>> -> memref<1x1x128xi32, #tpu.memory_space<vmem>>
    %dma_wait3A_235 = tpu.memref_squeeze %dma_wait3A_234 : memref<1x1x128xi32, #tpu.memory_space<vmem>> -> memref<128xi32, #tpu.memory_space<vmem>>
    %dma_wait3A_236 = arith.constant 0 : i32
    %dma_wait3A_237 = arith.constant 0 : i32
    %dma_wait3A_238 = tpu.memref_slice %arg13[%dma_wait3A_236, %dma_wait3A_237] : memref<10240x128xf32, #tpu.memory_space<vmem_shared>> -> memref<10240x128xf32, #tpu.memory_space<vmem_shared>>
    tpu.wait_indirect_dma semaphore(%arg17 : memref<!tpu.dma_semaphore, #tpu.memory_space<semaphore_mem>>) src(%dma_wait3A_232 : memref<128x128xf32, #tpu.memory_space<vmem>>) dst(%dma_wait3A_238 : memref<10240x128xf32, #tpu.memory_space<vmem_shared>>)
    %dma_wait3A_239 = arith.constant 0 : i32
    %dma_wait3A_240 = arith.constant 0 : i32
    %dma_wait3A_241 = arith.constant 0 : i32
    %dma_wait3A_242 = arith.constant 0 : i32
    %dma_wait3A_243 = tpu.memref_slice %arg19[%dma_wait3A_239, %dma_wait3A_242] : memref<2x128xf32, #tpu.memory_space<vmem>> -> memref<1x128xf32, #tpu.memory_space<vmem>>
    %dma_wait3A_244 = tpu.memref_squeeze %dma_wait3A_243 : memref<1x128xf32, #tpu.memory_space<vmem>> -> memref<128xf32, #tpu.memory_space<vmem>>
    %dma_wait3A_245 = arith.constant 0 : i32
    %dma_wait3A_246 = tpu.memref_slice %arg11[%dma_wait3A_240, %dma_wait3A_241, %dma_wait3A_245] : memref<2x2x128xi32, #tpu.memory_space<vmem>> -> memref<1x1x128xi32, #tpu.memory_space<vmem>>
    %dma_wait3A_247 = tpu.memref_squeeze %dma_wait3A_246 : memref<1x1x128xi32, #tpu.memory_space<vmem>> -> memref<128xi32, #tpu.memory_space<vmem>>
    %dma_wait3A_248 = arith.constant 0 : i32
    %dma_wait3A_249 = tpu.memref_slice %arg20[%dma_wait3A_248] : memref<10240xf32, #tpu.memory_space<vmem_shared>> -> memref<10240xf32, #tpu.memory_space<vmem_shared>>
    tpu.wait_indirect_dma semaphore(%arg17 : memref<!tpu.dma_semaphore, #tpu.memory_space<semaphore_mem>>) src(%dma_wait3A_244 : memref<128xf32, #tpu.memory_space<vmem>>) dst(%dma_wait3A_249 : memref<10240xf32, #tpu.memory_space<vmem_shared>>)
    %dma_wait3A_250 = arith.constant 1 : i32
    %dma_wait3A_251 = arith.constant 0 : i32
    %dma_wait3A_252 = arith.constant 0 : i32
    %dma_wait3A_253 = arith.constant 0 : i32
    %dma_wait3A_254 = arith.constant 0 : i32
    %dma_wait3A_255 = tpu.memref_slice %arg12[%dma_wait3A_250, %dma_wait3A_253, %dma_wait3A_254] : memref<2x128x128xf32, #tpu.memory_space<vmem>> -> memref<1x128x128xf32, #tpu.memory_space<vmem>>
    %dma_wait3A_256 = tpu.memref_squeeze %dma_wait3A_255 : memref<1x128x128xf32, #tpu.memory_space<vmem>> -> memref<128x128xf32, #tpu.memory_space<vmem>>
    %dma_wait3A_257 = arith.constant 0 : i32
    %dma_wait3A_258 = tpu.memref_slice %arg11[%dma_wait3A_251, %dma_wait3A_252, %dma_wait3A_257] : memref<2x2x128xi32, #tpu.memory_space<vmem>> -> memref<1x1x128xi32, #tpu.memory_space<vmem>>
    %dma_wait3A_259 = tpu.memref_squeeze %dma_wait3A_258 : memref<1x1x128xi32, #tpu.memory_space<vmem>> -> memref<128xi32, #tpu.memory_space<vmem>>
    %dma_wait3A_260 = arith.constant 0 : i32
    %dma_wait3A_261 = arith.constant 0 : i32
    %dma_wait3A_262 = tpu.memref_slice %arg13[%dma_wait3A_260, %dma_wait3A_261] : memref<10240x128xf32, #tpu.memory_space<vmem_shared>> -> memref<10240x128xf32, #tpu.memory_space<vmem_shared>>
    tpu.wait_indirect_dma semaphore(%arg18 : memref<!tpu.dma_semaphore, #tpu.memory_space<semaphore_mem>>) src(%dma_wait3A_256 : memref<128x128xf32, #tpu.memory_space<vmem>>) dst(%dma_wait3A_262 : memref<10240x128xf32, #tpu.memory_space<vmem_shared>>)
    %dma_wait3A_263 = arith.constant 1 : i32
    %dma_wait3A_264 = arith.constant 0 : i32
    %dma_wait3A_265 = arith.constant 0 : i32
    %dma_wait3A_266 = arith.constant 0 : i32
    %dma_wait3A_267 = tpu.memref_slice %arg19[%dma_wait3A_263, %dma_wait3A_266] : memref<2x128xf32, #tpu.memory_space<vmem>> -> memref<1x128xf32, #tpu.memory_space<vmem>>
    %dma_wait3A_268 = tpu.memref_squeeze %dma_wait3A_267 : memref<1x128xf32, #tpu.memory_space<vmem>> -> memref<128xf32, #tpu.memory_space<vmem>>
    %dma_wait3A_269 = arith.constant 0 : i32
    %dma_wait3A_270 = tpu.memref_slice %arg11[%dma_wait3A_264, %dma_wait3A_265, %dma_wait3A_269] : memref<2x2x128xi32, #tpu.memory_space<vmem>> -> memref<1x1x128xi32, #tpu.memory_space<vmem>>
    %dma_wait3A_271 = tpu.memref_squeeze %dma_wait3A_270 : memref<1x1x128xi32, #tpu.memory_space<vmem>> -> memref<128xi32, #tpu.memory_space<vmem>>
    %dma_wait3A_272 = arith.constant 0 : i32
    %dma_wait3A_273 = tpu.memref_slice %arg20[%dma_wait3A_272] : memref<10240xf32, #tpu.memory_space<vmem_shared>> -> memref<10240xf32, #tpu.memory_space<vmem_shared>>
    tpu.wait_indirect_dma semaphore(%arg18 : memref<!tpu.dma_semaphore, #tpu.memory_space<semaphore_mem>>) src(%dma_wait3A_268 : memref<128xf32, #tpu.memory_space<vmem>>) dst(%dma_wait3A_273 : memref<10240xf32, #tpu.memory_space<vmem_shared>>)
    %barrier3A_274 = arith.constant 0 : index
    tpu.barrier barrier_id(%barrier3A_274)
    %mul3A_275 = arith.constant 640 : i32
    %mul3A_276 = arith.muli %arg1, %mul3A_275 : i32
    %add3A_277 = arith.constant 0 : i32
    %add3A_278 = arith.addi %mul3A_276, %add3A_277 : i32
    %run_scoped3A_279 = arith.constant 0 : i32
    "tpu.region"() ({
      %run_scoped3A_484 = tpu.sem_alloc : memref<!tpu.dma_semaphore, #tpu.memory_space<semaphore_mem>>
      %dma_start3A_485 = arith.constant 0 : i32
      %dma_start3A_486 = arith.constant 0 : i32
      %dma_start3A_487 = tpu.memref_slice %arg12[%run_scoped3A_279, %dma_start3A_485, %dma_start3A_486] : memref<2x128x128xf32, #tpu.memory_space<vmem>> -> memref<1x128x128xf32, #tpu.memory_space<vmem>>
      %dma_start3A_488 = tpu.memref_squeeze %dma_start3A_487 : memref<1x128x128xf32, #tpu.memory_space<vmem>> -> memref<128x128xf32, #tpu.memory_space<vmem>>
      %dma_start3A_489 = arith.constant 0 : i32
      %dma_start3A_490 = tpu.memref_slice %arg13[%add3A_278, %dma_start3A_489] : memref<10240x128xf32, #tpu.memory_space<vmem_shared>> -> memref<128x128xf32, #tpu.memory_space<vmem_shared>>
      %dma_start3A_491 = arith.constant 0 : i32
      %dma_start3A_492 = arith.constant 0 : i32
      %dma_start3A_493 = tpu.memref_slice %arg12[%run_scoped3A_279, %dma_start3A_491, %dma_start3A_492] : memref<2x128x128xf32, #tpu.memory_space<vmem>> -> memref<1x128x128xf32, #tpu.memory_space<vmem>>
      %dma_start3A_494 = tpu.memref_squeeze %dma_start3A_493 : memref<1x128x128xf32, #tpu.memory_space<vmem>> -> memref<128x128xf32, #tpu.memory_space<vmem>>
      %dma_start3A_495 = arith.constant 0 : i32
      %dma_start3A_496 = tpu.memref_slice %arg13[%add3A_278, %dma_start3A_495] : memref<10240x128xf32, #tpu.memory_space<vmem_shared>> -> memref<128x128xf32, #tpu.memory_space<vmem_shared>>
      tpu.enqueue_dma source(%dma_start3A_496 : memref<128x128xf32, #tpu.memory_space<vmem_shared>>) target(%dma_start3A_494 : memref<128x128xf32, #tpu.memory_space<vmem>>) target_semaphore(%run_scoped3A_484 : memref<!tpu.dma_semaphore, #tpu.memory_space<semaphore_mem>>)
      %dma_wait3A_497 = arith.constant 0 : i32
      %dma_wait3A_498 = arith.constant 0 : i32
      %dma_wait3A_499 = tpu.memref_slice %arg12[%run_scoped3A_279, %dma_wait3A_497, %dma_wait3A_498] : memref<2x128x128xf32, #tpu.memory_space<vmem>> -> memref<1x128x128xf32, #tpu.memory_space<vmem>>
      %dma_wait3A_500 = tpu.memref_squeeze %dma_wait3A_499 : memref<1x128x128xf32, #tpu.memory_space<vmem>> -> memref<128x128xf32, #tpu.memory_space<vmem>>
      %dma_wait3A_501 = arith.constant 0 : i32
      %dma_wait3A_502 = tpu.memref_slice %arg13[%add3A_278, %dma_wait3A_501] : memref<10240x128xf32, #tpu.memory_space<vmem_shared>> -> memref<128x128xf32, #tpu.memory_space<vmem_shared>>
      %dma_wait3A_503 = arith.constant 0 : i32
      %dma_wait3A_504 = arith.constant 0 : i32
      %dma_wait3A_505 = tpu.memref_slice %arg12[%run_scoped3A_279, %dma_wait3A_503, %dma_wait3A_504] : memref<2x128x128xf32, #tpu.memory_space<vmem>> -> memref<1x128x128xf32, #tpu.memory_space<vmem>>
      %dma_wait3A_506 = tpu.memref_squeeze %dma_wait3A_505 : memref<1x128x128xf32, #tpu.memory_space<vmem>> -> memref<128x128xf32, #tpu.memory_space<vmem>>
      %dma_wait3A_507 = arith.constant 0 : i32
      %dma_wait3A_508 = tpu.memref_slice %arg13[%add3A_278, %dma_wait3A_507] : memref<10240x128xf32, #tpu.memory_space<vmem_shared>> -> memref<128x128xf32, #tpu.memory_space<vmem_shared>>
      tpu.wait_dma2 semaphore(%run_scoped3A_484 : memref<!tpu.dma_semaphore, #tpu.memory_space<semaphore_mem>>) src(%dma_wait3A_508 : memref<128x128xf32, #tpu.memory_space<vmem_shared>>) dst(%dma_wait3A_506 : memref<128x128xf32, #tpu.memory_space<vmem>>)
      tpu.yield
    }) : () -> ()
    %mul3A_280 = arith.constant 640 : i32
    %mul3A_281 = arith.muli %arg1, %mul3A_280 : i32
    %add3A_282 = arith.constant 0 : i32
    %add3A_283 = arith.addi %mul3A_281, %add3A_282 : i32
    %dma_start3A_284 = arith.constant 0 : i32
    %dma_start3A_285 = arith.constant 0 : i32
    %dma_start3A_286 = arith.constant 0 : i32
    %dma_start3A_287 = tpu.memref_slice %arg12[%dma_start3A_284, %dma_start3A_285, %dma_start3A_286] : memref<2x128x128xf32, #tpu.memory_space<vmem>> -> memref<1x128x128xf32, #tpu.memory_space<vmem>>
    %dma_start3A_288 = tpu.memref_squeeze %dma_start3A_287 : memref<1x128x128xf32, #tpu.memory_space<vmem>> -> memref<128x128xf32, #tpu.memory_space<vmem>>
    %dma_start3A_289 = arith.constant 0 : i32
    %dma_start3A_290 = tpu.memref_slice %arg8[%arg0, %add3A_283, %dma_start3A_289] : memref<2x10240x128xf32, #tpu.memory_space<hbm>> -> memref<1x128x128xf32, #tpu.memory_space<hbm>>
    %dma_start3A_291 = tpu.memref_squeeze %dma_start3A_290 : memref<1x128x128xf32, #tpu.memory_space<hbm>> -> memref<128x128xf32, #tpu.memory_space<hbm>>
    %dma_start3A_292 = arith.constant 0 : i32
    %dma_start3A_293 = tpu.memref_slice %arg8[%arg0, %add3A_283, %dma_start3A_292] : memref<2x10240x128xf32, #tpu.memory_space<hbm>> -> memref<1x128x128xf32, #tpu.memory_space<hbm>>
    %dma_start3A_294 = tpu.memref_squeeze %dma_start3A_293 : memref<1x128x128xf32, #tpu.memory_space<hbm>> -> memref<128x128xf32, #tpu.memory_space<hbm>>
    %dma_start3A_295 = arith.constant 0 : i32
    %dma_start3A_296 = arith.constant 0 : i32
    %dma_start3A_297 = tpu.memref_slice %arg12[%dma_start3A_284, %dma_start3A_295, %dma_start3A_296] : memref<2x128x128xf32, #tpu.memory_space<vmem>> -> memref<1x128x128xf32, #tpu.memory_space<vmem>>
    %dma_start3A_298 = tpu.memref_squeeze %dma_start3A_297 : memref<1x128x128xf32, #tpu.memory_space<vmem>> -> memref<128x128xf32, #tpu.memory_space<vmem>>
    tpu.enqueue_dma source(%dma_start3A_298 : memref<128x128xf32, #tpu.memory_space<vmem>>) target(%dma_start3A_294 : memref<128x128xf32, #tpu.memory_space<hbm>>) target_semaphore(%arg17 : memref<!tpu.dma_semaphore, #tpu.memory_space<semaphore_mem>>)
    %mul3A_299 = arith.constant 640 : i32
    %mul3A_300 = arith.muli %arg1, %mul3A_299 : i32
    %add3A_301 = arith.constant 128 : i32
    %add3A_302 = arith.addi %mul3A_300, %add3A_301 : i32
    %run_scoped3A_303 = arith.constant 1 : i32
    "tpu.region"() ({
      %run_scoped3A_484 = tpu.sem_alloc : memref<!tpu.dma_semaphore, #tpu.memory_space<semaphore_mem>>
      %dma_start3A_485 = arith.constant 0 : i32
      %dma_start3A_486 = arith.constant 0 : i32
      %dma_start3A_487 = tpu.memref_slice %arg12[%run_scoped3A_303, %dma_start3A_485, %dma_start3A_486] : memref<2x128x128xf32, #tpu.memory_space<vmem>> -> memref<1x128x128xf32, #tpu.memory_space<vmem>>
      %dma_start3A_488 = tpu.memref_squeeze %dma_start3A_487 : memref<1x128x128xf32, #tpu.memory_space<vmem>> -> memref<128x128xf32, #tpu.memory_space<vmem>>
      %dma_start3A_489 = arith.constant 0 : i32
      %dma_start3A_490 = tpu.memref_slice %arg13[%add3A_302, %dma_start3A_489] : memref<10240x128xf32, #tpu.memory_space<vmem_shared>> -> memref<128x128xf32, #tpu.memory_space<vmem_shared>>
      %dma_start3A_491 = arith.constant 0 : i32
      %dma_start3A_492 = arith.constant 0 : i32
      %dma_start3A_493 = tpu.memref_slice %arg12[%run_scoped3A_303, %dma_start3A_491, %dma_start3A_492] : memref<2x128x128xf32, #tpu.memory_space<vmem>> -> memref<1x128x128xf32, #tpu.memory_space<vmem>>
      %dma_start3A_494 = tpu.memref_squeeze %dma_start3A_493 : memref<1x128x128xf32, #tpu.memory_space<vmem>> -> memref<128x128xf32, #tpu.memory_space<vmem>>
      %dma_start3A_495 = arith.constant 0 : i32
      %dma_start3A_496 = tpu.memref_slice %arg13[%add3A_302, %dma_start3A_495] : memref<10240x128xf32, #tpu.memory_space<vmem_shared>> -> memref<128x128xf32, #tpu.memory_space<vmem_shared>>
      tpu.enqueue_dma source(%dma_start3A_496 : memref<128x128xf32, #tpu.memory_space<vmem_shared>>) target(%dma_start3A_494 : memref<128x128xf32, #tpu.memory_space<vmem>>) target_semaphore(%run_scoped3A_484 : memref<!tpu.dma_semaphore, #tpu.memory_space<semaphore_mem>>)
      %dma_wait3A_497 = arith.constant 0 : i32
      %dma_wait3A_498 = arith.constant 0 : i32
      %dma_wait3A_499 = tpu.memref_slice %arg12[%run_scoped3A_303, %dma_wait3A_497, %dma_wait3A_498] : memref<2x128x128xf32, #tpu.memory_space<vmem>> -> memref<1x128x128xf32, #tpu.memory_space<vmem>>
      %dma_wait3A_500 = tpu.memref_squeeze %dma_wait3A_499 : memref<1x128x128xf32, #tpu.memory_space<vmem>> -> memref<128x128xf32, #tpu.memory_space<vmem>>
      %dma_wait3A_501 = arith.constant 0 : i32
      %dma_wait3A_502 = tpu.memref_slice %arg13[%add3A_302, %dma_wait3A_501] : memref<10240x128xf32, #tpu.memory_space<vmem_shared>> -> memref<128x128xf32, #tpu.memory_space<vmem_shared>>
      %dma_wait3A_503 = arith.constant 0 : i32
      %dma_wait3A_504 = arith.constant 0 : i32
      %dma_wait3A_505 = tpu.memref_slice %arg12[%run_scoped3A_303, %dma_wait3A_503, %dma_wait3A_504] : memref<2x128x128xf32, #tpu.memory_space<vmem>> -> memref<1x128x128xf32, #tpu.memory_space<vmem>>
      %dma_wait3A_506 = tpu.memref_squeeze %dma_wait3A_505 : memref<1x128x128xf32, #tpu.memory_space<vmem>> -> memref<128x128xf32, #tpu.memory_space<vmem>>
      %dma_wait3A_507 = arith.constant 0 : i32
      %dma_wait3A_508 = tpu.memref_slice %arg13[%add3A_302, %dma_wait3A_507] : memref<10240x128xf32, #tpu.memory_space<vmem_shared>> -> memref<128x128xf32, #tpu.memory_space<vmem_shared>>
      tpu.wait_dma2 semaphore(%run_scoped3A_484 : memref<!tpu.dma_semaphore, #tpu.memory_space<semaphore_mem>>) src(%dma_wait3A_508 : memref<128x128xf32, #tpu.memory_space<vmem_shared>>) dst(%dma_wait3A_506 : memref<128x128xf32, #tpu.memory_space<vmem>>)
      tpu.yield
    }) : () -> ()
    %mul3A_304 = arith.constant 640 : i32
    %mul3A_305 = arith.muli %arg1, %mul3A_304 : i32
    %add3A_306 = arith.constant 128 : i32
    %add3A_307 = arith.addi %mul3A_305, %add3A_306 : i32
    %dma_start3A_308 = arith.constant 1 : i32
    %dma_start3A_309 = arith.constant 0 : i32
    %dma_start3A_310 = arith.constant 0 : i32
    %dma_start3A_311 = tpu.memref_slice %arg12[%dma_start3A_308, %dma_start3A_309, %dma_start3A_310] : memref<2x128x128xf32, #tpu.memory_space<vmem>> -> memref<1x128x128xf32, #tpu.memory_space<vmem>>
    %dma_start3A_312 = tpu.memref_squeeze %dma_start3A_311 : memref<1x128x128xf32, #tpu.memory_space<vmem>> -> memref<128x128xf32, #tpu.memory_space<vmem>>
    %dma_start3A_313 = arith.constant 0 : i32
    %dma_start3A_314 = tpu.memref_slice %arg8[%arg0, %add3A_307, %dma_start3A_313] : memref<2x10240x128xf32, #tpu.memory_space<hbm>> -> memref<1x128x128xf32, #tpu.memory_space<hbm>>
    %dma_start3A_315 = tpu.memref_squeeze %dma_start3A_314 : memref<1x128x128xf32, #tpu.memory_space<hbm>> -> memref<128x128xf32, #tpu.memory_space<hbm>>
    %dma_start3A_316 = arith.constant 0 : i32
    %dma_start3A_317 = tpu.memref_slice %arg8[%arg0, %add3A_307, %dma_start3A_316] : memref<2x10240x128xf32, #tpu.memory_space<hbm>> -> memref<1x128x128xf32, #tpu.memory_space<hbm>>
    %dma_start3A_318 = tpu.memref_squeeze %dma_start3A_317 : memref<1x128x128xf32, #tpu.memory_space<hbm>> -> memref<128x128xf32, #tpu.memory_space<hbm>>
    %dma_start3A_319 = arith.constant 0 : i32
    %dma_start3A_320 = arith.constant 0 : i32
    %dma_start3A_321 = tpu.memref_slice %arg12[%dma_start3A_308, %dma_start3A_319, %dma_start3A_320] : memref<2x128x128xf32, #tpu.memory_space<vmem>> -> memref<1x128x128xf32, #tpu.memory_space<vmem>>
    %dma_start3A_322 = tpu.memref_squeeze %dma_start3A_321 : memref<1x128x128xf32, #tpu.memory_space<vmem>> -> memref<128x128xf32, #tpu.memory_space<vmem>>
    tpu.enqueue_dma source(%dma_start3A_322 : memref<128x128xf32, #tpu.memory_space<vmem>>) target(%dma_start3A_318 : memref<128x128xf32, #tpu.memory_space<hbm>>) target_semaphore(%arg18 : memref<!tpu.dma_semaphore, #tpu.memory_space<semaphore_mem>>)
    %dma_wait3A_323 = arith.constant 0 : i32
    %dma_wait3A_324 = arith.constant 0 : i32
    %dma_wait3A_325 = arith.constant 0 : i32
    %dma_wait3A_326 = tpu.memref_slice %arg12[%dma_wait3A_323, %dma_wait3A_324, %dma_wait3A_325] : memref<2x128x128xf32, #tpu.memory_space<vmem>> -> memref<1x128x128xf32, #tpu.memory_space<vmem>>
    %dma_wait3A_327 = tpu.memref_squeeze %dma_wait3A_326 : memref<1x128x128xf32, #tpu.memory_space<vmem>> -> memref<128x128xf32, #tpu.memory_space<vmem>>
    %dma_wait3A_328 = arith.constant 0 : i32
    %dma_wait3A_329 = arith.constant 0 : i32
    %dma_wait3A_330 = tpu.memref_slice %arg8[%arg0, %dma_wait3A_328, %dma_wait3A_329] : memref<2x10240x128xf32, #tpu.memory_space<hbm>> -> memref<1x128x128xf32, #tpu.memory_space<hbm>>
    %dma_wait3A_331 = tpu.memref_squeeze %dma_wait3A_330 : memref<1x128x128xf32, #tpu.memory_space<hbm>> -> memref<128x128xf32, #tpu.memory_space<hbm>>
    %dma_wait3A_332 = arith.constant 0 : i32
    %dma_wait3A_333 = arith.constant 0 : i32
    %dma_wait3A_334 = tpu.memref_slice %arg8[%arg0, %dma_wait3A_332, %dma_wait3A_333] : memref<2x10240x128xf32, #tpu.memory_space<hbm>> -> memref<1x128x128xf32, #tpu.memory_space<hbm>>
    %dma_wait3A_335 = tpu.memref_squeeze %dma_wait3A_334 : memref<1x128x128xf32, #tpu.memory_space<hbm>> -> memref<128x128xf32, #tpu.memory_space<hbm>>
    %dma_wait3A_336 = arith.constant 0 : i32
    %dma_wait3A_337 = arith.constant 0 : i32
    %dma_wait3A_338 = tpu.memref_slice %arg12[%dma_wait3A_323, %dma_wait3A_336, %dma_wait3A_337] : memref<2x128x128xf32, #tpu.memory_space<vmem>> -> memref<1x128x128xf32, #tpu.memory_space<vmem>>
    %dma_wait3A_339 = tpu.memref_squeeze %dma_wait3A_338 : memref<1x128x128xf32, #tpu.memory_space<vmem>> -> memref<128x128xf32, #tpu.memory_space<vmem>>
    tpu.wait_dma2 semaphore(%arg17 : memref<!tpu.dma_semaphore, #tpu.memory_space<semaphore_mem>>) src(%dma_wait3A_339 : memref<128x128xf32, #tpu.memory_space<vmem>>) dst(%dma_wait3A_335 : memref<128x128xf32, #tpu.memory_space<hbm>>)
    %mul3A_340 = arith.constant 640 : i32
    %mul3A_341 = arith.muli %arg1, %mul3A_340 : i32
    %add3A_342 = arith.constant 256 : i32
    %add3A_343 = arith.addi %mul3A_341, %add3A_342 : i32
    %run_scoped3A_344 = arith.constant 0 : i32
    "tpu.region"() ({
      %run_scoped3A_484 = tpu.sem_alloc : memref<!tpu.dma_semaphore, #tpu.memory_space<semaphore_mem>>
      %dma_start3A_485 = arith.constant 0 : i32
      %dma_start3A_486 = arith.constant 0 : i32
      %dma_start3A_487 = tpu.memref_slice %arg12[%run_scoped3A_344, %dma_start3A_485, %dma_start3A_486] : memref<2x128x128xf32, #tpu.memory_space<vmem>> -> memref<1x128x128xf32, #tpu.memory_space<vmem>>
      %dma_start3A_488 = tpu.memref_squeeze %dma_start3A_487 : memref<1x128x128xf32, #tpu.memory_space<vmem>> -> memref<128x128xf32, #tpu.memory_space<vmem>>
      %dma_start3A_489 = arith.constant 0 : i32
      %dma_start3A_490 = tpu.memref_slice %arg13[%add3A_343, %dma_start3A_489] : memref<10240x128xf32, #tpu.memory_space<vmem_shared>> -> memref<128x128xf32, #tpu.memory_space<vmem_shared>>
      %dma_start3A_491 = arith.constant 0 : i32
      %dma_start3A_492 = arith.constant 0 : i32
      %dma_start3A_493 = tpu.memref_slice %arg12[%run_scoped3A_344, %dma_start3A_491, %dma_start3A_492] : memref<2x128x128xf32, #tpu.memory_space<vmem>> -> memref<1x128x128xf32, #tpu.memory_space<vmem>>
      %dma_start3A_494 = tpu.memref_squeeze %dma_start3A_493 : memref<1x128x128xf32, #tpu.memory_space<vmem>> -> memref<128x128xf32, #tpu.memory_space<vmem>>
      %dma_start3A_495 = arith.constant 0 : i32
      %dma_start3A_496 = tpu.memref_slice %arg13[%add3A_343, %dma_start3A_495] : memref<10240x128xf32, #tpu.memory_space<vmem_shared>> -> memref<128x128xf32, #tpu.memory_space<vmem_shared>>
      tpu.enqueue_dma source(%dma_start3A_496 : memref<128x128xf32, #tpu.memory_space<vmem_shared>>) target(%dma_start3A_494 : memref<128x128xf32, #tpu.memory_space<vmem>>) target_semaphore(%run_scoped3A_484 : memref<!tpu.dma_semaphore, #tpu.memory_space<semaphore_mem>>)
      %dma_wait3A_497 = arith.constant 0 : i32
      %dma_wait3A_498 = arith.constant 0 : i32
      %dma_wait3A_499 = tpu.memref_slice %arg12[%run_scoped3A_344, %dma_wait3A_497, %dma_wait3A_498] : memref<2x128x128xf32, #tpu.memory_space<vmem>> -> memref<1x128x128xf32, #tpu.memory_space<vmem>>
      %dma_wait3A_500 = tpu.memref_squeeze %dma_wait3A_499 : memref<1x128x128xf32, #tpu.memory_space<vmem>> -> memref<128x128xf32, #tpu.memory_space<vmem>>
      %dma_wait3A_501 = arith.constant 0 : i32
      %dma_wait3A_502 = tpu.memref_slice %arg13[%add3A_343, %dma_wait3A_501] : memref<10240x128xf32, #tpu.memory_space<vmem_shared>> -> memref<128x128xf32, #tpu.memory_space<vmem_shared>>
      %dma_wait3A_503 = arith.constant 0 : i32
      %dma_wait3A_504 = arith.constant 0 : i32
      %dma_wait3A_505 = tpu.memref_slice %arg12[%run_scoped3A_344, %dma_wait3A_503, %dma_wait3A_504] : memref<2x128x128xf32, #tpu.memory_space<vmem>> -> memref<1x128x128xf32, #tpu.memory_space<vmem>>
      %dma_wait3A_506 = tpu.memref_squeeze %dma_wait3A_505 : memref<1x128x128xf32, #tpu.memory_space<vmem>> -> memref<128x128xf32, #tpu.memory_space<vmem>>
      %dma_wait3A_507 = arith.constant 0 : i32
      %dma_wait3A_508 = tpu.memref_slice %arg13[%add3A_343, %dma_wait3A_507] : memref<10240x128xf32, #tpu.memory_space<vmem_shared>> -> memref<128x128xf32, #tpu.memory_space<vmem_shared>>
      tpu.wait_dma2 semaphore(%run_scoped3A_484 : memref<!tpu.dma_semaphore, #tpu.memory_space<semaphore_mem>>) src(%dma_wait3A_508 : memref<128x128xf32, #tpu.memory_space<vmem_shared>>) dst(%dma_wait3A_506 : memref<128x128xf32, #tpu.memory_space<vmem>>)
      tpu.yield
    }) : () -> ()
    %mul3A_345 = arith.constant 640 : i32
    %mul3A_346 = arith.muli %arg1, %mul3A_345 : i32
    %add3A_347 = arith.constant 256 : i32
    %add3A_348 = arith.addi %mul3A_346, %add3A_347 : i32
    %dma_start3A_349 = arith.constant 0 : i32
    %dma_start3A_350 = arith.constant 0 : i32
    %dma_start3A_351 = arith.constant 0 : i32
    %dma_start3A_352 = tpu.memref_slice %arg12[%dma_start3A_349, %dma_start3A_350, %dma_start3A_351] : memref<2x128x128xf32, #tpu.memory_space<vmem>> -> memref<1x128x128xf32, #tpu.memory_space<vmem>>
    %dma_start3A_353 = tpu.memref_squeeze %dma_start3A_352 : memref<1x128x128xf32, #tpu.memory_space<vmem>> -> memref<128x128xf32, #tpu.memory_space<vmem>>
    %dma_start3A_354 = arith.constant 0 : i32
    %dma_start3A_355 = tpu.memref_slice %arg8[%arg0, %add3A_348, %dma_start3A_354] : memref<2x10240x128xf32, #tpu.memory_space<hbm>> -> memref<1x128x128xf32, #tpu.memory_space<hbm>>
    %dma_start3A_356 = tpu.memref_squeeze %dma_start3A_355 : memref<1x128x128xf32, #tpu.memory_space<hbm>> -> memref<128x128xf32, #tpu.memory_space<hbm>>
    %dma_start3A_357 = arith.constant 0 : i32
    %dma_start3A_358 = tpu.memref_slice %arg8[%arg0, %add3A_348, %dma_start3A_357] : memref<2x10240x128xf32, #tpu.memory_space<hbm>> -> memref<1x128x128xf32, #tpu.memory_space<hbm>>
    %dma_start3A_359 = tpu.memref_squeeze %dma_start3A_358 : memref<1x128x128xf32, #tpu.memory_space<hbm>> -> memref<128x128xf32, #tpu.memory_space<hbm>>
    %dma_start3A_360 = arith.constant 0 : i32
    %dma_start3A_361 = arith.constant 0 : i32
    %dma_start3A_362 = tpu.memref_slice %arg12[%dma_start3A_349, %dma_start3A_360, %dma_start3A_361] : memref<2x128x128xf32, #tpu.memory_space<vmem>> -> memref<1x128x128xf32, #tpu.memory_space<vmem>>
    %dma_start3A_363 = tpu.memref_squeeze %dma_start3A_362 : memref<1x128x128xf32, #tpu.memory_space<vmem>> -> memref<128x128xf32, #tpu.memory_space<vmem>>
    tpu.enqueue_dma source(%dma_start3A_363 : memref<128x128xf32, #tpu.memory_space<vmem>>) target(%dma_start3A_359 : memref<128x128xf32, #tpu.memory_space<hbm>>) target_semaphore(%arg17 : memref<!tpu.dma_semaphore, #tpu.memory_space<semaphore_mem>>)
    %dma_wait3A_364 = arith.constant 1 : i32
    %dma_wait3A_365 = arith.constant 0 : i32
    %dma_wait3A_366 = arith.constant 0 : i32
    %dma_wait3A_367 = tpu.memref_slice %arg12[%dma_wait3A_364, %dma_wait3A_365, %dma_wait3A_366] : memref<2x128x128xf32, #tpu.memory_space<vmem>> -> memref<1x128x128xf32, #tpu.memory_space<vmem>>
    %dma_wait3A_368 = tpu.memref_squeeze %dma_wait3A_367 : memref<1x128x128xf32, #tpu.memory_space<vmem>> -> memref<128x128xf32, #tpu.memory_space<vmem>>
    %dma_wait3A_369 = arith.constant 0 : i32
    %dma_wait3A_370 = arith.constant 0 : i32
    %dma_wait3A_371 = tpu.memref_slice %arg8[%arg0, %dma_wait3A_369, %dma_wait3A_370] : memref<2x10240x128xf32, #tpu.memory_space<hbm>> -> memref<1x128x128xf32, #tpu.memory_space<hbm>>
    %dma_wait3A_372 = tpu.memref_squeeze %dma_wait3A_371 : memref<1x128x128xf32, #tpu.memory_space<hbm>> -> memref<128x128xf32, #tpu.memory_space<hbm>>
    %dma_wait3A_373 = arith.constant 0 : i32
    %dma_wait3A_374 = arith.constant 0 : i32
    %dma_wait3A_375 = tpu.memref_slice %arg8[%arg0, %dma_wait3A_373, %dma_wait3A_374] : memref<2x10240x128xf32, #tpu.memory_space<hbm>> -> memref<1x128x128xf32, #tpu.memory_space<hbm>>
    %dma_wait3A_376 = tpu.memref_squeeze %dma_wait3A_375 : memref<1x128x128xf32, #tpu.memory_space<hbm>> -> memref<128x128xf32, #tpu.memory_space<hbm>>
    %dma_wait3A_377 = arith.constant 0 : i32
    %dma_wait3A_378 = arith.constant 0 : i32
    %dma_wait3A_379 = tpu.memref_slice %arg12[%dma_wait3A_364, %dma_wait3A_377, %dma_wait3A_378] : memref<2x128x128xf32, #tpu.memory_space<vmem>> -> memref<1x128x128xf32, #tpu.memory_space<vmem>>
    %dma_wait3A_380 = tpu.memref_squeeze %dma_wait3A_379 : memref<1x128x128xf32, #tpu.memory_space<vmem>> -> memref<128x128xf32, #tpu.memory_space<vmem>>
    tpu.wait_dma2 semaphore(%arg18 : memref<!tpu.dma_semaphore, #tpu.memory_space<semaphore_mem>>) src(%dma_wait3A_380 : memref<128x128xf32, #tpu.memory_space<vmem>>) dst(%dma_wait3A_376 : memref<128x128xf32, #tpu.memory_space<hbm>>)
    %mul3A_381 = arith.constant 640 : i32
    %mul3A_382 = arith.muli %arg1, %mul3A_381 : i32
    %add3A_383 = arith.constant 384 : i32
    %add3A_384 = arith.addi %mul3A_382, %add3A_383 : i32
    %run_scoped3A_385 = arith.constant 1 : i32
    "tpu.region"() ({
      %run_scoped3A_484 = tpu.sem_alloc : memref<!tpu.dma_semaphore, #tpu.memory_space<semaphore_mem>>
      %dma_start3A_485 = arith.constant 0 : i32
      %dma_start3A_486 = arith.constant 0 : i32
      %dma_start3A_487 = tpu.memref_slice %arg12[%run_scoped3A_385, %dma_start3A_485, %dma_start3A_486] : memref<2x128x128xf32, #tpu.memory_space<vmem>> -> memref<1x128x128xf32, #tpu.memory_space<vmem>>
      %dma_start3A_488 = tpu.memref_squeeze %dma_start3A_487 : memref<1x128x128xf32, #tpu.memory_space<vmem>> -> memref<128x128xf32, #tpu.memory_space<vmem>>
      %dma_start3A_489 = arith.constant 0 : i32
      %dma_start3A_490 = tpu.memref_slice %arg13[%add3A_384, %dma_start3A_489] : memref<10240x128xf32, #tpu.memory_space<vmem_shared>> -> memref<128x128xf32, #tpu.memory_space<vmem_shared>>
      %dma_start3A_491 = arith.constant 0 : i32
      %dma_start3A_492 = arith.constant 0 : i32
      %dma_start3A_493 = tpu.memref_slice %arg12[%run_scoped3A_385, %dma_start3A_491, %dma_start3A_492] : memref<2x128x128xf32, #tpu.memory_space<vmem>> -> memref<1x128x128xf32, #tpu.memory_space<vmem>>
      %dma_start3A_494 = tpu.memref_squeeze %dma_start3A_493 : memref<1x128x128xf32, #tpu.memory_space<vmem>> -> memref<128x128xf32, #tpu.memory_space<vmem>>
      %dma_start3A_495 = arith.constant 0 : i32
      %dma_start3A_496 = tpu.memref_slice %arg13[%add3A_384, %dma_start3A_495] : memref<10240x128xf32, #tpu.memory_space<vmem_shared>> -> memref<128x128xf32, #tpu.memory_space<vmem_shared>>
      tpu.enqueue_dma source(%dma_start3A_496 : memref<128x128xf32, #tpu.memory_space<vmem_shared>>) target(%dma_start3A_494 : memref<128x128xf32, #tpu.memory_space<vmem>>) target_semaphore(%run_scoped3A_484 : memref<!tpu.dma_semaphore, #tpu.memory_space<semaphore_mem>>)
      %dma_wait3A_497 = arith.constant 0 : i32
      %dma_wait3A_498 = arith.constant 0 : i32
      %dma_wait3A_499 = tpu.memref_slice %arg12[%run_scoped3A_385, %dma_wait3A_497, %dma_wait3A_498] : memref<2x128x128xf32, #tpu.memory_space<vmem>> -> memref<1x128x128xf32, #tpu.memory_space<vmem>>
      %dma_wait3A_500 = tpu.memref_squeeze %dma_wait3A_499 : memref<1x128x128xf32, #tpu.memory_space<vmem>> -> memref<128x128xf32, #tpu.memory_space<vmem>>
      %dma_wait3A_501 = arith.constant 0 : i32
      %dma_wait3A_502 = tpu.memref_slice %arg13[%add3A_384, %dma_wait3A_501] : memref<10240x128xf32, #tpu.memory_space<vmem_shared>> -> memref<128x128xf32, #tpu.memory_space<vmem_shared>>
      %dma_wait3A_503 = arith.constant 0 : i32
      %dma_wait3A_504 = arith.constant 0 : i32
      %dma_wait3A_505 = tpu.memref_slice %arg12[%run_scoped3A_385, %dma_wait3A_503, %dma_wait3A_504] : memref<2x128x128xf32, #tpu.memory_space<vmem>> -> memref<1x128x128xf32, #tpu.memory_space<vmem>>
      %dma_wait3A_506 = tpu.memref_squeeze %dma_wait3A_505 : memref<1x128x128xf32, #tpu.memory_space<vmem>> -> memref<128x128xf32, #tpu.memory_space<vmem>>
      %dma_wait3A_507 = arith.constant 0 : i32
      %dma_wait3A_508 = tpu.memref_slice %arg13[%add3A_384, %dma_wait3A_507] : memref<10240x128xf32, #tpu.memory_space<vmem_shared>> -> memref<128x128xf32, #tpu.memory_space<vmem_shared>>
      tpu.wait_dma2 semaphore(%run_scoped3A_484 : memref<!tpu.dma_semaphore, #tpu.memory_space<semaphore_mem>>) src(%dma_wait3A_508 : memref<128x128xf32, #tpu.memory_space<vmem_shared>>) dst(%dma_wait3A_506 : memref<128x128xf32, #tpu.memory_space<vmem>>)
      tpu.yield
    }) : () -> ()
    %mul3A_386 = arith.constant 640 : i32
    %mul3A_387 = arith.muli %arg1, %mul3A_386 : i32
    %add3A_388 = arith.constant 384 : i32
    %add3A_389 = arith.addi %mul3A_387, %add3A_388 : i32
    %dma_start3A_390 = arith.constant 1 : i32
    %dma_start3A_391 = arith.constant 0 : i32
    %dma_start3A_392 = arith.constant 0 : i32
    %dma_start3A_393 = tpu.memref_slice %arg12[%dma_start3A_390, %dma_start3A_391, %dma_start3A_392] : memref<2x128x128xf32, #tpu.memory_space<vmem>> -> memref<1x128x128xf32, #tpu.memory_space<vmem>>
    %dma_start3A_394 = tpu.memref_squeeze %dma_start3A_393 : memref<1x128x128xf32, #tpu.memory_space<vmem>> -> memref<128x128xf32, #tpu.memory_space<vmem>>
    %dma_start3A_395 = arith.constant 0 : i32
    %dma_start3A_396 = tpu.memref_slice %arg8[%arg0, %add3A_389, %dma_start3A_395] : memref<2x10240x128xf32, #tpu.memory_space<hbm>> -> memref<1x128x128xf32, #tpu.memory_space<hbm>>
    %dma_start3A_397 = tpu.memref_squeeze %dma_start3A_396 : memref<1x128x128xf32, #tpu.memory_space<hbm>> -> memref<128x128xf32, #tpu.memory_space<hbm>>
    %dma_start3A_398 = arith.constant 0 : i32
    %dma_start3A_399 = tpu.memref_slice %arg8[%arg0, %add3A_389, %dma_start3A_398] : memref<2x10240x128xf32, #tpu.memory_space<hbm>> -> memref<1x128x128xf32, #tpu.memory_space<hbm>>
    %dma_start3A_400 = tpu.memref_squeeze %dma_start3A_399 : memref<1x128x128xf32, #tpu.memory_space<hbm>> -> memref<128x128xf32, #tpu.memory_space<hbm>>
    %dma_start3A_401 = arith.constant 0 : i32
    %dma_start3A_402 = arith.constant 0 : i32
    %dma_start3A_403 = tpu.memref_slice %arg12[%dma_start3A_390, %dma_start3A_401, %dma_start3A_402] : memref<2x128x128xf32, #tpu.memory_space<vmem>> -> memref<1x128x128xf32, #tpu.memory_space<vmem>>
    %dma_start3A_404 = tpu.memref_squeeze %dma_start3A_403 : memref<1x128x128xf32, #tpu.memory_space<vmem>> -> memref<128x128xf32, #tpu.memory_space<vmem>>
    tpu.enqueue_dma source(%dma_start3A_404 : memref<128x128xf32, #tpu.memory_space<vmem>>) target(%dma_start3A_400 : memref<128x128xf32, #tpu.memory_space<hbm>>) target_semaphore(%arg18 : memref<!tpu.dma_semaphore, #tpu.memory_space<semaphore_mem>>)
    %dma_wait3A_405 = arith.constant 0 : i32
    %dma_wait3A_406 = arith.constant 0 : i32
    %dma_wait3A_407 = arith.constant 0 : i32
    %dma_wait3A_408 = tpu.memref_slice %arg12[%dma_wait3A_405, %dma_wait3A_406, %dma_wait3A_407] : memref<2x128x128xf32, #tpu.memory_space<vmem>> -> memref<1x128x128xf32, #tpu.memory_space<vmem>>
    %dma_wait3A_409 = tpu.memref_squeeze %dma_wait3A_408 : memref<1x128x128xf32, #tpu.memory_space<vmem>> -> memref<128x128xf32, #tpu.memory_space<vmem>>
    %dma_wait3A_410 = arith.constant 0 : i32
    %dma_wait3A_411 = arith.constant 0 : i32
    %dma_wait3A_412 = tpu.memref_slice %arg8[%arg0, %dma_wait3A_410, %dma_wait3A_411] : memref<2x10240x128xf32, #tpu.memory_space<hbm>> -> memref<1x128x128xf32, #tpu.memory_space<hbm>>
    %dma_wait3A_413 = tpu.memref_squeeze %dma_wait3A_412 : memref<1x128x128xf32, #tpu.memory_space<hbm>> -> memref<128x128xf32, #tpu.memory_space<hbm>>
    %dma_wait3A_414 = arith.constant 0 : i32
    %dma_wait3A_415 = arith.constant 0 : i32
    %dma_wait3A_416 = tpu.memref_slice %arg8[%arg0, %dma_wait3A_414, %dma_wait3A_415] : memref<2x10240x128xf32, #tpu.memory_space<hbm>> -> memref<1x128x128xf32, #tpu.memory_space<hbm>>
    %dma_wait3A_417 = tpu.memref_squeeze %dma_wait3A_416 : memref<1x128x128xf32, #tpu.memory_space<hbm>> -> memref<128x128xf32, #tpu.memory_space<hbm>>
    %dma_wait3A_418 = arith.constant 0 : i32
    %dma_wait3A_419 = arith.constant 0 : i32
    %dma_wait3A_420 = tpu.memref_slice %arg12[%dma_wait3A_405, %dma_wait3A_418, %dma_wait3A_419] : memref<2x128x128xf32, #tpu.memory_space<vmem>> -> memref<1x128x128xf32, #tpu.memory_space<vmem>>
    %dma_wait3A_421 = tpu.memref_squeeze %dma_wait3A_420 : memref<1x128x128xf32, #tpu.memory_space<vmem>> -> memref<128x128xf32, #tpu.memory_space<vmem>>
    tpu.wait_dma2 semaphore(%arg17 : memref<!tpu.dma_semaphore, #tpu.memory_space<semaphore_mem>>) src(%dma_wait3A_421 : memref<128x128xf32, #tpu.memory_space<vmem>>) dst(%dma_wait3A_417 : memref<128x128xf32, #tpu.memory_space<hbm>>)
    %mul3A_422 = arith.constant 640 : i32
    %mul3A_423 = arith.muli %arg1, %mul3A_422 : i32
    %add3A_424 = arith.constant 512 : i32
    %add3A_425 = arith.addi %mul3A_423, %add3A_424 : i32
    %run_scoped3A_426 = arith.constant 0 : i32
    "tpu.region"() ({
      %run_scoped3A_484 = tpu.sem_alloc : memref<!tpu.dma_semaphore, #tpu.memory_space<semaphore_mem>>
      %dma_start3A_485 = arith.constant 0 : i32
      %dma_start3A_486 = arith.constant 0 : i32
      %dma_start3A_487 = tpu.memref_slice %arg12[%run_scoped3A_426, %dma_start3A_485, %dma_start3A_486] : memref<2x128x128xf32, #tpu.memory_space<vmem>> -> memref<1x128x128xf32, #tpu.memory_space<vmem>>
      %dma_start3A_488 = tpu.memref_squeeze %dma_start3A_487 : memref<1x128x128xf32, #tpu.memory_space<vmem>> -> memref<128x128xf32, #tpu.memory_space<vmem>>
      %dma_start3A_489 = arith.constant 0 : i32
      %dma_start3A_490 = tpu.memref_slice %arg13[%add3A_425, %dma_start3A_489] : memref<10240x128xf32, #tpu.memory_space<vmem_shared>> -> memref<128x128xf32, #tpu.memory_space<vmem_shared>>
      %dma_start3A_491 = arith.constant 0 : i32
      %dma_start3A_492 = arith.constant 0 : i32
      %dma_start3A_493 = tpu.memref_slice %arg12[%run_scoped3A_426, %dma_start3A_491, %dma_start3A_492] : memref<2x128x128xf32, #tpu.memory_space<vmem>> -> memref<1x128x128xf32, #tpu.memory_space<vmem>>
      %dma_start3A_494 = tpu.memref_squeeze %dma_start3A_493 : memref<1x128x128xf32, #tpu.memory_space<vmem>> -> memref<128x128xf32, #tpu.memory_space<vmem>>
      %dma_start3A_495 = arith.constant 0 : i32
      %dma_start3A_496 = tpu.memref_slice %arg13[%add3A_425, %dma_start3A_495] : memref<10240x128xf32, #tpu.memory_space<vmem_shared>> -> memref<128x128xf32, #tpu.memory_space<vmem_shared>>
      tpu.enqueue_dma source(%dma_start3A_496 : memref<128x128xf32, #tpu.memory_space<vmem_shared>>) target(%dma_start3A_494 : memref<128x128xf32, #tpu.memory_space<vmem>>) target_semaphore(%run_scoped3A_484 : memref<!tpu.dma_semaphore, #tpu.memory_space<semaphore_mem>>)
      %dma_wait3A_497 = arith.constant 0 : i32
      %dma_wait3A_498 = arith.constant 0 : i32
      %dma_wait3A_499 = tpu.memref_slice %arg12[%run_scoped3A_426, %dma_wait3A_497, %dma_wait3A_498] : memref<2x128x128xf32, #tpu.memory_space<vmem>> -> memref<1x128x128xf32, #tpu.memory_space<vmem>>
      %dma_wait3A_500 = tpu.memref_squeeze %dma_wait3A_499 : memref<1x128x128xf32, #tpu.memory_space<vmem>> -> memref<128x128xf32, #tpu.memory_space<vmem>>
      %dma_wait3A_501 = arith.constant 0 : i32
      %dma_wait3A_502 = tpu.memref_slice %arg13[%add3A_425, %dma_wait3A_501] : memref<10240x128xf32, #tpu.memory_space<vmem_shared>> -> memref<128x128xf32, #tpu.memory_space<vmem_shared>>
      %dma_wait3A_503 = arith.constant 0 : i32
      %dma_wait3A_504 = arith.constant 0 : i32
      %dma_wait3A_505 = tpu.memref_slice %arg12[%run_scoped3A_426, %dma_wait3A_503, %dma_wait3A_504] : memref<2x128x128xf32, #tpu.memory_space<vmem>> -> memref<1x128x128xf32, #tpu.memory_space<vmem>>
      %dma_wait3A_506 = tpu.memref_squeeze %dma_wait3A_505 : memref<1x128x128xf32, #tpu.memory_space<vmem>> -> memref<128x128xf32, #tpu.memory_space<vmem>>
      %dma_wait3A_507 = arith.constant 0 : i32
      %dma_wait3A_508 = tpu.memref_slice %arg13[%add3A_425, %dma_wait3A_507] : memref<10240x128xf32, #tpu.memory_space<vmem_shared>> -> memref<128x128xf32, #tpu.memory_space<vmem_shared>>
      tpu.wait_dma2 semaphore(%run_scoped3A_484 : memref<!tpu.dma_semaphore, #tpu.memory_space<semaphore_mem>>) src(%dma_wait3A_508 : memref<128x128xf32, #tpu.memory_space<vmem_shared>>) dst(%dma_wait3A_506 : memref<128x128xf32, #tpu.memory_space<vmem>>)
      tpu.yield
    }) : () -> ()
    %mul3A_427 = arith.constant 640 : i32
    %mul3A_428 = arith.muli %arg1, %mul3A_427 : i32
    %add3A_429 = arith.constant 512 : i32
    %add3A_430 = arith.addi %mul3A_428, %add3A_429 : i32
    %dma_start3A_431 = arith.constant 0 : i32
    %dma_start3A_432 = arith.constant 0 : i32
    %dma_start3A_433 = arith.constant 0 : i32
    %dma_start3A_434 = tpu.memref_slice %arg12[%dma_start3A_431, %dma_start3A_432, %dma_start3A_433] : memref<2x128x128xf32, #tpu.memory_space<vmem>> -> memref<1x128x128xf32, #tpu.memory_space<vmem>>
    %dma_start3A_435 = tpu.memref_squeeze %dma_start3A_434 : memref<1x128x128xf32, #tpu.memory_space<vmem>> -> memref<128x128xf32, #tpu.memory_space<vmem>>
    %dma_start3A_436 = arith.constant 0 : i32
    %dma_start3A_437 = tpu.memref_slice %arg8[%arg0, %add3A_430, %dma_start3A_436] : memref<2x10240x128xf32, #tpu.memory_space<hbm>> -> memref<1x128x128xf32, #tpu.memory_space<hbm>>
    %dma_start3A_438 = tpu.memref_squeeze %dma_start3A_437 : memref<1x128x128xf32, #tpu.memory_space<hbm>> -> memref<128x128xf32, #tpu.memory_space<hbm>>
    %dma_start3A_439 = arith.constant 0 : i32
    %dma_start3A_440 = tpu.memref_slice %arg8[%arg0, %add3A_430, %dma_start3A_439] : memref<2x10240x128xf32, #tpu.memory_space<hbm>> -> memref<1x128x128xf32, #tpu.memory_space<hbm>>
    %dma_start3A_441 = tpu.memref_squeeze %dma_start3A_440 : memref<1x128x128xf32, #tpu.memory_space<hbm>> -> memref<128x128xf32, #tpu.memory_space<hbm>>
    %dma_start3A_442 = arith.constant 0 : i32
    %dma_start3A_443 = arith.constant 0 : i32
    %dma_start3A_444 = tpu.memref_slice %arg12[%dma_start3A_431, %dma_start3A_442, %dma_start3A_443] : memref<2x128x128xf32, #tpu.memory_space<vmem>> -> memref<1x128x128xf32, #tpu.memory_space<vmem>>
    %dma_start3A_445 = tpu.memref_squeeze %dma_start3A_444 : memref<1x128x128xf32, #tpu.memory_space<vmem>> -> memref<128x128xf32, #tpu.memory_space<vmem>>
    tpu.enqueue_dma source(%dma_start3A_445 : memref<128x128xf32, #tpu.memory_space<vmem>>) target(%dma_start3A_441 : memref<128x128xf32, #tpu.memory_space<hbm>>) target_semaphore(%arg17 : memref<!tpu.dma_semaphore, #tpu.memory_space<semaphore_mem>>)
    %dma_wait3A_446 = arith.constant 0 : i32
    %dma_wait3A_447 = arith.constant 0 : i32
    %dma_wait3A_448 = arith.constant 0 : i32
    %dma_wait3A_449 = tpu.memref_slice %arg12[%dma_wait3A_446, %dma_wait3A_447, %dma_wait3A_448] : memref<2x128x128xf32, #tpu.memory_space<vmem>> -> memref<1x128x128xf32, #tpu.memory_space<vmem>>
    %dma_wait3A_450 = tpu.memref_squeeze %dma_wait3A_449 : memref<1x128x128xf32, #tpu.memory_space<vmem>> -> memref<128x128xf32, #tpu.memory_space<vmem>>
    %dma_wait3A_451 = arith.constant 0 : i32
    %dma_wait3A_452 = arith.constant 0 : i32
    %dma_wait3A_453 = tpu.memref_slice %arg8[%arg0, %dma_wait3A_451, %dma_wait3A_452] : memref<2x10240x128xf32, #tpu.memory_space<hbm>> -> memref<1x128x128xf32, #tpu.memory_space<hbm>>
    %dma_wait3A_454 = tpu.memref_squeeze %dma_wait3A_453 : memref<1x128x128xf32, #tpu.memory_space<hbm>> -> memref<128x128xf32, #tpu.memory_space<hbm>>
    %dma_wait3A_455 = arith.constant 0 : i32
    %dma_wait3A_456 = arith.constant 0 : i32
    %dma_wait3A_457 = tpu.memref_slice %arg8[%arg0, %dma_wait3A_455, %dma_wait3A_456] : memref<2x10240x128xf32, #tpu.memory_space<hbm>> -> memref<1x128x128xf32, #tpu.memory_space<hbm>>
    %dma_wait3A_458 = tpu.memref_squeeze %dma_wait3A_457 : memref<1x128x128xf32, #tpu.memory_space<hbm>> -> memref<128x128xf32, #tpu.memory_space<hbm>>
    %dma_wait3A_459 = arith.constant 0 : i32
    %dma_wait3A_460 = arith.constant 0 : i32
    %dma_wait3A_461 = tpu.memref_slice %arg12[%dma_wait3A_446, %dma_wait3A_459, %dma_wait3A_460] : memref<2x128x128xf32, #tpu.memory_space<vmem>> -> memref<1x128x128xf32, #tpu.memory_space<vmem>>
    %dma_wait3A_462 = tpu.memref_squeeze %dma_wait3A_461 : memref<1x128x128xf32, #tpu.memory_space<vmem>> -> memref<128x128xf32, #tpu.memory_space<vmem>>
    tpu.wait_dma2 semaphore(%arg17 : memref<!tpu.dma_semaphore, #tpu.memory_space<semaphore_mem>>) src(%dma_wait3A_462 : memref<128x128xf32, #tpu.memory_space<vmem>>) dst(%dma_wait3A_458 : memref<128x128xf32, #tpu.memory_space<hbm>>)
    %dma_wait3A_463 = arith.constant 1 : i32
    %dma_wait3A_464 = arith.constant 0 : i32
    %dma_wait3A_465 = arith.constant 0 : i32
    %dma_wait3A_466 = tpu.memref_slice %arg12[%dma_wait3A_463, %dma_wait3A_464, %dma_wait3A_465] : memref<2x128x128xf32, #tpu.memory_space<vmem>> -> memref<1x128x128xf32, #tpu.memory_space<vmem>>
    %dma_wait3A_467 = tpu.memref_squeeze %dma_wait3A_466 : memref<1x128x128xf32, #tpu.memory_space<vmem>> -> memref<128x128xf32, #tpu.memory_space<vmem>>
    %dma_wait3A_468 = arith.constant 0 : i32
    %dma_wait3A_469 = arith.constant 0 : i32
    %dma_wait3A_470 = tpu.memref_slice %arg8[%arg0, %dma_wait3A_468, %dma_wait3A_469] : memref<2x10240x128xf32, #tpu.memory_space<hbm>> -> memref<1x128x128xf32, #tpu.memory_space<hbm>>
    %dma_wait3A_471 = tpu.memref_squeeze %dma_wait3A_470 : memref<1x128x128xf32, #tpu.memory_space<hbm>> -> memref<128x128xf32, #tpu.memory_space<hbm>>
    %dma_wait3A_472 = arith.constant 0 : i32
    %dma_wait3A_473 = arith.constant 0 : i32
    %dma_wait3A_474 = tpu.memref_slice %arg8[%arg0, %dma_wait3A_472, %dma_wait3A_473] : memref<2x10240x128xf32, #tpu.memory_space<hbm>> -> memref<1x128x128xf32, #tpu.memory_space<hbm>>
    %dma_wait3A_475 = tpu.memref_squeeze %dma_wait3A_474 : memref<1x128x128xf32, #tpu.memory_space<hbm>> -> memref<128x128xf32, #tpu.memory_space<hbm>>
    %dma_wait3A_476 = arith.constant 0 : i32
    %dma_wait3A_477 = arith.constant 0 : i32
    %dma_wait3A_478 = tpu.memref_slice %arg12[%dma_wait3A_463, %dma_wait3A_476, %dma_wait3A_477] : memref<2x128x128xf32, #tpu.memory_space<vmem>> -> memref<1x128x128xf32, #tpu.memory_space<vmem>>
    %dma_wait3A_479 = tpu.memref_squeeze %dma_wait3A_478 : memref<1x128x128xf32, #tpu.memory_space<vmem>> -> memref<128x128xf32, #tpu.memory_space<vmem>>
    tpu.wait_dma2 semaphore(%arg18 : memref<!tpu.dma_semaphore, #tpu.memory_space<semaphore_mem>>) src(%dma_wait3A_479 : memref<128x128xf32, #tpu.memory_space<vmem>>) dst(%dma_wait3A_475 : memref<128x128xf32, #tpu.memory_space<hbm>>)
    %mul3A_480 = arith.constant 640 : i32
    %mul3A_481 = arith.muli %arg1, %mul3A_480 : i32
    %mul3A_482 = arith.constant 640 : i32
    %mul3A_483 = arith.muli %arg1, %mul3A_482 : i32
    "tpu.region"() ({
      %run_scoped3A_484 = tpu.sem_alloc : memref<!tpu.dma_semaphore, #tpu.memory_space<semaphore_mem>>
      %dma_start3A_485 = tpu.memref_slice %arg9[%arg0, %mul3A_483] : memref<2x10240xf32, #tpu.memory_space<hbm>> -> memref<1x640xf32, #tpu.memory_space<hbm>>
      %dma_start3A_486 = tpu.memref_squeeze %dma_start3A_485 : memref<1x640xf32, #tpu.memory_space<hbm>> -> memref<640xf32, #tpu.memory_space<hbm>>
      %dma_start3A_487 = tpu.memref_slice %arg20[%mul3A_481] : memref<10240xf32, #tpu.memory_space<vmem_shared>> -> memref<640xf32, #tpu.memory_space<vmem_shared>>
      tpu.enqueue_dma source(%dma_start3A_487 : memref<640xf32, #tpu.memory_space<vmem_shared>>) target(%dma_start3A_486 : memref<640xf32, #tpu.memory_space<hbm>>) target_semaphore(%run_scoped3A_484 : memref<!tpu.dma_semaphore, #tpu.memory_space<semaphore_mem>>)
      %dma_wait3A_488 = tpu.memref_slice %arg9[%arg0, %mul3A_483] : memref<2x10240xf32, #tpu.memory_space<hbm>> -> memref<1x640xf32, #tpu.memory_space<hbm>>
      %dma_wait3A_489 = tpu.memref_squeeze %dma_wait3A_488 : memref<1x640xf32, #tpu.memory_space<hbm>> -> memref<640xf32, #tpu.memory_space<hbm>>
      %dma_wait3A_490 = tpu.memref_slice %arg20[%mul3A_481] : memref<10240xf32, #tpu.memory_space<vmem_shared>> -> memref<640xf32, #tpu.memory_space<vmem_shared>>
      tpu.wait_dma2 semaphore(%run_scoped3A_484 : memref<!tpu.dma_semaphore, #tpu.memory_space<semaphore_mem>>) src(%dma_wait3A_490 : memref<640xf32, #tpu.memory_space<vmem_shared>>) dst(%dma_wait3A_489 : memref<640xf32, #tpu.memory_space<hbm>>)
      tpu.yield
    }) : () -> ()
    return
  }
}

module attributes {stable_mosaic.version = 14 : i64} {
  func.func @body(%arg0: i32, %arg1: memref<512x128xf32, #tpu.memory_space<vmem>>, %arg2: memref<128x128xf32, #tpu.memory_space<vmem>>, %arg3: memref<512x128xf32, #tpu.memory_space<vmem>>) attributes {dimension_semantics = [#tpu.dimension_semantics<arbitrary>], iteration_bounds = array<i64: 20>, scalar_prefetch = 0 : i64, scratch_operands = 0 : i64, tpu.core_type = #tpu.core_type<tc>, window_params = [{transform_indices = @transform_0, window_bounds = array<i64: 512, 128>}, {pipeline_mode = #tpu.pipeline_mode<synchronous>, transform_indices = @transform_1, window_bounds = array<i64: 128, 128>}, {transform_indices = @transform_2, window_bounds = array<i64: 512, 128>}]} {
    %get3A = arith.constant 0 : index
    %get3A_0 = arith.constant 0 : index
    %get3A_1 = vector.load %arg1[%get3A, %get3A_0] : memref<512x128xf32, #tpu.memory_space<vmem>>, vector<512x128xf32>
    %get3A_2 = arith.constant 0 : index
    %get3A_3 = arith.constant 0 : index
    %get3A_4 = vector.load %arg2[%get3A_2, %get3A_3] : memref<128x128xf32, #tpu.memory_space<vmem>>, vector<128x128xf32>
    %dot_general3A = arith.constant dense<0.000000e+00> : vector<512x128xf32>
    %dot_general3A_5 = tpu.matmul %get3A_1, %get3A_4, %dot_general3A {dimension_numbers = #tpu.dot_dimension_numbers<[1], [0], [0], [1], [0, 0, 1, 1], [], []>, transpose_lhs_hint = false} : vector<512x128xf32>, vector<128x128xf32>, vector<512x128xf32> -> vector<512x128xf32>
    %swap3A = arith.constant 0 : index
    %swap3A_6 = arith.constant 0 : index
    %swap3A_7 = vector.load %arg3[%swap3A, %swap3A_6] : memref<512x128xf32, #tpu.memory_space<vmem>>, vector<512x128xf32>
    tpu.vector_store %arg3[%swap3A, %swap3A_6], %dot_general3A_5 {strides = array<i32>} : memref<512x128xf32, #tpu.memory_space<vmem>>, vector<512x128xf32>,
    return
  }
  func.func @transform_0(%arg0: i32) -> (i32, i32) {
    %c0_i32 = arith.constant 0 : i32
    %c0_i32_0 = arith.constant 0 : i32
    return %arg0, %c0_i32 : i32, i32
  }
  func.func @transform_1(%arg0: i32) -> (i32, i32) {
    %c0_i32 = arith.constant 0 : i32
    %c0_i32_0 = arith.constant 0 : i32
    %c0_i32_1 = arith.constant 0 : i32
    return %c0_i32, %c0_i32_0 : i32, i32
  }
  func.func @transform_2(%arg0: i32) -> (i32, i32) {
    %c0_i32 = arith.constant 0 : i32
    %c0_i32_0 = arith.constant 0 : i32
    return %arg0, %c0_i32 : i32, i32
  }
}

module attributes {stable_mosaic.version = 14 : i64} {
  func.func @body(%arg0: i32, %arg1: memref<512x128xf32, #tpu.memory_space<vmem>>, %arg2: memref<512x128xf32, #tpu.memory_space<vmem>>, %arg3: memref<512xf32, #tpu.memory_space<vmem>>, %arg4: memref<1x128xf32, #tpu.memory_space<vmem>>, %arg5: memref<1xf32, #tpu.memory_space<smem>>, %arg6: memref<512xf32, #tpu.memory_space<vmem>>) attributes {dimension_semantics = [#tpu.dimension_semantics<arbitrary>], iteration_bounds = array<i64: 20>, scalar_prefetch = 0 : i64, scratch_operands = 0 : i64, tpu.core_type = #tpu.core_type<tc>, window_params = [{transform_indices = @transform_0, window_bounds = array<i64: 512, 128>}, {transform_indices = @transform_1, window_bounds = array<i64: 512, 128>}, {transform_indices = @transform_2, window_bounds = array<i64: 512>}, {pipeline_mode = #tpu.pipeline_mode<synchronous>, transform_indices = @transform_3, window_bounds = array<i64: 1, 128>}, {transform_indices = @transform_4, window_bounds = array<i64: 1>}, {transform_indices = @transform_5, window_bounds = array<i64: 512>}]} {
    %get3A = arith.constant 0 : index
    %get3A_0 = vector.load %arg3[%get3A] : memref<512xf32, #tpu.memory_space<vmem>>, vector<512xf32>
    %max3A = arith.constant 1.000000e+00 : f32
    %max3A_1 = vector.broadcast %max3A : f32 to vector<512xf32>
    %max3A_2 = arith.maximumf %get3A_0, %max3A_1 : vector<512xf32>
    %get3A_3 = arith.constant 0 : index
    %get3A_4 = arith.constant 0 : index
    %get3A_5 = vector.load %arg1[%get3A_3, %get3A_4] : memref<512x128xf32, #tpu.memory_space<vmem>>, vector<512x128xf32>
    %get3A_6 = arith.constant 0 : index
    %get3A_7 = arith.constant 0 : index
    %get3A_8 = vector.load %arg2[%get3A_6, %get3A_7] : memref<512x128xf32, #tpu.memory_space<vmem>>, vector<512x128xf32>
    %add3A = arith.addf %get3A_5, %get3A_8 : vector<512x128xf32>
    %rsqrt3A = math.rsqrt %max3A_2 : vector<512xf32>
    %broadcast_in_dim3A = vector.shape_cast %rsqrt3A : vector<512xf32> to vector<512x1xf32>
    %mul3A = vector.broadcast %broadcast_in_dim3A : vector<512x1xf32> to vector<512x128xf32>
    %mul3A_9 = arith.mulf %add3A, %mul3A : vector<512x128xf32>
    %max3A_10 = arith.constant 0.000000e+00 : f32
    %max3A_11 = vector.broadcast %max3A_10 : f32 to vector<512x128xf32>
    %max3A_12 = arith.maximumf %mul3A_9, %max3A_11 : vector<512x128xf32>
    %get3A_13 = arith.constant 0 : index
    %get3A_14 = arith.constant 0 : index
    %get3A_15 = vector.load %arg4[%get3A_13, %get3A_14] : memref<1x128xf32, #tpu.memory_space<vmem>>, vector<1x128xf32>
    %mul3A_16 = vector.broadcast %get3A_15 : vector<1x128xf32> to vector<512x128xf32>
    %mul3A_17 = arith.mulf %max3A_12, %mul3A_16 : vector<512x128xf32>
    %reduce_sum3A = arith.constant dense<0.000000e+00> : vector<512xf32>
    %reduce_sum3A_18 = vector.multi_reduction <add>, %mul3A_17, %reduce_sum3A [1] : vector<512x128xf32> to vector<512xf32>
    %get3A_19 = arith.constant 0 : index
    %get3A_20 = memref.load %arg5[%get3A_19] : memref<1xf32, #tpu.memory_space<smem>>
    %add3A_21 = vector.broadcast %get3A_20 : f32 to vector<512xf32>
    %add3A_22 = arith.addf %reduce_sum3A_18, %add3A_21 : vector<512xf32>
    %swap3A = arith.constant 0 : index
    %swap3A_23 = vector.load %arg6[%swap3A] : memref<512xf32, #tpu.memory_space<vmem>>, vector<512xf32>
    tpu.vector_store %arg6[%swap3A], %add3A_22 {strides = array<i32>} : memref<512xf32, #tpu.memory_space<vmem>>, vector<512xf32>,
    return
  }
  func.func @transform_0(%arg0: i32) -> (i32, i32) {
    %c0_i32 = arith.constant 0 : i32
    %c0_i32_0 = arith.constant 0 : i32
    return %arg0, %c0_i32 : i32, i32
  }
  func.func @transform_1(%arg0: i32) -> (i32, i32) {
    %c0_i32 = arith.constant 0 : i32
    %c0_i32_0 = arith.constant 0 : i32
    return %arg0, %c0_i32 : i32, i32
  }
  func.func @transform_2(%arg0: i32) -> i32 {
    %c0_i32 = arith.constant 0 : i32
    return %arg0 : i32
  }
  func.func @transform_3(%arg0: i32) -> (i32, i32) {
    %c0_i32 = arith.constant 0 : i32
    %c0_i32_0 = arith.constant 0 : i32
    %c0_i32_1 = arith.constant 0 : i32
    return %c0_i32, %c0_i32_0 : i32, i32
  }
  func.func @transform_4(%arg0: i32) -> i32 {
    %c0_i32 = arith.constant 0 : i32
    %c0_i32_0 = arith.constant 0 : i32
    return %c0_i32 : i32
  }
  func.func @transform_5(%arg0: i32) -> i32 {
    %c0_i32 = arith.constant 0 : i32
    return %arg0 : i32
  }
}

module attributes {stable_mosaic.version = 14 : i64} {
  func.func @body(%arg0: i32, %arg1: memref<512x128xf32, #tpu.memory_space<vmem>>, %arg2: memref<512x128xf32, #tpu.memory_space<vmem>>, %arg3: memref<512xf32, #tpu.memory_space<vmem>>, %arg4: memref<512xf32, #tpu.memory_space<vmem>>, %arg5: memref<512xf32, #tpu.memory_space<vmem>>, %arg6: memref<512xf32, #tpu.memory_space<vmem>>, %arg7: memref<128xf32, #tpu.memory_space<vmem>>, %arg8: memref<512x128xf32, #tpu.memory_space<vmem>>) attributes {dimension_semantics = [#tpu.dimension_semantics<arbitrary>], iteration_bounds = array<i64: 20>, scalar_prefetch = 0 : i64, scratch_operands = 0 : i64, tpu.core_type = #tpu.core_type<tc>, window_params = [{transform_indices = @transform_0, window_bounds = array<i64: 512, 128>}, {transform_indices = @transform_1, window_bounds = array<i64: 512, 128>}, {transform_indices = @transform_2, window_bounds = array<i64: 512>}, {transform_indices = @transform_3, window_bounds = array<i64: 512>}, {transform_indices = @transform_4, window_bounds = array<i64: 512>}, {transform_indices = @transform_5, window_bounds = array<i64: 512>}, {pipeline_mode = #tpu.pipeline_mode<synchronous>, transform_indices = @transform_6, window_bounds = array<i64: 128>}, {transform_indices = @transform_7, window_bounds = array<i64: 512, 128>}]} {
    %get3A = arith.constant 0 : index
    %get3A_0 = vector.load %arg5[%get3A] : memref<512xf32, #tpu.memory_space<vmem>>, vector<512xf32>
    %get3A_1 = arith.constant 0 : index
    %get3A_2 = vector.load %arg6[%get3A_1] : memref<512xf32, #tpu.memory_space<vmem>>, vector<512xf32>
    %add3A = arith.addf %get3A_0, %get3A_2 : vector<512xf32>
    %max3A = arith.constant 1.000000e+00 : f32
    %max3A_3 = vector.broadcast %max3A : f32 to vector<512xf32>
    %max3A_4 = arith.maximumf %add3A, %max3A_3 : vector<512xf32>
    %get3A_5 = arith.constant 0 : index
    %get3A_6 = vector.load %arg3[%get3A_5] : memref<512xf32, #tpu.memory_space<vmem>>, vector<512xf32>
    %get3A_7 = arith.constant 0 : index
    %get3A_8 = vector.load %arg4[%get3A_7] : memref<512xf32, #tpu.memory_space<vmem>>, vector<512xf32>
    %add3A_9 = arith.addf %get3A_6, %get3A_8 : vector<512xf32>
    %div3A = arith.divf %add3A_9, %max3A_4 : vector<512xf32>
    %max3A_10 = arith.constant 1.000000e+00 : f32
    %max3A_11 = vector.broadcast %max3A_10 : f32 to vector<512xf32>
    %max3A_12 = arith.maximumf %div3A, %max3A_11 : vector<512xf32>
    %get3A_13 = arith.constant 0 : index
    %get3A_14 = arith.constant 0 : index
    %get3A_15 = vector.load %arg1[%get3A_13, %get3A_14] : memref<512x128xf32, #tpu.memory_space<vmem>>, vector<512x128xf32>
    %get3A_16 = arith.constant 0 : index
    %get3A_17 = arith.constant 0 : index
    %get3A_18 = vector.load %arg2[%get3A_16, %get3A_17] : memref<512x128xf32, #tpu.memory_space<vmem>>, vector<512x128xf32>
    %add3A_19 = arith.addf %get3A_15, %get3A_18 : vector<512x128xf32>
    %div3A_20 = arith.constant 1.000000e+00 : f32
    %div3A_21 = vector.broadcast %div3A_20 : f32 to vector<512xf32>
    %div3A_22 = arith.divf %div3A_21, %max3A_4 : vector<512xf32>
    %broadcast_in_dim3A = vector.shape_cast %div3A_22 : vector<512xf32> to vector<512x1xf32>
    %mul3A = vector.broadcast %broadcast_in_dim3A : vector<512x1xf32> to vector<512x128xf32>
    %mul3A_23 = arith.mulf %add3A_19, %mul3A : vector<512x128xf32>
    %get3A_24 = arith.constant 0 : index
    %get3A_25 = vector.load %arg7[%get3A_24] : memref<128xf32, #tpu.memory_space<vmem>>, vector<128xf32>
    %broadcast_in_dim3A_26 = vector.shape_cast %get3A_25 : vector<128xf32> to vector<1x128xf32>
    %add3A_27 = vector.broadcast %broadcast_in_dim3A_26 : vector<1x128xf32> to vector<512x128xf32>
    %add3A_28 = arith.addf %mul3A_23, %add3A_27 : vector<512x128xf32>
    %rsqrt3A = math.rsqrt %max3A_12 : vector<512xf32>
    %broadcast_in_dim3A_29 = vector.shape_cast %rsqrt3A : vector<512xf32> to vector<512x1xf32>
    %mul3A_30 = vector.broadcast %broadcast_in_dim3A_29 : vector<512x1xf32> to vector<512x128xf32>
    %mul3A_31 = arith.mulf %add3A_28, %mul3A_30 : vector<512x128xf32>
    %swap3A = arith.constant 0 : index
    %swap3A_32 = arith.constant 0 : index
    %swap3A_33 = vector.load %arg8[%swap3A, %swap3A_32] : memref<512x128xf32, #tpu.memory_space<vmem>>, vector<512x128xf32>
    tpu.vector_store %arg8[%swap3A, %swap3A_32], %mul3A_31 {strides = array<i32>} : memref<512x128xf32, #tpu.memory_space<vmem>>, vector<512x128xf32>,
    return
  }
  func.func @transform_0(%arg0: i32) -> (i32, i32) {
    %c0_i32 = arith.constant 0 : i32
    %c0_i32_0 = arith.constant 0 : i32
    return %arg0, %c0_i32 : i32, i32
  }
  func.func @transform_1(%arg0: i32) -> (i32, i32) {
    %c0_i32 = arith.constant 0 : i32
    %c0_i32_0 = arith.constant 0 : i32
    return %arg0, %c0_i32 : i32, i32
  }
  func.func @transform_2(%arg0: i32) -> i32 {
    %c0_i32 = arith.constant 0 : i32
    return %arg0 : i32
  }
  func.func @transform_3(%arg0: i32) -> i32 {
    %c0_i32 = arith.constant 0 : i32
    return %arg0 : i32
  }
  func.func @transform_4(%arg0: i32) -> i32 {
    %c0_i32 = arith.constant 0 : i32
    return %arg0 : i32
  }
  func.func @transform_5(%arg0: i32) -> i32 {
    %c0_i32 = arith.constant 0 : i32
    return %arg0 : i32
  }
  func.func @transform_6(%arg0: i32) -> i32 {
    %c0_i32 = arith.constant 0 : i32
    %c0_i32_0 = arith.constant 0 : i32
    return %c0_i32 : i32
  }
  func.func @transform_7(%arg0: i32) -> (i32, i32) {
    %c0_i32 = arith.constant 0 : i32
    %c0_i32_0 = arith.constant 0 : i32
    return %arg0, %c0_i32 : i32, i32
  }
}

</mosaic_0001>

<sc_bundles>
// kernel: kernel.11.cloned.1.call-start
scs
__scs_entry_jumppad:
0x0: {  	(pc) =	sbr.rel $0x88, $3  }
0x1: {  	(tag) =	ssettag $0x0;
	lr =	simm.s32 $0x1  }
0x2: {  	[smem:$0x3F9B] =	sst lr;
	_ =	strace $0xD0000000  }
0x3: {  	_ = 	snop  }
0x4: {  	_ = 	snop  }
0x5: {  	_ = 	snop  }
0x6: {  	_ = 	snop  }
0x7: {  	_ = 	snop  }
__scs_overlays_trampoline_lowered:
0x8: {  	[smem:$0x3FAA] =	sst s0  }
0x9: {  	[smem:$0x3FAB] =	sst s1  }
0xa: {  	[smem:$0x3FAC] =	sst s2  }
0xb: {  	[smem:$0x3FAD] =	sst s3  }
0xc: {  	[smem:$0x3FAE] =	sst s4  }
0xd: {  	[smem:$0x3FAF] =	sst s5  }
0xe: {  	[smem:$0x3FB0] =	sst s6  }
0xf: {  	[smem:$0x3FB1] =	sst s7  }
0x10: {  	[smem:$0x3FB2] =	sst s8  }
0x11: {  	[smem:$0x3FB3] =	sst s9;
	s0 =	simm.s32 @!p0 $0x0  }
0x12: {  	s1 =	sld [smem:$0x3F99];
	s0 =	simm.s32 @p0 $0x1  }
0x13: {  	[smem:$0x3FB4] =	sst s0;
	s0 =	simm.s32 @!p1 $0x0  }
0x14: {  	s2 =	sld [smem:$0x3F98];
	s0 =	simm.s32 @p1 $0x1  }
0x15: {  	[smem:$0x3FB5] =	sst s0;
	s0 =	simm.s32 @!p2 $0x0  }
0x16: {  	s3 =	sld [smem:$0x3FDB];
	s0 =	simm.s32 @p2 $0x1  }
0x17: {  	s4 =	simm.s32 $0x1BF5;
	[smem:$0x3FB7] =	sst s0  }
0x18: {  	s0 =	sld [smem:$0x3F9A];
	_ =	swait.ge [sflag:s4], $0x0  }
0x19: {  	s7 =	sld [smem:$0x3F9B]  }
0x1a: {  	s8 =	sadd.s32 $0xFFFFE003, lr  }
0x1b: {  	s9 =	sadd.s32 $0xFFFFFEF7, lr;
	s5 =	simm.s32 $0xFFFFFFFF;
	p2 =	slt.u32 s8, $0xFFFFF086  }
0x1c: {  	p1 =	slt.u32 s9, $0xF7A;
	s5 =	simm.s32 @!p2 $0x0  }
0x1d: {  	s5 =	simm.s32 @p1 $0x1;
	p0 =	seq.s32 s7, s2  }
0x1e: {  	s7 =	smul.u32 @!p0 $0xF7A, s2;
	p2 =	seq.s32 @!p0 s5, $0x0  }
0x1f: {  	s9 =	smul.u32 $0xF7A, s1;
	s8 =	simm.s32 @!p0 $0x1BF5;
	p2 =	por !p2, p0  }
0x20: {  	[sflag:s8] =	ssyncset.s32 @!p0 $0xFFFFF086;
	s6 =	sadd.s32 @!p0 s3, s7;
	s7 =	simm.s32 @!p0 $0x108  }
0x21: {  	s3 =	sadd.s32 s3, s9;
	s6 =	sadd.s32 @!p0 $0x88, s6;
	s7 =	simm.s32 @p2 $0x1082  }
0x22: {  	[simem:s7], [sflag:s8] =	dma.local @!p0 [hbm:s6], $0xF7A  }
0x23: {  	s9 =	sor.u32 $0xD0000000, s2;
	s6 =	simm.s32 $0x108;
	_ =	swait.ge @!p0 [sflag:s8], $0x0  }
0x24: {  	s3 =	sadd.s32 $0x88, s3;
	s6 =	simm.s32 @!p1 $0x1082;
	[sflag:s4] =	ssyncset.s32 $0xFFFFF086  }
0x25: {  	[simem:s6], [sflag:s4] =	dma.local [hbm:s3], $0xF7A  }
0x26: {  	[smem:$0x3F9B] =	sst s1;
	(tag) =	ssettag s2;
	_ =	strace s9  }
0x27: {  	s1 =	sld [smem:$0x3FAB]  }
0x28: {  	s2 =	sld [smem:$0x3FAC]  }
0x29: {  	s4 =	sld [smem:$0x3FAE]  }
0x2a: {  	p0 =	seq.s32 s5, $0x0;
	s5 =	sld [smem:$0x3FAF]  }
0x2b: {  	s6 =	sld [smem:$0x3FB0]  }
0x2c: {  	s7 =	sld [smem:$0x3FB1]  }
0x2d: {  	s3 =	simm.s32 $0x108;
	s8 =	sld [smem:$0x3FB2]  }
0x2e: {  	s3 =	simm.s32 @!p0 $0x1082;
	s9 =	sld [smem:$0x3FB3]  }
0x2f: {  	lr =	sadd.s32 s0, s3;
	s0 =	sld [smem:$0x3FAA]  }
0x30: {  	s3 =	sld [smem:$0x3FAD]  }
0x31: {  	[smem:$0x3FB6] =	sst s10  }
0x32: {  	s10 =	sld [smem:$0x3FB4];
	_ =	sdelay $0x3  }
0x33: {  	p0 =	seq.s32 s10, $0x1;
	s10 =	sld [smem:$0x3FB6];
	_ =	sdelay $0x3  }
0x34: {  	[smem:$0x3FB6] =	sst s10  }
0x35: {  	s10 =	sld [smem:$0x3FB5];
	_ =	sdelay $0x3  }
0x36: {  	p1 =	seq.s32 s10, $0x1;
	s10 =	sld [smem:$0x3FB6];
	_ =	sdelay $0x3  }
0x37: {  	[smem:$0x3FB6] =	sst s10  }
0x38: {  	s10 =	sld [smem:$0x3FB7]  }
0x39: {  	_ = 	snop;
	(pc) =	sbr.ind lr, $3  }
0x3a: {  	_ = 	snop  }
0x3b: {  	_ = 	snop  }
0x3c: {  	p2 =	seq.s32 s10, $0x1;
	s10 =	sld [smem:$0x3FB6]  }
0x3d: {  	_ =	shalt  }
0x3e: {  	_ =	shalt  }
0x3f: {  	_ =	shalt  }
0x40: {  	_ =	shalt  }
0x41: {  	_ =	shalt  }
0x42: {  	_ =	shalt  }
0x43: {  	_ =	shalt  }
0x44: {  	_ =	shalt  }
0x45: {  	_ =	shalt  }
0x46: {  	_ =	shalt  }
0x47: {  	_ =	shalt  }
0x48: {  	_ =	shalt  }
0x49: {  	_ =	shalt  }
0x4a: {  	_ =	shalt  }
0x4b: {  	_ =	shalt  }
0x4c: {  	_ =	shalt  }
0x4d: {  	_ =	shalt  }
0x4e: {  	_ =	shalt  }
0x4f: {  	_ =	shalt  }
0x50: {  	_ =	shalt  }
0x51: {  	_ =	shalt  }
0x52: {  	_ =	shalt  }
0x53: {  	_ =	shalt  }
0x54: {  	_ =	shalt  }
0x55: {  	_ =	shalt  }
0x56: {  	_ =	shalt  }
0x57: {  	_ =	shalt  }
0x58: {  	_ =	shalt  }
0x59: {  	_ =	shalt  }
0x5a: {  	_ =	shalt  }
0x5b: {  	_ =	shalt  }
0x5c: {  	_ =	shalt  }
0x5d: {  	_ =	shalt  }
0x5e: {  	_ =	shalt  }
0x5f: {  	_ =	shalt  }
0x60: {  	_ =	shalt  }
0x61: {  	_ =	shalt  }
0x62: {  	_ =	shalt  }
0x63: {  	_ =	shalt  }
0x64: {  	_ =	shalt  }
0x65: {  	_ =	shalt  }
0x66: {  	_ =	shalt  }
0x67: {  	_ =	shalt  }
0x68: {  	_ =	shalt  }
0x69: {  	_ =	shalt  }
0x6a: {  	_ =	shalt  }
0x6b: {  	_ =	shalt  }
0x6c: {  	_ =	shalt  }
0x6d: {  	_ =	shalt  }
0x6e: {  	_ =	shalt  }
0x6f: {  	_ =	shalt  }
0x70: {  	_ =	shalt  }
0x71: {  	_ =	shalt  }
0x72: {  	_ =	shalt  }
0x73: {  	_ =	shalt  }
0x74: {  	_ =	shalt  }
0x75: {  	_ =	shalt  }
0x76: {  	_ =	shalt  }
0x77: {  	_ =	shalt  }
0x78: {  	_ =	shalt  }
0x79: {  	_ =	shalt  }
0x7a: {  	_ =	shalt  }
0x7b: {  	_ =	shalt  }
0x7c: {  	_ =	shalt  }
0x7d: {  	_ =	shalt  }
0x7e: {  	_ =	shalt  }
0x7f: {  	_ =	shalt  }
0x80: {  	_ =	shalt  }
0x81: {  	_ =	shalt  }
0x82: {  	_ =	shalt  }
0x83: {  	_ =	shalt  }
0x84: {  	_ =	shalt  }
0x85: {  	_ =	shalt  }
0x86: {  	_ =	shalt  }
0x87: {  	_ =	shalt  }
.Lfunc_end0:
.L_simem_size_0:
called_computation.1_lowered:
.L_overlay_start_0:
0x88: {  	s2 =	sld [smem:$0x3FD9]  }
0x89: {  	s3 =	sld [smem:$0x3FFE];
	_ =	sdelay $0x1  }
0x8a: {  	s1 =	srdreg.scid  }
0x8b: {  	s0 =	sand.u32 $0x1, s1  }
0x8c: {  	s17 =	sshll.u32 s0, $0xA;
	s2 =	sadd.s32 s3, s2  }
0x8d: {  	s2 =	sadd.s32 s2, s17  }
0x8e: {  	[smem:$0x3FC2] =	sst s2  }
0x8f: {  	_ = 	snop  }
0x90: {  	s2 =	sld [smem:$0x3FD0];
	(tm) =	ssettm $0x1  }
0x91: {  	s18 =	sld [smem:$0x3FFB];
	_ =	sdelay $0x3  }
0x92: {  	_ =	strace s18  }
0x93: {  	s3 =	sld [smem:$0x3FFC];
	_ =	sdelay $0x3  }
0x94: {  	_ =	strace s3  }
0x95: {  	s3 =	sld [smem:$0x3FFD];
	_ =	sdelay $0x3  }
0x96: {  	_ =	strace s3  }
0x97: {  	_ =	strace $0x8FFFFFFF  }
0x98: {  	s19 =	sld [smem:$0x3FDB];
	_ =	sdelay $0x1  }
0x99: {  	s4 =	simm.s32 $_scs_section_size  }
0x9a: {  	s5 =	simm.s32 $_size__tile_overlayer_lowered;
	s6 =	simm.s32 $_tile_overlayer_lowered  }
0x9b: {  	s22 =	simm.s32 $0x1BFF;
	s21 =	sshll.u32 s6, $0x1;
	s3 =	sadd.s32 s4, s19  }
0x9c: {  	s7 =	simm.s32 $0x0;
	s20 =	sshll.u32 s5, $0x1;
	s5 =	sadd.s32 s21, s3  }
0x9d: {  	[timem:s7], [sflag:s22] =	dma.local [hbm:s5], s20  }
0x9e: {  	_ =	swait.ge [sflag:s22], s20  }
0x9f: {  	s4 =	ssub.s32 $0x0, s20;
	[sflag:s22] =	ssyncset.done $0x0  }
0xa0: {  	[sflag:s22] =	ssyncadd.s32 s4;
	_ =	sdelay $0x1  }
0xa1: {  	s23 =	simm.s32 $0x1B8B  }
0xa2: {  	_ =	swait.ge [sflag:s23], $0x1  }
0xa3: {  	[sflag:s23] =	ssyncset.done $0x0  }
0xa4: {  	s25 =	simm.s32 $0x1B8E;
	s24 =	sld [smem:$0x3FFE];
	[sflag:s23] =	ssyncadd.s32 $0xFFFFFFFF  }
0xa5: {  	s26 =	simm.s32 $execute0_lowered;
	[smem:$0x3FD2] =	sst s25  }
0xa6: {  	s5 =	sshll.u32 s26, $0x1;
	_ =	strace $0x80000049;
	[dreg:$0x1] =	wrdreg $0xFFFFFFFF  }
0xa7: {  	s28 =	simm.s32 $_size_execute0_lowered;
	s3 =	sadd.s32 s3, s5;
	[dreg:$0x0] =	wrdreg $0x0  }
0xa8: {  	s5 =	sshll.u32 s28, $0x1;
	[dreg:$0x2] =	wrdreg s3  }
0xa9: {  	[dreg:$0x3] =	wrdreg s5  }
0xaa: {  	[dreg:$0x4] =	wrdreg $0xC0  }
0xab: {  	_ =	task [dreg:s7], $0x5FFFF  }
0xac: {  	[dreg:$0x1] =	wrdreg $0xFFFFFFFF  }
0xad: {  	[dreg:$0x0] =	wrdreg $0x60  }
0xae: {  	[dreg:$0x2] =	wrdreg s24  }
0xaf: {  	[dreg:$0x3] =	wrdreg s2  }
0xb0: {  	[dreg:$0x4] =	wrdreg $0x84000  }
0xb1: {  	[dreg:$0x5] =	wrdreg $0x1C5000  }
0xb2: {  	[dreg:$0x6] =	wrdreg $0x9  }
0xb3: {  	_ =	task.clear_ibuf [dreg:s7], $0x7FFFF;
	_ =	strace $0x90000049  }
0xb4: {  	s29 =	simm.s32 $0x9;
	_ =	strace $0x8000004B  }
0xb5: {  	_ =	swait.ge [sflag:s29], $0x1  }
0xb6: {  	[sflag:s29] =	ssyncadd.s32 $0xFFFFFFFF  }
0xb7: {  	_ =	strace $0x9000004B  }
0xb8: {  	_ =	sfence  }
0xb9: {  	s30 =	sld [smem:$0x0];
	_ =	sdelay $0x2  }
0xba: {  	s31 =	sshll.u32 s1, $0xD;
	s1 =	sshrl.u32 s1, $0x2  }
0xbb: {  	s3 =	sand.u32 $0x4000, s31;
	s1 =	sadd.s32 s1, s30  }
0xbc: {  	s0 =	sor.u32 s3, s0;
	s1 =	sshll.u32 s1, $0x11  }
0xbd: {  	s0 =	sor.u32 s1, s0  }
0xbe: {  	s0 =	sadd.s32 $0x8F2B, s0  }
0xbf: {  	[sflag:s0] =	ssyncadd.remote.s32 $0x1  }
0xc0: {  	_ =	sfence.sel $0xFFFF  }
0xc1: {  	[dreg:$0x0] =	wrdreg $0xFFFFFFFF;
	(pc) =	sbr.abs _section_cstart, $3  }
0xc2: {  	[dreg:$0x1] =	wrdreg $0xFFFFFFFF  }
0xc3: {  	_ =	task.clear_ibuf [dreg:s7], $0x2FFFF;
	_ =	strace $0x9FFFFFFF  }
0xc4: {  	(tm) =	ssettm $0x7FFFFFFF  }
0xc5: {  	_ =	shalt  }
tec
execute0_lowered:
.L_overlay_start_1:
0x0: {  	(tag) =	ssettag $0x1  }
0x1: {  	s0 =	rddreg [dreg:$0x0]  }
0x2: {  	s4 =	rddreg [dreg:$0x1]  }
0x3: {  	s1 =	rddreg [dreg:$0x2]  }
0x4: {  	s2 =	rddreg [dreg:$0x3];
	s20 =	stileid.u32  }
0x5: {  	s3 =	simm.s32 $0x0;
	s7 =	srdreg.scid;
	s10 =	smul.u32 $0x98, s20  }
0x6: {  	s31 =	simm.s32 $0x6;
	[smem:$0x7FF] =	sst s3;
	s14 =	smul.u32 $0x280, s20  }
0x7: {  	s5 =	sadd.s32 $0x2B600, s0;
	s6 =	sadd.s32 $0x53600, s0;
	s22 =	smul.u32 $0x14000, s20  }
0x8: {  	s8 =	sand.u32 $0x1, s7;
	s7 =	sadd.s32 $0xCA00, s0;
	s23 =	smul.u32 $0x50000, s20  }
0x9: {  	s11 =	sadd.s32 $0x56400, s0;
	s13 =	sshll.u32 s20, $0x3;
	s29 =	smul.u32 $0x500, s20  }
0xa: {  	s30 =	sadd.s32 $0x53C00, s0;
	s20 =	simm.s32 $0x4B;
	_ =	strace $0x8000004A  }
0xb: {  	s9 =	ssub.s32 $0x2, s8;
	p0 =	seq.s32 s8, $0x0;
	s15 =	smul.u32 $0x140000, s8  }
0xc: {  	s16 =	sor.u32 $0x980, s13;
	s8 =	sshll.u32 s8, $0x7;
	[dreg:$0xa] =	wrdreg s30  }
0xd: {  	s12 =	sshrl.u32 s9, $0x1;
	s17 =	sshll.u32 s14, $0x7;
	s16 =	smov.u32 @p0 s10  }
0xe: {  	s8 =	sor.u32 s8, s29;
	s20 =	simm.s32 @!p0 $0x3;
	s9 =	ssub.s32 s9, s12  }
0xf: {  	s10 =	sadd.s32 $0x4000, s17;
	s13 =	sadd.s32 s22, s15;
	s19 =	sadd.s32 $0x8000, s17  }
0x10: {  	s26 =	sadd.s32 $0xC000, s17;
	s21 =	sadd.s32 $0x10000, s17;
	s16 =	sshll.u32 s16, $0x4  }
0x11: {  	s12 =	sadd.s32 s14, s2;
	s14 =	sshrl.u32 s8, $0x3;
	s8 =	simm.s32 $0x400  }
0x12: {  	s18 =	sadd.s32 s15, s10;
	s13 =	sshrl.u32 s13, $0x3;
	s25 =	sadd.s32 s15, s19  }
0x13: {  	s28 =	sadd.s32 s15, s26;
	[dreg:$0xc] =	wrdreg s12;
	s29 =	sadd.s32 s7, s16  }
0x14: {  	s18 =	sshrl.u32 s18, $0x3;
	s13 =	sadd.s32 s11, s13;
	[dreg:$0x15] =	wrdreg s29  }
0x15: {  	s15 =	sadd.s32 s15, s21;
	[dreg:$0x5] =	wrdreg s13;
	s24 =	sadd.s32 s11, s18  }
0x16: {  	s13 =	sshrl.u32 s25, $0x3;
	s25 =	sadd.s32 s26, s1;
	[dreg:$0x6] =	wrdreg s24  }
0x17: {  	s12 =	simm.s32 $0x2;
	s26 =	sadd.s32 s21, s1;
	[dreg:$0x12] =	wrdreg s25  }
0x18: {  	s15 =	sshrl.u32 s15, $0x3;
	s13 =	sadd.s32 s11, s13;
	[dreg:$0x13] =	wrdreg s26  }
0x19: {  	s18 =	simm.s32 $0x4;
	s24 =	sadd.s32 s19, s1;
	[dreg:$0x7] =	wrdreg s13  }
0x1a: {  	s13 =	sshrl.u32 s28, $0x3;
	[dreg:$0x11] =	wrdreg s24;
	s28 =	smax.u32 s9, $0x1  }
0x1b: {  	s25 =	simm.s32 $0x300;
	s13 =	sadd.s32 s11, s13;
	[dreg:$0x14] =	wrdreg s28  }
0x1c: {  	s19 =	simm.s32 $0x5;
	s11 =	sadd.s32 s11, s15;
	[dreg:$0x8] =	wrdreg s13  }
0x1d: {  	s9 =	simm.s32 $0x1C400;
	s15 =	sor.u32 $0x20, s16;
	[dreg:$0x9] =	wrdreg s11  }
0x1e: {  	s13 =	sadd.s32 $0x2A00, s0;
	s0 =	sadd.s32 $0x2AA00, s0;
	s11 =	sshrl.u32 s23, $0x2  }
0x1f: {  	s22 =	sadd.s32 s7, s15;
	s23 =	sadd.s32 s10, s1;
	[dreg:$0xb] =	wrdreg s0  }
0x20: {  	s10 =	simm.s32 $0x4400;
	s17 =	sadd.s32 s11, s1;
	[dreg:$0xe] =	wrdreg s22  }
0x21: {  	s0 =	sadd.s32 s4, s14;
	[dreg:$0x10] =	wrdreg s23;
	s30 =	sadd.s32 s13, s16  }
0x22: {  	s4 =	simm.s32 $0x80;
	s11 =	simm.s32 $0x1C480;
	[dreg:$0xd] =	wrdreg s0  }
0x23: {  	s14 =	simm.s32 $0x3;
	s0 =	sadd.s32 s13, s15;
	[dreg:$0x16] =	wrdreg s30  }
0x24: {  	s22 =	simm.s32 $0x0;
	s15 =	simm.s32 $0x1;
	[dreg:$0xf] =	wrdreg s0  }
.LBB2_1:
0x25: {  	s0 =	rddreg [dreg:$0x15]  }
0x26: {  	[tilespmem:s3], [sflag:$0x6] =	stream.linear.gather [hbm4b:s0+s3], $0x100, $0x38;
	[tilespmem:$0x1C780] =	vst v63  }
0x27: {  	_ =	swait.ge [sflag:s31], $0x100  }
0x28: {  	s21 =	simm.s32 $0x200;
	[sflag:s31] =	ssyncset.done $0x0  }
0x29: {  	s26 =	stileid.u32;
	s24 =	rddreg [dreg:$0x16];
	[sflag:s31] =	ssyncadd.s32 $0xFFFFFF00  }
0x2a: {  	[tilespmem:s21], [sflag:$0x6] =	stream.linear.gather [hbm4b:s24+s3], $0x100, $0x38;
	[tilespmem:$0x1C780] =	vst v63  }
0x2b: {  	s23 =	sshll.u32 s26, $0x6;
	_ =	swait.ge [sflag:s31], $0x100  }
0x2c: {  	s23 =	sor.u32 $0x1C06, s23;
	[sflag:s31] =	ssyncset.done $0x0  }
0x2d: {  	s24 =	sshrl.u32 s17, $0x3;
	s21 =	rddreg [dreg:$0xa];
	[sflag:s31] =	ssyncadd.s32 $0xFFFFFF00  }
0x2e: {  	[spmem:s24], [sflag:s23] =	dma.local [hbm:s21], $0x2800  }
0x2f: {  	_ =	swait.ge [sflag:s31], $0x2800  }
0x30: {  	[sflag:s31] =	ssyncset.done $0x0;
	s26 =	rddreg [dreg:$0xc]  }
0x31: {  	s21 =	rddreg [dreg:$0xb];
	[sflag:s31] =	ssyncadd.s32 $0xFFFFD800;
	s24 =	sshrl.u32 s26, $0x3  }
0x32: {  	[spmem:s24], [sflag:s23] =	dma.local [hbm:s21], $0x50  }
0x33: {  	_ =	swait.ge [sflag:s31], $0x50  }
0x34: {  	[sflag:s31] =	ssyncset.done $0x0  }
0x35: {  	[sflag:s31] =	ssyncadd.s32 $0xFFFFFFB0  }
0x36: {  	[bflag:$0x0] =	sbarrier.arrive $0xFFFF  }
0x37: {  	s28 =	simm.s32 $0x100;
	s26 =	rddreg [dreg:$0xe]  }
0x38: {  	[tilespmem:s28], [sflag:$0x1] =	stream.linear.gather [hbm4b:s26+s3], $0x100, $0x38;
	[tilespmem:$0x1C780] =	vst v63  }
0x39: {  	s21 =	rddreg [dreg:$0xf]  }
0x3a: {  	[tilespmem:s25], [sflag:$0x1] =	stream.linear.gather [hbm4b:s21+s3], $0x100, $0x38;
	[tilespmem:$0x1C780] =	vst v63  }
0x3b: {  	_ = 	snop  }
0x3c: {  	[tilespmem:s8], [sflag:$0x2] =	stream.indirect.gather [hbm4b:s5+s4], $0x80, s3, s4, $0xb8;
	[tilespmem:$0x1C780] =	vst v63  }
0x3d: {  	_ = 	snop  }
0x3e: {  	[tilespmem:s9], [sflag:$0x2] =	stream.indirect.gather [hbm4b:s6+s4], $0x1, s3, s4, $0xb8;
	[tilespmem:$0x1C780] =	vst v63  }
0x3f: {  	_ = 	snop  }
0x40: {  	[tilespmem:s10], [sflag:$0x3] =	stream.indirect.gather [hbm4b:s5+s4], $0x80, s4, s4, $0xb8;
	[tilespmem:$0x1C780] =	vst v63  }
0x41: {  	_ = 	snop  }
0x42: {  	[tilespmem:s11], [sflag:$0x3] =	stream.indirect.gather [hbm4b:s6+s4], $0x1, s4, s4, $0xb8;
	[tilespmem:$0x1C780] =	vst v63  }
0x43: {  	_ =	swait.ge [sflag:s12], $0x4000  }
0x44: {  	[sflag:s12] =	ssyncset.done $0x0  }
0x45: {  	[sflag:s12] =	ssyncadd.s32 $0xFFFFC000  }
0x46: {  	s26 =	simm.s32 $0x0;
	_ =	swait.ge [sflag:s12], $0x80  }
0x47: {  	s26 =	sand.u32 $0x100, s26;
	[sflag:s12] =	ssyncset.done $0x0  }
0x48: {  	s25 =	sor.u32 $0x200, s26;
	[sflag:s12] =	ssyncadd.s32 $0xFFFFFF80  }
0x49: {  	[spmem:s1] =	stream.indirect.scatter.add.f32 [tilespmem:s8], [sflag:$0x4], $0x80, s25, s4, $0xb8;
	[tilespmem:$0x1C780] =	vst v63  }
0x4a: {  	_ = 	snop  }
0x4b: {  	[spmem:s2] =	stream.indirect.scatter.add.f32 [tilespmem:s9], [sflag:$0x4], $0x1, s25, s4, $0xb8;
	[tilespmem:$0x1C780] =	vst v63  }
0x4c: {  	_ =	swait.ge [sflag:s14], $0x4000  }
0x4d: {  	[sflag:s14] =	ssyncset.done $0x0  }
0x4e: {  	[sflag:s14] =	ssyncadd.s32 $0xFFFFC000  }
0x4f: {  	_ =	swait.ge [sflag:s14], $0x80  }
0x50: {  	[sflag:s14] =	ssyncset.done $0x0  }
0x51: {  	s29 =	sor.u32 $0x280, s26;
	[sflag:s14] =	ssyncadd.s32 $0xFFFFFF80  }
0x52: {  	[spmem:s1] =	stream.indirect.scatter.add.f32 [tilespmem:s10], [sflag:$0x5], $0x80, s29, s4, $0xb8;
	[tilespmem:$0x1C780] =	vst v63  }
0x53: {  	_ = 	snop  }
0x54: {  	[spmem:s2] =	stream.indirect.scatter.add.f32 [tilespmem:s11], [sflag:$0x5], $0x1, s29, s4, $0xb8;
	[tilespmem:$0x1C780] =	vst v63  }
0x55: {  	_ =	swait.ge [sflag:s15], $0x100  }
0x56: {  	[sflag:s15] =	ssyncset.done $0x0  }
0x57: {  	[sflag:s15] =	ssyncadd.s32 $0xFFFFFF00  }
0x58: {  	_ =	swait.ge [sflag:s15], $0x100  }
0x59: {  	[sflag:s15] =	ssyncset.done $0x0  }
0x5a: {  	[sflag:s15] =	ssyncadd.s32 $0xFFFFFF00  }
0x5b: {  	_ =	swait.ge [sflag:s18], $0x4000  }
0x5c: {  	[sflag:s18] =	ssyncset.done $0x0  }
0x5d: {  	[sflag:s18] =	ssyncadd.s32 $0xFFFFC000  }
0x5e: {  	_ =	swait.ge [sflag:s18], $0x80  }
0x5f: {  	[sflag:s18] =	ssyncset.done $0x0  }
0x60: {  	[sflag:s18] =	ssyncadd.s32 $0xFFFFFF80  }
0x61: {  	_ =	swait.ge [sflag:s19], $0x4000  }
0x62: {  	[sflag:s19] =	ssyncset.done $0x0  }
0x63: {  	[sflag:s19] =	ssyncadd.s32 $0xFFFFC000  }
0x64: {  	p0 =	sgt.s32 s20, $0x2;
	_ =	swait.ge [sflag:s19], $0x80  }
0x65: {  	s30 =	smov.u32 s20;
	s29 =	simm.s32 $0x2;
	[sflag:s19] =	ssyncset.done $0x0  }
0x66: {  	s28 =	sand.u32 $0x100, s28;
	s30 =	smov.u32 @p0 s29;
	[sflag:s19] =	ssyncadd.s32 $0xFFFFFF80  }
0x67: {  	[tilespmem:s8], [sflag:$0x2] =	stream.indirect.gather [hbm4b:s5+s4], $0x80, s28, s4, $0xb8;
	[tilespmem:$0x1C780] =	vst v63  }
0x68: {  	p0 =	sne.s32 s20, $0x1;
	s29 =	sshll.u32 s30, $0x5  }
0x69: {  	[tilespmem:s9], [sflag:$0x2] =	stream.indirect.gather [hbm4b:s6+s4], $0x1, s28, s4, $0xb8;
	[tilespmem:$0x1C780] =	vst v63  }
.Ltmp0:
0x6a: {  	s30 =	sadd.s32 s16, s29;
	s28 =	sor.u32 $0x80, s28;
	(pc) =	sbr.rel @!p0 .LBB2_3-.Ltmp0, $4  }
0x6b: {  	[tilespmem:s10], [sflag:$0x3] =	stream.indirect.gather [hbm4b:s5+s4], $0x80, s28, s4, $0xb8;
	[tilespmem:$0x1C780] =	vst v63  }
0x6c: {  	s29 =	sand.u32 $0x60, s29;
	s30 =	sand.u32 $0xFFFFF80, s30  }
0x6d: {  	[tilespmem:s11], [sflag:$0x3] =	stream.indirect.gather [hbm4b:s6+s4], $0x1, s28, s4, $0xb8;
	[tilespmem:$0x1C780] =	vst v63  }
0x6e: {  	s30 =	sor.u32 s29, s30;
	s29 =	simm.s32 $0x200;
	s28 =	simm.s32 $0x1  }
.LBB2_2:
0x6f: {  	s21 =	sadd.s32 s7, s30  }
0x70: {  	s0 =	sadd.s32 s13, s30;
	s30 =	smov.u32 s28;
	s28 =	sadd.s32 $0x1, s28  }
0x71: {  	[tilespmem:s26], [sflag:$0x1] =	stream.linear.gather [hbm4b:s21+s3], $0x100, $0x38;
	[tilespmem:$0x1C780] =	vst v63  }
0x72: {  	p0 =	sne.s32 s20, s28  }
0x73: {  	[tilespmem:s25], [sflag:$0x1] =	stream.linear.gather [hbm4b:s0+s3], $0x100, $0x38;
	[tilespmem:$0x1C780] =	vst v63  }
0x74: {  	_ =	swait.ge [sflag:s12], $0x4000  }
0x75: {  	s0 =	sadd.s32 $0xFFFFFF00, s29;
	[sflag:s12] =	ssyncset.done $0x0  }
0x76: {  	s26 =	sand.u32 $0x100, s0;
	[sflag:s12] =	ssyncadd.s32 $0xFFFFC000  }
0x77: {  	s25 =	sor.u32 $0x200, s26;
	_ =	swait.ge [sflag:s12], $0x80  }
0x78: {  	[sflag:s12] =	ssyncset.done $0x0  }
0x79: {  	[sflag:s12] =	ssyncadd.s32 $0xFFFFFF80  }
0x7a: {  	[spmem:s1] =	stream.indirect.scatter.add.f32 [tilespmem:s8], [sflag:$0x4], $0x80, s25, s4, $0xb8;
	[tilespmem:$0x1C780] =	vst v63  }
0x7b: {  	_ = 	snop  }
0x7c: {  	[spmem:s2] =	stream.indirect.scatter.add.f32 [tilespmem:s9], [sflag:$0x4], $0x1, s25, s4, $0xb8;
	[tilespmem:$0x1C780] =	vst v63  }
0x7d: {  	_ =	swait.ge [sflag:s14], $0x4000  }
0x7e: {  	[sflag:s14] =	ssyncset.done $0x0  }
0x7f: {  	[sflag:s14] =	ssyncadd.s32 $0xFFFFC000  }
0x80: {  	s0 =	sor.u32 $0x280, s26;
	_ =	swait.ge [sflag:s14], $0x80  }
0x81: {  	[sflag:s14] =	ssyncset.done $0x0  }
0x82: {  	[sflag:s14] =	ssyncadd.s32 $0xFFFFFF80  }
0x83: {  	[spmem:s1] =	stream.indirect.scatter.add.f32 [tilespmem:s10], [sflag:$0x5], $0x80, s0, s4, $0xb8;
	[tilespmem:$0x1C780] =	vst v63  }
0x84: {  	_ = 	snop  }
0x85: {  	[spmem:s2] =	stream.indirect.scatter.add.f32 [tilespmem:s11], [sflag:$0x5], $0x1, s0, s4, $0xb8;
	[tilespmem:$0x1C780] =	vst v63  }
0x86: {  	_ =	swait.ge [sflag:s15], $0x100  }
0x87: {  	[sflag:s15] =	ssyncset.done $0x0  }
0x88: {  	[sflag:s15] =	ssyncadd.s32 $0xFFFFFF00  }
0x89: {  	_ =	swait.ge [sflag:s15], $0x100  }
0x8a: {  	[sflag:s15] =	ssyncset.done $0x0  }
0x8b: {  	[sflag:s15] =	ssyncadd.s32 $0xFFFFFF00  }
0x8c: {  	_ =	swait.ge [sflag:s18], $0x4000  }
0x8d: {  	[sflag:s18] =	ssyncset.done $0x0  }
0x8e: {  	[sflag:s18] =	ssyncadd.s32 $0xFFFFC000  }
0x8f: {  	_ =	swait.ge [sflag:s18], $0x80  }
0x90: {  	[sflag:s18] =	ssyncset.done $0x0  }
0x91: {  	[sflag:s18] =	ssyncadd.s32 $0xFFFFFF80  }
0x92: {  	_ =	swait.ge [sflag:s19], $0x4000  }
0x93: {  	[sflag:s19] =	ssyncset.done $0x0  }
0x94: {  	[sflag:s19] =	ssyncadd.s32 $0xFFFFC000  }
0x95: {  	s21 =	sadd.s32 $0x2, s30;
	s0 =	sand.u32 $0x100, s29;
	_ =	swait.ge [sflag:s19], $0x80  }
0x96: {  	s30 =	smov.u32 s20;
	p1 =	slt.s32 s21, s20;
	[sflag:s19] =	ssyncset.done $0x0  }
0x97: {  	s30 =	smov.u32 @p1 s21;
	[sflag:s19] =	ssyncadd.s32 $0xFFFFFF80  }
0x98: {  	[tilespmem:s8], [sflag:$0x2] =	stream.indirect.gather [hbm4b:s5+s4], $0x80, s0, s4, $0xb8;
	[tilespmem:$0x1C780] =	vst v63  }
0x99: {  	s21 =	sshll.u32 s30, $0x5  }
0x9a: {  	[tilespmem:s9], [sflag:$0x2] =	stream.indirect.gather [hbm4b:s6+s4], $0x1, s0, s4, $0xb8;
	[tilespmem:$0x1C780] =	vst v63  }
.Ltmp1:
0x9b: {  	s30 =	sadd.s32 s16, s21;
	s0 =	sor.u32 $0x80, s0;
	(pc) =	sbr.rel @p0 .LBB2_2-.Ltmp1, $4  }
0x9c: {  	[tilespmem:s10], [sflag:$0x3] =	stream.indirect.gather [hbm4b:s5+s4], $0x80, s0, s4, $0xb8;
	[tilespmem:$0x1C780] =	vst v63  }
0x9d: {  	s21 =	sand.u32 $0x60, s21;
	s30 =	sand.u32 $0xFFFFF80, s30  }
0x9e: {  	[tilespmem:s11], [sflag:$0x3] =	stream.indirect.gather [hbm4b:s6+s4], $0x1, s0, s4, $0xb8;
	[tilespmem:$0x1C780] =	vst v63  }
0x9f: {  	s30 =	sor.u32 s21, s30;
	s29 =	sadd.s32 $0x100, s29  }
.LBB2_3:
0xa0: {  	s0 =	sadd.s32 s7, s30  }
0xa1: {  	[tilespmem:s26], [sflag:$0x1] =	stream.linear.gather [hbm4b:s0+s3], $0x100, $0x38;
	[tilespmem:$0x1C780] =	vst v63  }
0xa2: {  	s26 =	sadd.s32 s13, s30  }
0xa3: {  	[tilespmem:s25], [sflag:$0x1] =	stream.linear.gather [hbm4b:s26+s3], $0x100, $0x38;
	[tilespmem:$0x1C780] =	vst v63  }
0xa4: {  	_ =	swait.ge [sflag:s12], $0x4000  }
0xa5: {  	[sflag:s12] =	ssyncset.done $0x0  }
0xa6: {  	[sflag:s12] =	ssyncadd.s32 $0xFFFFC000  }
0xa7: {  	_ =	swait.ge [sflag:s12], $0x80  }
0xa8: {  	[sflag:s12] =	ssyncset.done $0x0  }
0xa9: {  	s25 =	simm.s32 $0x300;
	[sflag:s12] =	ssyncadd.s32 $0xFFFFFF80  }
0xaa: {  	[spmem:s1] =	stream.indirect.scatter.add.f32 [tilespmem:s8], [sflag:$0x4], $0x80, s25, s4, $0xb8;
	[tilespmem:$0x1C780] =	vst v63  }
0xab: {  	_ = 	snop  }
0xac: {  	[spmem:s2] =	stream.indirect.scatter.add.f32 [tilespmem:s9], [sflag:$0x4], $0x1, s25, s4, $0xb8;
	[tilespmem:$0x1C780] =	vst v63  }
0xad: {  	_ =	swait.ge [sflag:s14], $0x4000  }
0xae: {  	[sflag:s14] =	ssyncset.done $0x0  }
0xaf: {  	[sflag:s14] =	ssyncadd.s32 $0xFFFFC000  }
0xb0: {  	_ =	swait.ge [sflag:s14], $0x80  }
0xb1: {  	[sflag:s14] =	ssyncset.done $0x0  }
0xb2: {  	s28 =	simm.s32 $0x380;
	[sflag:s14] =	ssyncadd.s32 $0xFFFFFF80  }
0xb3: {  	[spmem:s1] =	stream.indirect.scatter.add.f32 [tilespmem:s10], [sflag:$0x5], $0x80, s28, s4, $0xb8;
	[tilespmem:$0x1C780] =	vst v63  }
0xb4: {  	_ = 	snop  }
0xb5: {  	[spmem:s2] =	stream.indirect.scatter.add.f32 [tilespmem:s11], [sflag:$0x5], $0x1, s28, s4, $0xb8;
	[tilespmem:$0x1C780] =	vst v63  }
0xb6: {  	_ =	swait.ge [sflag:s15], $0x100  }
0xb7: {  	[sflag:s15] =	ssyncset.done $0x0  }
0xb8: {  	[sflag:s15] =	ssyncadd.s32 $0xFFFFFF00  }
0xb9: {  	_ =	swait.ge [sflag:s15], $0x100  }
0xba: {  	[sflag:s15] =	ssyncset.done $0x0  }
0xbb: {  	[sflag:s15] =	ssyncadd.s32 $0xFFFFFF00  }
0xbc: {  	_ =	swait.ge [sflag:s18], $0x4000  }
0xbd: {  	[sflag:s18] =	ssyncset.done $0x0  }
0xbe: {  	[sflag:s18] =	ssyncadd.s32 $0xFFFFC000  }
0xbf: {  	_ =	swait.ge [sflag:s18], $0x80  }
0xc0: {  	[sflag:s18] =	ssyncset.done $0x0  }
0xc1: {  	[sflag:s18] =	ssyncadd.s32 $0xFFFFFF80  }
0xc2: {  	_ =	swait.ge [sflag:s19], $0x4000  }
0xc3: {  	[sflag:s19] =	ssyncset.done $0x0  }
0xc4: {  	[sflag:s19] =	ssyncadd.s32 $0xFFFFC000  }
0xc5: {  	_ =	swait.ge [sflag:s19], $0x80  }
0xc6: {  	[sflag:s19] =	ssyncset.done $0x0  }
0xc7: {  	[sflag:s19] =	ssyncadd.s32 $0xFFFFFF80  }
0xc8: {  	[bflag:$0x0] =	sbarrier.arrive $0xFFFF  }
0xc9: {  	[tilespmem:s8], [sflag:$0x6] =	stream.linear.gather [spmem:s17], $0x4000, $0x38;
	[tilespmem:$0x1C780] =	vst v63  }
0xca: {  	_ =	swait.ge [sflag:s31], $0x4000  }
0xcb: {  	[sflag:s31] =	ssyncset.done $0x0  }
0xcc: {  	s29 =	rddreg [dreg:$0x5];
	[sflag:s31] =	ssyncadd.s32 $0xFFFFC000  }
0xcd: {  	[hbm4b:s29+s3] =	stream.linear.scatter [tilespmem:s8], [sflag:$0x4], $0x4000, $0x38;
	[tilespmem:$0x1C780] =	vst v63  }
0xce: {  	s30 =	rddreg [dreg:$0x10]  }
0xcf: {  	[tilespmem:s10], [sflag:$0x6] =	stream.linear.gather [spmem:s30], $0x4000, $0x38;
	[tilespmem:$0x1C780] =	vst v63  }
0xd0: {  	_ =	swait.ge [sflag:s31], $0x4000  }
0xd1: {  	[sflag:s31] =	ssyncset.done $0x0  }
0xd2: {  	s21 =	rddreg [dreg:$0x6];
	[sflag:s31] =	ssyncadd.s32 $0xFFFFC000  }
0xd3: {  	[hbm4b:s21+s3] =	stream.linear.scatter [tilespmem:s10], [sflag:$0x5], $0x4000, $0x38;
	[tilespmem:$0x1C780] =	vst v63  }
0xd4: {  	_ =	swait.ge [sflag:s18], $0x4000  }
0xd5: {  	[sflag:s18] =	ssyncset.done $0x0  }
0xd6: {  	s26 =	rddreg [dreg:$0x11];
	[sflag:s18] =	ssyncadd.s32 $0xFFFFC000  }
0xd7: {  	[tilespmem:s8], [sflag:$0x6] =	stream.linear.gather [spmem:s26], $0x4000, $0x38;
	[tilespmem:$0x1C780] =	vst v63  }
0xd8: {  	_ =	swait.ge [sflag:s31], $0x4000  }
0xd9: {  	[sflag:s31] =	ssyncset.done $0x0  }
0xda: {  	s28 =	rddreg [dreg:$0x7];
	[sflag:s31] =	ssyncadd.s32 $0xFFFFC000  }
0xdb: {  	[hbm4b:s28+s3] =	stream.linear.scatter [tilespmem:s8], [sflag:$0x4], $0x4000, $0x38;
	[tilespmem:$0x1C780] =	vst v63  }
0xdc: {  	_ =	swait.ge [sflag:s19], $0x4000  }
0xdd: {  	[sflag:s19] =	ssyncset.done $0x0  }
0xde: {  	s29 =	rddreg [dreg:$0x12];
	[sflag:s19] =	ssyncadd.s32 $0xFFFFC000  }
0xdf: {  	[tilespmem:s10], [sflag:$0x6] =	stream.linear.gather [spmem:s29], $0x4000, $0x38;
	[tilespmem:$0x1C780] =	vst v63  }
0xe0: {  	_ =	swait.ge [sflag:s31], $0x4000  }
0xe1: {  	[sflag:s31] =	ssyncset.done $0x0  }
0xe2: {  	s30 =	rddreg [dreg:$0x8];
	[sflag:s31] =	ssyncadd.s32 $0xFFFFC000  }
0xe3: {  	[hbm4b:s30+s3] =	stream.linear.scatter [tilespmem:s10], [sflag:$0x5], $0x4000, $0x38;
	[tilespmem:$0x1C780] =	vst v63  }
0xe4: {  	_ =	swait.ge [sflag:s18], $0x4000  }
0xe5: {  	[sflag:s18] =	ssyncset.done $0x0  }
0xe6: {  	s21 =	rddreg [dreg:$0x13];
	[sflag:s18] =	ssyncadd.s32 $0xFFFFC000  }
0xe7: {  	[tilespmem:s8], [sflag:$0x6] =	stream.linear.gather [spmem:s21], $0x4000, $0x38;
	[tilespmem:$0x1C780] =	vst v63  }
0xe8: {  	_ =	swait.ge [sflag:s31], $0x4000  }
0xe9: {  	[sflag:s31] =	ssyncset.done $0x0  }
0xea: {  	s26 =	rddreg [dreg:$0x9];
	[sflag:s31] =	ssyncadd.s32 $0xFFFFC000  }
0xeb: {  	[hbm4b:s26+s3] =	stream.linear.scatter [tilespmem:s8], [sflag:$0x4], $0x4000, $0x38;
	[tilespmem:$0x1C780] =	vst v63  }
0xec: {  	_ =	swait.ge [sflag:s18], $0x4000  }
0xed: {  	[sflag:s18] =	ssyncset.done $0x0  }
0xee: {  	[sflag:s18] =	ssyncadd.s32 $0xFFFFC000  }
0xef: {  	_ =	swait.ge [sflag:s19], $0x4000  }
0xf0: {  	s29 =	simm.s32 $0x10;
	[sflag:s19] =	ssyncset.done $0x0  }
0xf1: {  	s21 =	simm.s32 $0x20;
	s28 =	rddreg [dreg:$0xd];
	[sflag:s19] =	ssyncadd.s32 $0xFFFFC000  }
0xf2: {  	[hbm:s28@s21], [sflag:s23] =	dma.strided [spmem:s24@s29], $0x50, s15, $0x10   }
0xf3: {  	_ =	swait.ge [sflag:s31], $0x50  }
0xf4: {  	s22 =	sadd.s32 $0x1, s22;
	s30 =	rddreg [dreg:$0x14]  }
0xf5: {  	p0 =	sne.s32 s22, s30  }
.Ltmp2:
0xf6: {  	_ = 	snop;
	(pc) =	sbr.rel @p0 .LBB2_1-.Ltmp2, $3  }
0xf7: {  	_ =	sdelay $0x1  }
0xf8: {  	[sflag:s31] =	ssyncset.done $0x0  }
0xf9: {  	[sflag:s31] =	ssyncadd.s32 $0xFFFFFFB0  }
0xfa: {  	_ =	sfence.sel $0x180000  }
0xfb: {  	[bflag:$0x0] =	sbarrier.arrive $0xFFFF  }
0xfc: {  	_ =	strace $0x9000004A  }
0xfd: {  	s0 =	stileid.u32;
	[bflag:$0x2] =	sbarrier.arrive $0xFFFF  }
0xfe: {  	p0 =	sne.s32 s0, $0x0;
	s0 =	rddreg [dreg:$0x4]  }
0xff: {  	s0 =	sadd.s32 @!p0 $0x100000, s0  }
0x100: {  	[sflag:s0] =	ssyncadd.tile.s32 @!p0 $0x1;
	_ =	shalt  }
.Lfunc_end2:
_tile_overlayer_lowered:
.L_overlay_start_2:
0x101: {  	(tag) =	ssettag $0x2  }
0x102: {  	s0 =	rddreg [dreg:$0x0];
	s2 =	stileid.u32  }
0x103: {  	s1 =	rddreg [dreg:$0x1];
	p0 =	sne.s32 s2, $0x0  }
0x104: {  	s3 =	rddreg [dreg:$0x2];
	[bflag:$0x3] =	sbarrier.arrive $0xFFFF;
	s2 =	simm.s32 @!p0 $0x1C06  }
0x105: {  	[timem:s3], [sflag:s2] =	dma.local @!p0 [hbm:s0], s1  }
0x106: {  	s0 =	simm.s32 @!p0 $0x6  }
0x107: {  	_ =	swait.ge @!p0 [sflag:s0], s1  }
0x108: {  	s1 =	ssub.s32 @!p0 $0x0, s1;
	[sflag:s0] =	ssyncset.done @!p0 $0x0  }
0x109: {  	[sflag:s0] =	ssyncadd.s32 @!p0 s1  }
0x10a: {  	[bflag:$0x3] =	sbarrier.arrive $0xFFFF  }
0x10b: {  	_ =	shalt  }

// kernel: kernel.14.cloned.1.call-start
scs
__scs_entry_jumppad:
0x0: {  	(pc) =	sbr.rel $0x88, $3  }
0x1: {  	(tag) =	ssettag $0x0;
	lr =	simm.s32 $0x1  }
0x2: {  	[smem:$0x3F9B] =	sst lr;
	_ =	strace $0xD0000000  }
0x3: {  	_ = 	snop  }
0x4: {  	_ = 	snop  }
0x5: {  	_ = 	snop  }
0x6: {  	_ = 	snop  }
0x7: {  	_ = 	snop  }
__scs_overlays_trampoline_lowered:
0x8: {  	[smem:$0x3FAA] =	sst s0  }
0x9: {  	[smem:$0x3FAB] =	sst s1  }
0xa: {  	[smem:$0x3FAC] =	sst s2  }
0xb: {  	[smem:$0x3FAD] =	sst s3  }
0xc: {  	[smem:$0x3FAE] =	sst s4  }
0xd: {  	[smem:$0x3FAF] =	sst s5  }
0xe: {  	[smem:$0x3FB0] =	sst s6  }
0xf: {  	[smem:$0x3FB1] =	sst s7  }
0x10: {  	[smem:$0x3FB2] =	sst s8  }
0x11: {  	[smem:$0x3FB3] =	sst s9;
	s0 =	simm.s32 @!p0 $0x0  }
0x12: {  	s1 =	sld [smem:$0x3F99];
	s0 =	simm.s32 @p0 $0x1  }
0x13: {  	[smem:$0x3FB4] =	sst s0;
	s0 =	simm.s32 @!p1 $0x0  }
0x14: {  	s2 =	sld [smem:$0x3F98];
	s0 =	simm.s32 @p1 $0x1  }
0x15: {  	[smem:$0x3FB5] =	sst s0;
	s0 =	simm.s32 @!p2 $0x0  }
0x16: {  	s3 =	sld [smem:$0x3FDB];
	s0 =	simm.s32 @p2 $0x1  }
0x17: {  	s4 =	simm.s32 $0x1BF5;
	[smem:$0x3FB7] =	sst s0  }
0x18: {  	s0 =	sld [smem:$0x3F9A];
	_ =	swait.ge [sflag:s4], $0x0  }
0x19: {  	s7 =	sld [smem:$0x3F9B]  }
0x1a: {  	s8 =	sadd.s32 $0xFFFFE003, lr  }
0x1b: {  	s9 =	sadd.s32 $0xFFFFFEF7, lr;
	s5 =	simm.s32 $0xFFFFFFFF;
	p2 =	slt.u32 s8, $0xFFFFF086  }
0x1c: {  	p1 =	slt.u32 s9, $0xF7A;
	s5 =	simm.s32 @!p2 $0x0  }
0x1d: {  	s5 =	simm.s32 @p1 $0x1;
	p0 =	seq.s32 s7, s2  }
0x1e: {  	s7 =	smul.u32 @!p0 $0xF7A, s2;
	p2 =	seq.s32 @!p0 s5, $0x0  }
0x1f: {  	s9 =	smul.u32 $0xF7A, s1;
	s8 =	simm.s32 @!p0 $0x1BF5;
	p2 =	por !p2, p0  }
0x20: {  	[sflag:s8] =	ssyncset.s32 @!p0 $0xFFFFF086;
	s6 =	sadd.s32 @!p0 s3, s7;
	s7 =	simm.s32 @!p0 $0x108  }
0x21: {  	s3 =	sadd.s32 s3, s9;
	s6 =	sadd.s32 @!p0 $0x88, s6;
	s7 =	simm.s32 @p2 $0x1082  }
0x22: {  	[simem:s7], [sflag:s8] =	dma.local @!p0 [hbm:s6], $0xF7A  }
0x23: {  	s9 =	sor.u32 $0xD0000000, s2;
	s6 =	simm.s32 $0x108;
	_ =	swait.ge @!p0 [sflag:s8], $0x0  }
0x24: {  	s3 =	sadd.s32 $0x88, s3;
	s6 =	simm.s32 @!p1 $0x1082;
	[sflag:s4] =	ssyncset.s32 $0xFFFFF086  }
0x25: {  	[simem:s6], [sflag:s4] =	dma.local [hbm:s3], $0xF7A  }
0x26: {  	[smem:$0x3F9B] =	sst s1;
	(tag) =	ssettag s2;
	_ =	strace s9  }
0x27: {  	s1 =	sld [smem:$0x3FAB]  }
0x28: {  	s2 =	sld [smem:$0x3FAC]  }
0x29: {  	s4 =	sld [smem:$0x3FAE]  }
0x2a: {  	p0 =	seq.s32 s5, $0x0;
	s5 =	sld [smem:$0x3FAF]  }
0x2b: {  	s6 =	sld [smem:$0x3FB0]  }
0x2c: {  	s7 =	sld [smem:$0x3FB1]  }
0x2d: {  	s3 =	simm.s32 $0x108;
	s8 =	sld [smem:$0x3FB2]  }
0x2e: {  	s3 =	simm.s32 @!p0 $0x1082;
	s9 =	sld [smem:$0x3FB3]  }
0x2f: {  	lr =	sadd.s32 s0, s3;
	s0 =	sld [smem:$0x3FAA]  }
0x30: {  	s3 =	sld [smem:$0x3FAD]  }
0x31: {  	[smem:$0x3FB6] =	sst s10  }
0x32: {  	s10 =	sld [smem:$0x3FB4];
	_ =	sdelay $0x3  }
0x33: {  	p0 =	seq.s32 s10, $0x1;
	s10 =	sld [smem:$0x3FB6];
	_ =	sdelay $0x3  }
0x34: {  	[smem:$0x3FB6] =	sst s10  }
0x35: {  	s10 =	sld [smem:$0x3FB5];
	_ =	sdelay $0x3  }
0x36: {  	p1 =	seq.s32 s10, $0x1;
	s10 =	sld [smem:$0x3FB6];
	_ =	sdelay $0x3  }
0x37: {  	[smem:$0x3FB6] =	sst s10  }
0x38: {  	s10 =	sld [smem:$0x3FB7]  }
0x39: {  	_ = 	snop;
	(pc) =	sbr.ind lr, $3  }
0x3a: {  	_ = 	snop  }
0x3b: {  	_ = 	snop  }
0x3c: {  	p2 =	seq.s32 s10, $0x1;
	s10 =	sld [smem:$0x3FB6]  }
0x3d: {  	_ =	shalt  }
0x3e: {  	_ =	shalt  }
0x3f: {  	_ =	shalt  }
0x40: {  	_ =	shalt  }
0x41: {  	_ =	shalt  }
0x42: {  	_ =	shalt  }
0x43: {  	_ =	shalt  }
0x44: {  	_ =	shalt  }
0x45: {  	_ =	shalt  }
0x46: {  	_ =	shalt  }
0x47: {  	_ =	shalt  }
0x48: {  	_ =	shalt  }
0x49: {  	_ =	shalt  }
0x4a: {  	_ =	shalt  }
0x4b: {  	_ =	shalt  }
0x4c: {  	_ =	shalt  }
0x4d: {  	_ =	shalt  }
0x4e: {  	_ =	shalt  }
0x4f: {  	_ =	shalt  }
0x50: {  	_ =	shalt  }
0x51: {  	_ =	shalt  }
0x52: {  	_ =	shalt  }
0x53: {  	_ =	shalt  }
0x54: {  	_ =	shalt  }
0x55: {  	_ =	shalt  }
0x56: {  	_ =	shalt  }
0x57: {  	_ =	shalt  }
0x58: {  	_ =	shalt  }
0x59: {  	_ =	shalt  }
0x5a: {  	_ =	shalt  }
0x5b: {  	_ =	shalt  }
0x5c: {  	_ =	shalt  }
0x5d: {  	_ =	shalt  }
0x5e: {  	_ =	shalt  }
0x5f: {  	_ =	shalt  }
0x60: {  	_ =	shalt  }
0x61: {  	_ =	shalt  }
0x62: {  	_ =	shalt  }
0x63: {  	_ =	shalt  }
0x64: {  	_ =	shalt  }
0x65: {  	_ =	shalt  }
0x66: {  	_ =	shalt  }
0x67: {  	_ =	shalt  }
0x68: {  	_ =	shalt  }
0x69: {  	_ =	shalt  }
0x6a: {  	_ =	shalt  }
0x6b: {  	_ =	shalt  }
0x6c: {  	_ =	shalt  }
0x6d: {  	_ =	shalt  }
0x6e: {  	_ =	shalt  }
0x6f: {  	_ =	shalt  }
0x70: {  	_ =	shalt  }
0x71: {  	_ =	shalt  }
0x72: {  	_ =	shalt  }
0x73: {  	_ =	shalt  }
0x74: {  	_ =	shalt  }
0x75: {  	_ =	shalt  }
0x76: {  	_ =	shalt  }
0x77: {  	_ =	shalt  }
0x78: {  	_ =	shalt  }
0x79: {  	_ =	shalt  }
0x7a: {  	_ =	shalt  }
0x7b: {  	_ =	shalt  }
0x7c: {  	_ =	shalt  }
0x7d: {  	_ =	shalt  }
0x7e: {  	_ =	shalt  }
0x7f: {  	_ =	shalt  }
0x80: {  	_ =	shalt  }
0x81: {  	_ =	shalt  }
0x82: {  	_ =	shalt  }
0x83: {  	_ =	shalt  }
0x84: {  	_ =	shalt  }
0x85: {  	_ =	shalt  }
0x86: {  	_ =	shalt  }
0x87: {  	_ =	shalt  }
.Lfunc_end0:
.L_simem_size_0:
called_computation.2_lowered:
.L_overlay_start_0:
0x88: {  	s2 =	sld [smem:$0x3FD9]  }
0x89: {  	s3 =	sld [smem:$0x3FFE];
	_ =	sdelay $0x1  }
0x8a: {  	s1 =	srdreg.scid  }
0x8b: {  	s0 =	sand.u32 $0x1, s1  }
0x8c: {  	s16 =	sshll.u32 s0, $0xA;
	s2 =	sadd.s32 s3, s2  }
0x8d: {  	s2 =	sadd.s32 s2, s16  }
0x8e: {  	[smem:$0x3FC2] =	sst s2  }
0x8f: {  	_ = 	snop  }
0x90: {  	(tm) =	ssettm $0x1  }
0x91: {  	s17 =	sld [smem:$0x3FFB];
	_ =	sdelay $0x3  }
0x92: {  	_ =	strace s17  }
0x93: {  	s2 =	sld [smem:$0x3FFC];
	_ =	sdelay $0x3  }
0x94: {  	_ =	strace s2  }
0x95: {  	s2 =	sld [smem:$0x3FFD];
	_ =	sdelay $0x3  }
0x96: {  	_ =	strace s2  }
0x97: {  	_ =	strace $0x8FFFFFFF  }
0x98: {  	s18 =	sld [smem:$0x3FDB];
	_ =	sdelay $0x1  }
0x99: {  	s19 =	simm.s32 $_scs_section_size  }
0x9a: {  	s4 =	simm.s32 $_size__tile_overlayer_lowered;
	s5 =	simm.s32 $_tile_overlayer_lowered  }
0x9b: {  	s22 =	simm.s32 $0x1BFF;
	s21 =	sshll.u32 s5, $0x1;
	s2 =	sadd.s32 s19, s18  }
0x9c: {  	s6 =	simm.s32 $0x0;
	s20 =	sshll.u32 s4, $0x1;
	s4 =	sadd.s32 s21, s2  }
0x9d: {  	[timem:s6], [sflag:s22] =	dma.local [hbm:s4], s20  }
0x9e: {  	_ =	swait.ge [sflag:s22], s20  }
0x9f: {  	s3 =	ssub.s32 $0x0, s20;
	[sflag:s22] =	ssyncset.done $0x0  }
0xa0: {  	[sflag:s22] =	ssyncadd.s32 s3;
	_ =	sdelay $0x1  }
0xa1: {  	s23 =	simm.s32 $0x1B8B  }
0xa2: {  	_ =	swait.ge [sflag:s23], $0x1  }
0xa3: {  	[sflag:s23] =	ssyncset.done $0x0  }
0xa4: {  	s25 =	simm.s32 $0x1B8E;
	s24 =	sld [smem:$0x3FFE];
	[sflag:s23] =	ssyncadd.s32 $0xFFFFFFFF  }
0xa5: {  	s26 =	simm.s32 $execute0_lowered;
	[smem:$0x3FD2] =	sst s25  }
0xa6: {  	s4 =	sshll.u32 s26, $0x1;
	_ =	strace $0x8000004C;
	[dreg:$0x1] =	wrdreg $0xFFFFFFFF  }
0xa7: {  	s28 =	simm.s32 $_size_execute0_lowered;
	s2 =	sadd.s32 s2, s4;
	[dreg:$0x0] =	wrdreg $0x0  }
0xa8: {  	s4 =	sshll.u32 s28, $0x1;
	[dreg:$0x2] =	wrdreg s2  }
0xa9: {  	[dreg:$0x3] =	wrdreg s4  }
0xaa: {  	[dreg:$0x4] =	wrdreg $0xC0  }
0xab: {  	_ =	task [dreg:s6], $0x5FFFF  }
0xac: {  	[dreg:$0x1] =	wrdreg $0xFFFFFFFF  }
0xad: {  	[dreg:$0x0] =	wrdreg $0x60  }
0xae: {  	[dreg:$0x2] =	wrdreg s24  }
0xaf: {  	[dreg:$0x3] =	wrdreg $0x84000  }
0xb0: {  	[dreg:$0x4] =	wrdreg $0x9  }
0xb1: {  	_ =	task.clear_ibuf [dreg:s6], $0x5FFFF;
	_ =	strace $0x9000004C  }
0xb2: {  	s29 =	simm.s32 $0x9;
	_ =	strace $0x8000004E  }
0xb3: {  	_ =	swait.ge [sflag:s29], $0x1  }
0xb4: {  	[sflag:s29] =	ssyncadd.s32 $0xFFFFFFFF  }
0xb5: {  	_ =	strace $0x9000004E  }
0xb6: {  	_ =	sfence  }
0xb7: {  	s30 =	sld [smem:$0x0];
	_ =	sdelay $0x2  }
0xb8: {  	s31 =	sshll.u32 s1, $0xD;
	s1 =	sshrl.u32 s1, $0x2  }
0xb9: {  	s3 =	sand.u32 $0x4000, s31;
	s1 =	sadd.s32 s1, s30  }
0xba: {  	s0 =	sor.u32 s3, s0;
	s1 =	sshll.u32 s1, $0x11  }
0xbb: {  	s0 =	sor.u32 s1, s0  }
0xbc: {  	s0 =	sadd.s32 $0x8F2B, s0  }
0xbd: {  	[sflag:s0] =	ssyncadd.remote.s32 $0x1  }
0xbe: {  	_ =	sfence.sel $0xFFFF  }
0xbf: {  	[dreg:$0x0] =	wrdreg $0xFFFFFFFF;
	(pc) =	sbr.abs _section_cstart, $3  }
0xc0: {  	[dreg:$0x1] =	wrdreg $0xFFFFFFFF  }
0xc1: {  	_ =	task.clear_ibuf [dreg:s6], $0x2FFFF;
	_ =	strace $0x9FFFFFFF  }
0xc2: {  	(tm) =	ssettm $0x7FFFFFFF  }
0xc3: {  	_ =	shalt  }
tec
execute0_lowered:
.L_overlay_start_1:
0x0: {  	(tag) =	ssettag $0x1  }
0x1: {  	s0 =	rddreg [dreg:$0x0]  }
0x2: {  	s1 =	rddreg [dreg:$0x1];
	s2 =	simm.s32 $0x0;
	s12 =	srdreg.scid  }
0x3: {  	s11 =	stileid.u32;
	s28 =	simm.s32 $0x300;
	s29 =	simm.s32 $0x80  }
0x4: {  	s30 =	simm.s32 $0x400;
	s31 =	simm.s32 $0x4400;
	[smem:$0x7FF] =	sst s2  }
0x5: {  	s3 =	sadd.s32 $0x2AA00, s0;
	s5 =	sadd.s32 $0x16A00, s0;
	s6 =	sadd.s32 $0x20A00, s0  }
0x6: {  	s4 =	sadd.s32 $0x53C00, s0;
	s7 =	smul.u32 $0x98, s11;
	s8 =	sshll.u32 s11, $0x3  }
0x7: {  	s0 =	sadd.s32 $0x56400, s0;
	s13 =	smul.u32 $0x50000, s11;
	_ =	strace $0x8000004D  }
0x8: {  	[dreg:$0x3] =	wrdreg s4;
	s4 =	sand.u32 $0x1, s12;
	s8 =	sor.u32 $0x980, s8  }
0x9: {  	s12 =	smul.u32 $0x14000, s11;
	s9 =	ssub.s32 $0x2, s4;
	p0 =	seq.s32 s4, $0x0  }
0xa: {  	s4 =	smul.u32 $0x140000, s4;
	s10 =	sshrl.u32 s9, $0x1;
	s8 =	smov.u32 @p0 s7  }
0xb: {  	s20 =	sadd.s32 $0x4000, s12;
	s22 =	sadd.s32 $0x8000, s12;
	s25 =	sadd.s32 $0xC000, s12  }
0xc: {  	s7 =	ssub.s32 s9, s10;
	s8 =	sshll.u32 s8, $0x4;
	s9 =	sshrl.u32 s13, $0x2  }
0xd: {  	s19 =	sadd.s32 s12, s4;
	s13 =	sadd.s32 s4, s20;
	s10 =	sadd.s32 s20, s1  }
0xe: {  	s23 =	sadd.s32 s4, s22;
	s24 =	sadd.s32 s22, s1;
	s26 =	sadd.s32 s4, s25  }
0xf: {  	s12 =	sadd.s32 $0x10000, s12;
	s20 =	sadd.s32 s25, s1;
	s25 =	simm.s32 $0x6  }
0x10: {  	s14 =	sadd.s32 s5, s8;
	s15 =	sadd.s32 s6, s8;
	s16 =	sor.u32 $0x20, s8  }
0x11: {  	s11 =	sadd.s32 s9, s1;
	s9 =	sshrl.u32 s19, $0x3;
	[dreg:$0x9] =	wrdreg s10  }
0x12: {  	s21 =	sshrl.u32 s13, $0x3;
	[dreg:$0xb] =	wrdreg s24;
	s4 =	sadd.s32 s4, s12  }
0x13: {  	s22 =	sadd.s32 s12, s1;
	s24 =	smax.u32 s7, $0x1;
	[dreg:$0x4] =	wrdreg s14  }
0x14: {  	s7 =	simm.s32 $0x4;
	[dreg:$0x5] =	wrdreg s15;
	s17 =	sadd.s32 s5, s16  }
0x15: {  	s10 =	simm.s32 $0x0;
	s18 =	sadd.s32 s6, s16;
	[dreg:$0x6] =	wrdreg s17  }
0x16: {  	s14 =	simm.s32 $0x4B;
	s9 =	sadd.s32 s0, s9;
	[dreg:$0x7] =	wrdreg s18  }
0x17: {  	s4 =	sshrl.u32 s4, $0x3;
	[dreg:$0x8] =	wrdreg s9;
	s9 =	sadd.s32 s0, s21  }
0x18: {  	s14 =	simm.s32 @!p0 $0x3;
	[dreg:$0xa] =	wrdreg s9;
	s9 =	sshrl.u32 s23, $0x3  }
0x19: {  	s23 =	sadd.s32 s0, s4;
	s4 =	simm.s32 $0x3;
	s9 =	sadd.s32 s0, s9  }
0x1a: {  	[dreg:$0xc] =	wrdreg s9;
	s9 =	sshrl.u32 s26, $0x3;
	s26 =	simm.s32 $0x1  }
0x1b: {  	s21 =	sadd.s32 s0, s9;
	s0 =	simm.s32 $0x2;
	s9 =	simm.s32 $0x5  }
.LBB2_1:
0x1c: {  	s12 =	rddreg [dreg:$0x4]  }
0x1d: {  	[tilespmem:s2], [sflag:$0x6] =	stream.linear.gather [hbm4b:s12+s2], $0x100, $0x38;
	[tilespmem:$0x1C400] =	vst v63  }
0x1e: {  	_ =	swait.ge [sflag:s25], $0x100  }
0x1f: {  	[sflag:s25] =	ssyncset.done $0x0  }
0x20: {  	s13 =	simm.s32 $0x200;
	s19 =	rddreg [dreg:$0x5];
	[sflag:s25] =	ssyncadd.s32 $0xFFFFFF00  }
0x21: {  	[tilespmem:s13], [sflag:$0x6] =	stream.linear.gather [hbm4b:s19+s2], $0x100, $0x38;
	[tilespmem:$0x1C400] =	vst v63  }
0x22: {  	s15 =	stileid.u32;
	_ =	swait.ge [sflag:s25], $0x100  }
0x23: {  	s16 =	sshrl.u32 s11, $0x3;
	s12 =	sshll.u32 s15, $0x6;
	[sflag:s25] =	ssyncset.done $0x0  }
0x24: {  	s12 =	sor.u32 $0x1C06, s12;
	s15 =	rddreg [dreg:$0x3];
	[sflag:s25] =	ssyncadd.s32 $0xFFFFFF00  }
0x25: {  	[spmem:s16], [sflag:s12] =	dma.local [hbm:s15], $0x2800  }
0x26: {  	_ =	swait.ge [sflag:s25], $0x2800  }
0x27: {  	[sflag:s25] =	ssyncset.done $0x0  }
0x28: {  	[sflag:s25] =	ssyncadd.s32 $0xFFFFD800  }
0x29: {  	[bflag:$0x0] =	sbarrier.arrive $0xFFFF  }
0x2a: {  	s12 =	simm.s32 $0x100;
	s17 =	rddreg [dreg:$0x6]  }
0x2b: {  	[tilespmem:s12], [sflag:$0x1] =	stream.linear.gather [hbm4b:s17+s2], $0x100, $0x38;
	[tilespmem:$0x1C400] =	vst v63  }
0x2c: {  	s18 =	rddreg [dreg:$0x7]  }
0x2d: {  	[tilespmem:s28], [sflag:$0x1] =	stream.linear.gather [hbm4b:s18+s2], $0x100, $0x38;
	[tilespmem:$0x1C400] =	vst v63  }
0x2e: {  	_ = 	snop  }
0x2f: {  	[tilespmem:s30], [sflag:$0x2] =	stream.indirect.gather [hbm4b:s3+s29], $0x80, s2, s29, $0xb8;
	[tilespmem:$0x1C400] =	vst v63  }
0x30: {  	_ = 	snop  }
0x31: {  	[tilespmem:s31], [sflag:$0x3] =	stream.indirect.gather [hbm4b:s3+s29], $0x80, s29, s29, $0xb8;
	[tilespmem:$0x1C400] =	vst v63  }
0x32: {  	s19 =	simm.s32 $0x0;
	_ =	swait.ge [sflag:s0], $0x4000  }
0x33: {  	s13 =	sand.u32 $0x100, s19;
	[sflag:s0] =	ssyncset.done $0x0  }
0x34: {  	s15 =	sor.u32 $0x200, s13;
	[sflag:s0] =	ssyncadd.s32 $0xFFFFC000  }
0x35: {  	[spmem:s1] =	stream.indirect.scatter.add.f32 [tilespmem:s30], [sflag:$0x4], $0x80, s15, s29, $0xb8;
	[tilespmem:$0x1C400] =	vst v63  }
0x36: {  	_ =	swait.ge [sflag:s4], $0x4000  }
0x37: {  	[sflag:s4] =	ssyncset.done $0x0  }
0x38: {  	s16 =	sor.u32 $0x280, s13;
	[sflag:s4] =	ssyncadd.s32 $0xFFFFC000  }
0x39: {  	[spmem:s1] =	stream.indirect.scatter.add.f32 [tilespmem:s31], [sflag:$0x5], $0x80, s16, s29, $0xb8;
	[tilespmem:$0x1C400] =	vst v63  }
0x3a: {  	_ =	swait.ge [sflag:s26], $0x100  }
0x3b: {  	[sflag:s26] =	ssyncset.done $0x0  }
0x3c: {  	[sflag:s26] =	ssyncadd.s32 $0xFFFFFF00  }
0x3d: {  	_ =	swait.ge [sflag:s26], $0x100  }
0x3e: {  	[sflag:s26] =	ssyncset.done $0x0  }
0x3f: {  	[sflag:s26] =	ssyncadd.s32 $0xFFFFFF00  }
0x40: {  	p0 =	sgt.s32 s14, $0x2;
	_ =	swait.ge [sflag:s7], $0x4000  }
0x41: {  	s17 =	smov.u32 s14;
	s16 =	simm.s32 $0x2;
	[sflag:s7] =	ssyncset.done $0x0  }
0x42: {  	s18 =	sand.u32 $0x100, s12;
	s17 =	smov.u32 @p0 s16;
	[sflag:s7] =	ssyncadd.s32 $0xFFFFC000  }
0x43: {  	p0 =	sne.s32 s14, $0x1;
	s16 =	sshll.u32 s17, $0x5;
	_ =	swait.ge [sflag:s9], $0x4000  }
0x44: {  	s17 =	sadd.s32 s8, s16;
	s16 =	sand.u32 $0x60, s16;
	[sflag:s9] =	ssyncset.done $0x0  }
.Ltmp0:
0x45: {  	s17 =	sand.u32 $0xFFFFF80, s17;
	[sflag:s9] =	ssyncadd.s32 $0xFFFFC000;
	(pc) =	sbr.rel @!p0 .LBB2_3-.Ltmp0, $4  }
0x46: {  	[tilespmem:s30], [sflag:$0x2] =	stream.indirect.gather [hbm4b:s3+s29], $0x80, s18, s29, $0xb8;
	[tilespmem:$0x1C400] =	vst v63  }
0x47: {  	s17 =	sor.u32 s16, s17;
	s18 =	sor.u32 $0x80, s18  }
0x48: {  	[tilespmem:s31], [sflag:$0x3] =	stream.indirect.gather [hbm4b:s3+s29], $0x80, s18, s29, $0xb8;
	[tilespmem:$0x1C400] =	vst v63  }
0x49: {  	s16 =	simm.s32 $0x1;
	s18 =	sadd.s32 s5, s17  }
.LBB2_2:
0x4a: {  	s12 =	sadd.s32 $0x100, s12;
	s19 =	smov.u32 s16;
	s16 =	sadd.s32 $0x1, s16  }
0x4b: {  	[tilespmem:s13], [sflag:$0x1] =	stream.linear.gather [hbm4b:s18+s2], $0x100, $0x38;
	[tilespmem:$0x1C400] =	vst v63  }
0x4c: {  	s17 =	sadd.s32 s6, s17;
	s13 =	sadd.s32 $0xFFFFFF00, s12;
	p0 =	sne.s32 s14, s16  }
0x4d: {  	s13 =	sand.u32 $0x100, s13  }
0x4e: {  	[tilespmem:s15], [sflag:$0x1] =	stream.linear.gather [hbm4b:s17+s2], $0x100, $0x38;
	[tilespmem:$0x1C400] =	vst v63  }
0x4f: {  	_ =	swait.ge [sflag:s0], $0x4000  }
0x50: {  	[sflag:s0] =	ssyncset.done $0x0  }
0x51: {  	s15 =	sor.u32 $0x200, s13;
	[sflag:s0] =	ssyncadd.s32 $0xFFFFC000  }
0x52: {  	[spmem:s1] =	stream.indirect.scatter.add.f32 [tilespmem:s30], [sflag:$0x4], $0x80, s15, s29, $0xb8;
	[tilespmem:$0x1C400] =	vst v63  }
0x53: {  	_ =	swait.ge [sflag:s4], $0x4000  }
0x54: {  	[sflag:s4] =	ssyncset.done $0x0  }
0x55: {  	s17 =	sor.u32 $0x280, s13;
	[sflag:s4] =	ssyncadd.s32 $0xFFFFC000  }
0x56: {  	[spmem:s1] =	stream.indirect.scatter.add.f32 [tilespmem:s31], [sflag:$0x5], $0x80, s17, s29, $0xb8;
	[tilespmem:$0x1C400] =	vst v63  }
0x57: {  	_ =	swait.ge [sflag:s26], $0x100  }
0x58: {  	[sflag:s26] =	ssyncset.done $0x0  }
0x59: {  	[sflag:s26] =	ssyncadd.s32 $0xFFFFFF00  }
0x5a: {  	_ =	swait.ge [sflag:s26], $0x100  }
0x5b: {  	[sflag:s26] =	ssyncset.done $0x0  }
0x5c: {  	s17 =	sadd.s32 $0x2, s19;
	[sflag:s26] =	ssyncadd.s32 $0xFFFFFF00  }
0x5d: {  	s18 =	smov.u32 s14;
	p1 =	slt.s32 s17, s14;
	_ =	swait.ge [sflag:s7], $0x4000  }
0x5e: {  	s18 =	smov.u32 @p1 s17;
	[sflag:s7] =	ssyncset.done $0x0  }
0x5f: {  	s17 =	sshll.u32 s18, $0x5;
	[sflag:s7] =	ssyncadd.s32 $0xFFFFC000  }
0x60: {  	s18 =	sadd.s32 s8, s17;
	s17 =	sand.u32 $0x60, s17;
	_ =	swait.ge [sflag:s9], $0x4000  }
.Ltmp1:
0x61: {  	s18 =	sand.u32 $0xFFFFF80, s18;
	[sflag:s9] =	ssyncset.done $0x0;
	(pc) =	sbr.rel @p0 .LBB2_2-.Ltmp1, $4  }
0x62: {  	s19 =	sand.u32 $0x100, s12;
	s17 =	sor.u32 s17, s18;
	[sflag:s9] =	ssyncadd.s32 $0xFFFFC000  }
0x63: {  	[tilespmem:s30], [sflag:$0x2] =	stream.indirect.gather [hbm4b:s3+s29], $0x80, s19, s29, $0xb8;
	[tilespmem:$0x1C400] =	vst v63  }
0x64: {  	s18 =	sadd.s32 s5, s17;
	s19 =	sor.u32 $0x80, s19  }
0x65: {  	[tilespmem:s31], [sflag:$0x3] =	stream.indirect.gather [hbm4b:s3+s29], $0x80, s19, s29, $0xb8;
	[tilespmem:$0x1C400] =	vst v63  }
.LBB2_3:
0x66: {  	[tilespmem:s13], [sflag:$0x1] =	stream.linear.gather [hbm4b:s18+s2], $0x100, $0x38;
	[tilespmem:$0x1C400] =	vst v63  }
0x67: {  	s12 =	sadd.s32 s6, s17  }
0x68: {  	[tilespmem:s15], [sflag:$0x1] =	stream.linear.gather [hbm4b:s12+s2], $0x100, $0x38;
	[tilespmem:$0x1C400] =	vst v63  }
0x69: {  	_ =	swait.ge [sflag:s0], $0x4000  }
0x6a: {  	[sflag:s0] =	ssyncset.done $0x0  }
0x6b: {  	[sflag:s0] =	ssyncadd.s32 $0xFFFFC000  }
0x6c: {  	[spmem:s1] =	stream.indirect.scatter.add.f32 [tilespmem:s30], [sflag:$0x4], $0x80, s28, s29, $0xb8;
	[tilespmem:$0x1C400] =	vst v63  }
0x6d: {  	_ =	swait.ge [sflag:s4], $0x4000  }
0x6e: {  	[sflag:s4] =	ssyncset.done $0x0  }
0x6f: {  	s13 =	simm.s32 $0x380;
	[sflag:s4] =	ssyncadd.s32 $0xFFFFC000  }
0x70: {  	[spmem:s1] =	stream.indirect.scatter.add.f32 [tilespmem:s31], [sflag:$0x5], $0x80, s13, s29, $0xb8;
	[tilespmem:$0x1C400] =	vst v63  }
0x71: {  	_ =	swait.ge [sflag:s26], $0x100  }
0x72: {  	[sflag:s26] =	ssyncset.done $0x0  }
0x73: {  	[sflag:s26] =	ssyncadd.s32 $0xFFFFFF00  }
0x74: {  	_ =	swait.ge [sflag:s26], $0x100  }
0x75: {  	[sflag:s26] =	ssyncset.done $0x0  }
0x76: {  	[sflag:s26] =	ssyncadd.s32 $0xFFFFFF00  }
0x77: {  	_ =	swait.ge [sflag:s7], $0x4000  }
0x78: {  	[sflag:s7] =	ssyncset.done $0x0  }
0x79: {  	[sflag:s7] =	ssyncadd.s32 $0xFFFFC000  }
0x7a: {  	_ =	swait.ge [sflag:s9], $0x4000  }
0x7b: {  	[sflag:s9] =	ssyncset.done $0x0  }
0x7c: {  	[sflag:s9] =	ssyncadd.s32 $0xFFFFC000  }
0x7d: {  	[bflag:$0x0] =	sbarrier.arrive $0xFFFF  }
0x7e: {  	[tilespmem:s30], [sflag:$0x6] =	stream.linear.gather [spmem:s11], $0x4000, $0x38;
	[tilespmem:$0x1C400] =	vst v63  }
0x7f: {  	_ =	swait.ge [sflag:s25], $0x4000  }
0x80: {  	[sflag:s25] =	ssyncset.done $0x0  }
0x81: {  	s15 =	rddreg [dreg:$0x8];
	[sflag:s25] =	ssyncadd.s32 $0xFFFFC000  }
0x82: {  	[hbm4b:s15+s2] =	stream.linear.scatter [tilespmem:s30], [sflag:$0x4], $0x4000, $0x38;
	[tilespmem:$0x1C400] =	vst v63  }
0x83: {  	s16 =	rddreg [dreg:$0x9]  }
0x84: {  	[tilespmem:s31], [sflag:$0x6] =	stream.linear.gather [spmem:s16], $0x4000, $0x38;
	[tilespmem:$0x1C400] =	vst v63  }
0x85: {  	_ =	swait.ge [sflag:s25], $0x4000  }
0x86: {  	[sflag:s25] =	ssyncset.done $0x0  }
0x87: {  	s17 =	rddreg [dreg:$0xa];
	[sflag:s25] =	ssyncadd.s32 $0xFFFFC000  }
0x88: {  	[hbm4b:s17+s2] =	stream.linear.scatter [tilespmem:s31], [sflag:$0x5], $0x4000, $0x38;
	[tilespmem:$0x1C400] =	vst v63  }
0x89: {  	_ =	swait.ge [sflag:s7], $0x4000  }
0x8a: {  	[sflag:s7] =	ssyncset.done $0x0  }
0x8b: {  	s18 =	rddreg [dreg:$0xb];
	[sflag:s7] =	ssyncadd.s32 $0xFFFFC000  }
0x8c: {  	[tilespmem:s30], [sflag:$0x6] =	stream.linear.gather [spmem:s18], $0x4000, $0x38;
	[tilespmem:$0x1C400] =	vst v63  }
0x8d: {  	_ =	swait.ge [sflag:s25], $0x4000  }
0x8e: {  	[sflag:s25] =	ssyncset.done $0x0  }
0x8f: {  	s19 =	rddreg [dreg:$0xc];
	[sflag:s25] =	ssyncadd.s32 $0xFFFFC000  }
0x90: {  	[hbm4b:s19+s2] =	stream.linear.scatter [tilespmem:s30], [sflag:$0x4], $0x4000, $0x38;
	[tilespmem:$0x1C400] =	vst v63  }
0x91: {  	_ =	swait.ge [sflag:s9], $0x4000  }
0x92: {  	[sflag:s9] =	ssyncset.done $0x0  }
0x93: {  	[sflag:s9] =	ssyncadd.s32 $0xFFFFC000  }
0x94: {  	[tilespmem:s31], [sflag:$0x6] =	stream.linear.gather [spmem:s20], $0x4000, $0x38;
	[tilespmem:$0x1C400] =	vst v63  }
0x95: {  	_ =	swait.ge [sflag:s25], $0x4000  }
0x96: {  	[sflag:s25] =	ssyncset.done $0x0  }
0x97: {  	[sflag:s25] =	ssyncadd.s32 $0xFFFFC000  }
0x98: {  	[hbm4b:s21+s2] =	stream.linear.scatter [tilespmem:s31], [sflag:$0x5], $0x4000, $0x38;
	[tilespmem:$0x1C400] =	vst v63  }
0x99: {  	_ =	swait.ge [sflag:s7], $0x4000  }
0x9a: {  	[sflag:s7] =	ssyncset.done $0x0  }
0x9b: {  	[sflag:s7] =	ssyncadd.s32 $0xFFFFC000  }
0x9c: {  	[tilespmem:s30], [sflag:$0x6] =	stream.linear.gather [spmem:s22], $0x4000, $0x38;
	[tilespmem:$0x1C400] =	vst v63  }
0x9d: {  	_ =	swait.ge [sflag:s25], $0x4000  }
0x9e: {  	[sflag:s25] =	ssyncset.done $0x0  }
0x9f: {  	s10 =	sadd.s32 $0x1, s10;
	[sflag:s25] =	ssyncadd.s32 $0xFFFFC000  }
0xa0: {  	[hbm4b:s23+s2] =	stream.linear.scatter [tilespmem:s30], [sflag:$0x4], $0x4000, $0x38;
	[tilespmem:$0x1C400] =	vst v63  }
0xa1: {  	p0 =	sne.s32 s10, s24;
	_ =	swait.ge [sflag:s7], $0x4000  }
.Ltmp2:
0xa2: {  	[sflag:s7] =	ssyncset.done $0x0;
	(pc) =	sbr.rel @p0 .LBB2_1-.Ltmp2, $4  }
0xa3: {  	[sflag:s7] =	ssyncadd.s32 $0xFFFFC000  }
0xa4: {  	_ =	swait.ge [sflag:s9], $0x4000  }
0xa5: {  	[sflag:s9] =	ssyncset.done $0x0  }
0xa6: {  	[sflag:s9] =	ssyncadd.s32 $0xFFFFC000  }
0xa7: {  	_ =	sfence.sel $0x180000  }
0xa8: {  	[bflag:$0x0] =	sbarrier.arrive $0xFFFF  }
0xa9: {  	_ =	strace $0x9000004D  }
0xaa: {  	s0 =	stileid.u32;
	[bflag:$0x2] =	sbarrier.arrive $0xFFFF  }
0xab: {  	p0 =	sne.s32 s0, $0x0;
	s0 =	rddreg [dreg:$0x2]  }
0xac: {  	s0 =	sadd.s32 @!p0 $0x100000, s0  }
0xad: {  	[sflag:s0] =	ssyncadd.tile.s32 @!p0 $0x1;
	_ =	shalt  }
.Lfunc_end2:
_tile_overlayer_lowered:
.L_overlay_start_2:
0xae: {  	(tag) =	ssettag $0x2  }
0xaf: {  	s0 =	rddreg [dreg:$0x0];
	s2 =	stileid.u32  }
0xb0: {  	s1 =	rddreg [dreg:$0x1];
	p0 =	sne.s32 s2, $0x0  }
0xb1: {  	s3 =	rddreg [dreg:$0x2];
	[bflag:$0x3] =	sbarrier.arrive $0xFFFF;
	s2 =	simm.s32 @!p0 $0x1C06  }
0xb2: {  	[timem:s3], [sflag:s2] =	dma.local @!p0 [hbm:s0], s1  }
0xb3: {  	s0 =	simm.s32 @!p0 $0x6  }
0xb4: {  	_ =	swait.ge @!p0 [sflag:s0], s1  }
0xb5: {  	s1 =	ssub.s32 @!p0 $0x0, s1;
	[sflag:s0] =	ssyncset.done @!p0 $0x0  }
0xb6: {  	[sflag:s0] =	ssyncadd.s32 @!p0 s1  }
0xb7: {  	[bflag:$0x3] =	sbarrier.arrive $0xFFFF  }
0xb8: {  	_ =	shalt  }

// kernel: kernel.8.cloned.1.call-start
scs
__scs_entry_jumppad:
0x0: {  	(pc) =	sbr.rel $0x88, $3  }
0x1: {  	(tag) =	ssettag $0x0;
	lr =	simm.s32 $0x1  }
0x2: {  	[smem:$0x3F9B] =	sst lr;
	_ =	strace $0xD0000000  }
0x3: {  	_ = 	snop  }
0x4: {  	_ = 	snop  }
0x5: {  	_ = 	snop  }
0x6: {  	_ = 	snop  }
0x7: {  	_ = 	snop  }
__scs_overlays_trampoline_lowered:
0x8: {  	[smem:$0x3FAA] =	sst s0  }
0x9: {  	[smem:$0x3FAB] =	sst s1  }
0xa: {  	[smem:$0x3FAC] =	sst s2  }
0xb: {  	[smem:$0x3FAD] =	sst s3  }
0xc: {  	[smem:$0x3FAE] =	sst s4  }
0xd: {  	[smem:$0x3FAF] =	sst s5  }
0xe: {  	[smem:$0x3FB0] =	sst s6  }
0xf: {  	[smem:$0x3FB1] =	sst s7  }
0x10: {  	[smem:$0x3FB2] =	sst s8  }
0x11: {  	[smem:$0x3FB3] =	sst s9;
	s0 =	simm.s32 @!p0 $0x0  }
0x12: {  	s1 =	sld [smem:$0x3F99];
	s0 =	simm.s32 @p0 $0x1  }
0x13: {  	[smem:$0x3FB4] =	sst s0;
	s0 =	simm.s32 @!p1 $0x0  }
0x14: {  	s2 =	sld [smem:$0x3F98];
	s0 =	simm.s32 @p1 $0x1  }
0x15: {  	[smem:$0x3FB5] =	sst s0;
	s0 =	simm.s32 @!p2 $0x0  }
0x16: {  	s3 =	sld [smem:$0x3FDB];
	s0 =	simm.s32 @p2 $0x1  }
0x17: {  	s4 =	simm.s32 $0x1BF5;
	[smem:$0x3FB7] =	sst s0  }
0x18: {  	s0 =	sld [smem:$0x3F9A];
	_ =	swait.ge [sflag:s4], $0x0  }
0x19: {  	s7 =	sld [smem:$0x3F9B]  }
0x1a: {  	s8 =	sadd.s32 $0xFFFFE003, lr  }
0x1b: {  	s9 =	sadd.s32 $0xFFFFFEF7, lr;
	s5 =	simm.s32 $0xFFFFFFFF;
	p2 =	slt.u32 s8, $0xFFFFF086  }
0x1c: {  	p1 =	slt.u32 s9, $0xF7A;
	s5 =	simm.s32 @!p2 $0x0  }
0x1d: {  	s5 =	simm.s32 @p1 $0x1;
	p0 =	seq.s32 s7, s2  }
0x1e: {  	s7 =	smul.u32 @!p0 $0xF7A, s2;
	p2 =	seq.s32 @!p0 s5, $0x0  }
0x1f: {  	s9 =	smul.u32 $0xF7A, s1;
	s8 =	simm.s32 @!p0 $0x1BF5;
	p2 =	por !p2, p0  }
0x20: {  	[sflag:s8] =	ssyncset.s32 @!p0 $0xFFFFF086;
	s6 =	sadd.s32 @!p0 s3, s7;
	s7 =	simm.s32 @!p0 $0x108  }
0x21: {  	s3 =	sadd.s32 s3, s9;
	s6 =	sadd.s32 @!p0 $0x88, s6;
	s7 =	simm.s32 @p2 $0x1082  }
0x22: {  	[simem:s7], [sflag:s8] =	dma.local @!p0 [hbm:s6], $0xF7A  }
0x23: {  	s9 =	sor.u32 $0xD0000000, s2;
	s6 =	simm.s32 $0x108;
	_ =	swait.ge @!p0 [sflag:s8], $0x0  }
0x24: {  	s3 =	sadd.s32 $0x88, s3;
	s6 =	simm.s32 @!p1 $0x1082;
	[sflag:s4] =	ssyncset.s32 $0xFFFFF086  }
0x25: {  	[simem:s6], [sflag:s4] =	dma.local [hbm:s3], $0xF7A  }
0x26: {  	[smem:$0x3F9B] =	sst s1;
	(tag) =	ssettag s2;
	_ =	strace s9  }
0x27: {  	s1 =	sld [smem:$0x3FAB]  }
0x28: {  	s2 =	sld [smem:$0x3FAC]  }
0x29: {  	s4 =	sld [smem:$0x3FAE]  }
0x2a: {  	p0 =	seq.s32 s5, $0x0;
	s5 =	sld [smem:$0x3FAF]  }
0x2b: {  	s6 =	sld [smem:$0x3FB0]  }
0x2c: {  	s7 =	sld [smem:$0x3FB1]  }
0x2d: {  	s3 =	simm.s32 $0x108;
	s8 =	sld [smem:$0x3FB2]  }
0x2e: {  	s3 =	simm.s32 @!p0 $0x1082;
	s9 =	sld [smem:$0x3FB3]  }
0x2f: {  	lr =	sadd.s32 s0, s3;
	s0 =	sld [smem:$0x3FAA]  }
0x30: {  	s3 =	sld [smem:$0x3FAD]  }
0x31: {  	[smem:$0x3FB6] =	sst s10  }
0x32: {  	s10 =	sld [smem:$0x3FB4];
	_ =	sdelay $0x3  }
0x33: {  	p0 =	seq.s32 s10, $0x1;
	s10 =	sld [smem:$0x3FB6];
	_ =	sdelay $0x3  }
0x34: {  	[smem:$0x3FB6] =	sst s10  }
0x35: {  	s10 =	sld [smem:$0x3FB5];
	_ =	sdelay $0x3  }
0x36: {  	p1 =	seq.s32 s10, $0x1;
	s10 =	sld [smem:$0x3FB6];
	_ =	sdelay $0x3  }
0x37: {  	[smem:$0x3FB6] =	sst s10  }
0x38: {  	s10 =	sld [smem:$0x3FB7]  }
0x39: {  	_ = 	snop;
	(pc) =	sbr.ind lr, $3  }
0x3a: {  	_ = 	snop  }
0x3b: {  	_ = 	snop  }
0x3c: {  	p2 =	seq.s32 s10, $0x1;
	s10 =	sld [smem:$0x3FB6]  }
0x3d: {  	_ =	shalt  }
0x3e: {  	_ =	shalt  }
0x3f: {  	_ =	shalt  }
0x40: {  	_ =	shalt  }
0x41: {  	_ =	shalt  }
0x42: {  	_ =	shalt  }
0x43: {  	_ =	shalt  }
0x44: {  	_ =	shalt  }
0x45: {  	_ =	shalt  }
0x46: {  	_ =	shalt  }
0x47: {  	_ =	shalt  }
0x48: {  	_ =	shalt  }
0x49: {  	_ =	shalt  }
0x4a: {  	_ =	shalt  }
0x4b: {  	_ =	shalt  }
0x4c: {  	_ =	shalt  }
0x4d: {  	_ =	shalt  }
0x4e: {  	_ =	shalt  }
0x4f: {  	_ =	shalt  }
0x50: {  	_ =	shalt  }
0x51: {  	_ =	shalt  }
0x52: {  	_ =	shalt  }
0x53: {  	_ =	shalt  }
0x54: {  	_ =	shalt  }
0x55: {  	_ =	shalt  }
0x56: {  	_ =	shalt  }
0x57: {  	_ =	shalt  }
0x58: {  	_ =	shalt  }
0x59: {  	_ =	shalt  }
0x5a: {  	_ =	shalt  }
0x5b: {  	_ =	shalt  }
0x5c: {  	_ =	shalt  }
0x5d: {  	_ =	shalt  }
0x5e: {  	_ =	shalt  }
0x5f: {  	_ =	shalt  }
0x60: {  	_ =	shalt  }
0x61: {  	_ =	shalt  }
0x62: {  	_ =	shalt  }
0x63: {  	_ =	shalt  }
0x64: {  	_ =	shalt  }
0x65: {  	_ =	shalt  }
0x66: {  	_ =	shalt  }
0x67: {  	_ =	shalt  }
0x68: {  	_ =	shalt  }
0x69: {  	_ =	shalt  }
0x6a: {  	_ =	shalt  }
0x6b: {  	_ =	shalt  }
0x6c: {  	_ =	shalt  }
0x6d: {  	_ =	shalt  }
0x6e: {  	_ =	shalt  }
0x6f: {  	_ =	shalt  }
0x70: {  	_ =	shalt  }
0x71: {  	_ =	shalt  }
0x72: {  	_ =	shalt  }
0x73: {  	_ =	shalt  }
0x74: {  	_ =	shalt  }
0x75: {  	_ =	shalt  }
0x76: {  	_ =	shalt  }
0x77: {  	_ =	shalt  }
0x78: {  	_ =	shalt  }
0x79: {  	_ =	shalt  }
0x7a: {  	_ =	shalt  }
0x7b: {  	_ =	shalt  }
0x7c: {  	_ =	shalt  }
0x7d: {  	_ =	shalt  }
0x7e: {  	_ =	shalt  }
0x7f: {  	_ =	shalt  }
0x80: {  	_ =	shalt  }
0x81: {  	_ =	shalt  }
0x82: {  	_ =	shalt  }
0x83: {  	_ =	shalt  }
0x84: {  	_ =	shalt  }
0x85: {  	_ =	shalt  }
0x86: {  	_ =	shalt  }
0x87: {  	_ =	shalt  }
.Lfunc_end0:
.L_simem_size_0:
called_computation_lowered:
.L_overlay_start_0:
0x88: {  	s2 =	sld [smem:$0x3FD9]  }
0x89: {  	s3 =	sld [smem:$0x3FFE];
	_ =	sdelay $0x1  }
0x8a: {  	s1 =	srdreg.scid  }
0x8b: {  	s0 =	sand.u32 $0x1, s1  }
0x8c: {  	s17 =	sshll.u32 s0, $0xA;
	s2 =	sadd.s32 s3, s2  }
0x8d: {  	s2 =	sadd.s32 s2, s17  }
0x8e: {  	[smem:$0x3FC2] =	sst s2  }
0x8f: {  	_ = 	snop  }
0x90: {  	s2 =	sld [smem:$0x3FD0];
	(tm) =	ssettm $0x1  }
0x91: {  	s18 =	sld [smem:$0x3FFB];
	_ =	sdelay $0x3  }
0x92: {  	_ =	strace s18  }
0x93: {  	s3 =	sld [smem:$0x3FFC];
	_ =	sdelay $0x3  }
0x94: {  	_ =	strace s3  }
0x95: {  	s3 =	sld [smem:$0x3FFD];
	_ =	sdelay $0x3  }
0x96: {  	_ =	strace s3  }
0x97: {  	_ =	strace $0x8FFFFFFF  }
0x98: {  	s19 =	sld [smem:$0x3FDB];
	_ =	sdelay $0x1  }
0x99: {  	s4 =	simm.s32 $_scs_section_size  }
0x9a: {  	s5 =	simm.s32 $_size__tile_overlayer_lowered;
	s6 =	simm.s32 $_tile_overlayer_lowered  }
0x9b: {  	s22 =	simm.s32 $0x1BFF;
	s21 =	sshll.u32 s6, $0x1;
	s3 =	sadd.s32 s4, s19  }
0x9c: {  	s7 =	simm.s32 $0x0;
	s20 =	sshll.u32 s5, $0x1;
	s5 =	sadd.s32 s21, s3  }
0x9d: {  	[timem:s7], [sflag:s22] =	dma.local [hbm:s5], s20  }
0x9e: {  	_ =	swait.ge [sflag:s22], s20  }
0x9f: {  	s4 =	ssub.s32 $0x0, s20;
	[sflag:s22] =	ssyncset.done $0x0  }
0xa0: {  	[sflag:s22] =	ssyncadd.s32 s4;
	_ =	sdelay $0x1  }
0xa1: {  	s23 =	simm.s32 $0x1B8B  }
0xa2: {  	_ =	swait.ge [sflag:s23], $0x1  }
0xa3: {  	[sflag:s23] =	ssyncset.done $0x0  }
0xa4: {  	s25 =	simm.s32 $0x1B8E;
	s24 =	sld [smem:$0x3FFE];
	[sflag:s23] =	ssyncadd.s32 $0xFFFFFFFF  }
0xa5: {  	s26 =	simm.s32 $execute0_lowered;
	[smem:$0x3FD2] =	sst s25  }
0xa6: {  	s5 =	sshll.u32 s26, $0x1;
	_ =	strace $0x80000046;
	[dreg:$0x1] =	wrdreg $0xFFFFFFFF  }
0xa7: {  	s28 =	simm.s32 $_size_execute0_lowered;
	s3 =	sadd.s32 s3, s5;
	[dreg:$0x0] =	wrdreg $0x0  }
0xa8: {  	s5 =	sshll.u32 s28, $0x1;
	[dreg:$0x2] =	wrdreg s3  }
0xa9: {  	[dreg:$0x3] =	wrdreg s5  }
0xaa: {  	[dreg:$0x4] =	wrdreg $0xC0  }
0xab: {  	_ =	task [dreg:s7], $0x5FFFF  }
0xac: {  	[dreg:$0x1] =	wrdreg $0xFFFFFFFF  }
0xad: {  	[dreg:$0x0] =	wrdreg $0x60  }
0xae: {  	[dreg:$0x2] =	wrdreg s24  }
0xaf: {  	[dreg:$0x3] =	wrdreg s2  }
0xb0: {  	[dreg:$0x4] =	wrdreg $0x50800  }
0xb1: {  	[dreg:$0x5] =	wrdreg $0x53000  }
0xb2: {  	[dreg:$0x6] =	wrdreg $0x9  }
0xb3: {  	_ =	task.clear_ibuf [dreg:s7], $0x7FFFF;
	_ =	strace $0x90000046  }
0xb4: {  	s29 =	simm.s32 $0x9;
	_ =	strace $0x80000048  }
0xb5: {  	_ =	swait.ge [sflag:s29], $0x1  }
0xb6: {  	[sflag:s29] =	ssyncadd.s32 $0xFFFFFFFF  }
0xb7: {  	_ =	strace $0x90000048  }
0xb8: {  	_ =	sfence  }
0xb9: {  	s30 =	sld [smem:$0x0];
	_ =	sdelay $0x2  }
0xba: {  	s31 =	sshll.u32 s1, $0xD;
	s1 =	sshrl.u32 s1, $0x2  }
0xbb: {  	s3 =	sand.u32 $0x4000, s31;
	s1 =	sadd.s32 s1, s30  }
0xbc: {  	s0 =	sor.u32 s3, s0;
	s1 =	sshll.u32 s1, $0x11  }
0xbd: {  	s0 =	sor.u32 s1, s0  }
0xbe: {  	s0 =	sadd.s32 $0x8F2B, s0  }
0xbf: {  	[sflag:s0] =	ssyncadd.remote.s32 $0x1  }
0xc0: {  	_ =	sfence.sel $0xFFFF  }
0xc1: {  	[dreg:$0x0] =	wrdreg $0xFFFFFFFF;
	(pc) =	sbr.abs _section_cstart, $3  }
0xc2: {  	[dreg:$0x1] =	wrdreg $0xFFFFFFFF  }
0xc3: {  	_ =	task.clear_ibuf [dreg:s7], $0x2FFFF;
	_ =	strace $0x9FFFFFFF  }
0xc4: {  	(tm) =	ssettm $0x7FFFFFFF  }
0xc5: {  	_ =	shalt  }
tec
execute0_lowered:
.L_overlay_start_1:
0x0: {  	(tag) =	ssettag $0x1  }
0x1: {  	s6 =	rddreg [dreg:$0x0]  }
0x2: {  	s8 =	rddreg [dreg:$0x1]  }
0x3: {  	s2 =	rddreg [dreg:$0x2]  }
0x4: {  	s0 =	srdreg.scid;
	s3 =	rddreg [dreg:$0x3];
	s4 =	simm.s32 $0x0  }
0x5: {  	s16 =	simm.s32 $0x80;
	s17 =	simm.s32 $0x5000;
	s18 =	simm.s32 $0x1  }
0x6: {  	s19 =	simm.s32 $0x2;
	s20 =	simm.s32 $0x20;
	s21 =	simm.s32 $0x10  }
0x7: {  	s22 =	simm.s32 $0x0;
	s7 =	sand.u32 $0x1, s0;
	s0 =	stileid.u32  }
0x8: {  	[smem:$0x7FF] =	sst s4;
	s1 =	sshll.u32 s7, $0x4;
	s9 =	smul.u32 $0x500, s0  }
0x9: {  	s10 =	sshll.u32 s7, $0x7;
	s7 =	ssub.s32 $0x2, s7;
	s12 =	smul.u32 $0x280, s0  }
0xa: {  	s31 =	sshll.u32 s0, $0x6;
	s1 =	sor.u32 s0, s1;
	s30 =	sshrl.u32 s7, $0x1  }
0xb: {  	s5 =	smul.u32 $0x500, s1;
	s1 =	rddreg [dreg:$0x4];
	_ =	strace $0x80000047  }
0xc: {  	s9 =	sor.u32 s10, s9;
	s13 =	ssub.s32 s7, s30;
	s14 =	sadd.s32 s12, s2  }
0xd: {  	s15 =	sadd.s32 s12, s3;
	s12 =	simm.s32 $0x2800;
	s9 =	sshrl.u32 s9, $0x3  }
0xe: {  	s10 =	smax.u32 s13, $0x1;
	s13 =	sor.u32 $0x1C03, s31;
	s14 =	sshrl.u32 s14, $0x3  }
0xf: {  	s15 =	sshrl.u32 s15, $0x3;
	s11 =	sadd.s32 s5, s6;
	s5 =	sadd.s32 $0x2AA00, s6  }
0x10: {  	s29 =	sadd.s32 s9, s6;
	s8 =	sadd.s32 s8, s9;
	s6 =	sadd.s32 $0x20A00, s11  }
0x11: {  	v0 =	vimm.f32 $1.000000000e+00;
	s7 =	sadd.s32 $0x2A00, s11;
	s9 =	sadd.s32 $0x2AC00, s29;
	s11 =	simm.s32 $0x3  }
.LBB2_1:
0x12: {  	[tilespmem:$0x5000] =	vst v0  }
0x13: {  	[tilespmem:$0x5010] =	vst v0  }
0x14: {  	[tilespmem:$0x5020] =	vst v0  }
0x15: {  	[tilespmem:$0x5030] =	vst v0  }
0x16: {  	[tilespmem:$0x5040] =	vst v0  }
0x17: {  	[tilespmem:$0x5050] =	vst v0  }
0x18: {  	[tilespmem:$0x5060] =	vst v0  }
0x19: {  	[tilespmem:$0x5070] =	vst v0  }
0x1a: {  	[tilespmem:s4], [sflag:$0x3] =	stream.linear.gather [hbm4b:s6+s4], $0x2800, $0x38;
	[tilespmem:$0x5580] =	vst v63  }
0x1b: {  	_ =	swait.ge [sflag:s11], $0x2800  }
0x1c: {  	[sflag:s11] =	ssyncset.done $0x0  }
0x1d: {  	[sflag:s11] =	ssyncadd.s32 $0xFFFFD800  }
0x1e: {  	[tilespmem:s12], [sflag:$0x3] =	stream.linear.gather [hbm4b:s7+s4], $0x2800, $0x38;
	[tilespmem:$0x5580] =	vst v63  }
0x1f: {  	_ =	swait.ge [sflag:s11], $0x2800  }
0x20: {  	[sflag:s11] =	ssyncset.done $0x0  }
0x21: {  	[sflag:s11] =	ssyncadd.s32 $0xFFFFD800  }
0x22: {  	[spmem:s14], [sflag:s13] =	dma.local [hbm:s5], $0x50  }
0x23: {  	_ =	swait.ge [sflag:s11], $0x50  }
0x24: {  	[sflag:s11] =	ssyncset.done $0x0  }
0x25: {  	[sflag:s11] =	ssyncadd.s32 $0xFFFFFFB0  }
0x26: {  	[spmem:s15], [sflag:s13] =	dma.local [hbm:s5], $0x50  }
0x27: {  	_ =	swait.ge [sflag:s11], $0x50  }
0x28: {  	[sflag:s11] =	ssyncset.done $0x0  }
0x29: {  	[sflag:s11] =	ssyncadd.s32 $0xFFFFFFB0  }
0x2a: {  	s23 =	simm.s32 $0x0;
	[bflag:$0x0] =	sbarrier.arrive $0xFFFF  }
0x2b: {  	[spmem:s2] =	stream.indirect.scatter.add.f32 [tilespmem:s17], [sflag:$0x1], $0x1, s23, s16, $0xb8;
	[tilespmem:$0x5580] =	vst v63  }
0x2c: {  	s24 =	simm.s32 $0x2800;
	s23 =	simm.s32 $0x200  }
.LBB2_2:
0x2d: {  	[spmem:s3] =	stream.indirect.scatter.add.f32 [tilespmem:s17], [sflag:$0x2], $0x1, s24, s16, $0xb8;
	[tilespmem:$0x5580] =	vst v63  }
0x2e: {  	s24 =	smov.u32 s23;
	p0 =	sne.s32 s23, $0x9E00  }
.Ltmp0:
0x2f: {  	s23 =	sadd.s32 $0x200, s23;
	(pc) =	sbr.rel @p0 .LBB2_2-.Ltmp0, $4  }
0x30: {  	_ = 	snop  }
0x31: {  	s24 =	sshra.s32 s24, $0x2  }
0x32: {  	[spmem:s2] =	stream.indirect.scatter.add.f32 [tilespmem:s17], [sflag:$0x1], $0x1, s24, s16, $0xb8;
	[tilespmem:$0x5580] =	vst v63  }
0x33: {  	s24 =	sadd.s32 $0x2800, s24  }
0x34: {  	[spmem:s3] =	stream.indirect.scatter.add.f32 [tilespmem:s17], [sflag:$0x2], $0x1, s24, s16, $0xb8;
	[tilespmem:$0x5580] =	vst v63  }
0x35: {  	_ =	swait.ge [sflag:s18], $0x80  }
0x36: {  	[sflag:s18] =	ssyncset.done $0x0  }
0x37: {  	[sflag:s18] =	ssyncadd.s32 $0xFFFFFF80  }
0x38: {  	_ =	swait.ge [sflag:s19], $0x80  }
0x39: {  	s23 =	simm.s32 $0x4F;
	[sflag:s19] =	ssyncset.done $0x0  }
.LBB2_4:
0x3a: {  	p0 =	sne.s32 s23, $0x1;
	s23 =	sadd.s32 $0xFFFFFFFF, s23;
	[sflag:s19] =	ssyncadd.s32 $0xFFFFFF80  }
.Ltmp1:
0x3b: {  	_ =	swait.ge [sflag:s18], $0x80;
	(pc) =	sbr.rel @p0 .LBB2_4-.Ltmp1, $4  }
0x3c: {  	[sflag:s18] =	ssyncset.done $0x0  }
0x3d: {  	[sflag:s18] =	ssyncadd.s32 $0xFFFFFF80  }
0x3e: {  	_ =	swait.ge [sflag:s19], $0x80  }
0x3f: {  	[sflag:s19] =	ssyncset.done $0x0  }
0x40: {  	[sflag:s19] =	ssyncadd.s32 $0xFFFFFF80  }
0x41: {  	[bflag:$0x0] =	sbarrier.arrive $0xFFFF  }
0x42: {  	[hbm:s8@s20], [sflag:s13] =	dma.strided [spmem:s14@s21], $0x50, s18, $0x10   }
0x43: {  	s22 =	sadd.s32 $0x1, s22;
	_ =	swait.ge [sflag:s11], $0x50  }
0x44: {  	p0 =	sne.s32 s22, s10;
	[sflag:s11] =	ssyncset.done $0x0  }
.Ltmp2:
0x45: {  	[sflag:s11] =	ssyncadd.s32 $0xFFFFFFB0;
	(pc) =	sbr.rel @p0 .LBB2_1-.Ltmp2, $4  }
0x46: {  	[hbm:s9@s20], [sflag:s13] =	dma.strided [spmem:s15@s21], $0x50, s18, $0x10   }
0x47: {  	_ =	swait.ge [sflag:s11], $0x50  }
0x48: {  	[sflag:s11] =	ssyncset.done $0x0  }
0x49: {  	[sflag:s11] =	ssyncadd.s32 $0xFFFFFFB0  }
0x4a: {  	_ =	sfence.sel $0x180000  }
0x4b: {  	[bflag:$0x0] =	sbarrier.arrive $0xFFFF  }
0x4c: {  	p0 =	sne.s32 s0, $0x0;
	_ =	strace $0x90000047  }
0x4d: {  	s0 =	sadd.s32 @!p0 $0x100000, s1;
	[bflag:$0x2] =	sbarrier.arrive $0xFFFF  }
0x4e: {  	[sflag:s0] =	ssyncadd.tile.s32 @!p0 $0x1;
	_ =	shalt  }
.Lfunc_end2:
_tile_overlayer_lowered:
.L_overlay_start_2:
0x4f: {  	(tag) =	ssettag $0x2  }
0x50: {  	s0 =	rddreg [dreg:$0x0];
	s2 =	stileid.u32  }
0x51: {  	s1 =	rddreg [dreg:$0x1];
	p0 =	sne.s32 s2, $0x0  }
0x52: {  	s3 =	rddreg [dreg:$0x2];
	[bflag:$0x3] =	sbarrier.arrive $0xFFFF;
	s2 =	simm.s32 @!p0 $0x1C03  }
0x53: {  	[timem:s3], [sflag:s2] =	dma.local @!p0 [hbm:s0], s1  }
0x54: {  	s0 =	simm.s32 @!p0 $0x3  }
0x55: {  	_ =	swait.ge @!p0 [sflag:s0], s1  }
0x56: {  	s1 =	ssub.s32 @!p0 $0x0, s1;
	[sflag:s0] =	ssyncset.done @!p0 $0x0  }
0x57: {  	[sflag:s0] =	ssyncadd.s32 @!p0 s1  }
0x58: {  	[bflag:$0x3] =	sbarrier.arrive $0xFFFF  }
0x59: {  	_ =	shalt  }

</sc_bundles>
